<compile_context>
chip_gen: v7x
topology: tpu7x:2x2x1
jax: 0.10.2.dev20260603
libtpu: 0.0.44.dev20260713+nightly
codegen_flags: <defaults>
</compile_context>

<pallas_src>
import functools

import jax
import jax.numpy as jnp
from jax import lax
from jax.experimental import pallas as pl
from jax.experimental.pallas import tpu as pltpu
from jax.experimental.pallas import tpu_sc as plsc

_N = 10000
_NP = 10240
_E = 320000
_D = 128
_G = 64
_CH = 128
_NC = 2
_NS = 16
_NW = _NC * _NS
_CPW = 79
_TCB = 1024



def _sc_degrees(src3, dst3):
    mesh = plsc.VectorSubcoreMesh(core_axis_name="c", subcore_axis_name="s")

    @functools.partial(
        pl.kernel,
        mesh=mesh,
        out_type=jax.ShapeDtypeStruct((_NC, 2, _NP), jnp.float32),
        scratch_types=[
            pltpu.VMEM((_CPW, _CH), jnp.int32),
            pltpu.VMEM((_CPW, _CH), jnp.int32),
            pltpu.VMEM((_CH,), jnp.float32),
            pltpu.VMEM((1024,), jnp.float32),
            pltpu.VMEM_SHARED((_NP,), jnp.float32),
            pltpu.VMEM_SHARED((_NP,), jnp.float32),
            pltpu.SemaphoreType.DMA,
            pltpu.SemaphoreType.DMA,
        ],
    )
    def deg_kernel(src_hbm, dst_hbm, out_hbm, idxs2, idxd2, ones_v, zb_v,
                   acc_s, acc_d, sem_s, sem_d):
        c = lax.axis_index("c")
        s = lax.axis_index("s")
        wid = s * _NC + c
        pltpu.sync_copy(src_hbm.at[wid], idxs2)
        pltpu.sync_copy(dst_hbm.at[wid], idxd2)
        for j in range(_CH // 16):
            ones_v[pl.ds(j * 16, 16)] = jnp.ones((16,), jnp.float32)

        @pl.when(s == 0)
        def _zero():
            for j in range(1024 // 16):
                zb_v[pl.ds(j * 16, 16)] = jnp.zeros((16,), jnp.float32)
            for k in range(_NP // 1024):
                pltpu.sync_copy(zb_v, acc_s.at[pl.ds(k * 1024, 1024)])
                pltpu.sync_copy(zb_v, acc_d.at[pl.ds(k * 1024, 1024)])

        plsc.subcore_barrier()

        def body(j, carry):
            pltpu.async_copy(ones_v, acc_s.at[idxs2.at[j]], sem_s, add=True)
            pltpu.async_copy(ones_v, acc_d.at[idxd2.at[j]], sem_d, add=True)
            return carry

        lax.fori_loop(0, _CPW, body, 0)

        def drain(j, carry):
            pltpu.make_async_copy(ones_v, acc_s.at[idxs2.at[0]], sem_s).wait()
            pltpu.make_async_copy(ones_v, acc_d.at[idxd2.at[0]], sem_d).wait()
            return carry

        lax.fori_loop(0, _CPW, drain, 0)
        plsc.subcore_barrier()

        @pl.when(s == 0)
        def _out():
            pltpu.sync_copy(acc_s, out_hbm.at[c, 0])
            pltpu.sync_copy(acc_d, out_hbm.at[c, 1])

    return deg_kernel(src3, dst3)


def _sc_conv(h, src3, dst3):
    mesh = plsc.VectorSubcoreMesh(core_axis_name="c", subcore_axis_name="s")

    @functools.partial(
        pl.kernel,
        mesh=mesh,
        out_type=jax.ShapeDtypeStruct((_NC, _NP, _D), jnp.float32),
        scratch_types=[
            pltpu.VMEM((_CPW, _CH), jnp.int32),
            pltpu.VMEM((_CH,), jnp.int32),
            pltpu.VMEM((_CH,), jnp.int32),
            pltpu.VMEM((_CH, _D), jnp.float32),
            pltpu.VMEM((_CH, _D), jnp.float32),
            pltpu.VMEM_SHARED((_NP, _D), jnp.float32),
            pltpu.SemaphoreType.DMA,
            pltpu.SemaphoreType.DMA,
            pltpu.SemaphoreType.DMA,
            pltpu.SemaphoreType.DMA,
            pltpu.SemaphoreType.DMA,
        ],
    )
    def conv_kernel(h_hbm, src_hbm, dst_hbm, out_hbm, idxs2, idxd_a, idxd_b,
                    rows_a, rows_b, acc, sem_a, sem_b, sem_ia, sem_ib, sem_z):
        c = lax.axis_index("c")
        s = lax.axis_index("s")
        wid = s * _NC + c
        slab = pltpu.async_copy(src_hbm.at[wid], idxs2, sem_z)

        def zrow(i, carry):
            for j in range(_D // 16):
                rows_a[i, pl.ds(j * 16, 16)] = jnp.zeros((16,), jnp.float32)
            return carry

        lax.fori_loop(0, _CH, zrow, 0)
        slab.wait()
        for k in range(5):
            pltpu.async_copy(rows_a, acc.at[pl.ds((s + 16 * k) * _CH, _CH)],
                             sem_z)
        for k in range(5):
            pltpu.make_async_copy(rows_a, acc.at[pl.ds(0, _CH)], sem_z).wait()
        plsc.subcore_barrier()

        def wait_a():
            pltpu.make_async_copy(h_hbm.at[pl.ds(0, _CH)], rows_a, sem_a).wait()
            pltpu.make_async_copy(dst_hbm.at[0, 0], idxd_a, sem_ia).wait()

        def wait_b():
            pltpu.make_async_copy(h_hbm.at[pl.ds(0, _CH)], rows_b, sem_b).wait()
            pltpu.make_async_copy(dst_hbm.at[0, 0], idxd_b, sem_ib).wait()

        pltpu.async_copy(h_hbm.at[idxs2.at[0]], rows_a, sem_a)
        pltpu.async_copy(dst_hbm.at[wid, 0], idxd_a, sem_ia)

        def body(i, carry):
            pltpu.async_copy(h_hbm.at[idxs2.at[2 * i + 1]], rows_b, sem_b)
            pltpu.async_copy(dst_hbm.at[wid, 2 * i + 1], idxd_b, sem_ib)
            wait_a()
            pltpu.sync_copy(rows_a, acc.at[idxd_a], add=True)
            pltpu.async_copy(h_hbm.at[idxs2.at[2 * i + 2]], rows_a, sem_a)
            pltpu.async_copy(dst_hbm.at[wid, 2 * i + 2], idxd_a, sem_ia)
            wait_b()
            pltpu.sync_copy(rows_b, acc.at[idxd_b], add=True)
            return carry

        lax.fori_loop(0, (_CPW - 1) // 2, body, 0)
        wait_a()
        pltpu.sync_copy(rows_a, acc.at[idxd_a], add=True)

        plsc.subcore_barrier()
        for k in range(5):
            off = (s + 16 * k) * _CH
            pltpu.sync_copy(acc.at[pl.ds(off, _CH)],
                            out_hbm.at[c, pl.ds(off, _CH)])

    return conv_kernel(h, src3, dst3)



def _norms(p, col):
    deg = p[0, col] + p[1, col]
    return jnp.where(deg > 0, lax.rsqrt(deg), 0.0)


def _tc_embed_raw(x, w, b2):
    def kf(x_ref, w_ref, b_ref, o_ref):
        h = jnp.dot(x_ref[...], w_ref[...],
                    preferred_element_type=jnp.float32) + b_ref[...]
        o_ref[...] = h * jax.nn.sigmoid(h)

    return pl.pallas_call(
        kf,
        grid=(_NP // _TCB,),
        in_specs=[
            pl.BlockSpec((_TCB, _D), lambda i: (i, 0)),
            pl.BlockSpec((_D, _D), lambda i: (0, 0)),
            pl.BlockSpec((1, _D), lambda i: (0, 0)),
        ],
        out_specs=pl.BlockSpec((_TCB, _D), lambda i: (i, 0)),
        out_shape=jax.ShapeDtypeStruct((_NP, _D), jnp.float32),
    )(x, w, b2)


def _tc_scale(h, parts4):
    def kf(h_ref, p_ref, o_ref):
        o_ref[...] = h_ref[...] * _norms(p_ref[...], 0)

    return pl.pallas_call(
        kf,
        grid=(_NP // _TCB,),
        in_specs=[
            pl.BlockSpec((_TCB, _D), lambda i: (i, 0)),
            pl.BlockSpec((2, 2, _TCB, 1), lambda i: (0, 0, i, 0)),
        ],
        out_specs=pl.BlockSpec((_TCB, _D), lambda i: (i, 0)),
        out_shape=jax.ShapeDtypeStruct((_NP, _D), jnp.float32),
    )(h, parts4)


def _tc_update(agg, parts4, w, b2):
    def kf(a_ref, p_ref, w_ref, b_ref, o_ref):
        p = p_ref[...]
        a = (a_ref[0] + a_ref[1]) * _norms(p, 1)
        h = jnp.dot(a, w_ref[...], preferred_element_type=jnp.float32) + b_ref[...]
        h = h * jax.nn.sigmoid(h)
        o_ref[...] = h * _norms(p, 0)

    return pl.pallas_call(
        kf,
        grid=(_NP // _TCB,),
        in_specs=[
            pl.BlockSpec((_NC, _TCB, _D), lambda i: (0, i, 0)),
            pl.BlockSpec((2, 2, _TCB, 1), lambda i: (0, 0, i, 0)),
            pl.BlockSpec((_D, _D), lambda i: (0, 0)),
            pl.BlockSpec((1, _D), lambda i: (0, 0)),
        ],
        out_specs=pl.BlockSpec((_TCB, _D), lambda i: (i, 0)),
        out_shape=jax.ShapeDtypeStruct((_NP, _D), jnp.float32),
    )(agg, parts4, w, b2)


def _tc_final(agg, parts4, gids2, w2, b2_2, w_out, b_out2, w_ff, b_ff2):
    def kf(a_ref, p_ref, g_ref, w2_ref, b2_ref, wo_ref, bo_ref, wf_ref, bf_ref,
           o_ref):
        i = pl.program_id(0)
        a = (a_ref[0] + a_ref[1]) * _norms(p_ref[...], 1)
        h = jnp.dot(a, w2_ref[...], preferred_element_type=jnp.float32) + b2_ref[...]
        h = h * jax.nn.sigmoid(h)
        h = jnp.dot(h, wo_ref[...], preferred_element_type=jnp.float32) + bo_ref[...]
        h = h * jax.nn.sigmoid(h)
        hw = jnp.dot(h, wf_ref[...], preferred_element_type=jnp.float32)
        onehot = (g_ref[...] == lax.broadcasted_iota(jnp.int32, (1, _G), 1))
        part = lax.dot_general(onehot.astype(jnp.float32), hw,
                               (((0,), (0,)), ((), ())),
                               preferred_element_type=jnp.float32)

        @pl.when(i == 0)
        def _init():
            o_ref[...] = jnp.zeros_like(o_ref)

        o_ref[...] += part

        @pl.when(i == pl.num_programs(0) - 1)
        def _bias():
            o_ref[...] += bf_ref[...]

    return pl.pallas_call(
        kf,
        grid=(_NP // _TCB,),
        in_specs=[
            pl.BlockSpec((_NC, _TCB, _D), lambda i: (0, i, 0)),
            pl.BlockSpec((2, 2, _TCB, 1), lambda i: (0, 0, i, 0)),
            pl.BlockSpec((_TCB, 1), lambda i: (i, 0)),
            pl.BlockSpec((_D, _D), lambda i: (0, 0)),
            pl.BlockSpec((1, _D), lambda i: (0, 0)),
            pl.BlockSpec((_D, _D), lambda i: (0, 0)),
            pl.BlockSpec((1, _D), lambda i: (0, 0)),
            pl.BlockSpec((_D, _D), lambda i: (0, 0)),
            pl.BlockSpec((1, _D), lambda i: (0, 0)),
        ],
        out_specs=pl.BlockSpec((_G, _D), lambda i: (0, 0)),
        out_shape=jax.ShapeDtypeStruct((_G, _D), jnp.float32),
    )(agg, parts4, gids2, w2, b2_2, w_out, b_out2, w_ff, b_ff2)



def _pad_edges(e):
    e2 = e.reshape(_NW, _E // _NW)
    npad = _CPW * _CH - _E // _NW
    pad = (_N + (jnp.arange(_NW, dtype=jnp.int32)[:, None] * 7
                 + jnp.arange(npad, dtype=jnp.int32)[None, :]) % (_NP - _N))
    return jnp.concatenate([e2, pad], axis=1).reshape(_NW, _CPW, _CH)


def kernel(x, edge_index, graph_ids, W_in, b_in, W0, b0, W1, b1, W2, b2,
           W_out, b_out, W_ff, b_ff):
    src3 = _pad_edges(edge_index[0].astype(jnp.int32))
    dst3 = _pad_edges(edge_index[1].astype(jnp.int32))
    gids2 = jnp.pad(graph_ids.astype(jnp.int32), (0, _NP - _N),
                    constant_values=_G).reshape(_NP, 1)
    xp = jnp.pad(x, ((0, _NP - _N), (0, 0)))

    h0 = _tc_embed_raw(xp, W_in, b_in.reshape(1, _D))
    deg_parts = _sc_degrees(src3, dst3)
    parts4 = deg_parts.reshape(_NC, 2, _NP, 1)

    h = _tc_scale(h0, parts4)
    agg = _sc_conv(h, src3, dst3)
    h = _tc_update(agg, parts4, W0, b0.reshape(1, _D))
    agg = _sc_conv(h, src3, dst3)
    h = _tc_update(agg, parts4, W1, b1.reshape(1, _D))
    agg = _sc_conv(h, src3, dst3)
    return _tc_final(agg, parts4, gids2, W2, b2.reshape(1, _D),
                     W_out, b_out.reshape(1, _D), W_ff, b_ff.reshape(1, _D))

# --- scband reference (transcript-rebuilt; emitter-appended) ---
"""Pipeline reference for scband-dglrepresentation-17935783428727 (READ-ONLY COPY).

The authoritative reference and input builder live on the scoring server;
editing this copy changes nothing except your own understanding.
"""

import jax, jax.numpy as jnp
import numpy as np

N_NODES = 10000
N_EDGES = 320000
D_IN = 128
D_HID = 128
D_OUT = 128
NUM_GRAPHS = 64


def setup_inputs(seed: int = 0) -> dict:
    key = jax.random.key(seed)
    ks = jax.random.split(key, 16)
    x = jax.random.normal(ks[0], (N_NODES, D_IN), dtype=jnp.float32)
    edge_index = jax.random.randint(ks[1], (2, N_EDGES), 0, N_NODES, dtype=jnp.int64)
    graph_ids = jnp.sort(jax.random.randint(ks[2], (N_NODES,), 0, NUM_GRAPHS, dtype=jnp.int64))
    s = 1.0 / np.sqrt(D_HID)
    W_in = jax.random.normal(ks[3], (D_IN, D_HID), dtype=jnp.float32) * s
    b_in = jnp.zeros((D_HID,), dtype=jnp.float32)
    W0 = jax.random.normal(ks[4], (D_HID, D_HID), dtype=jnp.float32) * s
    b0 = jnp.zeros((D_HID,), dtype=jnp.float32)
    W1 = jax.random.normal(ks[5], (D_HID, D_HID), dtype=jnp.float32) * s
    b1 = jnp.zeros((D_HID,), dtype=jnp.float32)
    W2 = jax.random.normal(ks[6], (D_HID, D_HID), dtype=jnp.float32) * s
    b2 = jnp.zeros((D_HID,), dtype=jnp.float32)
    W_out = jax.random.normal(ks[7], (D_HID, D_HID), dtype=jnp.float32) * s
    b_out = jnp.zeros((D_HID,), dtype=jnp.float32)
    W_ff = jax.random.normal(ks[8], (D_HID, D_OUT), dtype=jnp.float32) * s
    b_ff = jnp.zeros((D_OUT,), dtype=jnp.float32)
    return {"x": x, "edge_index": edge_index, "graph_ids": graph_ids,
            "W_in": W_in, "b_in": b_in, "W0": W0, "b0": b0, "W1": W1, "b1": b1,
            "W2": W2, "b2": b2, "W_out": W_out, "b_out": b_out, "W_ff": W_ff, "b_ff": b_ff}


def _graph_conv(h, src, dst, norm_src, norm_dst, W, b):
    # DGL GraphConv norm='both', allow_zero_in_degree=True:
    # h' = D_dst^{-1/2} * A^T (D_src^{-1/2} * h) @ W + b
    m = (h * norm_src[:, None])[src]
    agg = jax.ops.segment_sum(m, dst, num_segments=h.shape[0])
    agg = agg * norm_dst[:, None]
    return agg @ W + b


def reference(x, edge_index, graph_ids, W_in, b_in, W0, b0, W1, b1, W2, b2, W_out, b_out, W_ff, b_ff):
    src = edge_index[0]
    dst = edge_index[1]
    ones_e = jnp.ones((src.shape[0],), dtype=jnp.float32)
    out_deg = jax.ops.segment_sum(ones_e, src, num_segments=N_NODES)
    in_deg = jax.ops.segment_sum(ones_e, dst, num_segments=N_NODES)
    norm_src = jnp.where(out_deg > 0, out_deg ** -0.5, 0.0)
    norm_dst = jnp.where(in_deg > 0, in_deg ** -0.5, 0.0)
    h = jax.nn.silu(x @ W_in + b_in)
    for (W, b) in ((W0, b0), (W1, b1), (W2, b2)):
        h = _graph_conv(h, src, dst, norm_src, norm_dst, W, b)
        h = jax.nn.silu(h)
    h = jax.nn.silu(h @ W_out + b_out)
    pooled = jax.ops.segment_sum(h, graph_ids, num_segments=NUM_GRAPHS)
    out = pooled @ W_ff + b_ff
    return out

if __name__ == "__main__":
    import jax
    _d = setup_inputs()
    print(jax.jit(kernel)(*tuple(_d.values())))

</pallas_src>

<mosaic_0001>
#map = affine_map<(d0, d1) -> (0, 0)>
#map1 = affine_map<(d0, d1) -> (0, 0, 0)>
module attributes {stable_mosaic.version = 14 : i64} {
  func.func @conv_kernel(%arg0: i32, %arg1: i32, %arg2: memref<10240x128xf32, #tpu.memory_space<hbm>>, %arg3: memref<32x79x128xi32, #tpu.memory_space<hbm>>, %arg4: memref<32x79x128xi32, #tpu.memory_space<hbm>>, %arg5: memref<2x10240x128xf32, #tpu.memory_space<hbm>>, %arg6: memref<79x128xi32, #tpu.memory_space<vmem>>, %arg7: memref<128xi32, #tpu.memory_space<vmem>>, %arg8: memref<128xi32, #tpu.memory_space<vmem>>, %arg9: memref<128x128xf32, #tpu.memory_space<vmem>>, %arg10: memref<128x128xf32, #tpu.memory_space<vmem>>, %arg11: memref<10240x128xf32, #tpu.memory_space<vmem_shared>>, %arg12: memref<!tpu.dma_semaphore, #tpu.memory_space<semaphore_mem>>, %arg13: memref<!tpu.dma_semaphore, #tpu.memory_space<semaphore_mem>>, %arg14: memref<!tpu.dma_semaphore, #tpu.memory_space<semaphore_mem>>, %arg15: memref<!tpu.dma_semaphore, #tpu.memory_space<semaphore_mem>>, %arg16: memref<!tpu.dma_semaphore, #tpu.memory_space<semaphore_mem>>) attributes {dimension_semantics = [#tpu.dimension_semantics<core_parallel>, #tpu.dimension_semantics<subcore_parallel>], iteration_bounds = array<i64: 2, 16>, scalar_prefetch = 0 : i64, scratch_operands = 11 : i64, tpu.core_type = #tpu.core_type<sc_vector_subcore>, window_params = [{transform_indices = #map}, {transform_indices = #map1}, {transform_indices = #map1}, {transform_indices = #map1}]} {
    %mul3A = arith.constant 2 : i32
    %mul3A_0 = arith.muli %arg1, %mul3A : i32
    %add3A = arith.addi %mul3A_0, %arg0 : i32
    %dma_start3A = arith.constant 0 : i32
    %dma_start3A_1 = arith.constant 0 : i32
    %dma_start3A_2 = tpu.memref_slice %arg3[%add3A, %dma_start3A, %dma_start3A_1] : memref<32x79x128xi32, #tpu.memory_space<hbm>> -> memref<1x79x128xi32, #tpu.memory_space<hbm>>
    %dma_start3A_3 = tpu.memref_squeeze %dma_start3A_2 : memref<1x79x128xi32, #tpu.memory_space<hbm>> -> memref<79x128xi32, #tpu.memory_space<hbm>>
    %dma_start3A_4 = arith.constant 0 : i32
    %dma_start3A_5 = arith.constant 0 : i32
    %dma_start3A_6 = tpu.memref_slice %arg3[%add3A, %dma_start3A_4, %dma_start3A_5] : memref<32x79x128xi32, #tpu.memory_space<hbm>> -> memref<1x79x128xi32, #tpu.memory_space<hbm>>
    %dma_start3A_7 = tpu.memref_squeeze %dma_start3A_6 : memref<1x79x128xi32, #tpu.memory_space<hbm>> -> memref<79x128xi32, #tpu.memory_space<hbm>>
    tpu.enqueue_dma source(%dma_start3A_7 : memref<79x128xi32, #tpu.memory_space<hbm>>) target(%arg6 : memref<79x128xi32, #tpu.memory_space<vmem>>) target_semaphore(%arg16 : memref<!tpu.dma_semaphore, #tpu.memory_space<semaphore_mem>>)
    %scan3A = arith.constant 0 : i32
    %scan3A_8 = arith.constant 0 : i32
    %scan3A_9 = arith.constant 128 : i32
    %scan3A_10 = arith.addi %scan3A_8, %scan3A_9 : i32
    %scan3A_11 = arith.constant 1 : i32
    scf.for %scan3A_145 = %scan3A_8 to %scan3A_10 step %scan3A_11  : i32 {
      %broadcast_in_dim3A = arith.constant 0.000000e+00 : f32
      %broadcast_in_dim3A_146 = vector.broadcast %broadcast_in_dim3A : f32 to vector<16xf32>
      %swap3A = arith.index_cast %scan3A_145 : i32 to index
      %swap3A_147 = arith.constant 0 : index
      %swap3A_148 = tpu.vector_load %arg9[%swap3A, %swap3A_147] {strides = array<i32>} : memref<128x128xf32, #tpu.memory_space<vmem>>, vector<1x16xf32>,
      %swap3A_149 = vector.shape_cast %swap3A_148 : vector<1x16xf32> to vector<16xf32>
      %swap3A_150 = vector.shape_cast %broadcast_in_dim3A_146 : vector<16xf32> to vector<1x16xf32>
      tpu.vector_store %arg9[%swap3A, %swap3A_147], %swap3A_150 {strides = array<i32>} : memref<128x128xf32, #tpu.memory_space<vmem>>, vector<1x16xf32>,
      %broadcast_in_dim3A_151 = arith.constant 0.000000e+00 : f32
      %broadcast_in_dim3A_152 = vector.broadcast %broadcast_in_dim3A_151 : f32 to vector<16xf32>
      %swap3A_153 = arith.index_cast %scan3A_145 : i32 to index
      %swap3A_154 = arith.constant 16 : index
      %swap3A_155 = tpu.vector_load %arg9[%swap3A_153, %swap3A_154] {strides = array<i32>} : memref<128x128xf32, #tpu.memory_space<vmem>>, vector<1x16xf32>,
      %swap3A_156 = vector.shape_cast %swap3A_155 : vector<1x16xf32> to vector<16xf32>
      %swap3A_157 = vector.shape_cast %broadcast_in_dim3A_152 : vector<16xf32> to vector<1x16xf32>
      tpu.vector_store %arg9[%swap3A_153, %swap3A_154], %swap3A_157 {strides = array<i32>} : memref<128x128xf32, #tpu.memory_space<vmem>>, vector<1x16xf32>,
      %broadcast_in_dim3A_158 = arith.constant 0.000000e+00 : f32
      %broadcast_in_dim3A_159 = vector.broadcast %broadcast_in_dim3A_158 : f32 to vector<16xf32>
      %swap3A_160 = arith.index_cast %scan3A_145 : i32 to index
      %swap3A_161 = arith.constant 32 : index
      %swap3A_162 = tpu.vector_load %arg9[%swap3A_160, %swap3A_161] {strides = array<i32>} : memref<128x128xf32, #tpu.memory_space<vmem>>, vector<1x16xf32>,
      %swap3A_163 = vector.shape_cast %swap3A_162 : vector<1x16xf32> to vector<16xf32>
      %swap3A_164 = vector.shape_cast %broadcast_in_dim3A_159 : vector<16xf32> to vector<1x16xf32>
      tpu.vector_store %arg9[%swap3A_160, %swap3A_161], %swap3A_164 {strides = array<i32>} : memref<128x128xf32, #tpu.memory_space<vmem>>, vector<1x16xf32>,
      %broadcast_in_dim3A_165 = arith.constant 0.000000e+00 : f32
      %broadcast_in_dim3A_166 = vector.broadcast %broadcast_in_dim3A_165 : f32 to vector<16xf32>
      %swap3A_167 = arith.index_cast %scan3A_145 : i32 to index
      %swap3A_168 = arith.constant 48 : index
      %swap3A_169 = tpu.vector_load %arg9[%swap3A_167, %swap3A_168] {strides = array<i32>} : memref<128x128xf32, #tpu.memory_space<vmem>>, vector<1x16xf32>,
      %swap3A_170 = vector.shape_cast %swap3A_169 : vector<1x16xf32> to vector<16xf32>
      %swap3A_171 = vector.shape_cast %broadcast_in_dim3A_166 : vector<16xf32> to vector<1x16xf32>
      tpu.vector_store %arg9[%swap3A_167, %swap3A_168], %swap3A_171 {strides = array<i32>} : memref<128x128xf32, #tpu.memory_space<vmem>>, vector<1x16xf32>,
      %broadcast_in_dim3A_172 = arith.constant 0.000000e+00 : f32
      %broadcast_in_dim3A_173 = vector.broadcast %broadcast_in_dim3A_172 : f32 to vector<16xf32>
      %swap3A_174 = arith.index_cast %scan3A_145 : i32 to index
      %swap3A_175 = arith.constant 64 : index
      %swap3A_176 = tpu.vector_load %arg9[%swap3A_174, %swap3A_175] {strides = array<i32>} : memref<128x128xf32, #tpu.memory_space<vmem>>, vector<1x16xf32>,
      %swap3A_177 = vector.shape_cast %swap3A_176 : vector<1x16xf32> to vector<16xf32>
      %swap3A_178 = vector.shape_cast %broadcast_in_dim3A_173 : vector<16xf32> to vector<1x16xf32>
      tpu.vector_store %arg9[%swap3A_174, %swap3A_175], %swap3A_178 {strides = array<i32>} : memref<128x128xf32, #tpu.memory_space<vmem>>, vector<1x16xf32>,
      %broadcast_in_dim3A_179 = arith.constant 0.000000e+00 : f32
      %broadcast_in_dim3A_180 = vector.broadcast %broadcast_in_dim3A_179 : f32 to vector<16xf32>
      %swap3A_181 = arith.index_cast %scan3A_145 : i32 to index
      %swap3A_182 = arith.constant 80 : index
      %swap3A_183 = tpu.vector_load %arg9[%swap3A_181, %swap3A_182] {strides = array<i32>} : memref<128x128xf32, #tpu.memory_space<vmem>>, vector<1x16xf32>,
      %swap3A_184 = vector.shape_cast %swap3A_183 : vector<1x16xf32> to vector<16xf32>
      %swap3A_185 = vector.shape_cast %broadcast_in_dim3A_180 : vector<16xf32> to vector<1x16xf32>
      tpu.vector_store %arg9[%swap3A_181, %swap3A_182], %swap3A_185 {strides = array<i32>} : memref<128x128xf32, #tpu.memory_space<vmem>>, vector<1x16xf32>,
      %broadcast_in_dim3A_186 = arith.constant 0.000000e+00 : f32
      %broadcast_in_dim3A_187 = vector.broadcast %broadcast_in_dim3A_186 : f32 to vector<16xf32>
      %swap3A_188 = arith.index_cast %scan3A_145 : i32 to index
      %swap3A_189 = arith.constant 96 : index
      %swap3A_190 = tpu.vector_load %arg9[%swap3A_188, %swap3A_189] {strides = array<i32>} : memref<128x128xf32, #tpu.memory_space<vmem>>, vector<1x16xf32>,
      %swap3A_191 = vector.shape_cast %swap3A_190 : vector<1x16xf32> to vector<16xf32>
      %swap3A_192 = vector.shape_cast %broadcast_in_dim3A_187 : vector<16xf32> to vector<1x16xf32>
      tpu.vector_store %arg9[%swap3A_188, %swap3A_189], %swap3A_192 {strides = array<i32>} : memref<128x128xf32, #tpu.memory_space<vmem>>, vector<1x16xf32>,
      %broadcast_in_dim3A_193 = arith.constant 0.000000e+00 : f32
      %broadcast_in_dim3A_194 = vector.broadcast %broadcast_in_dim3A_193 : f32 to vector<16xf32>
      %swap3A_195 = arith.index_cast %scan3A_145 : i32 to index
      %swap3A_196 = arith.constant 112 : index
      %swap3A_197 = tpu.vector_load %arg9[%swap3A_195, %swap3A_196] {strides = array<i32>} : memref<128x128xf32, #tpu.memory_space<vmem>>, vector<1x16xf32>,
      %swap3A_198 = vector.shape_cast %swap3A_197 : vector<1x16xf32> to vector<16xf32>
      %swap3A_199 = vector.shape_cast %broadcast_in_dim3A_194 : vector<16xf32> to vector<1x16xf32>
      tpu.vector_store %arg9[%swap3A_195, %swap3A_196], %swap3A_199 {strides = array<i32>} : memref<128x128xf32, #tpu.memory_space<vmem>>, vector<1x16xf32>,
    }
    %scan3A_12 = arith.constant 128 : i32
    %dma_wait3A = arith.constant 0 : i32
    %dma_wait3A_13 = arith.constant 0 : i32
    %dma_wait3A_14 = tpu.memref_slice %arg3[%add3A, %dma_wait3A, %dma_wait3A_13] : memref<32x79x128xi32, #tpu.memory_space<hbm>> -> memref<1x79x128xi32, #tpu.memory_space<hbm>>
    %dma_wait3A_15 = tpu.memref_squeeze %dma_wait3A_14 : memref<1x79x128xi32, #tpu.memory_space<hbm>> -> memref<79x128xi32, #tpu.memory_space<hbm>>
    %dma_wait3A_16 = arith.constant 0 : i32
    %dma_wait3A_17 = arith.constant 0 : i32
    %dma_wait3A_18 = tpu.memref_slice %arg3[%add3A, %dma_wait3A_16, %dma_wait3A_17] : memref<32x79x128xi32, #tpu.memory_space<hbm>> -> memref<1x79x128xi32, #tpu.memory_space<hbm>>
    %dma_wait3A_19 = tpu.memref_squeeze %dma_wait3A_18 : memref<1x79x128xi32, #tpu.memory_space<hbm>> -> memref<79x128xi32, #tpu.memory_space<hbm>>
    tpu.wait_dma2 semaphore(%arg16 : memref<!tpu.dma_semaphore, #tpu.memory_space<semaphore_mem>>) src(%dma_wait3A_19 : memref<79x128xi32, #tpu.memory_space<hbm>>) dst(%arg6 : memref<79x128xi32, #tpu.memory_space<vmem>>)
    %add3A_20 = arith.constant 0 : i32
    %add3A_21 = arith.addi %arg1, %add3A_20 : i32
    %mul3A_22 = arith.constant 128 : i32
    %mul3A_23 = arith.muli %add3A_21, %mul3A_22 : i32
    %dma_start3A_24 = arith.constant 0 : i32
    %dma_start3A_25 = tpu.memref_slice %arg11[%mul3A_23, %dma_start3A_24] : memref<10240x128xf32, #tpu.memory_space<vmem_shared>> -> memref<128x128xf32, #tpu.memory_space<vmem_shared>>
    %dma_start3A_26 = arith.constant 0 : i32
    %dma_start3A_27 = tpu.memref_slice %arg11[%mul3A_23, %dma_start3A_26] : memref<10240x128xf32, #tpu.memory_space<vmem_shared>> -> memref<128x128xf32, #tpu.memory_space<vmem_shared>>
    tpu.enqueue_dma source(%arg9 : memref<128x128xf32, #tpu.memory_space<vmem>>) target(%dma_start3A_27 : memref<128x128xf32, #tpu.memory_space<vmem_shared>>) target_semaphore(%arg16 : memref<!tpu.dma_semaphore, #tpu.memory_space<semaphore_mem>>)
    %add3A_28 = arith.constant 16 : i32
    %add3A_29 = arith.addi %arg1, %add3A_28 : i32
    %mul3A_30 = arith.constant 128 : i32
    %mul3A_31 = arith.muli %add3A_29, %mul3A_30 : i32
    %dma_start3A_32 = arith.constant 0 : i32
    %dma_start3A_33 = tpu.memref_slice %arg11[%mul3A_31, %dma_start3A_32] : memref<10240x128xf32, #tpu.memory_space<vmem_shared>> -> memref<128x128xf32, #tpu.memory_space<vmem_shared>>
    %dma_start3A_34 = arith.constant 0 : i32
    %dma_start3A_35 = tpu.memref_slice %arg11[%mul3A_31, %dma_start3A_34] : memref<10240x128xf32, #tpu.memory_space<vmem_shared>> -> memref<128x128xf32, #tpu.memory_space<vmem_shared>>
    tpu.enqueue_dma source(%arg9 : memref<128x128xf32, #tpu.memory_space<vmem>>) target(%dma_start3A_35 : memref<128x128xf32, #tpu.memory_space<vmem_shared>>) target_semaphore(%arg16 : memref<!tpu.dma_semaphore, #tpu.memory_space<semaphore_mem>>)
    %add3A_36 = arith.constant 32 : i32
    %add3A_37 = arith.addi %arg1, %add3A_36 : i32
    %mul3A_38 = arith.constant 128 : i32
    %mul3A_39 = arith.muli %add3A_37, %mul3A_38 : i32
    %dma_start3A_40 = arith.constant 0 : i32
    %dma_start3A_41 = tpu.memref_slice %arg11[%mul3A_39, %dma_start3A_40] : memref<10240x128xf32, #tpu.memory_space<vmem_shared>> -> memref<128x128xf32, #tpu.memory_space<vmem_shared>>
    %dma_start3A_42 = arith.constant 0 : i32
    %dma_start3A_43 = tpu.memref_slice %arg11[%mul3A_39, %dma_start3A_42] : memref<10240x128xf32, #tpu.memory_space<vmem_shared>> -> memref<128x128xf32, #tpu.memory_space<vmem_shared>>
    tpu.enqueue_dma source(%arg9 : memref<128x128xf32, #tpu.memory_space<vmem>>) target(%dma_start3A_43 : memref<128x128xf32, #tpu.memory_space<vmem_shared>>) target_semaphore(%arg16 : memref<!tpu.dma_semaphore, #tpu.memory_space<semaphore_mem>>)
    %add3A_44 = arith.constant 48 : i32
    %add3A_45 = arith.addi %arg1, %add3A_44 : i32
    %mul3A_46 = arith.constant 128 : i32
    %mul3A_47 = arith.muli %add3A_45, %mul3A_46 : i32
    %dma_start3A_48 = arith.constant 0 : i32
    %dma_start3A_49 = tpu.memref_slice %arg11[%mul3A_47, %dma_start3A_48] : memref<10240x128xf32, #tpu.memory_space<vmem_shared>> -> memref<128x128xf32, #tpu.memory_space<vmem_shared>>
    %dma_start3A_50 = arith.constant 0 : i32
    %dma_start3A_51 = tpu.memref_slice %arg11[%mul3A_47, %dma_start3A_50] : memref<10240x128xf32, #tpu.memory_space<vmem_shared>> -> memref<128x128xf32, #tpu.memory_space<vmem_shared>>
    tpu.enqueue_dma source(%arg9 : memref<128x128xf32, #tpu.memory_space<vmem>>) target(%dma_start3A_51 : memref<128x128xf32, #tpu.memory_space<vmem_shared>>) target_semaphore(%arg16 : memref<!tpu.dma_semaphore, #tpu.memory_space<semaphore_mem>>)
    %add3A_52 = arith.constant 64 : i32
    %add3A_53 = arith.addi %arg1, %add3A_52 : i32
    %mul3A_54 = arith.constant 128 : i32
    %mul3A_55 = arith.muli %add3A_53, %mul3A_54 : i32
    %dma_start3A_56 = arith.constant 0 : i32
    %dma_start3A_57 = tpu.memref_slice %arg11[%mul3A_55, %dma_start3A_56] : memref<10240x128xf32, #tpu.memory_space<vmem_shared>> -> memref<128x128xf32, #tpu.memory_space<vmem_shared>>
    %dma_start3A_58 = arith.constant 0 : i32
    %dma_start3A_59 = tpu.memref_slice %arg11[%mul3A_55, %dma_start3A_58] : memref<10240x128xf32, #tpu.memory_space<vmem_shared>> -> memref<128x128xf32, #tpu.memory_space<vmem_shared>>
    tpu.enqueue_dma source(%arg9 : memref<128x128xf32, #tpu.memory_space<vmem>>) target(%dma_start3A_59 : memref<128x128xf32, #tpu.memory_space<vmem_shared>>) target_semaphore(%arg16 : memref<!tpu.dma_semaphore, #tpu.memory_space<semaphore_mem>>)
    %dma_wait3A_60 = arith.constant 0 : i32
    %dma_wait3A_61 = arith.constant 0 : i32
    %dma_wait3A_62 = tpu.memref_slice %arg11[%dma_wait3A_60, %dma_wait3A_61] : memref<10240x128xf32, #tpu.memory_space<vmem_shared>> -> memref<128x128xf32, #tpu.memory_space<vmem_shared>>
    %dma_wait3A_63 = arith.constant 0 : i32
    %dma_wait3A_64 = arith.constant 0 : i32
    %dma_wait3A_65 = tpu.memref_slice %arg11[%dma_wait3A_63, %dma_wait3A_64] : memref<10240x128xf32, #tpu.memory_space<vmem_shared>> -> memref<128x128xf32, #tpu.memory_space<vmem_shared>>
    tpu.wait_dma2 semaphore(%arg16 : memref<!tpu.dma_semaphore, #tpu.memory_space<semaphore_mem>>) src(%arg9 : memref<128x128xf32, #tpu.memory_space<vmem>>) dst(%dma_wait3A_65 : memref<128x128xf32, #tpu.memory_space<vmem_shared>>)
    %dma_wait3A_66 = arith.constant 0 : i32
    %dma_wait3A_67 = arith.constant 0 : i32
    %dma_wait3A_68 = tpu.memref_slice %arg11[%dma_wait3A_66, %dma_wait3A_67] : memref<10240x128xf32, #tpu.memory_space<vmem_shared>> -> memref<128x128xf32, #tpu.memory_space<vmem_shared>>
    %dma_wait3A_69 = arith.constant 0 : i32
    %dma_wait3A_70 = arith.constant 0 : i32
    %dma_wait3A_71 = tpu.memref_slice %arg11[%dma_wait3A_69, %dma_wait3A_70] : memref<10240x128xf32, #tpu.memory_space<vmem_shared>> -> memref<128x128xf32, #tpu.memory_space<vmem_shared>>
    tpu.wait_dma2 semaphore(%arg16 : memref<!tpu.dma_semaphore, #tpu.memory_space<semaphore_mem>>) src(%arg9 : memref<128x128xf32, #tpu.memory_space<vmem>>) dst(%dma_wait3A_71 : memref<128x128xf32, #tpu.memory_space<vmem_shared>>)
    %dma_wait3A_72 = arith.constant 0 : i32
    %dma_wait3A_73 = arith.constant 0 : i32
    %dma_wait3A_74 = tpu.memref_slice %arg11[%dma_wait3A_72, %dma_wait3A_73] : memref<10240x128xf32, #tpu.memory_space<vmem_shared>> -> memref<128x128xf32, #tpu.memory_space<vmem_shared>>
    %dma_wait3A_75 = arith.constant 0 : i32
    %dma_wait3A_76 = arith.constant 0 : i32
    %dma_wait3A_77 = tpu.memref_slice %arg11[%dma_wait3A_75, %dma_wait3A_76] : memref<10240x128xf32, #tpu.memory_space<vmem_shared>> -> memref<128x128xf32, #tpu.memory_space<vmem_shared>>
    tpu.wait_dma2 semaphore(%arg16 : memref<!tpu.dma_semaphore, #tpu.memory_space<semaphore_mem>>) src(%arg9 : memref<128x128xf32, #tpu.memory_space<vmem>>) dst(%dma_wait3A_77 : memref<128x128xf32, #tpu.memory_space<vmem_shared>>)
    %dma_wait3A_78 = arith.constant 0 : i32
    %dma_wait3A_79 = arith.constant 0 : i32
    %dma_wait3A_80 = tpu.memref_slice %arg11[%dma_wait3A_78, %dma_wait3A_79] : memref<10240x128xf32, #tpu.memory_space<vmem_shared>> -> memref<128x128xf32, #tpu.memory_space<vmem_shared>>
    %dma_wait3A_81 = arith.constant 0 : i32
    %dma_wait3A_82 = arith.constant 0 : i32
    %dma_wait3A_83 = tpu.memref_slice %arg11[%dma_wait3A_81, %dma_wait3A_82] : memref<10240x128xf32, #tpu.memory_space<vmem_shared>> -> memref<128x128xf32, #tpu.memory_space<vmem_shared>>
    tpu.wait_dma2 semaphore(%arg16 : memref<!tpu.dma_semaphore, #tpu.memory_space<semaphore_mem>>) src(%arg9 : memref<128x128xf32, #tpu.memory_space<vmem>>) dst(%dma_wait3A_83 : memref<128x128xf32, #tpu.memory_space<vmem_shared>>)
    %dma_wait3A_84 = arith.constant 0 : i32
    %dma_wait3A_85 = arith.constant 0 : i32
    %dma_wait3A_86 = tpu.memref_slice %arg11[%dma_wait3A_84, %dma_wait3A_85] : memref<10240x128xf32, #tpu.memory_space<vmem_shared>> -> memref<128x128xf32, #tpu.memory_space<vmem_shared>>
    %dma_wait3A_87 = arith.constant 0 : i32
    %dma_wait3A_88 = arith.constant 0 : i32
    %dma_wait3A_89 = tpu.memref_slice %arg11[%dma_wait3A_87, %dma_wait3A_88] : memref<10240x128xf32, #tpu.memory_space<vmem_shared>> -> memref<128x128xf32, #tpu.memory_space<vmem_shared>>
    tpu.wait_dma2 semaphore(%arg16 : memref<!tpu.dma_semaphore, #tpu.memory_space<semaphore_mem>>) src(%arg9 : memref<128x128xf32, #tpu.memory_space<vmem>>) dst(%dma_wait3A_89 : memref<128x128xf32, #tpu.memory_space<vmem_shared>>)
    %barrier3A = arith.constant 0 : index
    tpu.barrier barrier_id(%barrier3A)
    %dma_start3A_90 = arith.constant 0 : i32
    %dma_start3A_91 = arith.constant 0 : i32
    %dma_start3A_92 = tpu.memref_slice %arg6[%dma_start3A_90, %dma_start3A_91] : memref<79x128xi32, #tpu.memory_space<vmem>> -> memref<1x128xi32, #tpu.memory_space<vmem>>
    %dma_start3A_93 = tpu.memref_squeeze %dma_start3A_92 : memref<1x128xi32, #tpu.memory_space<vmem>> -> memref<128xi32, #tpu.memory_space<vmem>>
    %dma_start3A_94 = arith.constant 0 : i32
    %dma_start3A_95 = arith.constant 0 : i32
    %dma_start3A_96 = tpu.memref_slice %arg2[%dma_start3A_94, %dma_start3A_95] : memref<10240x128xf32, #tpu.memory_space<hbm>> -> memref<10240x128xf32, #tpu.memory_space<hbm>>
    tpu.enqueue_indirect_dma source(%dma_start3A_96 : memref<10240x128xf32, #tpu.memory_space<hbm>>) target(%arg9 : memref<128x128xf32, #tpu.memory_space<vmem>>) offsets(%dma_start3A_93 : memref<128xi32, #tpu.memory_space<vmem>>) semaphore(%arg12 : memref<!tpu.dma_semaphore, #tpu.memory_space<semaphore_mem>>)
    %dma_start3A_97 = arith.constant 0 : i32
    %dma_start3A_98 = arith.constant 0 : i32
    %dma_start3A_99 = tpu.memref_slice %arg4[%add3A, %dma_start3A_97, %dma_start3A_98] : memref<32x79x128xi32, #tpu.memory_space<hbm>> -> memref<1x1x128xi32, #tpu.memory_space<hbm>>
    %dma_start3A_100 = tpu.memref_squeeze %dma_start3A_99 : memref<1x1x128xi32, #tpu.memory_space<hbm>> -> memref<128xi32, #tpu.memory_space<hbm>>
    %dma_start3A_101 = arith.constant 0 : i32
    %dma_start3A_102 = tpu.memref_slice %arg4[%add3A, %dma_start3A_97, %dma_start3A_101] : memref<32x79x128xi32, #tpu.memory_space<hbm>> -> memref<1x1x128xi32, #tpu.memory_space<hbm>>
    %dma_start3A_103 = tpu.memref_squeeze %dma_start3A_102 : memref<1x1x128xi32, #tpu.memory_space<hbm>> -> memref<128xi32, #tpu.memory_space<hbm>>
    tpu.enqueue_dma source(%dma_start3A_103 : memref<128xi32, #tpu.memory_space<hbm>>) target(%arg7 : memref<128xi32, #tpu.memory_space<vmem>>) target_semaphore(%arg14 : memref<!tpu.dma_semaphore, #tpu.memory_space<semaphore_mem>>)
    %scan3A_104 = arith.constant 0 : i32
    %scan3A_105 = arith.constant 0 : i32
    %scan3A_106 = arith.constant 39 : i32
    %scan3A_107 = arith.addi %scan3A_105, %scan3A_106 : i32
    %scan3A_108 = arith.constant 1 : i32
    scf.for %scan3A_145 = %scan3A_105 to %scan3A_107 step %scan3A_108  : i32 {
      %mul3A_146 = arith.constant 2 : i32
      %mul3A_147 = arith.muli %mul3A_146, %scan3A_145 : i32
      %add3A_148 = arith.constant 1 : i32
      %add3A_149 = arith.addi %mul3A_147, %add3A_148 : i32
      %dma_start3A_150 = arith.constant 0 : i32
      %dma_start3A_151 = tpu.memref_slice %arg6[%add3A_149, %dma_start3A_150] : memref<79x128xi32, #tpu.memory_space<vmem>> -> memref<1x128xi32, #tpu.memory_space<vmem>>
      %dma_start3A_152 = tpu.memref_squeeze %dma_start3A_151 : memref<1x128xi32, #tpu.memory_space<vmem>> -> memref<128xi32, #tpu.memory_space<vmem>>
      %dma_start3A_153 = arith.constant 0 : i32
      %dma_start3A_154 = arith.constant 0 : i32
      %dma_start3A_155 = tpu.memref_slice %arg2[%dma_start3A_153, %dma_start3A_154] : memref<10240x128xf32, #tpu.memory_space<hbm>> -> memref<10240x128xf32, #tpu.memory_space<hbm>>
      tpu.enqueue_indirect_dma source(%dma_start3A_155 : memref<10240x128xf32, #tpu.memory_space<hbm>>) target(%arg10 : memref<128x128xf32, #tpu.memory_space<vmem>>) offsets(%dma_start3A_152 : memref<128xi32, #tpu.memory_space<vmem>>) semaphore(%arg13 : memref<!tpu.dma_semaphore, #tpu.memory_space<semaphore_mem>>)
      %mul3A_156 = arith.constant 2 : i32
      %mul3A_157 = arith.muli %mul3A_156, %scan3A_145 : i32
      %add3A_158 = arith.constant 1 : i32
      %add3A_159 = arith.addi %mul3A_157, %add3A_158 : i32
      %dma_start3A_160 = arith.constant 0 : i32
      %dma_start3A_161 = tpu.memref_slice %arg4[%add3A, %add3A_159, %dma_start3A_160] : memref<32x79x128xi32, #tpu.memory_space<hbm>> -> memref<1x1x128xi32, #tpu.memory_space<hbm>>
      %dma_start3A_162 = tpu.memref_squeeze %dma_start3A_161 : memref<1x1x128xi32, #tpu.memory_space<hbm>> -> memref<128xi32, #tpu.memory_space<hbm>>
      %dma_start3A_163 = arith.constant 0 : i32
      %dma_start3A_164 = tpu.memref_slice %arg4[%add3A, %add3A_159, %dma_start3A_163] : memref<32x79x128xi32, #tpu.memory_space<hbm>> -> memref<1x1x128xi32, #tpu.memory_space<hbm>>
      %dma_start3A_165 = tpu.memref_squeeze %dma_start3A_164 : memref<1x1x128xi32, #tpu.memory_space<hbm>> -> memref<128xi32, #tpu.memory_space<hbm>>
      tpu.enqueue_dma source(%dma_start3A_165 : memref<128xi32, #tpu.memory_space<hbm>>) target(%arg8 : memref<128xi32, #tpu.memory_space<vmem>>) target_semaphore(%arg15 : memref<!tpu.dma_semaphore, #tpu.memory_space<semaphore_mem>>)
      %dma_wait3A_166 = arith.constant 0 : i32
      %dma_wait3A_167 = arith.constant 0 : i32
      %dma_wait3A_168 = tpu.memref_slice %arg2[%dma_wait3A_166, %dma_wait3A_167] : memref<10240x128xf32, #tpu.memory_space<hbm>> -> memref<128x128xf32, #tpu.memory_space<hbm>>
      %dma_wait3A_169 = arith.constant 0 : i32
      %dma_wait3A_170 = arith.constant 0 : i32
      %dma_wait3A_171 = tpu.memref_slice %arg2[%dma_wait3A_169, %dma_wait3A_170] : memref<10240x128xf32, #tpu.memory_space<hbm>> -> memref<128x128xf32, #tpu.memory_space<hbm>>
      tpu.wait_dma2 semaphore(%arg12 : memref<!tpu.dma_semaphore, #tpu.memory_space<semaphore_mem>>) src(%dma_wait3A_171 : memref<128x128xf32, #tpu.memory_space<hbm>>) dst(%arg9 : memref<128x128xf32, #tpu.memory_space<vmem>>)
      %dma_wait3A_172 = arith.constant 0 : i32
      %dma_wait3A_173 = arith.constant 0 : i32
      %dma_wait3A_174 = arith.constant 0 : i32
      %dma_wait3A_175 = tpu.memref_slice %arg4[%dma_wait3A_172, %dma_wait3A_173, %dma_wait3A_174] : memref<32x79x128xi32, #tpu.memory_space<hbm>> -> memref<1x1x128xi32, #tpu.memory_space<hbm>>
      %dma_wait3A_176 = tpu.memref_squeeze %dma_wait3A_175 : memref<1x1x128xi32, #tpu.memory_space<hbm>> -> memref<128xi32, #tpu.memory_space<hbm>>
      %dma_wait3A_177 = arith.constant 0 : i32
      %dma_wait3A_178 = tpu.memref_slice %arg4[%dma_wait3A_172, %dma_wait3A_173, %dma_wait3A_177] : memref<32x79x128xi32, #tpu.memory_space<hbm>> -> memref<1x1x128xi32, #tpu.memory_space<hbm>>
      %dma_wait3A_179 = tpu.memref_squeeze %dma_wait3A_178 : memref<1x1x128xi32, #tpu.memory_space<hbm>> -> memref<128xi32, #tpu.memory_space<hbm>>
      tpu.wait_dma2 semaphore(%arg14 : memref<!tpu.dma_semaphore, #tpu.memory_space<semaphore_mem>>) src(%dma_wait3A_179 : memref<128xi32, #tpu.memory_space<hbm>>) dst(%arg7 : memref<128xi32, #tpu.memory_space<vmem>>)
      "tpu.region"() ({
        %run_scoped3A = tpu.sem_alloc : memref<!tpu.dma_semaphore, #tpu.memory_space<semaphore_mem>>
        %dma_start3A_214 = arith.constant 0 : i32
        %dma_start3A_215 = arith.constant 0 : i32
        %dma_start3A_216 = tpu.memref_slice %arg11[%dma_start3A_214, %dma_start3A_215] : memref<10240x128xf32, #tpu.memory_space<vmem_shared>> -> memref<10240x128xf32, #tpu.memory_space<vmem_shared>>
        tpu.enqueue_indirect_dma source(%arg9 : memref<128x128xf32, #tpu.memory_space<vmem>>) target(%dma_start3A_216 : memref<10240x128xf32, #tpu.memory_space<vmem_shared>>) offsets(%arg7 : memref<128xi32, #tpu.memory_space<vmem>>) semaphore(%run_scoped3A : memref<!tpu.dma_semaphore, #tpu.memory_space<semaphore_mem>>) {add = true}
        %dma_wait3A_217 = arith.constant 0 : i32
        %dma_wait3A_218 = arith.constant 0 : i32
        %dma_wait3A_219 = tpu.memref_slice %arg11[%dma_wait3A_217, %dma_wait3A_218] : memref<10240x128xf32, #tpu.memory_space<vmem_shared>> -> memref<10240x128xf32, #tpu.memory_space<vmem_shared>>
        tpu.wait_indirect_dma semaphore(%run_scoped3A : memref<!tpu.dma_semaphore, #tpu.memory_space<semaphore_mem>>) src(%arg9 : memref<128x128xf32, #tpu.memory_space<vmem>>) dst(%dma_wait3A_219 : memref<10240x128xf32, #tpu.memory_space<vmem_shared>>)
        tpu.yield
      }) : () -> ()
      %mul3A_180 = arith.constant 2 : i32
      %mul3A_181 = arith.muli %mul3A_180, %scan3A_145 : i32
      %add3A_182 = arith.constant 2 : i32
      %add3A_183 = arith.addi %mul3A_181, %add3A_182 : i32
      %dma_start3A_184 = arith.constant 0 : i32
      %dma_start3A_185 = tpu.memref_slice %arg6[%add3A_183, %dma_start3A_184] : memref<79x128xi32, #tpu.memory_space<vmem>> -> memref<1x128xi32, #tpu.memory_space<vmem>>
      %dma_start3A_186 = tpu.memref_squeeze %dma_start3A_185 : memref<1x128xi32, #tpu.memory_space<vmem>> -> memref<128xi32, #tpu.memory_space<vmem>>
      %dma_start3A_187 = arith.constant 0 : i32
      %dma_start3A_188 = arith.constant 0 : i32
      %dma_start3A_189 = tpu.memref_slice %arg2[%dma_start3A_187, %dma_start3A_188] : memref<10240x128xf32, #tpu.memory_space<hbm>> -> memref<10240x128xf32, #tpu.memory_space<hbm>>
      tpu.enqueue_indirect_dma source(%dma_start3A_189 : memref<10240x128xf32, #tpu.memory_space<hbm>>) target(%arg9 : memref<128x128xf32, #tpu.memory_space<vmem>>) offsets(%dma_start3A_186 : memref<128xi32, #tpu.memory_space<vmem>>) semaphore(%arg12 : memref<!tpu.dma_semaphore, #tpu.memory_space<semaphore_mem>>)
      %mul3A_190 = arith.constant 2 : i32
      %mul3A_191 = arith.muli %mul3A_190, %scan3A_145 : i32
      %add3A_192 = arith.constant 2 : i32
      %add3A_193 = arith.addi %mul3A_191, %add3A_192 : i32
      %dma_start3A_194 = arith.constant 0 : i32
      %dma_start3A_195 = tpu.memref_slice %arg4[%add3A, %add3A_193, %dma_start3A_194] : memref<32x79x128xi32, #tpu.memory_space<hbm>> -> memref<1x1x128xi32, #tpu.memory_space<hbm>>
      %dma_start3A_196 = tpu.memref_squeeze %dma_start3A_195 : memref<1x1x128xi32, #tpu.memory_space<hbm>> -> memref<128xi32, #tpu.memory_space<hbm>>
      %dma_start3A_197 = arith.constant 0 : i32
      %dma_start3A_198 = tpu.memref_slice %arg4[%add3A, %add3A_193, %dma_start3A_197] : memref<32x79x128xi32, #tpu.memory_space<hbm>> -> memref<1x1x128xi32, #tpu.memory_space<hbm>>
      %dma_start3A_199 = tpu.memref_squeeze %dma_start3A_198 : memref<1x1x128xi32, #tpu.memory_space<hbm>> -> memref<128xi32, #tpu.memory_space<hbm>>
      tpu.enqueue_dma source(%dma_start3A_199 : memref<128xi32, #tpu.memory_space<hbm>>) target(%arg7 : memref<128xi32, #tpu.memory_space<vmem>>) target_semaphore(%arg14 : memref<!tpu.dma_semaphore, #tpu.memory_space<semaphore_mem>>)
      %dma_wait3A_200 = arith.constant 0 : i32
      %dma_wait3A_201 = arith.constant 0 : i32
      %dma_wait3A_202 = tpu.memref_slice %arg2[%dma_wait3A_200, %dma_wait3A_201] : memref<10240x128xf32, #tpu.memory_space<hbm>> -> memref<128x128xf32, #tpu.memory_space<hbm>>
      %dma_wait3A_203 = arith.constant 0 : i32
      %dma_wait3A_204 = arith.constant 0 : i32
      %dma_wait3A_205 = tpu.memref_slice %arg2[%dma_wait3A_203, %dma_wait3A_204] : memref<10240x128xf32, #tpu.memory_space<hbm>> -> memref<128x128xf32, #tpu.memory_space<hbm>>
      tpu.wait_dma2 semaphore(%arg13 : memref<!tpu.dma_semaphore, #tpu.memory_space<semaphore_mem>>) src(%dma_wait3A_205 : memref<128x128xf32, #tpu.memory_space<hbm>>) dst(%arg10 : memref<128x128xf32, #tpu.memory_space<vmem>>)
      %dma_wait3A_206 = arith.constant 0 : i32
      %dma_wait3A_207 = arith.constant 0 : i32
      %dma_wait3A_208 = arith.constant 0 : i32
      %dma_wait3A_209 = tpu.memref_slice %arg4[%dma_wait3A_206, %dma_wait3A_207, %dma_wait3A_208] : memref<32x79x128xi32, #tpu.memory_space<hbm>> -> memref<1x1x128xi32, #tpu.memory_space<hbm>>
      %dma_wait3A_210 = tpu.memref_squeeze %dma_wait3A_209 : memref<1x1x128xi32, #tpu.memory_space<hbm>> -> memref<128xi32, #tpu.memory_space<hbm>>
      %dma_wait3A_211 = arith.constant 0 : i32
      %dma_wait3A_212 = tpu.memref_slice %arg4[%dma_wait3A_206, %dma_wait3A_207, %dma_wait3A_211] : memref<32x79x128xi32, #tpu.memory_space<hbm>> -> memref<1x1x128xi32, #tpu.memory_space<hbm>>
      %dma_wait3A_213 = tpu.memref_squeeze %dma_wait3A_212 : memref<1x1x128xi32, #tpu.memory_space<hbm>> -> memref<128xi32, #tpu.memory_space<hbm>>
      tpu.wait_dma2 semaphore(%arg15 : memref<!tpu.dma_semaphore, #tpu.memory_space<semaphore_mem>>) src(%dma_wait3A_213 : memref<128xi32, #tpu.memory_space<hbm>>) dst(%arg8 : memref<128xi32, #tpu.memory_space<vmem>>)
      "tpu.region"() ({
        %run_scoped3A = tpu.sem_alloc : memref<!tpu.dma_semaphore, #tpu.memory_space<semaphore_mem>>
        %dma_start3A_214 = arith.constant 0 : i32
        %dma_start3A_215 = arith.constant 0 : i32
        %dma_start3A_216 = tpu.memref_slice %arg11[%dma_start3A_214, %dma_start3A_215] : memref<10240x128xf32, #tpu.memory_space<vmem_shared>> -> memref<10240x128xf32, #tpu.memory_space<vmem_shared>>
        tpu.enqueue_indirect_dma source(%arg10 : memref<128x128xf32, #tpu.memory_space<vmem>>) target(%dma_start3A_216 : memref<10240x128xf32, #tpu.memory_space<vmem_shared>>) offsets(%arg8 : memref<128xi32, #tpu.memory_space<vmem>>) semaphore(%run_scoped3A : memref<!tpu.dma_semaphore, #tpu.memory_space<semaphore_mem>>) {add = true}
        %dma_wait3A_217 = arith.constant 0 : i32
        %dma_wait3A_218 = arith.constant 0 : i32
        %dma_wait3A_219 = tpu.memref_slice %arg11[%dma_wait3A_217, %dma_wait3A_218] : memref<10240x128xf32, #tpu.memory_space<vmem_shared>> -> memref<10240x128xf32, #tpu.memory_space<vmem_shared>>
        tpu.wait_indirect_dma semaphore(%run_scoped3A : memref<!tpu.dma_semaphore, #tpu.memory_space<semaphore_mem>>) src(%arg10 : memref<128x128xf32, #tpu.memory_space<vmem>>) dst(%dma_wait3A_219 : memref<10240x128xf32, #tpu.memory_space<vmem_shared>>)
        tpu.yield
      }) : () -> ()
    }
    %scan3A_109 = arith.constant 39 : i32
    %dma_wait3A_110 = arith.constant 0 : i32
    %dma_wait3A_111 = arith.constant 0 : i32
    %dma_wait3A_112 = tpu.memref_slice %arg2[%dma_wait3A_110, %dma_wait3A_111] : memref<10240x128xf32, #tpu.memory_space<hbm>> -> memref<128x128xf32, #tpu.memory_space<hbm>>
    %dma_wait3A_113 = arith.constant 0 : i32
    %dma_wait3A_114 = arith.constant 0 : i32
    %dma_wait3A_115 = tpu.memref_slice %arg2[%dma_wait3A_113, %dma_wait3A_114] : memref<10240x128xf32, #tpu.memory_space<hbm>> -> memref<128x128xf32, #tpu.memory_space<hbm>>
    tpu.wait_dma2 semaphore(%arg12 : memref<!tpu.dma_semaphore, #tpu.memory_space<semaphore_mem>>) src(%dma_wait3A_115 : memref<128x128xf32, #tpu.memory_space<hbm>>) dst(%arg9 : memref<128x128xf32, #tpu.memory_space<vmem>>)
    %dma_wait3A_116 = arith.constant 0 : i32
    %dma_wait3A_117 = arith.constant 0 : i32
    %dma_wait3A_118 = arith.constant 0 : i32
    %dma_wait3A_119 = tpu.memref_slice %arg4[%dma_wait3A_116, %dma_wait3A_117, %dma_wait3A_118] : memref<32x79x128xi32, #tpu.memory_space<hbm>> -> memref<1x1x128xi32, #tpu.memory_space<hbm>>
    %dma_wait3A_120 = tpu.memref_squeeze %dma_wait3A_119 : memref<1x1x128xi32, #tpu.memory_space<hbm>> -> memref<128xi32, #tpu.memory_space<hbm>>
    %dma_wait3A_121 = arith.constant 0 : i32
    %dma_wait3A_122 = tpu.memref_slice %arg4[%dma_wait3A_116, %dma_wait3A_117, %dma_wait3A_121] : memref<32x79x128xi32, #tpu.memory_space<hbm>> -> memref<1x1x128xi32, #tpu.memory_space<hbm>>
    %dma_wait3A_123 = tpu.memref_squeeze %dma_wait3A_122 : memref<1x1x128xi32, #tpu.memory_space<hbm>> -> memref<128xi32, #tpu.memory_space<hbm>>
    tpu.wait_dma2 semaphore(%arg14 : memref<!tpu.dma_semaphore, #tpu.memory_space<semaphore_mem>>) src(%dma_wait3A_123 : memref<128xi32, #tpu.memory_space<hbm>>) dst(%arg7 : memref<128xi32, #tpu.memory_space<vmem>>)
    "tpu.region"() ({
      %run_scoped3A = tpu.sem_alloc : memref<!tpu.dma_semaphore, #tpu.memory_space<semaphore_mem>>
      %dma_start3A_145 = arith.constant 0 : i32
      %dma_start3A_146 = arith.constant 0 : i32
      %dma_start3A_147 = tpu.memref_slice %arg11[%dma_start3A_145, %dma_start3A_146] : memref<10240x128xf32, #tpu.memory_space<vmem_shared>> -> memref<10240x128xf32, #tpu.memory_space<vmem_shared>>
      tpu.enqueue_indirect_dma source(%arg9 : memref<128x128xf32, #tpu.memory_space<vmem>>) target(%dma_start3A_147 : memref<10240x128xf32, #tpu.memory_space<vmem_shared>>) offsets(%arg7 : memref<128xi32, #tpu.memory_space<vmem>>) semaphore(%run_scoped3A : memref<!tpu.dma_semaphore, #tpu.memory_space<semaphore_mem>>) {add = true}
      %dma_wait3A_148 = arith.constant 0 : i32
      %dma_wait3A_149 = arith.constant 0 : i32
      %dma_wait3A_150 = tpu.memref_slice %arg11[%dma_wait3A_148, %dma_wait3A_149] : memref<10240x128xf32, #tpu.memory_space<vmem_shared>> -> memref<10240x128xf32, #tpu.memory_space<vmem_shared>>
      tpu.wait_indirect_dma semaphore(%run_scoped3A : memref<!tpu.dma_semaphore, #tpu.memory_space<semaphore_mem>>) src(%arg9 : memref<128x128xf32, #tpu.memory_space<vmem>>) dst(%dma_wait3A_150 : memref<10240x128xf32, #tpu.memory_space<vmem_shared>>)
      tpu.yield
    }) : () -> ()
    %barrier3A_124 = arith.constant 0 : index
    tpu.barrier barrier_id(%barrier3A_124)
    %add3A_125 = arith.constant 0 : i32
    %add3A_126 = arith.addi %arg1, %add3A_125 : i32
    %mul3A_127 = arith.constant 128 : i32
    %mul3A_128 = arith.muli %add3A_126, %mul3A_127 : i32
    "tpu.region"() ({
      %run_scoped3A = tpu.sem_alloc : memref<!tpu.dma_semaphore, #tpu.memory_space<semaphore_mem>>
      %dma_start3A_145 = arith.constant 0 : i32
      %dma_start3A_146 = tpu.memref_slice %arg5[%arg0, %mul3A_128, %dma_start3A_145] : memref<2x10240x128xf32, #tpu.memory_space<hbm>> -> memref<1x128x128xf32, #tpu.memory_space<hbm>>
      %dma_start3A_147 = tpu.memref_squeeze %dma_start3A_146 : memref<1x128x128xf32, #tpu.memory_space<hbm>> -> memref<128x128xf32, #tpu.memory_space<hbm>>
      %dma_start3A_148 = arith.constant 0 : i32
      %dma_start3A_149 = tpu.memref_slice %arg11[%mul3A_128, %dma_start3A_148] : memref<10240x128xf32, #tpu.memory_space<vmem_shared>> -> memref<128x128xf32, #tpu.memory_space<vmem_shared>>
      tpu.enqueue_dma source(%dma_start3A_149 : memref<128x128xf32, #tpu.memory_space<vmem_shared>>) target(%dma_start3A_147 : memref<128x128xf32, #tpu.memory_space<hbm>>) target_semaphore(%run_scoped3A : memref<!tpu.dma_semaphore, #tpu.memory_space<semaphore_mem>>)
      %dma_wait3A_150 = arith.constant 0 : i32
      %dma_wait3A_151 = tpu.memref_slice %arg5[%arg0, %mul3A_128, %dma_wait3A_150] : memref<2x10240x128xf32, #tpu.memory_space<hbm>> -> memref<1x128x128xf32, #tpu.memory_space<hbm>>
      %dma_wait3A_152 = tpu.memref_squeeze %dma_wait3A_151 : memref<1x128x128xf32, #tpu.memory_space<hbm>> -> memref<128x128xf32, #tpu.memory_space<hbm>>
      %dma_wait3A_153 = arith.constant 0 : i32
      %dma_wait3A_154 = tpu.memref_slice %arg11[%mul3A_128, %dma_wait3A_153] : memref<10240x128xf32, #tpu.memory_space<vmem_shared>> -> memref<128x128xf32, #tpu.memory_space<vmem_shared>>
      tpu.wait_dma2 semaphore(%run_scoped3A : memref<!tpu.dma_semaphore, #tpu.memory_space<semaphore_mem>>) src(%dma_wait3A_154 : memref<128x128xf32, #tpu.memory_space<vmem_shared>>) dst(%dma_wait3A_152 : memref<128x128xf32, #tpu.memory_space<hbm>>)
      tpu.yield
    }) : () -> ()
    %add3A_129 = arith.constant 16 : i32
    %add3A_130 = arith.addi %arg1, %add3A_129 : i32
    %mul3A_131 = arith.constant 128 : i32
    %mul3A_132 = arith.muli %add3A_130, %mul3A_131 : i32
    "tpu.region"() ({
      %run_scoped3A = tpu.sem_alloc : memref<!tpu.dma_semaphore, #tpu.memory_space<semaphore_mem>>
      %dma_start3A_145 = arith.constant 0 : i32
      %dma_start3A_146 = tpu.memref_slice %arg5[%arg0, %mul3A_132, %dma_start3A_145] : memref<2x10240x128xf32, #tpu.memory_space<hbm>> -> memref<1x128x128xf32, #tpu.memory_space<hbm>>
      %dma_start3A_147 = tpu.memref_squeeze %dma_start3A_146 : memref<1x128x128xf32, #tpu.memory_space<hbm>> -> memref<128x128xf32, #tpu.memory_space<hbm>>
      %dma_start3A_148 = arith.constant 0 : i32
      %dma_start3A_149 = tpu.memref_slice %arg11[%mul3A_132, %dma_start3A_148] : memref<10240x128xf32, #tpu.memory_space<vmem_shared>> -> memref<128x128xf32, #tpu.memory_space<vmem_shared>>
      tpu.enqueue_dma source(%dma_start3A_149 : memref<128x128xf32, #tpu.memory_space<vmem_shared>>) target(%dma_start3A_147 : memref<128x128xf32, #tpu.memory_space<hbm>>) target_semaphore(%run_scoped3A : memref<!tpu.dma_semaphore, #tpu.memory_space<semaphore_mem>>)
      %dma_wait3A_150 = arith.constant 0 : i32
      %dma_wait3A_151 = tpu.memref_slice %arg5[%arg0, %mul3A_132, %dma_wait3A_150] : memref<2x10240x128xf32, #tpu.memory_space<hbm>> -> memref<1x128x128xf32, #tpu.memory_space<hbm>>
      %dma_wait3A_152 = tpu.memref_squeeze %dma_wait3A_151 : memref<1x128x128xf32, #tpu.memory_space<hbm>> -> memref<128x128xf32, #tpu.memory_space<hbm>>
      %dma_wait3A_153 = arith.constant 0 : i32
      %dma_wait3A_154 = tpu.memref_slice %arg11[%mul3A_132, %dma_wait3A_153] : memref<10240x128xf32, #tpu.memory_space<vmem_shared>> -> memref<128x128xf32, #tpu.memory_space<vmem_shared>>
      tpu.wait_dma2 semaphore(%run_scoped3A : memref<!tpu.dma_semaphore, #tpu.memory_space<semaphore_mem>>) src(%dma_wait3A_154 : memref<128x128xf32, #tpu.memory_space<vmem_shared>>) dst(%dma_wait3A_152 : memref<128x128xf32, #tpu.memory_space<hbm>>)
      tpu.yield
    }) : () -> ()
    %add3A_133 = arith.constant 32 : i32
    %add3A_134 = arith.addi %arg1, %add3A_133 : i32
    %mul3A_135 = arith.constant 128 : i32
    %mul3A_136 = arith.muli %add3A_134, %mul3A_135 : i32
    "tpu.region"() ({
      %run_scoped3A = tpu.sem_alloc : memref<!tpu.dma_semaphore, #tpu.memory_space<semaphore_mem>>
      %dma_start3A_145 = arith.constant 0 : i32
      %dma_start3A_146 = tpu.memref_slice %arg5[%arg0, %mul3A_136, %dma_start3A_145] : memref<2x10240x128xf32, #tpu.memory_space<hbm>> -> memref<1x128x128xf32, #tpu.memory_space<hbm>>
      %dma_start3A_147 = tpu.memref_squeeze %dma_start3A_146 : memref<1x128x128xf32, #tpu.memory_space<hbm>> -> memref<128x128xf32, #tpu.memory_space<hbm>>
      %dma_start3A_148 = arith.constant 0 : i32
      %dma_start3A_149 = tpu.memref_slice %arg11[%mul3A_136, %dma_start3A_148] : memref<10240x128xf32, #tpu.memory_space<vmem_shared>> -> memref<128x128xf32, #tpu.memory_space<vmem_shared>>
      tpu.enqueue_dma source(%dma_start3A_149 : memref<128x128xf32, #tpu.memory_space<vmem_shared>>) target(%dma_start3A_147 : memref<128x128xf32, #tpu.memory_space<hbm>>) target_semaphore(%run_scoped3A : memref<!tpu.dma_semaphore, #tpu.memory_space<semaphore_mem>>)
      %dma_wait3A_150 = arith.constant 0 : i32
      %dma_wait3A_151 = tpu.memref_slice %arg5[%arg0, %mul3A_136, %dma_wait3A_150] : memref<2x10240x128xf32, #tpu.memory_space<hbm>> -> memref<1x128x128xf32, #tpu.memory_space<hbm>>
      %dma_wait3A_152 = tpu.memref_squeeze %dma_wait3A_151 : memref<1x128x128xf32, #tpu.memory_space<hbm>> -> memref<128x128xf32, #tpu.memory_space<hbm>>
      %dma_wait3A_153 = arith.constant 0 : i32
      %dma_wait3A_154 = tpu.memref_slice %arg11[%mul3A_136, %dma_wait3A_153] : memref<10240x128xf32, #tpu.memory_space<vmem_shared>> -> memref<128x128xf32, #tpu.memory_space<vmem_shared>>
      tpu.wait_dma2 semaphore(%run_scoped3A : memref<!tpu.dma_semaphore, #tpu.memory_space<semaphore_mem>>) src(%dma_wait3A_154 : memref<128x128xf32, #tpu.memory_space<vmem_shared>>) dst(%dma_wait3A_152 : memref<128x128xf32, #tpu.memory_space<hbm>>)
      tpu.yield
    }) : () -> ()
    %add3A_137 = arith.constant 48 : i32
    %add3A_138 = arith.addi %arg1, %add3A_137 : i32
    %mul3A_139 = arith.constant 128 : i32
    %mul3A_140 = arith.muli %add3A_138, %mul3A_139 : i32
    "tpu.region"() ({
      %run_scoped3A = tpu.sem_alloc : memref<!tpu.dma_semaphore, #tpu.memory_space<semaphore_mem>>
      %dma_start3A_145 = arith.constant 0 : i32
      %dma_start3A_146 = tpu.memref_slice %arg5[%arg0, %mul3A_140, %dma_start3A_145] : memref<2x10240x128xf32, #tpu.memory_space<hbm>> -> memref<1x128x128xf32, #tpu.memory_space<hbm>>
      %dma_start3A_147 = tpu.memref_squeeze %dma_start3A_146 : memref<1x128x128xf32, #tpu.memory_space<hbm>> -> memref<128x128xf32, #tpu.memory_space<hbm>>
      %dma_start3A_148 = arith.constant 0 : i32
      %dma_start3A_149 = tpu.memref_slice %arg11[%mul3A_140, %dma_start3A_148] : memref<10240x128xf32, #tpu.memory_space<vmem_shared>> -> memref<128x128xf32, #tpu.memory_space<vmem_shared>>
      tpu.enqueue_dma source(%dma_start3A_149 : memref<128x128xf32, #tpu.memory_space<vmem_shared>>) target(%dma_start3A_147 : memref<128x128xf32, #tpu.memory_space<hbm>>) target_semaphore(%run_scoped3A : memref<!tpu.dma_semaphore, #tpu.memory_space<semaphore_mem>>)
      %dma_wait3A_150 = arith.constant 0 : i32
      %dma_wait3A_151 = tpu.memref_slice %arg5[%arg0, %mul3A_140, %dma_wait3A_150] : memref<2x10240x128xf32, #tpu.memory_space<hbm>> -> memref<1x128x128xf32, #tpu.memory_space<hbm>>
      %dma_wait3A_152 = tpu.memref_squeeze %dma_wait3A_151 : memref<1x128x128xf32, #tpu.memory_space<hbm>> -> memref<128x128xf32, #tpu.memory_space<hbm>>
      %dma_wait3A_153 = arith.constant 0 : i32
      %dma_wait3A_154 = tpu.memref_slice %arg11[%mul3A_140, %dma_wait3A_153] : memref<10240x128xf32, #tpu.memory_space<vmem_shared>> -> memref<128x128xf32, #tpu.memory_space<vmem_shared>>
      tpu.wait_dma2 semaphore(%run_scoped3A : memref<!tpu.dma_semaphore, #tpu.memory_space<semaphore_mem>>) src(%dma_wait3A_154 : memref<128x128xf32, #tpu.memory_space<vmem_shared>>) dst(%dma_wait3A_152 : memref<128x128xf32, #tpu.memory_space<hbm>>)
      tpu.yield
    }) : () -> ()
    %add3A_141 = arith.constant 64 : i32
    %add3A_142 = arith.addi %arg1, %add3A_141 : i32
    %mul3A_143 = arith.constant 128 : i32
    %mul3A_144 = arith.muli %add3A_142, %mul3A_143 : i32
    "tpu.region"() ({
      %run_scoped3A = tpu.sem_alloc : memref<!tpu.dma_semaphore, #tpu.memory_space<semaphore_mem>>
      %dma_start3A_145 = arith.constant 0 : i32
      %dma_start3A_146 = tpu.memref_slice %arg5[%arg0, %mul3A_144, %dma_start3A_145] : memref<2x10240x128xf32, #tpu.memory_space<hbm>> -> memref<1x128x128xf32, #tpu.memory_space<hbm>>
      %dma_start3A_147 = tpu.memref_squeeze %dma_start3A_146 : memref<1x128x128xf32, #tpu.memory_space<hbm>> -> memref<128x128xf32, #tpu.memory_space<hbm>>
      %dma_start3A_148 = arith.constant 0 : i32
      %dma_start3A_149 = tpu.memref_slice %arg11[%mul3A_144, %dma_start3A_148] : memref<10240x128xf32, #tpu.memory_space<vmem_shared>> -> memref<128x128xf32, #tpu.memory_space<vmem_shared>>
      tpu.enqueue_dma source(%dma_start3A_149 : memref<128x128xf32, #tpu.memory_space<vmem_shared>>) target(%dma_start3A_147 : memref<128x128xf32, #tpu.memory_space<hbm>>) target_semaphore(%run_scoped3A : memref<!tpu.dma_semaphore, #tpu.memory_space<semaphore_mem>>)
      %dma_wait3A_150 = arith.constant 0 : i32
      %dma_wait3A_151 = tpu.memref_slice %arg5[%arg0, %mul3A_144, %dma_wait3A_150] : memref<2x10240x128xf32, #tpu.memory_space<hbm>> -> memref<1x128x128xf32, #tpu.memory_space<hbm>>
      %dma_wait3A_152 = tpu.memref_squeeze %dma_wait3A_151 : memref<1x128x128xf32, #tpu.memory_space<hbm>> -> memref<128x128xf32, #tpu.memory_space<hbm>>
      %dma_wait3A_153 = arith.constant 0 : i32
      %dma_wait3A_154 = tpu.memref_slice %arg11[%mul3A_144, %dma_wait3A_153] : memref<10240x128xf32, #tpu.memory_space<vmem_shared>> -> memref<128x128xf32, #tpu.memory_space<vmem_shared>>
      tpu.wait_dma2 semaphore(%run_scoped3A : memref<!tpu.dma_semaphore, #tpu.memory_space<semaphore_mem>>) src(%dma_wait3A_154 : memref<128x128xf32, #tpu.memory_space<vmem_shared>>) dst(%dma_wait3A_152 : memref<128x128xf32, #tpu.memory_space<hbm>>)
      tpu.yield
    }) : () -> ()
    return
  }
}

#map = affine_map<(d0, d1) -> (0, 0, 0)>
module attributes {stable_mosaic.version = 14 : i64} {
  func.func @deg_kernel(%arg0: i32, %arg1: i32, %arg2: memref<32x79x128xi32, #tpu.memory_space<hbm>>, %arg3: memref<32x79x128xi32, #tpu.memory_space<hbm>>, %arg4: memref<2x2x10240xf32, #tpu.memory_space<hbm>>, %arg5: memref<79x128xi32, #tpu.memory_space<vmem>>, %arg6: memref<79x128xi32, #tpu.memory_space<vmem>>, %arg7: memref<128xf32, #tpu.memory_space<vmem>>, %arg8: memref<1024xf32, #tpu.memory_space<vmem>>, %arg9: memref<10240xf32, #tpu.memory_space<vmem_shared>>, %arg10: memref<10240xf32, #tpu.memory_space<vmem_shared>>, %arg11: memref<!tpu.dma_semaphore, #tpu.memory_space<semaphore_mem>>, %arg12: memref<!tpu.dma_semaphore, #tpu.memory_space<semaphore_mem>>) attributes {dimension_semantics = [#tpu.dimension_semantics<core_parallel>, #tpu.dimension_semantics<subcore_parallel>], iteration_bounds = array<i64: 2, 16>, scalar_prefetch = 0 : i64, scratch_operands = 8 : i64, tpu.core_type = #tpu.core_type<sc_vector_subcore>, window_params = [{transform_indices = #map}, {transform_indices = #map}, {transform_indices = #map}]} {
    %mul3A = arith.constant 2 : i32
    %mul3A_0 = arith.muli %arg1, %mul3A : i32
    %add3A = arith.addi %mul3A_0, %arg0 : i32
    "tpu.region"() ({
      %run_scoped3A = tpu.sem_alloc : memref<!tpu.dma_semaphore, #tpu.memory_space<semaphore_mem>>
      %dma_start3A = arith.constant 0 : i32
      %dma_start3A_66 = arith.constant 0 : i32
      %dma_start3A_67 = tpu.memref_slice %arg2[%add3A, %dma_start3A, %dma_start3A_66] : memref<32x79x128xi32, #tpu.memory_space<hbm>> -> memref<1x79x128xi32, #tpu.memory_space<hbm>>
      %dma_start3A_68 = tpu.memref_squeeze %dma_start3A_67 : memref<1x79x128xi32, #tpu.memory_space<hbm>> -> memref<79x128xi32, #tpu.memory_space<hbm>>
      %dma_start3A_69 = arith.constant 0 : i32
      %dma_start3A_70 = arith.constant 0 : i32
      %dma_start3A_71 = tpu.memref_slice %arg2[%add3A, %dma_start3A_69, %dma_start3A_70] : memref<32x79x128xi32, #tpu.memory_space<hbm>> -> memref<1x79x128xi32, #tpu.memory_space<hbm>>
      %dma_start3A_72 = tpu.memref_squeeze %dma_start3A_71 : memref<1x79x128xi32, #tpu.memory_space<hbm>> -> memref<79x128xi32, #tpu.memory_space<hbm>>
      tpu.enqueue_dma source(%dma_start3A_72 : memref<79x128xi32, #tpu.memory_space<hbm>>) target(%arg5 : memref<79x128xi32, #tpu.memory_space<vmem>>) target_semaphore(%run_scoped3A : memref<!tpu.dma_semaphore, #tpu.memory_space<semaphore_mem>>)
      %dma_wait3A = arith.constant 0 : i32
      %dma_wait3A_73 = arith.constant 0 : i32
      %dma_wait3A_74 = tpu.memref_slice %arg2[%add3A, %dma_wait3A, %dma_wait3A_73] : memref<32x79x128xi32, #tpu.memory_space<hbm>> -> memref<1x79x128xi32, #tpu.memory_space<hbm>>
      %dma_wait3A_75 = tpu.memref_squeeze %dma_wait3A_74 : memref<1x79x128xi32, #tpu.memory_space<hbm>> -> memref<79x128xi32, #tpu.memory_space<hbm>>
      %dma_wait3A_76 = arith.constant 0 : i32
      %dma_wait3A_77 = arith.constant 0 : i32
      %dma_wait3A_78 = tpu.memref_slice %arg2[%add3A, %dma_wait3A_76, %dma_wait3A_77] : memref<32x79x128xi32, #tpu.memory_space<hbm>> -> memref<1x79x128xi32, #tpu.memory_space<hbm>>
      %dma_wait3A_79 = tpu.memref_squeeze %dma_wait3A_78 : memref<1x79x128xi32, #tpu.memory_space<hbm>> -> memref<79x128xi32, #tpu.memory_space<hbm>>
      tpu.wait_dma2 semaphore(%run_scoped3A : memref<!tpu.dma_semaphore, #tpu.memory_space<semaphore_mem>>) src(%dma_wait3A_79 : memref<79x128xi32, #tpu.memory_space<hbm>>) dst(%arg5 : memref<79x128xi32, #tpu.memory_space<vmem>>)
      tpu.yield
    }) : () -> ()
    "tpu.region"() ({
      %run_scoped3A = tpu.sem_alloc : memref<!tpu.dma_semaphore, #tpu.memory_space<semaphore_mem>>
      %dma_start3A = arith.constant 0 : i32
      %dma_start3A_66 = arith.constant 0 : i32
      %dma_start3A_67 = tpu.memref_slice %arg3[%add3A, %dma_start3A, %dma_start3A_66] : memref<32x79x128xi32, #tpu.memory_space<hbm>> -> memref<1x79x128xi32, #tpu.memory_space<hbm>>
      %dma_start3A_68 = tpu.memref_squeeze %dma_start3A_67 : memref<1x79x128xi32, #tpu.memory_space<hbm>> -> memref<79x128xi32, #tpu.memory_space<hbm>>
      %dma_start3A_69 = arith.constant 0 : i32
      %dma_start3A_70 = arith.constant 0 : i32
      %dma_start3A_71 = tpu.memref_slice %arg3[%add3A, %dma_start3A_69, %dma_start3A_70] : memref<32x79x128xi32, #tpu.memory_space<hbm>> -> memref<1x79x128xi32, #tpu.memory_space<hbm>>
      %dma_start3A_72 = tpu.memref_squeeze %dma_start3A_71 : memref<1x79x128xi32, #tpu.memory_space<hbm>> -> memref<79x128xi32, #tpu.memory_space<hbm>>
      tpu.enqueue_dma source(%dma_start3A_72 : memref<79x128xi32, #tpu.memory_space<hbm>>) target(%arg6 : memref<79x128xi32, #tpu.memory_space<vmem>>) target_semaphore(%run_scoped3A : memref<!tpu.dma_semaphore, #tpu.memory_space<semaphore_mem>>)
      %dma_wait3A = arith.constant 0 : i32
      %dma_wait3A_73 = arith.constant 0 : i32
      %dma_wait3A_74 = tpu.memref_slice %arg3[%add3A, %dma_wait3A, %dma_wait3A_73] : memref<32x79x128xi32, #tpu.memory_space<hbm>> -> memref<1x79x128xi32, #tpu.memory_space<hbm>>
      %dma_wait3A_75 = tpu.memref_squeeze %dma_wait3A_74 : memref<1x79x128xi32, #tpu.memory_space<hbm>> -> memref<79x128xi32, #tpu.memory_space<hbm>>
      %dma_wait3A_76 = arith.constant 0 : i32
      %dma_wait3A_77 = arith.constant 0 : i32
      %dma_wait3A_78 = tpu.memref_slice %arg3[%add3A, %dma_wait3A_76, %dma_wait3A_77] : memref<32x79x128xi32, #tpu.memory_space<hbm>> -> memref<1x79x128xi32, #tpu.memory_space<hbm>>
      %dma_wait3A_79 = tpu.memref_squeeze %dma_wait3A_78 : memref<1x79x128xi32, #tpu.memory_space<hbm>> -> memref<79x128xi32, #tpu.memory_space<hbm>>
      tpu.wait_dma2 semaphore(%run_scoped3A : memref<!tpu.dma_semaphore, #tpu.memory_space<semaphore_mem>>) src(%dma_wait3A_79 : memref<79x128xi32, #tpu.memory_space<hbm>>) dst(%arg6 : memref<79x128xi32, #tpu.memory_space<vmem>>)
      tpu.yield
    }) : () -> ()
    %broadcast_in_dim3A = arith.constant 1.000000e+00 : f32
    %broadcast_in_dim3A_1 = vector.broadcast %broadcast_in_dim3A : f32 to vector<16xf32>
    %swap3A = arith.constant 0 : index
    %swap3A_2 = tpu.vector_load %arg7[%swap3A] {strides = array<i32>} : memref<128xf32, #tpu.memory_space<vmem>>, vector<16xf32>,
    %swap3A_3 = vector.shape_cast %swap3A_2 : vector<16xf32> to vector<16xf32>
    %swap3A_4 = vector.shape_cast %broadcast_in_dim3A_1 : vector<16xf32> to vector<16xf32>
    tpu.vector_store %arg7[%swap3A], %swap3A_4 {strides = array<i32>} : memref<128xf32, #tpu.memory_space<vmem>>, vector<16xf32>,
    %broadcast_in_dim3A_5 = arith.constant 1.000000e+00 : f32
    %broadcast_in_dim3A_6 = vector.broadcast %broadcast_in_dim3A_5 : f32 to vector<16xf32>
    %swap3A_7 = arith.constant 16 : index
    %swap3A_8 = tpu.vector_load %arg7[%swap3A_7] {strides = array<i32>} : memref<128xf32, #tpu.memory_space<vmem>>, vector<16xf32>,
    %swap3A_9 = vector.shape_cast %swap3A_8 : vector<16xf32> to vector<16xf32>
    %swap3A_10 = vector.shape_cast %broadcast_in_dim3A_6 : vector<16xf32> to vector<16xf32>
    tpu.vector_store %arg7[%swap3A_7], %swap3A_10 {strides = array<i32>} : memref<128xf32, #tpu.memory_space<vmem>>, vector<16xf32>,
    %broadcast_in_dim3A_11 = arith.constant 1.000000e+00 : f32
    %broadcast_in_dim3A_12 = vector.broadcast %broadcast_in_dim3A_11 : f32 to vector<16xf32>
    %swap3A_13 = arith.constant 32 : index
    %swap3A_14 = tpu.vector_load %arg7[%swap3A_13] {strides = array<i32>} : memref<128xf32, #tpu.memory_space<vmem>>, vector<16xf32>,
    %swap3A_15 = vector.shape_cast %swap3A_14 : vector<16xf32> to vector<16xf32>
    %swap3A_16 = vector.shape_cast %broadcast_in_dim3A_12 : vector<16xf32> to vector<16xf32>
    tpu.vector_store %arg7[%swap3A_13], %swap3A_16 {strides = array<i32>} : memref<128xf32, #tpu.memory_space<vmem>>, vector<16xf32>,
    %broadcast_in_dim3A_17 = arith.constant 1.000000e+00 : f32
    %broadcast_in_dim3A_18 = vector.broadcast %broadcast_in_dim3A_17 : f32 to vector<16xf32>
    %swap3A_19 = arith.constant 48 : index
    %swap3A_20 = tpu.vector_load %arg7[%swap3A_19] {strides = array<i32>} : memref<128xf32, #tpu.memory_space<vmem>>, vector<16xf32>,
    %swap3A_21 = vector.shape_cast %swap3A_20 : vector<16xf32> to vector<16xf32>
    %swap3A_22 = vector.shape_cast %broadcast_in_dim3A_18 : vector<16xf32> to vector<16xf32>
    tpu.vector_store %arg7[%swap3A_19], %swap3A_22 {strides = array<i32>} : memref<128xf32, #tpu.memory_space<vmem>>, vector<16xf32>,
    %broadcast_in_dim3A_23 = arith.constant 1.000000e+00 : f32
    %broadcast_in_dim3A_24 = vector.broadcast %broadcast_in_dim3A_23 : f32 to vector<16xf32>
    %swap3A_25 = arith.constant 64 : index
    %swap3A_26 = tpu.vector_load %arg7[%swap3A_25] {strides = array<i32>} : memref<128xf32, #tpu.memory_space<vmem>>, vector<16xf32>,
    %swap3A_27 = vector.shape_cast %swap3A_26 : vector<16xf32> to vector<16xf32>
    %swap3A_28 = vector.shape_cast %broadcast_in_dim3A_24 : vector<16xf32> to vector<16xf32>
    tpu.vector_store %arg7[%swap3A_25], %swap3A_28 {strides = array<i32>} : memref<128xf32, #tpu.memory_space<vmem>>, vector<16xf32>,
    %broadcast_in_dim3A_29 = arith.constant 1.000000e+00 : f32
    %broadcast_in_dim3A_30 = vector.broadcast %broadcast_in_dim3A_29 : f32 to vector<16xf32>
    %swap3A_31 = arith.constant 80 : index
    %swap3A_32 = tpu.vector_load %arg7[%swap3A_31] {strides = array<i32>} : memref<128xf32, #tpu.memory_space<vmem>>, vector<16xf32>,
    %swap3A_33 = vector.shape_cast %swap3A_32 : vector<16xf32> to vector<16xf32>
    %swap3A_34 = vector.shape_cast %broadcast_in_dim3A_30 : vector<16xf32> to vector<16xf32>
    tpu.vector_store %arg7[%swap3A_31], %swap3A_34 {strides = array<i32>} : memref<128xf32, #tpu.memory_space<vmem>>, vector<16xf32>,
    %broadcast_in_dim3A_35 = arith.constant 1.000000e+00 : f32
    %broadcast_in_dim3A_36 = vector.broadcast %broadcast_in_dim3A_35 : f32 to vector<16xf32>
    %swap3A_37 = arith.constant 96 : index
    %swap3A_38 = tpu.vector_load %arg7[%swap3A_37] {strides = array<i32>} : memref<128xf32, #tpu.memory_space<vmem>>, vector<16xf32>,
    %swap3A_39 = vector.shape_cast %swap3A_38 : vector<16xf32> to vector<16xf32>
    %swap3A_40 = vector.shape_cast %broadcast_in_dim3A_36 : vector<16xf32> to vector<16xf32>
    tpu.vector_store %arg7[%swap3A_37], %swap3A_40 {strides = array<i32>} : memref<128xf32, #tpu.memory_space<vmem>>, vector<16xf32>,
    %broadcast_in_dim3A_41 = arith.constant 1.000000e+00 : f32
    %broadcast_in_dim3A_42 = vector.broadcast %broadcast_in_dim3A_41 : f32 to vector<16xf32>
    %swap3A_43 = arith.constant 112 : index
    %swap3A_44 = tpu.vector_load %arg7[%swap3A_43] {strides = array<i32>} : memref<128xf32, #tpu.memory_space<vmem>>, vector<16xf32>,
    %swap3A_45 = vector.shape_cast %swap3A_44 : vector<16xf32> to vector<16xf32>
    %swap3A_46 = vector.shape_cast %broadcast_in_dim3A_42 : vector<16xf32> to vector<16xf32>
    tpu.vector_store %arg7[%swap3A_43], %swap3A_46 {strides = array<i32>} : memref<128xf32, #tpu.memory_space<vmem>>, vector<16xf32>,
    %eq3A = arith.constant 0 : i32
    %eq3A_47 = arith.cmpi eq, %arg1, %eq3A : i32
    %convert_element_type3A = arith.extui %eq3A_47 : i1 to i32
    %cond3A = arith.constant 0 : i32
    %cond3A_48 = arith.cmpi ne, %convert_element_type3A, %cond3A : i32
    scf.if %cond3A_48 {
      %broadcast_in_dim3A_66 = arith.constant 0.000000e+00 : f32
      %broadcast_in_dim3A_67 = vector.broadcast %broadcast_in_dim3A_66 : f32 to vector<16xf32>
      %swap3A_68 = arith.constant 0 : index
      %swap3A_69 = tpu.vector_load %arg8[%swap3A_68] {strides = array<i32>} : memref<1024xf32, #tpu.memory_space<vmem>>, vector<16xf32>,
      %swap3A_70 = vector.shape_cast %swap3A_69 : vector<16xf32> to vector<16xf32>
      %swap3A_71 = vector.shape_cast %broadcast_in_dim3A_67 : vector<16xf32> to vector<16xf32>
      tpu.vector_store %arg8[%swap3A_68], %swap3A_71 {strides = array<i32>} : memref<1024xf32, #tpu.memory_space<vmem>>, vector<16xf32>,
      %broadcast_in_dim3A_72 = arith.constant 0.000000e+00 : f32
      %broadcast_in_dim3A_73 = vector.broadcast %broadcast_in_dim3A_72 : f32 to vector<16xf32>
      %swap3A_74 = arith.constant 16 : index
      %swap3A_75 = tpu.vector_load %arg8[%swap3A_74] {strides = array<i32>} : memref<1024xf32, #tpu.memory_space<vmem>>, vector<16xf32>,
      %swap3A_76 = vector.shape_cast %swap3A_75 : vector<16xf32> to vector<16xf32>
      %swap3A_77 = vector.shape_cast %broadcast_in_dim3A_73 : vector<16xf32> to vector<16xf32>
      tpu.vector_store %arg8[%swap3A_74], %swap3A_77 {strides = array<i32>} : memref<1024xf32, #tpu.memory_space<vmem>>, vector<16xf32>,
      %broadcast_in_dim3A_78 = arith.constant 0.000000e+00 : f32
      %broadcast_in_dim3A_79 = vector.broadcast %broadcast_in_dim3A_78 : f32 to vector<16xf32>
      %swap3A_80 = arith.constant 32 : index
      %swap3A_81 = tpu.vector_load %arg8[%swap3A_80] {strides = array<i32>} : memref<1024xf32, #tpu.memory_space<vmem>>, vector<16xf32>,
      %swap3A_82 = vector.shape_cast %swap3A_81 : vector<16xf32> to vector<16xf32>
      %swap3A_83 = vector.shape_cast %broadcast_in_dim3A_79 : vector<16xf32> to vector<16xf32>
      tpu.vector_store %arg8[%swap3A_80], %swap3A_83 {strides = array<i32>} : memref<1024xf32, #tpu.memory_space<vmem>>, vector<16xf32>,
      %broadcast_in_dim3A_84 = arith.constant 0.000000e+00 : f32
      %broadcast_in_dim3A_85 = vector.broadcast %broadcast_in_dim3A_84 : f32 to vector<16xf32>
      %swap3A_86 = arith.constant 48 : index
      %swap3A_87 = tpu.vector_load %arg8[%swap3A_86] {strides = array<i32>} : memref<1024xf32, #tpu.memory_space<vmem>>, vector<16xf32>,
      %swap3A_88 = vector.shape_cast %swap3A_87 : vector<16xf32> to vector<16xf32>
      %swap3A_89 = vector.shape_cast %broadcast_in_dim3A_85 : vector<16xf32> to vector<16xf32>
      tpu.vector_store %arg8[%swap3A_86], %swap3A_89 {strides = array<i32>} : memref<1024xf32, #tpu.memory_space<vmem>>, vector<16xf32>,
      %broadcast_in_dim3A_90 = arith.constant 0.000000e+00 : f32
      %broadcast_in_dim3A_91 = vector.broadcast %broadcast_in_dim3A_90 : f32 to vector<16xf32>
      %swap3A_92 = arith.constant 64 : index
      %swap3A_93 = tpu.vector_load %arg8[%swap3A_92] {strides = array<i32>} : memref<1024xf32, #tpu.memory_space<vmem>>, vector<16xf32>,
      %swap3A_94 = vector.shape_cast %swap3A_93 : vector<16xf32> to vector<16xf32>
      %swap3A_95 = vector.shape_cast %broadcast_in_dim3A_91 : vector<16xf32> to vector<16xf32>
      tpu.vector_store %arg8[%swap3A_92], %swap3A_95 {strides = array<i32>} : memref<1024xf32, #tpu.memory_space<vmem>>, vector<16xf32>,
      %broadcast_in_dim3A_96 = arith.constant 0.000000e+00 : f32
      %broadcast_in_dim3A_97 = vector.broadcast %broadcast_in_dim3A_96 : f32 to vector<16xf32>
      %swap3A_98 = arith.constant 80 : index
      %swap3A_99 = tpu.vector_load %arg8[%swap3A_98] {strides = array<i32>} : memref<1024xf32, #tpu.memory_space<vmem>>, vector<16xf32>,
      %swap3A_100 = vector.shape_cast %swap3A_99 : vector<16xf32> to vector<16xf32>
      %swap3A_101 = vector.shape_cast %broadcast_in_dim3A_97 : vector<16xf32> to vector<16xf32>
      tpu.vector_store %arg8[%swap3A_98], %swap3A_101 {strides = array<i32>} : memref<1024xf32, #tpu.memory_space<vmem>>, vector<16xf32>,
      %broadcast_in_dim3A_102 = arith.constant 0.000000e+00 : f32
      %broadcast_in_dim3A_103 = vector.broadcast %broadcast_in_dim3A_102 : f32 to vector<16xf32>
      %swap3A_104 = arith.constant 96 : index
      %swap3A_105 = tpu.vector_load %arg8[%swap3A_104] {strides = array<i32>} : memref<1024xf32, #tpu.memory_space<vmem>>, vector<16xf32>,
      %swap3A_106 = vector.shape_cast %swap3A_105 : vector<16xf32> to vector<16xf32>
      %swap3A_107 = vector.shape_cast %broadcast_in_dim3A_103 : vector<16xf32> to vector<16xf32>
      tpu.vector_store %arg8[%swap3A_104], %swap3A_107 {strides = array<i32>} : memref<1024xf32, #tpu.memory_space<vmem>>, vector<16xf32>,
      %broadcast_in_dim3A_108 = arith.constant 0.000000e+00 : f32
      %broadcast_in_dim3A_109 = vector.broadcast %broadcast_in_dim3A_108 : f32 to vector<16xf32>
      %swap3A_110 = arith.constant 112 : index
      %swap3A_111 = tpu.vector_load %arg8[%swap3A_110] {strides = array<i32>} : memref<1024xf32, #tpu.memory_space<vmem>>, vector<16xf32>,
      %swap3A_112 = vector.shape_cast %swap3A_111 : vector<16xf32> to vector<16xf32>
      %swap3A_113 = vector.shape_cast %broadcast_in_dim3A_109 : vector<16xf32> to vector<16xf32>
      tpu.vector_store %arg8[%swap3A_110], %swap3A_113 {strides = array<i32>} : memref<1024xf32, #tpu.memory_space<vmem>>, vector<16xf32>,
      %broadcast_in_dim3A_114 = arith.constant 0.000000e+00 : f32
      %broadcast_in_dim3A_115 = vector.broadcast %broadcast_in_dim3A_114 : f32 to vector<16xf32>
      %swap3A_116 = arith.constant 128 : index
      %swap3A_117 = tpu.vector_load %arg8[%swap3A_116] {strides = array<i32>} : memref<1024xf32, #tpu.memory_space<vmem>>, vector<16xf32>,
      %swap3A_118 = vector.shape_cast %swap3A_117 : vector<16xf32> to vector<16xf32>
      %swap3A_119 = vector.shape_cast %broadcast_in_dim3A_115 : vector<16xf32> to vector<16xf32>
      tpu.vector_store %arg8[%swap3A_116], %swap3A_119 {strides = array<i32>} : memref<1024xf32, #tpu.memory_space<vmem>>, vector<16xf32>,
      %broadcast_in_dim3A_120 = arith.constant 0.000000e+00 : f32
      %broadcast_in_dim3A_121 = vector.broadcast %broadcast_in_dim3A_120 : f32 to vector<16xf32>
      %swap3A_122 = arith.constant 144 : index
      %swap3A_123 = tpu.vector_load %arg8[%swap3A_122] {strides = array<i32>} : memref<1024xf32, #tpu.memory_space<vmem>>, vector<16xf32>,
      %swap3A_124 = vector.shape_cast %swap3A_123 : vector<16xf32> to vector<16xf32>
      %swap3A_125 = vector.shape_cast %broadcast_in_dim3A_121 : vector<16xf32> to vector<16xf32>
      tpu.vector_store %arg8[%swap3A_122], %swap3A_125 {strides = array<i32>} : memref<1024xf32, #tpu.memory_space<vmem>>, vector<16xf32>,
      %broadcast_in_dim3A_126 = arith.constant 0.000000e+00 : f32
      %broadcast_in_dim3A_127 = vector.broadcast %broadcast_in_dim3A_126 : f32 to vector<16xf32>
      %swap3A_128 = arith.constant 160 : index
      %swap3A_129 = tpu.vector_load %arg8[%swap3A_128] {strides = array<i32>} : memref<1024xf32, #tpu.memory_space<vmem>>, vector<16xf32>,
      %swap3A_130 = vector.shape_cast %swap3A_129 : vector<16xf32> to vector<16xf32>
      %swap3A_131 = vector.shape_cast %broadcast_in_dim3A_127 : vector<16xf32> to vector<16xf32>
      tpu.vector_store %arg8[%swap3A_128], %swap3A_131 {strides = array<i32>} : memref<1024xf32, #tpu.memory_space<vmem>>, vector<16xf32>,
      %broadcast_in_dim3A_132 = arith.constant 0.000000e+00 : f32
      %broadcast_in_dim3A_133 = vector.broadcast %broadcast_in_dim3A_132 : f32 to vector<16xf32>
      %swap3A_134 = arith.constant 176 : index
      %swap3A_135 = tpu.vector_load %arg8[%swap3A_134] {strides = array<i32>} : memref<1024xf32, #tpu.memory_space<vmem>>, vector<16xf32>,
      %swap3A_136 = vector.shape_cast %swap3A_135 : vector<16xf32> to vector<16xf32>
      %swap3A_137 = vector.shape_cast %broadcast_in_dim3A_133 : vector<16xf32> to vector<16xf32>
      tpu.vector_store %arg8[%swap3A_134], %swap3A_137 {strides = array<i32>} : memref<1024xf32, #tpu.memory_space<vmem>>, vector<16xf32>,
      %broadcast_in_dim3A_138 = arith.constant 0.000000e+00 : f32
      %broadcast_in_dim3A_139 = vector.broadcast %broadcast_in_dim3A_138 : f32 to vector<16xf32>
      %swap3A_140 = arith.constant 192 : index
      %swap3A_141 = tpu.vector_load %arg8[%swap3A_140] {strides = array<i32>} : memref<1024xf32, #tpu.memory_space<vmem>>, vector<16xf32>,
      %swap3A_142 = vector.shape_cast %swap3A_141 : vector<16xf32> to vector<16xf32>
      %swap3A_143 = vector.shape_cast %broadcast_in_dim3A_139 : vector<16xf32> to vector<16xf32>
      tpu.vector_store %arg8[%swap3A_140], %swap3A_143 {strides = array<i32>} : memref<1024xf32, #tpu.memory_space<vmem>>, vector<16xf32>,
      %broadcast_in_dim3A_144 = arith.constant 0.000000e+00 : f32
      %broadcast_in_dim3A_145 = vector.broadcast %broadcast_in_dim3A_144 : f32 to vector<16xf32>
      %swap3A_146 = arith.constant 208 : index
      %swap3A_147 = tpu.vector_load %arg8[%swap3A_146] {strides = array<i32>} : memref<1024xf32, #tpu.memory_space<vmem>>, vector<16xf32>,
      %swap3A_148 = vector.shape_cast %swap3A_147 : vector<16xf32> to vector<16xf32>
      %swap3A_149 = vector.shape_cast %broadcast_in_dim3A_145 : vector<16xf32> to vector<16xf32>
      tpu.vector_store %arg8[%swap3A_146], %swap3A_149 {strides = array<i32>} : memref<1024xf32, #tpu.memory_space<vmem>>, vector<16xf32>,
      %broadcast_in_dim3A_150 = arith.constant 0.000000e+00 : f32
      %broadcast_in_dim3A_151 = vector.broadcast %broadcast_in_dim3A_150 : f32 to vector<16xf32>
      %swap3A_152 = arith.constant 224 : index
      %swap3A_153 = tpu.vector_load %arg8[%swap3A_152] {strides = array<i32>} : memref<1024xf32, #tpu.memory_space<vmem>>, vector<16xf32>,
      %swap3A_154 = vector.shape_cast %swap3A_153 : vector<16xf32> to vector<16xf32>
      %swap3A_155 = vector.shape_cast %broadcast_in_dim3A_151 : vector<16xf32> to vector<16xf32>
      tpu.vector_store %arg8[%swap3A_152], %swap3A_155 {strides = array<i32>} : memref<1024xf32, #tpu.memory_space<vmem>>, vector<16xf32>,
      %broadcast_in_dim3A_156 = arith.constant 0.000000e+00 : f32
      %broadcast_in_dim3A_157 = vector.broadcast %broadcast_in_dim3A_156 : f32 to vector<16xf32>
      %swap3A_158 = arith.constant 240 : index
      %swap3A_159 = tpu.vector_load %arg8[%swap3A_158] {strides = array<i32>} : memref<1024xf32, #tpu.memory_space<vmem>>, vector<16xf32>,
      %swap3A_160 = vector.shape_cast %swap3A_159 : vector<16xf32> to vector<16xf32>
      %swap3A_161 = vector.shape_cast %broadcast_in_dim3A_157 : vector<16xf32> to vector<16xf32>
      tpu.vector_store %arg8[%swap3A_158], %swap3A_161 {strides = array<i32>} : memref<1024xf32, #tpu.memory_space<vmem>>, vector<16xf32>,
      %broadcast_in_dim3A_162 = arith.constant 0.000000e+00 : f32
      %broadcast_in_dim3A_163 = vector.broadcast %broadcast_in_dim3A_162 : f32 to vector<16xf32>
      %swap3A_164 = arith.constant 256 : index
      %swap3A_165 = tpu.vector_load %arg8[%swap3A_164] {strides = array<i32>} : memref<1024xf32, #tpu.memory_space<vmem>>, vector<16xf32>,
      %swap3A_166 = vector.shape_cast %swap3A_165 : vector<16xf32> to vector<16xf32>
      %swap3A_167 = vector.shape_cast %broadcast_in_dim3A_163 : vector<16xf32> to vector<16xf32>
      tpu.vector_store %arg8[%swap3A_164], %swap3A_167 {strides = array<i32>} : memref<1024xf32, #tpu.memory_space<vmem>>, vector<16xf32>,
      %broadcast_in_dim3A_168 = arith.constant 0.000000e+00 : f32
      %broadcast_in_dim3A_169 = vector.broadcast %broadcast_in_dim3A_168 : f32 to vector<16xf32>
      %swap3A_170 = arith.constant 272 : index
      %swap3A_171 = tpu.vector_load %arg8[%swap3A_170] {strides = array<i32>} : memref<1024xf32, #tpu.memory_space<vmem>>, vector<16xf32>,
      %swap3A_172 = vector.shape_cast %swap3A_171 : vector<16xf32> to vector<16xf32>
      %swap3A_173 = vector.shape_cast %broadcast_in_dim3A_169 : vector<16xf32> to vector<16xf32>
      tpu.vector_store %arg8[%swap3A_170], %swap3A_173 {strides = array<i32>} : memref<1024xf32, #tpu.memory_space<vmem>>, vector<16xf32>,
      %broadcast_in_dim3A_174 = arith.constant 0.000000e+00 : f32
      %broadcast_in_dim3A_175 = vector.broadcast %broadcast_in_dim3A_174 : f32 to vector<16xf32>
      %swap3A_176 = arith.constant 288 : index
      %swap3A_177 = tpu.vector_load %arg8[%swap3A_176] {strides = array<i32>} : memref<1024xf32, #tpu.memory_space<vmem>>, vector<16xf32>,
      %swap3A_178 = vector.shape_cast %swap3A_177 : vector<16xf32> to vector<16xf32>
      %swap3A_179 = vector.shape_cast %broadcast_in_dim3A_175 : vector<16xf32> to vector<16xf32>
      tpu.vector_store %arg8[%swap3A_176], %swap3A_179 {strides = array<i32>} : memref<1024xf32, #tpu.memory_space<vmem>>, vector<16xf32>,
      %broadcast_in_dim3A_180 = arith.constant 0.000000e+00 : f32
      %broadcast_in_dim3A_181 = vector.broadcast %broadcast_in_dim3A_180 : f32 to vector<16xf32>
      %swap3A_182 = arith.constant 304 : index
      %swap3A_183 = tpu.vector_load %arg8[%swap3A_182] {strides = array<i32>} : memref<1024xf32, #tpu.memory_space<vmem>>, vector<16xf32>,
      %swap3A_184 = vector.shape_cast %swap3A_183 : vector<16xf32> to vector<16xf32>
      %swap3A_185 = vector.shape_cast %broadcast_in_dim3A_181 : vector<16xf32> to vector<16xf32>
      tpu.vector_store %arg8[%swap3A_182], %swap3A_185 {strides = array<i32>} : memref<1024xf32, #tpu.memory_space<vmem>>, vector<16xf32>,
      %broadcast_in_dim3A_186 = arith.constant 0.000000e+00 : f32
      %broadcast_in_dim3A_187 = vector.broadcast %broadcast_in_dim3A_186 : f32 to vector<16xf32>
      %swap3A_188 = arith.constant 320 : index
      %swap3A_189 = tpu.vector_load %arg8[%swap3A_188] {strides = array<i32>} : memref<1024xf32, #tpu.memory_space<vmem>>, vector<16xf32>,
      %swap3A_190 = vector.shape_cast %swap3A_189 : vector<16xf32> to vector<16xf32>
      %swap3A_191 = vector.shape_cast %broadcast_in_dim3A_187 : vector<16xf32> to vector<16xf32>
      tpu.vector_store %arg8[%swap3A_188], %swap3A_191 {strides = array<i32>} : memref<1024xf32, #tpu.memory_space<vmem>>, vector<16xf32>,
      %broadcast_in_dim3A_192 = arith.constant 0.000000e+00 : f32
      %broadcast_in_dim3A_193 = vector.broadcast %broadcast_in_dim3A_192 : f32 to vector<16xf32>
      %swap3A_194 = arith.constant 336 : index
      %swap3A_195 = tpu.vector_load %arg8[%swap3A_194] {strides = array<i32>} : memref<1024xf32, #tpu.memory_space<vmem>>, vector<16xf32>,
      %swap3A_196 = vector.shape_cast %swap3A_195 : vector<16xf32> to vector<16xf32>
      %swap3A_197 = vector.shape_cast %broadcast_in_dim3A_193 : vector<16xf32> to vector<16xf32>
      tpu.vector_store %arg8[%swap3A_194], %swap3A_197 {strides = array<i32>} : memref<1024xf32, #tpu.memory_space<vmem>>, vector<16xf32>,
      %broadcast_in_dim3A_198 = arith.constant 0.000000e+00 : f32
      %broadcast_in_dim3A_199 = vector.broadcast %broadcast_in_dim3A_198 : f32 to vector<16xf32>
      %swap3A_200 = arith.constant 352 : index
      %swap3A_201 = tpu.vector_load %arg8[%swap3A_200] {strides = array<i32>} : memref<1024xf32, #tpu.memory_space<vmem>>, vector<16xf32>,
      %swap3A_202 = vector.shape_cast %swap3A_201 : vector<16xf32> to vector<16xf32>
      %swap3A_203 = vector.shape_cast %broadcast_in_dim3A_199 : vector<16xf32> to vector<16xf32>
      tpu.vector_store %arg8[%swap3A_200], %swap3A_203 {strides = array<i32>} : memref<1024xf32, #tpu.memory_space<vmem>>, vector<16xf32>,
      %broadcast_in_dim3A_204 = arith.constant 0.000000e+00 : f32
      %broadcast_in_dim3A_205 = vector.broadcast %broadcast_in_dim3A_204 : f32 to vector<16xf32>
      %swap3A_206 = arith.constant 368 : index
      %swap3A_207 = tpu.vector_load %arg8[%swap3A_206] {strides = array<i32>} : memref<1024xf32, #tpu.memory_space<vmem>>, vector<16xf32>,
      %swap3A_208 = vector.shape_cast %swap3A_207 : vector<16xf32> to vector<16xf32>
      %swap3A_209 = vector.shape_cast %broadcast_in_dim3A_205 : vector<16xf32> to vector<16xf32>
      tpu.vector_store %arg8[%swap3A_206], %swap3A_209 {strides = array<i32>} : memref<1024xf32, #tpu.memory_space<vmem>>, vector<16xf32>,
      %broadcast_in_dim3A_210 = arith.constant 0.000000e+00 : f32
      %broadcast_in_dim3A_211 = vector.broadcast %broadcast_in_dim3A_210 : f32 to vector<16xf32>
      %swap3A_212 = arith.constant 384 : index
      %swap3A_213 = tpu.vector_load %arg8[%swap3A_212] {strides = array<i32>} : memref<1024xf32, #tpu.memory_space<vmem>>, vector<16xf32>,
      %swap3A_214 = vector.shape_cast %swap3A_213 : vector<16xf32> to vector<16xf32>
      %swap3A_215 = vector.shape_cast %broadcast_in_dim3A_211 : vector<16xf32> to vector<16xf32>
      tpu.vector_store %arg8[%swap3A_212], %swap3A_215 {strides = array<i32>} : memref<1024xf32, #tpu.memory_space<vmem>>, vector<16xf32>,
      %broadcast_in_dim3A_216 = arith.constant 0.000000e+00 : f32
      %broadcast_in_dim3A_217 = vector.broadcast %broadcast_in_dim3A_216 : f32 to vector<16xf32>
      %swap3A_218 = arith.constant 400 : index
      %swap3A_219 = tpu.vector_load %arg8[%swap3A_218] {strides = array<i32>} : memref<1024xf32, #tpu.memory_space<vmem>>, vector<16xf32>,
      %swap3A_220 = vector.shape_cast %swap3A_219 : vector<16xf32> to vector<16xf32>
      %swap3A_221 = vector.shape_cast %broadcast_in_dim3A_217 : vector<16xf32> to vector<16xf32>
      tpu.vector_store %arg8[%swap3A_218], %swap3A_221 {strides = array<i32>} : memref<1024xf32, #tpu.memory_space<vmem>>, vector<16xf32>,
      %broadcast_in_dim3A_222 = arith.constant 0.000000e+00 : f32
      %broadcast_in_dim3A_223 = vector.broadcast %broadcast_in_dim3A_222 : f32 to vector<16xf32>
      %swap3A_224 = arith.constant 416 : index
      %swap3A_225 = tpu.vector_load %arg8[%swap3A_224] {strides = array<i32>} : memref<1024xf32, #tpu.memory_space<vmem>>, vector<16xf32>,
      %swap3A_226 = vector.shape_cast %swap3A_225 : vector<16xf32> to vector<16xf32>
      %swap3A_227 = vector.shape_cast %broadcast_in_dim3A_223 : vector<16xf32> to vector<16xf32>
      tpu.vector_store %arg8[%swap3A_224], %swap3A_227 {strides = array<i32>} : memref<1024xf32, #tpu.memory_space<vmem>>, vector<16xf32>,
      %broadcast_in_dim3A_228 = arith.constant 0.000000e+00 : f32
      %broadcast_in_dim3A_229 = vector.broadcast %broadcast_in_dim3A_228 : f32 to vector<16xf32>
      %swap3A_230 = arith.constant 432 : index
      %swap3A_231 = tpu.vector_load %arg8[%swap3A_230] {strides = array<i32>} : memref<1024xf32, #tpu.memory_space<vmem>>, vector<16xf32>,
      %swap3A_232 = vector.shape_cast %swap3A_231 : vector<16xf32> to vector<16xf32>
      %swap3A_233 = vector.shape_cast %broadcast_in_dim3A_229 : vector<16xf32> to vector<16xf32>
      tpu.vector_store %arg8[%swap3A_230], %swap3A_233 {strides = array<i32>} : memref<1024xf32, #tpu.memory_space<vmem>>, vector<16xf32>,
      %broadcast_in_dim3A_234 = arith.constant 0.000000e+00 : f32
      %broadcast_in_dim3A_235 = vector.broadcast %broadcast_in_dim3A_234 : f32 to vector<16xf32>
      %swap3A_236 = arith.constant 448 : index
      %swap3A_237 = tpu.vector_load %arg8[%swap3A_236] {strides = array<i32>} : memref<1024xf32, #tpu.memory_space<vmem>>, vector<16xf32>,
      %swap3A_238 = vector.shape_cast %swap3A_237 : vector<16xf32> to vector<16xf32>
      %swap3A_239 = vector.shape_cast %broadcast_in_dim3A_235 : vector<16xf32> to vector<16xf32>
      tpu.vector_store %arg8[%swap3A_236], %swap3A_239 {strides = array<i32>} : memref<1024xf32, #tpu.memory_space<vmem>>, vector<16xf32>,
      %broadcast_in_dim3A_240 = arith.constant 0.000000e+00 : f32
      %broadcast_in_dim3A_241 = vector.broadcast %broadcast_in_dim3A_240 : f32 to vector<16xf32>
      %swap3A_242 = arith.constant 464 : index
      %swap3A_243 = tpu.vector_load %arg8[%swap3A_242] {strides = array<i32>} : memref<1024xf32, #tpu.memory_space<vmem>>, vector<16xf32>,
      %swap3A_244 = vector.shape_cast %swap3A_243 : vector<16xf32> to vector<16xf32>
      %swap3A_245 = vector.shape_cast %broadcast_in_dim3A_241 : vector<16xf32> to vector<16xf32>
      tpu.vector_store %arg8[%swap3A_242], %swap3A_245 {strides = array<i32>} : memref<1024xf32, #tpu.memory_space<vmem>>, vector<16xf32>,
      %broadcast_in_dim3A_246 = arith.constant 0.000000e+00 : f32
      %broadcast_in_dim3A_247 = vector.broadcast %broadcast_in_dim3A_246 : f32 to vector<16xf32>
      %swap3A_248 = arith.constant 480 : index
      %swap3A_249 = tpu.vector_load %arg8[%swap3A_248] {strides = array<i32>} : memref<1024xf32, #tpu.memory_space<vmem>>, vector<16xf32>,
      %swap3A_250 = vector.shape_cast %swap3A_249 : vector<16xf32> to vector<16xf32>
      %swap3A_251 = vector.shape_cast %broadcast_in_dim3A_247 : vector<16xf32> to vector<16xf32>
      tpu.vector_store %arg8[%swap3A_248], %swap3A_251 {strides = array<i32>} : memref<1024xf32, #tpu.memory_space<vmem>>, vector<16xf32>,
      %broadcast_in_dim3A_252 = arith.constant 0.000000e+00 : f32
      %broadcast_in_dim3A_253 = vector.broadcast %broadcast_in_dim3A_252 : f32 to vector<16xf32>
      %swap3A_254 = arith.constant 496 : index
      %swap3A_255 = tpu.vector_load %arg8[%swap3A_254] {strides = array<i32>} : memref<1024xf32, #tpu.memory_space<vmem>>, vector<16xf32>,
      %swap3A_256 = vector.shape_cast %swap3A_255 : vector<16xf32> to vector<16xf32>
      %swap3A_257 = vector.shape_cast %broadcast_in_dim3A_253 : vector<16xf32> to vector<16xf32>
      tpu.vector_store %arg8[%swap3A_254], %swap3A_257 {strides = array<i32>} : memref<1024xf32, #tpu.memory_space<vmem>>, vector<16xf32>,
      %broadcast_in_dim3A_258 = arith.constant 0.000000e+00 : f32
      %broadcast_in_dim3A_259 = vector.broadcast %broadcast_in_dim3A_258 : f32 to vector<16xf32>
      %swap3A_260 = arith.constant 512 : index
      %swap3A_261 = tpu.vector_load %arg8[%swap3A_260] {strides = array<i32>} : memref<1024xf32, #tpu.memory_space<vmem>>, vector<16xf32>,
      %swap3A_262 = vector.shape_cast %swap3A_261 : vector<16xf32> to vector<16xf32>
      %swap3A_263 = vector.shape_cast %broadcast_in_dim3A_259 : vector<16xf32> to vector<16xf32>
      tpu.vector_store %arg8[%swap3A_260], %swap3A_263 {strides = array<i32>} : memref<1024xf32, #tpu.memory_space<vmem>>, vector<16xf32>,
      %broadcast_in_dim3A_264 = arith.constant 0.000000e+00 : f32
      %broadcast_in_dim3A_265 = vector.broadcast %broadcast_in_dim3A_264 : f32 to vector<16xf32>
      %swap3A_266 = arith.constant 528 : index
      %swap3A_267 = tpu.vector_load %arg8[%swap3A_266] {strides = array<i32>} : memref<1024xf32, #tpu.memory_space<vmem>>, vector<16xf32>,
      %swap3A_268 = vector.shape_cast %swap3A_267 : vector<16xf32> to vector<16xf32>
      %swap3A_269 = vector.shape_cast %broadcast_in_dim3A_265 : vector<16xf32> to vector<16xf32>
      tpu.vector_store %arg8[%swap3A_266], %swap3A_269 {strides = array<i32>} : memref<1024xf32, #tpu.memory_space<vmem>>, vector<16xf32>,
      %broadcast_in_dim3A_270 = arith.constant 0.000000e+00 : f32
      %broadcast_in_dim3A_271 = vector.broadcast %broadcast_in_dim3A_270 : f32 to vector<16xf32>
      %swap3A_272 = arith.constant 544 : index
      %swap3A_273 = tpu.vector_load %arg8[%swap3A_272] {strides = array<i32>} : memref<1024xf32, #tpu.memory_space<vmem>>, vector<16xf32>,
      %swap3A_274 = vector.shape_cast %swap3A_273 : vector<16xf32> to vector<16xf32>
      %swap3A_275 = vector.shape_cast %broadcast_in_dim3A_271 : vector<16xf32> to vector<16xf32>
      tpu.vector_store %arg8[%swap3A_272], %swap3A_275 {strides = array<i32>} : memref<1024xf32, #tpu.memory_space<vmem>>, vector<16xf32>,
      %broadcast_in_dim3A_276 = arith.constant 0.000000e+00 : f32
      %broadcast_in_dim3A_277 = vector.broadcast %broadcast_in_dim3A_276 : f32 to vector<16xf32>
      %swap3A_278 = arith.constant 560 : index
      %swap3A_279 = tpu.vector_load %arg8[%swap3A_278] {strides = array<i32>} : memref<1024xf32, #tpu.memory_space<vmem>>, vector<16xf32>,
      %swap3A_280 = vector.shape_cast %swap3A_279 : vector<16xf32> to vector<16xf32>
      %swap3A_281 = vector.shape_cast %broadcast_in_dim3A_277 : vector<16xf32> to vector<16xf32>
      tpu.vector_store %arg8[%swap3A_278], %swap3A_281 {strides = array<i32>} : memref<1024xf32, #tpu.memory_space<vmem>>, vector<16xf32>,
      %broadcast_in_dim3A_282 = arith.constant 0.000000e+00 : f32
      %broadcast_in_dim3A_283 = vector.broadcast %broadcast_in_dim3A_282 : f32 to vector<16xf32>
      %swap3A_284 = arith.constant 576 : index
      %swap3A_285 = tpu.vector_load %arg8[%swap3A_284] {strides = array<i32>} : memref<1024xf32, #tpu.memory_space<vmem>>, vector<16xf32>,
      %swap3A_286 = vector.shape_cast %swap3A_285 : vector<16xf32> to vector<16xf32>
      %swap3A_287 = vector.shape_cast %broadcast_in_dim3A_283 : vector<16xf32> to vector<16xf32>
      tpu.vector_store %arg8[%swap3A_284], %swap3A_287 {strides = array<i32>} : memref<1024xf32, #tpu.memory_space<vmem>>, vector<16xf32>,
      %broadcast_in_dim3A_288 = arith.constant 0.000000e+00 : f32
      %broadcast_in_dim3A_289 = vector.broadcast %broadcast_in_dim3A_288 : f32 to vector<16xf32>
      %swap3A_290 = arith.constant 592 : index
      %swap3A_291 = tpu.vector_load %arg8[%swap3A_290] {strides = array<i32>} : memref<1024xf32, #tpu.memory_space<vmem>>, vector<16xf32>,
      %swap3A_292 = vector.shape_cast %swap3A_291 : vector<16xf32> to vector<16xf32>
      %swap3A_293 = vector.shape_cast %broadcast_in_dim3A_289 : vector<16xf32> to vector<16xf32>
      tpu.vector_store %arg8[%swap3A_290], %swap3A_293 {strides = array<i32>} : memref<1024xf32, #tpu.memory_space<vmem>>, vector<16xf32>,
      %broadcast_in_dim3A_294 = arith.constant 0.000000e+00 : f32
      %broadcast_in_dim3A_295 = vector.broadcast %broadcast_in_dim3A_294 : f32 to vector<16xf32>
      %swap3A_296 = arith.constant 608 : index
      %swap3A_297 = tpu.vector_load %arg8[%swap3A_296] {strides = array<i32>} : memref<1024xf32, #tpu.memory_space<vmem>>, vector<16xf32>,
      %swap3A_298 = vector.shape_cast %swap3A_297 : vector<16xf32> to vector<16xf32>
      %swap3A_299 = vector.shape_cast %broadcast_in_dim3A_295 : vector<16xf32> to vector<16xf32>
      tpu.vector_store %arg8[%swap3A_296], %swap3A_299 {strides = array<i32>} : memref<1024xf32, #tpu.memory_space<vmem>>, vector<16xf32>,
      %broadcast_in_dim3A_300 = arith.constant 0.000000e+00 : f32
      %broadcast_in_dim3A_301 = vector.broadcast %broadcast_in_dim3A_300 : f32 to vector<16xf32>
      %swap3A_302 = arith.constant 624 : index
      %swap3A_303 = tpu.vector_load %arg8[%swap3A_302] {strides = array<i32>} : memref<1024xf32, #tpu.memory_space<vmem>>, vector<16xf32>,
      %swap3A_304 = vector.shape_cast %swap3A_303 : vector<16xf32> to vector<16xf32>
      %swap3A_305 = vector.shape_cast %broadcast_in_dim3A_301 : vector<16xf32> to vector<16xf32>
      tpu.vector_store %arg8[%swap3A_302], %swap3A_305 {strides = array<i32>} : memref<1024xf32, #tpu.memory_space<vmem>>, vector<16xf32>,
      %broadcast_in_dim3A_306 = arith.constant 0.000000e+00 : f32
      %broadcast_in_dim3A_307 = vector.broadcast %broadcast_in_dim3A_306 : f32 to vector<16xf32>
      %swap3A_308 = arith.constant 640 : index
      %swap3A_309 = tpu.vector_load %arg8[%swap3A_308] {strides = array<i32>} : memref<1024xf32, #tpu.memory_space<vmem>>, vector<16xf32>,
      %swap3A_310 = vector.shape_cast %swap3A_309 : vector<16xf32> to vector<16xf32>
      %swap3A_311 = vector.shape_cast %broadcast_in_dim3A_307 : vector<16xf32> to vector<16xf32>
      tpu.vector_store %arg8[%swap3A_308], %swap3A_311 {strides = array<i32>} : memref<1024xf32, #tpu.memory_space<vmem>>, vector<16xf32>,
      %broadcast_in_dim3A_312 = arith.constant 0.000000e+00 : f32
      %broadcast_in_dim3A_313 = vector.broadcast %broadcast_in_dim3A_312 : f32 to vector<16xf32>
      %swap3A_314 = arith.constant 656 : index
      %swap3A_315 = tpu.vector_load %arg8[%swap3A_314] {strides = array<i32>} : memref<1024xf32, #tpu.memory_space<vmem>>, vector<16xf32>,
      %swap3A_316 = vector.shape_cast %swap3A_315 : vector<16xf32> to vector<16xf32>
      %swap3A_317 = vector.shape_cast %broadcast_in_dim3A_313 : vector<16xf32> to vector<16xf32>
      tpu.vector_store %arg8[%swap3A_314], %swap3A_317 {strides = array<i32>} : memref<1024xf32, #tpu.memory_space<vmem>>, vector<16xf32>,
      %broadcast_in_dim3A_318 = arith.constant 0.000000e+00 : f32
      %broadcast_in_dim3A_319 = vector.broadcast %broadcast_in_dim3A_318 : f32 to vector<16xf32>
      %swap3A_320 = arith.constant 672 : index
      %swap3A_321 = tpu.vector_load %arg8[%swap3A_320] {strides = array<i32>} : memref<1024xf32, #tpu.memory_space<vmem>>, vector<16xf32>,
      %swap3A_322 = vector.shape_cast %swap3A_321 : vector<16xf32> to vector<16xf32>
      %swap3A_323 = vector.shape_cast %broadcast_in_dim3A_319 : vector<16xf32> to vector<16xf32>
      tpu.vector_store %arg8[%swap3A_320], %swap3A_323 {strides = array<i32>} : memref<1024xf32, #tpu.memory_space<vmem>>, vector<16xf32>,
      %broadcast_in_dim3A_324 = arith.constant 0.000000e+00 : f32
      %broadcast_in_dim3A_325 = vector.broadcast %broadcast_in_dim3A_324 : f32 to vector<16xf32>
      %swap3A_326 = arith.constant 688 : index
      %swap3A_327 = tpu.vector_load %arg8[%swap3A_326] {strides = array<i32>} : memref<1024xf32, #tpu.memory_space<vmem>>, vector<16xf32>,
      %swap3A_328 = vector.shape_cast %swap3A_327 : vector<16xf32> to vector<16xf32>
      %swap3A_329 = vector.shape_cast %broadcast_in_dim3A_325 : vector<16xf32> to vector<16xf32>
      tpu.vector_store %arg8[%swap3A_326], %swap3A_329 {strides = array<i32>} : memref<1024xf32, #tpu.memory_space<vmem>>, vector<16xf32>,
      %broadcast_in_dim3A_330 = arith.constant 0.000000e+00 : f32
      %broadcast_in_dim3A_331 = vector.broadcast %broadcast_in_dim3A_330 : f32 to vector<16xf32>
      %swap3A_332 = arith.constant 704 : index
      %swap3A_333 = tpu.vector_load %arg8[%swap3A_332] {strides = array<i32>} : memref<1024xf32, #tpu.memory_space<vmem>>, vector<16xf32>,
      %swap3A_334 = vector.shape_cast %swap3A_333 : vector<16xf32> to vector<16xf32>
      %swap3A_335 = vector.shape_cast %broadcast_in_dim3A_331 : vector<16xf32> to vector<16xf32>
      tpu.vector_store %arg8[%swap3A_332], %swap3A_335 {strides = array<i32>} : memref<1024xf32, #tpu.memory_space<vmem>>, vector<16xf32>,
      %broadcast_in_dim3A_336 = arith.constant 0.000000e+00 : f32
      %broadcast_in_dim3A_337 = vector.broadcast %broadcast_in_dim3A_336 : f32 to vector<16xf32>
      %swap3A_338 = arith.constant 720 : index
      %swap3A_339 = tpu.vector_load %arg8[%swap3A_338] {strides = array<i32>} : memref<1024xf32, #tpu.memory_space<vmem>>, vector<16xf32>,
      %swap3A_340 = vector.shape_cast %swap3A_339 : vector<16xf32> to vector<16xf32>
      %swap3A_341 = vector.shape_cast %broadcast_in_dim3A_337 : vector<16xf32> to vector<16xf32>
      tpu.vector_store %arg8[%swap3A_338], %swap3A_341 {strides = array<i32>} : memref<1024xf32, #tpu.memory_space<vmem>>, vector<16xf32>,
      %broadcast_in_dim3A_342 = arith.constant 0.000000e+00 : f32
      %broadcast_in_dim3A_343 = vector.broadcast %broadcast_in_dim3A_342 : f32 to vector<16xf32>
      %swap3A_344 = arith.constant 736 : index
      %swap3A_345 = tpu.vector_load %arg8[%swap3A_344] {strides = array<i32>} : memref<1024xf32, #tpu.memory_space<vmem>>, vector<16xf32>,
      %swap3A_346 = vector.shape_cast %swap3A_345 : vector<16xf32> to vector<16xf32>
      %swap3A_347 = vector.shape_cast %broadcast_in_dim3A_343 : vector<16xf32> to vector<16xf32>
      tpu.vector_store %arg8[%swap3A_344], %swap3A_347 {strides = array<i32>} : memref<1024xf32, #tpu.memory_space<vmem>>, vector<16xf32>,
      %broadcast_in_dim3A_348 = arith.constant 0.000000e+00 : f32
      %broadcast_in_dim3A_349 = vector.broadcast %broadcast_in_dim3A_348 : f32 to vector<16xf32>
      %swap3A_350 = arith.constant 752 : index
      %swap3A_351 = tpu.vector_load %arg8[%swap3A_350] {strides = array<i32>} : memref<1024xf32, #tpu.memory_space<vmem>>, vector<16xf32>,
      %swap3A_352 = vector.shape_cast %swap3A_351 : vector<16xf32> to vector<16xf32>
      %swap3A_353 = vector.shape_cast %broadcast_in_dim3A_349 : vector<16xf32> to vector<16xf32>
      tpu.vector_store %arg8[%swap3A_350], %swap3A_353 {strides = array<i32>} : memref<1024xf32, #tpu.memory_space<vmem>>, vector<16xf32>,
      %broadcast_in_dim3A_354 = arith.constant 0.000000e+00 : f32
      %broadcast_in_dim3A_355 = vector.broadcast %broadcast_in_dim3A_354 : f32 to vector<16xf32>
      %swap3A_356 = arith.constant 768 : index
      %swap3A_357 = tpu.vector_load %arg8[%swap3A_356] {strides = array<i32>} : memref<1024xf32, #tpu.memory_space<vmem>>, vector<16xf32>,
      %swap3A_358 = vector.shape_cast %swap3A_357 : vector<16xf32> to vector<16xf32>
      %swap3A_359 = vector.shape_cast %broadcast_in_dim3A_355 : vector<16xf32> to vector<16xf32>
      tpu.vector_store %arg8[%swap3A_356], %swap3A_359 {strides = array<i32>} : memref<1024xf32, #tpu.memory_space<vmem>>, vector<16xf32>,
      %broadcast_in_dim3A_360 = arith.constant 0.000000e+00 : f32
      %broadcast_in_dim3A_361 = vector.broadcast %broadcast_in_dim3A_360 : f32 to vector<16xf32>
      %swap3A_362 = arith.constant 784 : index
      %swap3A_363 = tpu.vector_load %arg8[%swap3A_362] {strides = array<i32>} : memref<1024xf32, #tpu.memory_space<vmem>>, vector<16xf32>,
      %swap3A_364 = vector.shape_cast %swap3A_363 : vector<16xf32> to vector<16xf32>
      %swap3A_365 = vector.shape_cast %broadcast_in_dim3A_361 : vector<16xf32> to vector<16xf32>
      tpu.vector_store %arg8[%swap3A_362], %swap3A_365 {strides = array<i32>} : memref<1024xf32, #tpu.memory_space<vmem>>, vector<16xf32>,
      %broadcast_in_dim3A_366 = arith.constant 0.000000e+00 : f32
      %broadcast_in_dim3A_367 = vector.broadcast %broadcast_in_dim3A_366 : f32 to vector<16xf32>
      %swap3A_368 = arith.constant 800 : index
      %swap3A_369 = tpu.vector_load %arg8[%swap3A_368] {strides = array<i32>} : memref<1024xf32, #tpu.memory_space<vmem>>, vector<16xf32>,
      %swap3A_370 = vector.shape_cast %swap3A_369 : vector<16xf32> to vector<16xf32>
      %swap3A_371 = vector.shape_cast %broadcast_in_dim3A_367 : vector<16xf32> to vector<16xf32>
      tpu.vector_store %arg8[%swap3A_368], %swap3A_371 {strides = array<i32>} : memref<1024xf32, #tpu.memory_space<vmem>>, vector<16xf32>,
      %broadcast_in_dim3A_372 = arith.constant 0.000000e+00 : f32
      %broadcast_in_dim3A_373 = vector.broadcast %broadcast_in_dim3A_372 : f32 to vector<16xf32>
      %swap3A_374 = arith.constant 816 : index
      %swap3A_375 = tpu.vector_load %arg8[%swap3A_374] {strides = array<i32>} : memref<1024xf32, #tpu.memory_space<vmem>>, vector<16xf32>,
      %swap3A_376 = vector.shape_cast %swap3A_375 : vector<16xf32> to vector<16xf32>
      %swap3A_377 = vector.shape_cast %broadcast_in_dim3A_373 : vector<16xf32> to vector<16xf32>
      tpu.vector_store %arg8[%swap3A_374], %swap3A_377 {strides = array<i32>} : memref<1024xf32, #tpu.memory_space<vmem>>, vector<16xf32>,
      %broadcast_in_dim3A_378 = arith.constant 0.000000e+00 : f32
      %broadcast_in_dim3A_379 = vector.broadcast %broadcast_in_dim3A_378 : f32 to vector<16xf32>
      %swap3A_380 = arith.constant 832 : index
      %swap3A_381 = tpu.vector_load %arg8[%swap3A_380] {strides = array<i32>} : memref<1024xf32, #tpu.memory_space<vmem>>, vector<16xf32>,
      %swap3A_382 = vector.shape_cast %swap3A_381 : vector<16xf32> to vector<16xf32>
      %swap3A_383 = vector.shape_cast %broadcast_in_dim3A_379 : vector<16xf32> to vector<16xf32>
      tpu.vector_store %arg8[%swap3A_380], %swap3A_383 {strides = array<i32>} : memref<1024xf32, #tpu.memory_space<vmem>>, vector<16xf32>,
      %broadcast_in_dim3A_384 = arith.constant 0.000000e+00 : f32
      %broadcast_in_dim3A_385 = vector.broadcast %broadcast_in_dim3A_384 : f32 to vector<16xf32>
      %swap3A_386 = arith.constant 848 : index
      %swap3A_387 = tpu.vector_load %arg8[%swap3A_386] {strides = array<i32>} : memref<1024xf32, #tpu.memory_space<vmem>>, vector<16xf32>,
      %swap3A_388 = vector.shape_cast %swap3A_387 : vector<16xf32> to vector<16xf32>
      %swap3A_389 = vector.shape_cast %broadcast_in_dim3A_385 : vector<16xf32> to vector<16xf32>
      tpu.vector_store %arg8[%swap3A_386], %swap3A_389 {strides = array<i32>} : memref<1024xf32, #tpu.memory_space<vmem>>, vector<16xf32>,
      %broadcast_in_dim3A_390 = arith.constant 0.000000e+00 : f32
      %broadcast_in_dim3A_391 = vector.broadcast %broadcast_in_dim3A_390 : f32 to vector<16xf32>
      %swap3A_392 = arith.constant 864 : index
      %swap3A_393 = tpu.vector_load %arg8[%swap3A_392] {strides = array<i32>} : memref<1024xf32, #tpu.memory_space<vmem>>, vector<16xf32>,
      %swap3A_394 = vector.shape_cast %swap3A_393 : vector<16xf32> to vector<16xf32>
      %swap3A_395 = vector.shape_cast %broadcast_in_dim3A_391 : vector<16xf32> to vector<16xf32>
      tpu.vector_store %arg8[%swap3A_392], %swap3A_395 {strides = array<i32>} : memref<1024xf32, #tpu.memory_space<vmem>>, vector<16xf32>,
      %broadcast_in_dim3A_396 = arith.constant 0.000000e+00 : f32
      %broadcast_in_dim3A_397 = vector.broadcast %broadcast_in_dim3A_396 : f32 to vector<16xf32>
      %swap3A_398 = arith.constant 880 : index
      %swap3A_399 = tpu.vector_load %arg8[%swap3A_398] {strides = array<i32>} : memref<1024xf32, #tpu.memory_space<vmem>>, vector<16xf32>,
      %swap3A_400 = vector.shape_cast %swap3A_399 : vector<16xf32> to vector<16xf32>
      %swap3A_401 = vector.shape_cast %broadcast_in_dim3A_397 : vector<16xf32> to vector<16xf32>
      tpu.vector_store %arg8[%swap3A_398], %swap3A_401 {strides = array<i32>} : memref<1024xf32, #tpu.memory_space<vmem>>, vector<16xf32>,
      %broadcast_in_dim3A_402 = arith.constant 0.000000e+00 : f32
      %broadcast_in_dim3A_403 = vector.broadcast %broadcast_in_dim3A_402 : f32 to vector<16xf32>
      %swap3A_404 = arith.constant 896 : index
      %swap3A_405 = tpu.vector_load %arg8[%swap3A_404] {strides = array<i32>} : memref<1024xf32, #tpu.memory_space<vmem>>, vector<16xf32>,
      %swap3A_406 = vector.shape_cast %swap3A_405 : vector<16xf32> to vector<16xf32>
      %swap3A_407 = vector.shape_cast %broadcast_in_dim3A_403 : vector<16xf32> to vector<16xf32>
      tpu.vector_store %arg8[%swap3A_404], %swap3A_407 {strides = array<i32>} : memref<1024xf32, #tpu.memory_space<vmem>>, vector<16xf32>,
      %broadcast_in_dim3A_408 = arith.constant 0.000000e+00 : f32
      %broadcast_in_dim3A_409 = vector.broadcast %broadcast_in_dim3A_408 : f32 to vector<16xf32>
      %swap3A_410 = arith.constant 912 : index
      %swap3A_411 = tpu.vector_load %arg8[%swap3A_410] {strides = array<i32>} : memref<1024xf32, #tpu.memory_space<vmem>>, vector<16xf32>,
      %swap3A_412 = vector.shape_cast %swap3A_411 : vector<16xf32> to vector<16xf32>
      %swap3A_413 = vector.shape_cast %broadcast_in_dim3A_409 : vector<16xf32> to vector<16xf32>
      tpu.vector_store %arg8[%swap3A_410], %swap3A_413 {strides = array<i32>} : memref<1024xf32, #tpu.memory_space<vmem>>, vector<16xf32>,
      %broadcast_in_dim3A_414 = arith.constant 0.000000e+00 : f32
      %broadcast_in_dim3A_415 = vector.broadcast %broadcast_in_dim3A_414 : f32 to vector<16xf32>
      %swap3A_416 = arith.constant 928 : index
      %swap3A_417 = tpu.vector_load %arg8[%swap3A_416] {strides = array<i32>} : memref<1024xf32, #tpu.memory_space<vmem>>, vector<16xf32>,
      %swap3A_418 = vector.shape_cast %swap3A_417 : vector<16xf32> to vector<16xf32>
      %swap3A_419 = vector.shape_cast %broadcast_in_dim3A_415 : vector<16xf32> to vector<16xf32>
      tpu.vector_store %arg8[%swap3A_416], %swap3A_419 {strides = array<i32>} : memref<1024xf32, #tpu.memory_space<vmem>>, vector<16xf32>,
      %broadcast_in_dim3A_420 = arith.constant 0.000000e+00 : f32
      %broadcast_in_dim3A_421 = vector.broadcast %broadcast_in_dim3A_420 : f32 to vector<16xf32>
      %swap3A_422 = arith.constant 944 : index
      %swap3A_423 = tpu.vector_load %arg8[%swap3A_422] {strides = array<i32>} : memref<1024xf32, #tpu.memory_space<vmem>>, vector<16xf32>,
      %swap3A_424 = vector.shape_cast %swap3A_423 : vector<16xf32> to vector<16xf32>
      %swap3A_425 = vector.shape_cast %broadcast_in_dim3A_421 : vector<16xf32> to vector<16xf32>
      tpu.vector_store %arg8[%swap3A_422], %swap3A_425 {strides = array<i32>} : memref<1024xf32, #tpu.memory_space<vmem>>, vector<16xf32>,
      %broadcast_in_dim3A_426 = arith.constant 0.000000e+00 : f32
      %broadcast_in_dim3A_427 = vector.broadcast %broadcast_in_dim3A_426 : f32 to vector<16xf32>
      %swap3A_428 = arith.constant 960 : index
      %swap3A_429 = tpu.vector_load %arg8[%swap3A_428] {strides = array<i32>} : memref<1024xf32, #tpu.memory_space<vmem>>, vector<16xf32>,
      %swap3A_430 = vector.shape_cast %swap3A_429 : vector<16xf32> to vector<16xf32>
      %swap3A_431 = vector.shape_cast %broadcast_in_dim3A_427 : vector<16xf32> to vector<16xf32>
      tpu.vector_store %arg8[%swap3A_428], %swap3A_431 {strides = array<i32>} : memref<1024xf32, #tpu.memory_space<vmem>>, vector<16xf32>,
      %broadcast_in_dim3A_432 = arith.constant 0.000000e+00 : f32
      %broadcast_in_dim3A_433 = vector.broadcast %broadcast_in_dim3A_432 : f32 to vector<16xf32>
      %swap3A_434 = arith.constant 976 : index
      %swap3A_435 = tpu.vector_load %arg8[%swap3A_434] {strides = array<i32>} : memref<1024xf32, #tpu.memory_space<vmem>>, vector<16xf32>,
      %swap3A_436 = vector.shape_cast %swap3A_435 : vector<16xf32> to vector<16xf32>
      %swap3A_437 = vector.shape_cast %broadcast_in_dim3A_433 : vector<16xf32> to vector<16xf32>
      tpu.vector_store %arg8[%swap3A_434], %swap3A_437 {strides = array<i32>} : memref<1024xf32, #tpu.memory_space<vmem>>, vector<16xf32>,
      %broadcast_in_dim3A_438 = arith.constant 0.000000e+00 : f32
      %broadcast_in_dim3A_439 = vector.broadcast %broadcast_in_dim3A_438 : f32 to vector<16xf32>
      %swap3A_440 = arith.constant 992 : index
      %swap3A_441 = tpu.vector_load %arg8[%swap3A_440] {strides = array<i32>} : memref<1024xf32, #tpu.memory_space<vmem>>, vector<16xf32>,
      %swap3A_442 = vector.shape_cast %swap3A_441 : vector<16xf32> to vector<16xf32>
      %swap3A_443 = vector.shape_cast %broadcast_in_dim3A_439 : vector<16xf32> to vector<16xf32>
      tpu.vector_store %arg8[%swap3A_440], %swap3A_443 {strides = array<i32>} : memref<1024xf32, #tpu.memory_space<vmem>>, vector<16xf32>,
      %broadcast_in_dim3A_444 = arith.constant 0.000000e+00 : f32
      %broadcast_in_dim3A_445 = vector.broadcast %broadcast_in_dim3A_444 : f32 to vector<16xf32>
      %swap3A_446 = arith.constant 1008 : index
      %swap3A_447 = tpu.vector_load %arg8[%swap3A_446] {strides = array<i32>} : memref<1024xf32, #tpu.memory_space<vmem>>, vector<16xf32>,
      %swap3A_448 = vector.shape_cast %swap3A_447 : vector<16xf32> to vector<16xf32>
      %swap3A_449 = vector.shape_cast %broadcast_in_dim3A_445 : vector<16xf32> to vector<16xf32>
      tpu.vector_store %arg8[%swap3A_446], %swap3A_449 {strides = array<i32>} : memref<1024xf32, #tpu.memory_space<vmem>>, vector<16xf32>,
      "tpu.region"() ({
        %run_scoped3A = tpu.sem_alloc : memref<!tpu.dma_semaphore, #tpu.memory_space<semaphore_mem>>
        %dma_start3A = arith.constant 0 : i32
        %dma_start3A_450 = tpu.memref_slice %arg9[%dma_start3A] : memref<10240xf32, #tpu.memory_space<vmem_shared>> -> memref<1024xf32, #tpu.memory_space<vmem_shared>>
        %dma_start3A_451 = arith.constant 0 : i32
        %dma_start3A_452 = tpu.memref_slice %arg9[%dma_start3A_451] : memref<10240xf32, #tpu.memory_space<vmem_shared>> -> memref<1024xf32, #tpu.memory_space<vmem_shared>>
        tpu.enqueue_dma source(%arg8 : memref<1024xf32, #tpu.memory_space<vmem>>) target(%dma_start3A_452 : memref<1024xf32, #tpu.memory_space<vmem_shared>>) target_semaphore(%run_scoped3A : memref<!tpu.dma_semaphore, #tpu.memory_space<semaphore_mem>>)
        %dma_wait3A = arith.constant 0 : i32
        %dma_wait3A_453 = tpu.memref_slice %arg9[%dma_wait3A] : memref<10240xf32, #tpu.memory_space<vmem_shared>> -> memref<1024xf32, #tpu.memory_space<vmem_shared>>
        %dma_wait3A_454 = arith.constant 0 : i32
        %dma_wait3A_455 = tpu.memref_slice %arg9[%dma_wait3A_454] : memref<10240xf32, #tpu.memory_space<vmem_shared>> -> memref<1024xf32, #tpu.memory_space<vmem_shared>>
        tpu.wait_dma2 semaphore(%run_scoped3A : memref<!tpu.dma_semaphore, #tpu.memory_space<semaphore_mem>>) src(%arg8 : memref<1024xf32, #tpu.memory_space<vmem>>) dst(%dma_wait3A_455 : memref<1024xf32, #tpu.memory_space<vmem_shared>>)
        tpu.yield
      }) : () -> ()
      "tpu.region"() ({
        %run_scoped3A = tpu.sem_alloc : memref<!tpu.dma_semaphore, #tpu.memory_space<semaphore_mem>>
        %dma_start3A = arith.constant 0 : i32
        %dma_start3A_450 = tpu.memref_slice %arg10[%dma_start3A] : memref<10240xf32, #tpu.memory_space<vmem_shared>> -> memref<1024xf32, #tpu.memory_space<vmem_shared>>
        %dma_start3A_451 = arith.constant 0 : i32
        %dma_start3A_452 = tpu.memref_slice %arg10[%dma_start3A_451] : memref<10240xf32, #tpu.memory_space<vmem_shared>> -> memref<1024xf32, #tpu.memory_space<vmem_shared>>
        tpu.enqueue_dma source(%arg8 : memref<1024xf32, #tpu.memory_space<vmem>>) target(%dma_start3A_452 : memref<1024xf32, #tpu.memory_space<vmem_shared>>) target_semaphore(%run_scoped3A : memref<!tpu.dma_semaphore, #tpu.memory_space<semaphore_mem>>)
        %dma_wait3A = arith.constant 0 : i32
        %dma_wait3A_453 = tpu.memref_slice %arg10[%dma_wait3A] : memref<10240xf32, #tpu.memory_space<vmem_shared>> -> memref<1024xf32, #tpu.memory_space<vmem_shared>>
        %dma_wait3A_454 = arith.constant 0 : i32
        %dma_wait3A_455 = tpu.memref_slice %arg10[%dma_wait3A_454] : memref<10240xf32, #tpu.memory_space<vmem_shared>> -> memref<1024xf32, #tpu.memory_space<vmem_shared>>
        tpu.wait_dma2 semaphore(%run_scoped3A : memref<!tpu.dma_semaphore, #tpu.memory_space<semaphore_mem>>) src(%arg8 : memref<1024xf32, #tpu.memory_space<vmem>>) dst(%dma_wait3A_455 : memref<1024xf32, #tpu.memory_space<vmem_shared>>)
        tpu.yield
      }) : () -> ()
      "tpu.region"() ({
        %run_scoped3A = tpu.sem_alloc : memref<!tpu.dma_semaphore, #tpu.memory_space<semaphore_mem>>
        %dma_start3A = arith.constant 1024 : i32
        %dma_start3A_450 = tpu.memref_slice %arg9[%dma_start3A] : memref<10240xf32, #tpu.memory_space<vmem_shared>> -> memref<1024xf32, #tpu.memory_space<vmem_shared>>
        %dma_start3A_451 = arith.constant 1024 : i32
        %dma_start3A_452 = tpu.memref_slice %arg9[%dma_start3A_451] : memref<10240xf32, #tpu.memory_space<vmem_shared>> -> memref<1024xf32, #tpu.memory_space<vmem_shared>>
        tpu.enqueue_dma source(%arg8 : memref<1024xf32, #tpu.memory_space<vmem>>) target(%dma_start3A_452 : memref<1024xf32, #tpu.memory_space<vmem_shared>>) target_semaphore(%run_scoped3A : memref<!tpu.dma_semaphore, #tpu.memory_space<semaphore_mem>>)
        %dma_wait3A = arith.constant 1024 : i32
        %dma_wait3A_453 = tpu.memref_slice %arg9[%dma_wait3A] : memref<10240xf32, #tpu.memory_space<vmem_shared>> -> memref<1024xf32, #tpu.memory_space<vmem_shared>>
        %dma_wait3A_454 = arith.constant 1024 : i32
        %dma_wait3A_455 = tpu.memref_slice %arg9[%dma_wait3A_454] : memref<10240xf32, #tpu.memory_space<vmem_shared>> -> memref<1024xf32, #tpu.memory_space<vmem_shared>>
        tpu.wait_dma2 semaphore(%run_scoped3A : memref<!tpu.dma_semaphore, #tpu.memory_space<semaphore_mem>>) src(%arg8 : memref<1024xf32, #tpu.memory_space<vmem>>) dst(%dma_wait3A_455 : memref<1024xf32, #tpu.memory_space<vmem_shared>>)
        tpu.yield
      }) : () -> ()
      "tpu.region"() ({
        %run_scoped3A = tpu.sem_alloc : memref<!tpu.dma_semaphore, #tpu.memory_space<semaphore_mem>>
        %dma_start3A = arith.constant 1024 : i32
        %dma_start3A_450 = tpu.memref_slice %arg10[%dma_start3A] : memref<10240xf32, #tpu.memory_space<vmem_shared>> -> memref<1024xf32, #tpu.memory_space<vmem_shared>>
        %dma_start3A_451 = arith.constant 1024 : i32
        %dma_start3A_452 = tpu.memref_slice %arg10[%dma_start3A_451] : memref<10240xf32, #tpu.memory_space<vmem_shared>> -> memref<1024xf32, #tpu.memory_space<vmem_shared>>
        tpu.enqueue_dma source(%arg8 : memref<1024xf32, #tpu.memory_space<vmem>>) target(%dma_start3A_452 : memref<1024xf32, #tpu.memory_space<vmem_shared>>) target_semaphore(%run_scoped3A : memref<!tpu.dma_semaphore, #tpu.memory_space<semaphore_mem>>)
        %dma_wait3A = arith.constant 1024 : i32
        %dma_wait3A_453 = tpu.memref_slice %arg10[%dma_wait3A] : memref<10240xf32, #tpu.memory_space<vmem_shared>> -> memref<1024xf32, #tpu.memory_space<vmem_shared>>
        %dma_wait3A_454 = arith.constant 1024 : i32
        %dma_wait3A_455 = tpu.memref_slice %arg10[%dma_wait3A_454] : memref<10240xf32, #tpu.memory_space<vmem_shared>> -> memref<1024xf32, #tpu.memory_space<vmem_shared>>
        tpu.wait_dma2 semaphore(%run_scoped3A : memref<!tpu.dma_semaphore, #tpu.memory_space<semaphore_mem>>) src(%arg8 : memref<1024xf32, #tpu.memory_space<vmem>>) dst(%dma_wait3A_455 : memref<1024xf32, #tpu.memory_space<vmem_shared>>)
        tpu.yield
      }) : () -> ()
      "tpu.region"() ({
        %run_scoped3A = tpu.sem_alloc : memref<!tpu.dma_semaphore, #tpu.memory_space<semaphore_mem>>
        %dma_start3A = arith.constant 2048 : i32
        %dma_start3A_450 = tpu.memref_slice %arg9[%dma_start3A] : memref<10240xf32, #tpu.memory_space<vmem_shared>> -> memref<1024xf32, #tpu.memory_space<vmem_shared>>
        %dma_start3A_451 = arith.constant 2048 : i32
        %dma_start3A_452 = tpu.memref_slice %arg9[%dma_start3A_451] : memref<10240xf32, #tpu.memory_space<vmem_shared>> -> memref<1024xf32, #tpu.memory_space<vmem_shared>>
        tpu.enqueue_dma source(%arg8 : memref<1024xf32, #tpu.memory_space<vmem>>) target(%dma_start3A_452 : memref<1024xf32, #tpu.memory_space<vmem_shared>>) target_semaphore(%run_scoped3A : memref<!tpu.dma_semaphore, #tpu.memory_space<semaphore_mem>>)
        %dma_wait3A = arith.constant 2048 : i32
        %dma_wait3A_453 = tpu.memref_slice %arg9[%dma_wait3A] : memref<10240xf32, #tpu.memory_space<vmem_shared>> -> memref<1024xf32, #tpu.memory_space<vmem_shared>>
        %dma_wait3A_454 = arith.constant 2048 : i32
        %dma_wait3A_455 = tpu.memref_slice %arg9[%dma_wait3A_454] : memref<10240xf32, #tpu.memory_space<vmem_shared>> -> memref<1024xf32, #tpu.memory_space<vmem_shared>>
        tpu.wait_dma2 semaphore(%run_scoped3A : memref<!tpu.dma_semaphore, #tpu.memory_space<semaphore_mem>>) src(%arg8 : memref<1024xf32, #tpu.memory_space<vmem>>) dst(%dma_wait3A_455 : memref<1024xf32, #tpu.memory_space<vmem_shared>>)
        tpu.yield
      }) : () -> ()
      "tpu.region"() ({
        %run_scoped3A = tpu.sem_alloc : memref<!tpu.dma_semaphore, #tpu.memory_space<semaphore_mem>>
        %dma_start3A = arith.constant 2048 : i32
        %dma_start3A_450 = tpu.memref_slice %arg10[%dma_start3A] : memref<10240xf32, #tpu.memory_space<vmem_shared>> -> memref<1024xf32, #tpu.memory_space<vmem_shared>>
        %dma_start3A_451 = arith.constant 2048 : i32
        %dma_start3A_452 = tpu.memref_slice %arg10[%dma_start3A_451] : memref<10240xf32, #tpu.memory_space<vmem_shared>> -> memref<1024xf32, #tpu.memory_space<vmem_shared>>
        tpu.enqueue_dma source(%arg8 : memref<1024xf32, #tpu.memory_space<vmem>>) target(%dma_start3A_452 : memref<1024xf32, #tpu.memory_space<vmem_shared>>) target_semaphore(%run_scoped3A : memref<!tpu.dma_semaphore, #tpu.memory_space<semaphore_mem>>)
        %dma_wait3A = arith.constant 2048 : i32
        %dma_wait3A_453 = tpu.memref_slice %arg10[%dma_wait3A] : memref<10240xf32, #tpu.memory_space<vmem_shared>> -> memref<1024xf32, #tpu.memory_space<vmem_shared>>
        %dma_wait3A_454 = arith.constant 2048 : i32
        %dma_wait3A_455 = tpu.memref_slice %arg10[%dma_wait3A_454] : memref<10240xf32, #tpu.memory_space<vmem_shared>> -> memref<1024xf32, #tpu.memory_space<vmem_shared>>
        tpu.wait_dma2 semaphore(%run_scoped3A : memref<!tpu.dma_semaphore, #tpu.memory_space<semaphore_mem>>) src(%arg8 : memref<1024xf32, #tpu.memory_space<vmem>>) dst(%dma_wait3A_455 : memref<1024xf32, #tpu.memory_space<vmem_shared>>)
        tpu.yield
      }) : () -> ()
      "tpu.region"() ({
        %run_scoped3A = tpu.sem_alloc : memref<!tpu.dma_semaphore, #tpu.memory_space<semaphore_mem>>
        %dma_start3A = arith.constant 3072 : i32
        %dma_start3A_450 = tpu.memref_slice %arg9[%dma_start3A] : memref<10240xf32, #tpu.memory_space<vmem_shared>> -> memref<1024xf32, #tpu.memory_space<vmem_shared>>
        %dma_start3A_451 = arith.constant 3072 : i32
        %dma_start3A_452 = tpu.memref_slice %arg9[%dma_start3A_451] : memref<10240xf32, #tpu.memory_space<vmem_shared>> -> memref<1024xf32, #tpu.memory_space<vmem_shared>>
        tpu.enqueue_dma source(%arg8 : memref<1024xf32, #tpu.memory_space<vmem>>) target(%dma_start3A_452 : memref<1024xf32, #tpu.memory_space<vmem_shared>>) target_semaphore(%run_scoped3A : memref<!tpu.dma_semaphore, #tpu.memory_space<semaphore_mem>>)
        %dma_wait3A = arith.constant 3072 : i32
        %dma_wait3A_453 = tpu.memref_slice %arg9[%dma_wait3A] : memref<10240xf32, #tpu.memory_space<vmem_shared>> -> memref<1024xf32, #tpu.memory_space<vmem_shared>>
        %dma_wait3A_454 = arith.constant 3072 : i32
        %dma_wait3A_455 = tpu.memref_slice %arg9[%dma_wait3A_454] : memref<10240xf32, #tpu.memory_space<vmem_shared>> -> memref<1024xf32, #tpu.memory_space<vmem_shared>>
        tpu.wait_dma2 semaphore(%run_scoped3A : memref<!tpu.dma_semaphore, #tpu.memory_space<semaphore_mem>>) src(%arg8 : memref<1024xf32, #tpu.memory_space<vmem>>) dst(%dma_wait3A_455 : memref<1024xf32, #tpu.memory_space<vmem_shared>>)
        tpu.yield
      }) : () -> ()
      "tpu.region"() ({
        %run_scoped3A = tpu.sem_alloc : memref<!tpu.dma_semaphore, #tpu.memory_space<semaphore_mem>>
        %dma_start3A = arith.constant 3072 : i32
        %dma_start3A_450 = tpu.memref_slice %arg10[%dma_start3A] : memref<10240xf32, #tpu.memory_space<vmem_shared>> -> memref<1024xf32, #tpu.memory_space<vmem_shared>>
        %dma_start3A_451 = arith.constant 3072 : i32
        %dma_start3A_452 = tpu.memref_slice %arg10[%dma_start3A_451] : memref<10240xf32, #tpu.memory_space<vmem_shared>> -> memref<1024xf32, #tpu.memory_space<vmem_shared>>
        tpu.enqueue_dma source(%arg8 : memref<1024xf32, #tpu.memory_space<vmem>>) target(%dma_start3A_452 : memref<1024xf32, #tpu.memory_space<vmem_shared>>) target_semaphore(%run_scoped3A : memref<!tpu.dma_semaphore, #tpu.memory_space<semaphore_mem>>)
        %dma_wait3A = arith.constant 3072 : i32
        %dma_wait3A_453 = tpu.memref_slice %arg10[%dma_wait3A] : memref<10240xf32, #tpu.memory_space<vmem_shared>> -> memref<1024xf32, #tpu.memory_space<vmem_shared>>
        %dma_wait3A_454 = arith.constant 3072 : i32
        %dma_wait3A_455 = tpu.memref_slice %arg10[%dma_wait3A_454] : memref<10240xf32, #tpu.memory_space<vmem_shared>> -> memref<1024xf32, #tpu.memory_space<vmem_shared>>
        tpu.wait_dma2 semaphore(%run_scoped3A : memref<!tpu.dma_semaphore, #tpu.memory_space<semaphore_mem>>) src(%arg8 : memref<1024xf32, #tpu.memory_space<vmem>>) dst(%dma_wait3A_455 : memref<1024xf32, #tpu.memory_space<vmem_shared>>)
        tpu.yield
      }) : () -> ()
      "tpu.region"() ({
        %run_scoped3A = tpu.sem_alloc : memref<!tpu.dma_semaphore, #tpu.memory_space<semaphore_mem>>
        %dma_start3A = arith.constant 4096 : i32
        %dma_start3A_450 = tpu.memref_slice %arg9[%dma_start3A] : memref<10240xf32, #tpu.memory_space<vmem_shared>> -> memref<1024xf32, #tpu.memory_space<vmem_shared>>
        %dma_start3A_451 = arith.constant 4096 : i32
        %dma_start3A_452 = tpu.memref_slice %arg9[%dma_start3A_451] : memref<10240xf32, #tpu.memory_space<vmem_shared>> -> memref<1024xf32, #tpu.memory_space<vmem_shared>>
        tpu.enqueue_dma source(%arg8 : memref<1024xf32, #tpu.memory_space<vmem>>) target(%dma_start3A_452 : memref<1024xf32, #tpu.memory_space<vmem_shared>>) target_semaphore(%run_scoped3A : memref<!tpu.dma_semaphore, #tpu.memory_space<semaphore_mem>>)
        %dma_wait3A = arith.constant 4096 : i32
        %dma_wait3A_453 = tpu.memref_slice %arg9[%dma_wait3A] : memref<10240xf32, #tpu.memory_space<vmem_shared>> -> memref<1024xf32, #tpu.memory_space<vmem_shared>>
        %dma_wait3A_454 = arith.constant 4096 : i32
        %dma_wait3A_455 = tpu.memref_slice %arg9[%dma_wait3A_454] : memref<10240xf32, #tpu.memory_space<vmem_shared>> -> memref<1024xf32, #tpu.memory_space<vmem_shared>>
        tpu.wait_dma2 semaphore(%run_scoped3A : memref<!tpu.dma_semaphore, #tpu.memory_space<semaphore_mem>>) src(%arg8 : memref<1024xf32, #tpu.memory_space<vmem>>) dst(%dma_wait3A_455 : memref<1024xf32, #tpu.memory_space<vmem_shared>>)
        tpu.yield
      }) : () -> ()
      "tpu.region"() ({
        %run_scoped3A = tpu.sem_alloc : memref<!tpu.dma_semaphore, #tpu.memory_space<semaphore_mem>>
        %dma_start3A = arith.constant 4096 : i32
        %dma_start3A_450 = tpu.memref_slice %arg10[%dma_start3A] : memref<10240xf32, #tpu.memory_space<vmem_shared>> -> memref<1024xf32, #tpu.memory_space<vmem_shared>>
        %dma_start3A_451 = arith.constant 4096 : i32
        %dma_start3A_452 = tpu.memref_slice %arg10[%dma_start3A_451] : memref<10240xf32, #tpu.memory_space<vmem_shared>> -> memref<1024xf32, #tpu.memory_space<vmem_shared>>
        tpu.enqueue_dma source(%arg8 : memref<1024xf32, #tpu.memory_space<vmem>>) target(%dma_start3A_452 : memref<1024xf32, #tpu.memory_space<vmem_shared>>) target_semaphore(%run_scoped3A : memref<!tpu.dma_semaphore, #tpu.memory_space<semaphore_mem>>)
        %dma_wait3A = arith.constant 4096 : i32
        %dma_wait3A_453 = tpu.memref_slice %arg10[%dma_wait3A] : memref<10240xf32, #tpu.memory_space<vmem_shared>> -> memref<1024xf32, #tpu.memory_space<vmem_shared>>
        %dma_wait3A_454 = arith.constant 4096 : i32
        %dma_wait3A_455 = tpu.memref_slice %arg10[%dma_wait3A_454] : memref<10240xf32, #tpu.memory_space<vmem_shared>> -> memref<1024xf32, #tpu.memory_space<vmem_shared>>
        tpu.wait_dma2 semaphore(%run_scoped3A : memref<!tpu.dma_semaphore, #tpu.memory_space<semaphore_mem>>) src(%arg8 : memref<1024xf32, #tpu.memory_space<vmem>>) dst(%dma_wait3A_455 : memref<1024xf32, #tpu.memory_space<vmem_shared>>)
        tpu.yield
      }) : () -> ()
      "tpu.region"() ({
        %run_scoped3A = tpu.sem_alloc : memref<!tpu.dma_semaphore, #tpu.memory_space<semaphore_mem>>
        %dma_start3A = arith.constant 5120 : i32
        %dma_start3A_450 = tpu.memref_slice %arg9[%dma_start3A] : memref<10240xf32, #tpu.memory_space<vmem_shared>> -> memref<1024xf32, #tpu.memory_space<vmem_shared>>
        %dma_start3A_451 = arith.constant 5120 : i32
        %dma_start3A_452 = tpu.memref_slice %arg9[%dma_start3A_451] : memref<10240xf32, #tpu.memory_space<vmem_shared>> -> memref<1024xf32, #tpu.memory_space<vmem_shared>>
        tpu.enqueue_dma source(%arg8 : memref<1024xf32, #tpu.memory_space<vmem>>) target(%dma_start3A_452 : memref<1024xf32, #tpu.memory_space<vmem_shared>>) target_semaphore(%run_scoped3A : memref<!tpu.dma_semaphore, #tpu.memory_space<semaphore_mem>>)
        %dma_wait3A = arith.constant 5120 : i32
        %dma_wait3A_453 = tpu.memref_slice %arg9[%dma_wait3A] : memref<10240xf32, #tpu.memory_space<vmem_shared>> -> memref<1024xf32, #tpu.memory_space<vmem_shared>>
        %dma_wait3A_454 = arith.constant 5120 : i32
        %dma_wait3A_455 = tpu.memref_slice %arg9[%dma_wait3A_454] : memref<10240xf32, #tpu.memory_space<vmem_shared>> -> memref<1024xf32, #tpu.memory_space<vmem_shared>>
        tpu.wait_dma2 semaphore(%run_scoped3A : memref<!tpu.dma_semaphore, #tpu.memory_space<semaphore_mem>>) src(%arg8 : memref<1024xf32, #tpu.memory_space<vmem>>) dst(%dma_wait3A_455 : memref<1024xf32, #tpu.memory_space<vmem_shared>>)
        tpu.yield
      }) : () -> ()
      "tpu.region"() ({
        %run_scoped3A = tpu.sem_alloc : memref<!tpu.dma_semaphore, #tpu.memory_space<semaphore_mem>>
        %dma_start3A = arith.constant 5120 : i32
        %dma_start3A_450 = tpu.memref_slice %arg10[%dma_start3A] : memref<10240xf32, #tpu.memory_space<vmem_shared>> -> memref<1024xf32, #tpu.memory_space<vmem_shared>>
        %dma_start3A_451 = arith.constant 5120 : i32
        %dma_start3A_452 = tpu.memref_slice %arg10[%dma_start3A_451] : memref<10240xf32, #tpu.memory_space<vmem_shared>> -> memref<1024xf32, #tpu.memory_space<vmem_shared>>
        tpu.enqueue_dma source(%arg8 : memref<1024xf32, #tpu.memory_space<vmem>>) target(%dma_start3A_452 : memref<1024xf32, #tpu.memory_space<vmem_shared>>) target_semaphore(%run_scoped3A : memref<!tpu.dma_semaphore, #tpu.memory_space<semaphore_mem>>)
        %dma_wait3A = arith.constant 5120 : i32
        %dma_wait3A_453 = tpu.memref_slice %arg10[%dma_wait3A] : memref<10240xf32, #tpu.memory_space<vmem_shared>> -> memref<1024xf32, #tpu.memory_space<vmem_shared>>
        %dma_wait3A_454 = arith.constant 5120 : i32
        %dma_wait3A_455 = tpu.memref_slice %arg10[%dma_wait3A_454] : memref<10240xf32, #tpu.memory_space<vmem_shared>> -> memref<1024xf32, #tpu.memory_space<vmem_shared>>
        tpu.wait_dma2 semaphore(%run_scoped3A : memref<!tpu.dma_semaphore, #tpu.memory_space<semaphore_mem>>) src(%arg8 : memref<1024xf32, #tpu.memory_space<vmem>>) dst(%dma_wait3A_455 : memref<1024xf32, #tpu.memory_space<vmem_shared>>)
        tpu.yield
      }) : () -> ()
      "tpu.region"() ({
        %run_scoped3A = tpu.sem_alloc : memref<!tpu.dma_semaphore, #tpu.memory_space<semaphore_mem>>
        %dma_start3A = arith.constant 6144 : i32
        %dma_start3A_450 = tpu.memref_slice %arg9[%dma_start3A] : memref<10240xf32, #tpu.memory_space<vmem_shared>> -> memref<1024xf32, #tpu.memory_space<vmem_shared>>
        %dma_start3A_451 = arith.constant 6144 : i32
        %dma_start3A_452 = tpu.memref_slice %arg9[%dma_start3A_451] : memref<10240xf32, #tpu.memory_space<vmem_shared>> -> memref<1024xf32, #tpu.memory_space<vmem_shared>>
        tpu.enqueue_dma source(%arg8 : memref<1024xf32, #tpu.memory_space<vmem>>) target(%dma_start3A_452 : memref<1024xf32, #tpu.memory_space<vmem_shared>>) target_semaphore(%run_scoped3A : memref<!tpu.dma_semaphore, #tpu.memory_space<semaphore_mem>>)
        %dma_wait3A = arith.constant 6144 : i32
        %dma_wait3A_453 = tpu.memref_slice %arg9[%dma_wait3A] : memref<10240xf32, #tpu.memory_space<vmem_shared>> -> memref<1024xf32, #tpu.memory_space<vmem_shared>>
        %dma_wait3A_454 = arith.constant 6144 : i32
        %dma_wait3A_455 = tpu.memref_slice %arg9[%dma_wait3A_454] : memref<10240xf32, #tpu.memory_space<vmem_shared>> -> memref<1024xf32, #tpu.memory_space<vmem_shared>>
        tpu.wait_dma2 semaphore(%run_scoped3A : memref<!tpu.dma_semaphore, #tpu.memory_space<semaphore_mem>>) src(%arg8 : memref<1024xf32, #tpu.memory_space<vmem>>) dst(%dma_wait3A_455 : memref<1024xf32, #tpu.memory_space<vmem_shared>>)
        tpu.yield
      }) : () -> ()
      "tpu.region"() ({
        %run_scoped3A = tpu.sem_alloc : memref<!tpu.dma_semaphore, #tpu.memory_space<semaphore_mem>>
        %dma_start3A = arith.constant 6144 : i32
        %dma_start3A_450 = tpu.memref_slice %arg10[%dma_start3A] : memref<10240xf32, #tpu.memory_space<vmem_shared>> -> memref<1024xf32, #tpu.memory_space<vmem_shared>>
        %dma_start3A_451 = arith.constant 6144 : i32
        %dma_start3A_452 = tpu.memref_slice %arg10[%dma_start3A_451] : memref<10240xf32, #tpu.memory_space<vmem_shared>> -> memref<1024xf32, #tpu.memory_space<vmem_shared>>
        tpu.enqueue_dma source(%arg8 : memref<1024xf32, #tpu.memory_space<vmem>>) target(%dma_start3A_452 : memref<1024xf32, #tpu.memory_space<vmem_shared>>) target_semaphore(%run_scoped3A : memref<!tpu.dma_semaphore, #tpu.memory_space<semaphore_mem>>)
        %dma_wait3A = arith.constant 6144 : i32
        %dma_wait3A_453 = tpu.memref_slice %arg10[%dma_wait3A] : memref<10240xf32, #tpu.memory_space<vmem_shared>> -> memref<1024xf32, #tpu.memory_space<vmem_shared>>
        %dma_wait3A_454 = arith.constant 6144 : i32
        %dma_wait3A_455 = tpu.memref_slice %arg10[%dma_wait3A_454] : memref<10240xf32, #tpu.memory_space<vmem_shared>> -> memref<1024xf32, #tpu.memory_space<vmem_shared>>
        tpu.wait_dma2 semaphore(%run_scoped3A : memref<!tpu.dma_semaphore, #tpu.memory_space<semaphore_mem>>) src(%arg8 : memref<1024xf32, #tpu.memory_space<vmem>>) dst(%dma_wait3A_455 : memref<1024xf32, #tpu.memory_space<vmem_shared>>)
        tpu.yield
      }) : () -> ()
      "tpu.region"() ({
        %run_scoped3A = tpu.sem_alloc : memref<!tpu.dma_semaphore, #tpu.memory_space<semaphore_mem>>
        %dma_start3A = arith.constant 7168 : i32
        %dma_start3A_450 = tpu.memref_slice %arg9[%dma_start3A] : memref<10240xf32, #tpu.memory_space<vmem_shared>> -> memref<1024xf32, #tpu.memory_space<vmem_shared>>
        %dma_start3A_451 = arith.constant 7168 : i32
        %dma_start3A_452 = tpu.memref_slice %arg9[%dma_start3A_451] : memref<10240xf32, #tpu.memory_space<vmem_shared>> -> memref<1024xf32, #tpu.memory_space<vmem_shared>>
        tpu.enqueue_dma source(%arg8 : memref<1024xf32, #tpu.memory_space<vmem>>) target(%dma_start3A_452 : memref<1024xf32, #tpu.memory_space<vmem_shared>>) target_semaphore(%run_scoped3A : memref<!tpu.dma_semaphore, #tpu.memory_space<semaphore_mem>>)
        %dma_wait3A = arith.constant 7168 : i32
        %dma_wait3A_453 = tpu.memref_slice %arg9[%dma_wait3A] : memref<10240xf32, #tpu.memory_space<vmem_shared>> -> memref<1024xf32, #tpu.memory_space<vmem_shared>>
        %dma_wait3A_454 = arith.constant 7168 : i32
        %dma_wait3A_455 = tpu.memref_slice %arg9[%dma_wait3A_454] : memref<10240xf32, #tpu.memory_space<vmem_shared>> -> memref<1024xf32, #tpu.memory_space<vmem_shared>>
        tpu.wait_dma2 semaphore(%run_scoped3A : memref<!tpu.dma_semaphore, #tpu.memory_space<semaphore_mem>>) src(%arg8 : memref<1024xf32, #tpu.memory_space<vmem>>) dst(%dma_wait3A_455 : memref<1024xf32, #tpu.memory_space<vmem_shared>>)
        tpu.yield
      }) : () -> ()
      "tpu.region"() ({
        %run_scoped3A = tpu.sem_alloc : memref<!tpu.dma_semaphore, #tpu.memory_space<semaphore_mem>>
        %dma_start3A = arith.constant 7168 : i32
        %dma_start3A_450 = tpu.memref_slice %arg10[%dma_start3A] : memref<10240xf32, #tpu.memory_space<vmem_shared>> -> memref<1024xf32, #tpu.memory_space<vmem_shared>>
        %dma_start3A_451 = arith.constant 7168 : i32
        %dma_start3A_452 = tpu.memref_slice %arg10[%dma_start3A_451] : memref<10240xf32, #tpu.memory_space<vmem_shared>> -> memref<1024xf32, #tpu.memory_space<vmem_shared>>
        tpu.enqueue_dma source(%arg8 : memref<1024xf32, #tpu.memory_space<vmem>>) target(%dma_start3A_452 : memref<1024xf32, #tpu.memory_space<vmem_shared>>) target_semaphore(%run_scoped3A : memref<!tpu.dma_semaphore, #tpu.memory_space<semaphore_mem>>)
        %dma_wait3A = arith.constant 7168 : i32
        %dma_wait3A_453 = tpu.memref_slice %arg10[%dma_wait3A] : memref<10240xf32, #tpu.memory_space<vmem_shared>> -> memref<1024xf32, #tpu.memory_space<vmem_shared>>
        %dma_wait3A_454 = arith.constant 7168 : i32
        %dma_wait3A_455 = tpu.memref_slice %arg10[%dma_wait3A_454] : memref<10240xf32, #tpu.memory_space<vmem_shared>> -> memref<1024xf32, #tpu.memory_space<vmem_shared>>
        tpu.wait_dma2 semaphore(%run_scoped3A : memref<!tpu.dma_semaphore, #tpu.memory_space<semaphore_mem>>) src(%arg8 : memref<1024xf32, #tpu.memory_space<vmem>>) dst(%dma_wait3A_455 : memref<1024xf32, #tpu.memory_space<vmem_shared>>)
        tpu.yield
      }) : () -> ()
      "tpu.region"() ({
        %run_scoped3A = tpu.sem_alloc : memref<!tpu.dma_semaphore, #tpu.memory_space<semaphore_mem>>
        %dma_start3A = arith.constant 8192 : i32
        %dma_start3A_450 = tpu.memref_slice %arg9[%dma_start3A] : memref<10240xf32, #tpu.memory_space<vmem_shared>> -> memref<1024xf32, #tpu.memory_space<vmem_shared>>
        %dma_start3A_451 = arith.constant 8192 : i32
        %dma_start3A_452 = tpu.memref_slice %arg9[%dma_start3A_451] : memref<10240xf32, #tpu.memory_space<vmem_shared>> -> memref<1024xf32, #tpu.memory_space<vmem_shared>>
        tpu.enqueue_dma source(%arg8 : memref<1024xf32, #tpu.memory_space<vmem>>) target(%dma_start3A_452 : memref<1024xf32, #tpu.memory_space<vmem_shared>>) target_semaphore(%run_scoped3A : memref<!tpu.dma_semaphore, #tpu.memory_space<semaphore_mem>>)
        %dma_wait3A = arith.constant 8192 : i32
        %dma_wait3A_453 = tpu.memref_slice %arg9[%dma_wait3A] : memref<10240xf32, #tpu.memory_space<vmem_shared>> -> memref<1024xf32, #tpu.memory_space<vmem_shared>>
        %dma_wait3A_454 = arith.constant 8192 : i32
        %dma_wait3A_455 = tpu.memref_slice %arg9[%dma_wait3A_454] : memref<10240xf32, #tpu.memory_space<vmem_shared>> -> memref<1024xf32, #tpu.memory_space<vmem_shared>>
        tpu.wait_dma2 semaphore(%run_scoped3A : memref<!tpu.dma_semaphore, #tpu.memory_space<semaphore_mem>>) src(%arg8 : memref<1024xf32, #tpu.memory_space<vmem>>) dst(%dma_wait3A_455 : memref<1024xf32, #tpu.memory_space<vmem_shared>>)
        tpu.yield
      }) : () -> ()
      "tpu.region"() ({
        %run_scoped3A = tpu.sem_alloc : memref<!tpu.dma_semaphore, #tpu.memory_space<semaphore_mem>>
        %dma_start3A = arith.constant 8192 : i32
        %dma_start3A_450 = tpu.memref_slice %arg10[%dma_start3A] : memref<10240xf32, #tpu.memory_space<vmem_shared>> -> memref<1024xf32, #tpu.memory_space<vmem_shared>>
        %dma_start3A_451 = arith.constant 8192 : i32
        %dma_start3A_452 = tpu.memref_slice %arg10[%dma_start3A_451] : memref<10240xf32, #tpu.memory_space<vmem_shared>> -> memref<1024xf32, #tpu.memory_space<vmem_shared>>
        tpu.enqueue_dma source(%arg8 : memref<1024xf32, #tpu.memory_space<vmem>>) target(%dma_start3A_452 : memref<1024xf32, #tpu.memory_space<vmem_shared>>) target_semaphore(%run_scoped3A : memref<!tpu.dma_semaphore, #tpu.memory_space<semaphore_mem>>)
        %dma_wait3A = arith.constant 8192 : i32
        %dma_wait3A_453 = tpu.memref_slice %arg10[%dma_wait3A] : memref<10240xf32, #tpu.memory_space<vmem_shared>> -> memref<1024xf32, #tpu.memory_space<vmem_shared>>
        %dma_wait3A_454 = arith.constant 8192 : i32
        %dma_wait3A_455 = tpu.memref_slice %arg10[%dma_wait3A_454] : memref<10240xf32, #tpu.memory_space<vmem_shared>> -> memref<1024xf32, #tpu.memory_space<vmem_shared>>
        tpu.wait_dma2 semaphore(%run_scoped3A : memref<!tpu.dma_semaphore, #tpu.memory_space<semaphore_mem>>) src(%arg8 : memref<1024xf32, #tpu.memory_space<vmem>>) dst(%dma_wait3A_455 : memref<1024xf32, #tpu.memory_space<vmem_shared>>)
        tpu.yield
      }) : () -> ()
      "tpu.region"() ({
        %run_scoped3A = tpu.sem_alloc : memref<!tpu.dma_semaphore, #tpu.memory_space<semaphore_mem>>
        %dma_start3A = arith.constant 9216 : i32
        %dma_start3A_450 = tpu.memref_slice %arg9[%dma_start3A] : memref<10240xf32, #tpu.memory_space<vmem_shared>> -> memref<1024xf32, #tpu.memory_space<vmem_shared>>
        %dma_start3A_451 = arith.constant 9216 : i32
        %dma_start3A_452 = tpu.memref_slice %arg9[%dma_start3A_451] : memref<10240xf32, #tpu.memory_space<vmem_shared>> -> memref<1024xf32, #tpu.memory_space<vmem_shared>>
        tpu.enqueue_dma source(%arg8 : memref<1024xf32, #tpu.memory_space<vmem>>) target(%dma_start3A_452 : memref<1024xf32, #tpu.memory_space<vmem_shared>>) target_semaphore(%run_scoped3A : memref<!tpu.dma_semaphore, #tpu.memory_space<semaphore_mem>>)
        %dma_wait3A = arith.constant 9216 : i32
        %dma_wait3A_453 = tpu.memref_slice %arg9[%dma_wait3A] : memref<10240xf32, #tpu.memory_space<vmem_shared>> -> memref<1024xf32, #tpu.memory_space<vmem_shared>>
        %dma_wait3A_454 = arith.constant 9216 : i32
        %dma_wait3A_455 = tpu.memref_slice %arg9[%dma_wait3A_454] : memref<10240xf32, #tpu.memory_space<vmem_shared>> -> memref<1024xf32, #tpu.memory_space<vmem_shared>>
        tpu.wait_dma2 semaphore(%run_scoped3A : memref<!tpu.dma_semaphore, #tpu.memory_space<semaphore_mem>>) src(%arg8 : memref<1024xf32, #tpu.memory_space<vmem>>) dst(%dma_wait3A_455 : memref<1024xf32, #tpu.memory_space<vmem_shared>>)
        tpu.yield
      }) : () -> ()
      "tpu.region"() ({
        %run_scoped3A = tpu.sem_alloc : memref<!tpu.dma_semaphore, #tpu.memory_space<semaphore_mem>>
        %dma_start3A = arith.constant 9216 : i32
        %dma_start3A_450 = tpu.memref_slice %arg10[%dma_start3A] : memref<10240xf32, #tpu.memory_space<vmem_shared>> -> memref<1024xf32, #tpu.memory_space<vmem_shared>>
        %dma_start3A_451 = arith.constant 9216 : i32
        %dma_start3A_452 = tpu.memref_slice %arg10[%dma_start3A_451] : memref<10240xf32, #tpu.memory_space<vmem_shared>> -> memref<1024xf32, #tpu.memory_space<vmem_shared>>
        tpu.enqueue_dma source(%arg8 : memref<1024xf32, #tpu.memory_space<vmem>>) target(%dma_start3A_452 : memref<1024xf32, #tpu.memory_space<vmem_shared>>) target_semaphore(%run_scoped3A : memref<!tpu.dma_semaphore, #tpu.memory_space<semaphore_mem>>)
        %dma_wait3A = arith.constant 9216 : i32
        %dma_wait3A_453 = tpu.memref_slice %arg10[%dma_wait3A] : memref<10240xf32, #tpu.memory_space<vmem_shared>> -> memref<1024xf32, #tpu.memory_space<vmem_shared>>
        %dma_wait3A_454 = arith.constant 9216 : i32
        %dma_wait3A_455 = tpu.memref_slice %arg10[%dma_wait3A_454] : memref<10240xf32, #tpu.memory_space<vmem_shared>> -> memref<1024xf32, #tpu.memory_space<vmem_shared>>
        tpu.wait_dma2 semaphore(%run_scoped3A : memref<!tpu.dma_semaphore, #tpu.memory_space<semaphore_mem>>) src(%arg8 : memref<1024xf32, #tpu.memory_space<vmem>>) dst(%dma_wait3A_455 : memref<1024xf32, #tpu.memory_space<vmem_shared>>)
        tpu.yield
      }) : () -> ()
    } else {
    }
    %barrier3A = arith.constant 0 : index
    tpu.barrier barrier_id(%barrier3A)
    %scan3A = arith.constant 0 : i32
    %scan3A_49 = arith.constant 0 : i32
    %scan3A_50 = arith.constant 79 : i32
    %scan3A_51 = arith.addi %scan3A_49, %scan3A_50 : i32
    %scan3A_52 = arith.constant 1 : i32
    scf.for %scan3A_66 = %scan3A_49 to %scan3A_51 step %scan3A_52  : i32 {
      %dma_start3A = arith.constant 0 : i32
      %dma_start3A_67 = tpu.memref_slice %arg5[%scan3A_66, %dma_start3A] : memref<79x128xi32, #tpu.memory_space<vmem>> -> memref<1x128xi32, #tpu.memory_space<vmem>>
      %dma_start3A_68 = tpu.memref_squeeze %dma_start3A_67 : memref<1x128xi32, #tpu.memory_space<vmem>> -> memref<128xi32, #tpu.memory_space<vmem>>
      %dma_start3A_69 = arith.constant 0 : i32
      %dma_start3A_70 = tpu.memref_slice %arg9[%dma_start3A_69] : memref<10240xf32, #tpu.memory_space<vmem_shared>> -> memref<10240xf32, #tpu.memory_space<vmem_shared>>
      tpu.enqueue_indirect_dma source(%arg7 : memref<128xf32, #tpu.memory_space<vmem>>) target(%dma_start3A_70 : memref<10240xf32, #tpu.memory_space<vmem_shared>>) offsets(%dma_start3A_68 : memref<128xi32, #tpu.memory_space<vmem>>) semaphore(%arg11 : memref<!tpu.dma_semaphore, #tpu.memory_space<semaphore_mem>>) {add = true}
      %dma_start3A_71 = arith.constant 0 : i32
      %dma_start3A_72 = tpu.memref_slice %arg6[%scan3A_66, %dma_start3A_71] : memref<79x128xi32, #tpu.memory_space<vmem>> -> memref<1x128xi32, #tpu.memory_space<vmem>>
      %dma_start3A_73 = tpu.memref_squeeze %dma_start3A_72 : memref<1x128xi32, #tpu.memory_space<vmem>> -> memref<128xi32, #tpu.memory_space<vmem>>
      %dma_start3A_74 = arith.constant 0 : i32
      %dma_start3A_75 = tpu.memref_slice %arg10[%dma_start3A_74] : memref<10240xf32, #tpu.memory_space<vmem_shared>> -> memref<10240xf32, #tpu.memory_space<vmem_shared>>
      tpu.enqueue_indirect_dma source(%arg7 : memref<128xf32, #tpu.memory_space<vmem>>) target(%dma_start3A_75 : memref<10240xf32, #tpu.memory_space<vmem_shared>>) offsets(%dma_start3A_73 : memref<128xi32, #tpu.memory_space<vmem>>) semaphore(%arg12 : memref<!tpu.dma_semaphore, #tpu.memory_space<semaphore_mem>>) {add = true}
    }
    %scan3A_53 = arith.constant 79 : i32
    %scan3A_54 = arith.constant 0 : i32
    %scan3A_55 = arith.constant 0 : i32
    %scan3A_56 = arith.constant 79 : i32
    %scan3A_57 = arith.addi %scan3A_55, %scan3A_56 : i32
    %scan3A_58 = arith.constant 1 : i32
    scf.for %scan3A_66 = %scan3A_55 to %scan3A_57 step %scan3A_58  : i32 {
      %dma_wait3A = arith.constant 0 : i32
      %dma_wait3A_67 = arith.constant 0 : i32
      %dma_wait3A_68 = tpu.memref_slice %arg5[%dma_wait3A, %dma_wait3A_67] : memref<79x128xi32, #tpu.memory_space<vmem>> -> memref<1x128xi32, #tpu.memory_space<vmem>>
      %dma_wait3A_69 = tpu.memref_squeeze %dma_wait3A_68 : memref<1x128xi32, #tpu.memory_space<vmem>> -> memref<128xi32, #tpu.memory_space<vmem>>
      %dma_wait3A_70 = arith.constant 0 : i32
      %dma_wait3A_71 = tpu.memref_slice %arg9[%dma_wait3A_70] : memref<10240xf32, #tpu.memory_space<vmem_shared>> -> memref<10240xf32, #tpu.memory_space<vmem_shared>>
      tpu.wait_indirect_dma semaphore(%arg11 : memref<!tpu.dma_semaphore, #tpu.memory_space<semaphore_mem>>) src(%arg7 : memref<128xf32, #tpu.memory_space<vmem>>) dst(%dma_wait3A_71 : memref<10240xf32, #tpu.memory_space<vmem_shared>>)
      %dma_wait3A_72 = arith.constant 0 : i32
      %dma_wait3A_73 = arith.constant 0 : i32
      %dma_wait3A_74 = tpu.memref_slice %arg6[%dma_wait3A_72, %dma_wait3A_73] : memref<79x128xi32, #tpu.memory_space<vmem>> -> memref<1x128xi32, #tpu.memory_space<vmem>>
      %dma_wait3A_75 = tpu.memref_squeeze %dma_wait3A_74 : memref<1x128xi32, #tpu.memory_space<vmem>> -> memref<128xi32, #tpu.memory_space<vmem>>
      %dma_wait3A_76 = arith.constant 0 : i32
      %dma_wait3A_77 = tpu.memref_slice %arg10[%dma_wait3A_76] : memref<10240xf32, #tpu.memory_space<vmem_shared>> -> memref<10240xf32, #tpu.memory_space<vmem_shared>>
      tpu.wait_indirect_dma semaphore(%arg12 : memref<!tpu.dma_semaphore, #tpu.memory_space<semaphore_mem>>) src(%arg7 : memref<128xf32, #tpu.memory_space<vmem>>) dst(%dma_wait3A_77 : memref<10240xf32, #tpu.memory_space<vmem_shared>>)
    }
    %scan3A_59 = arith.constant 79 : i32
    %barrier3A_60 = arith.constant 0 : index
    tpu.barrier barrier_id(%barrier3A_60)
    %eq3A_61 = arith.constant 0 : i32
    %eq3A_62 = arith.cmpi eq, %arg1, %eq3A_61 : i32
    %convert_element_type3A_63 = arith.extui %eq3A_62 : i1 to i32
    %cond3A_64 = arith.constant 0 : i32
    %cond3A_65 = arith.cmpi ne, %convert_element_type3A_63, %cond3A_64 : i32
    scf.if %cond3A_65 {
      %run_scoped3A = arith.constant 0 : i32
      "tpu.region"() ({
        %run_scoped3A_67 = tpu.sem_alloc : memref<!tpu.dma_semaphore, #tpu.memory_space<semaphore_mem>>
        %dma_start3A = arith.constant 0 : i32
        %dma_start3A_68 = tpu.memref_slice %arg4[%arg0, %run_scoped3A, %dma_start3A] : memref<2x2x10240xf32, #tpu.memory_space<hbm>> -> memref<1x1x10240xf32, #tpu.memory_space<hbm>>
        %dma_start3A_69 = tpu.memref_squeeze %dma_start3A_68 : memref<1x1x10240xf32, #tpu.memory_space<hbm>> -> memref<10240xf32, #tpu.memory_space<hbm>>
        tpu.enqueue_dma source(%arg9 : memref<10240xf32, #tpu.memory_space<vmem_shared>>) target(%dma_start3A_69 : memref<10240xf32, #tpu.memory_space<hbm>>) target_semaphore(%run_scoped3A_67 : memref<!tpu.dma_semaphore, #tpu.memory_space<semaphore_mem>>)
        %dma_wait3A = arith.constant 0 : i32
        %dma_wait3A_70 = tpu.memref_slice %arg4[%arg0, %run_scoped3A, %dma_wait3A] : memref<2x2x10240xf32, #tpu.memory_space<hbm>> -> memref<1x1x10240xf32, #tpu.memory_space<hbm>>
        %dma_wait3A_71 = tpu.memref_squeeze %dma_wait3A_70 : memref<1x1x10240xf32, #tpu.memory_space<hbm>> -> memref<10240xf32, #tpu.memory_space<hbm>>
        tpu.wait_dma2 semaphore(%run_scoped3A_67 : memref<!tpu.dma_semaphore, #tpu.memory_space<semaphore_mem>>) src(%arg9 : memref<10240xf32, #tpu.memory_space<vmem_shared>>) dst(%dma_wait3A_71 : memref<10240xf32, #tpu.memory_space<hbm>>)
        tpu.yield
      }) : () -> ()
      %run_scoped3A_66 = arith.constant 1 : i32
      "tpu.region"() ({
        %run_scoped3A_67 = tpu.sem_alloc : memref<!tpu.dma_semaphore, #tpu.memory_space<semaphore_mem>>
        %dma_start3A = arith.constant 0 : i32
        %dma_start3A_68 = tpu.memref_slice %arg4[%arg0, %run_scoped3A_66, %dma_start3A] : memref<2x2x10240xf32, #tpu.memory_space<hbm>> -> memref<1x1x10240xf32, #tpu.memory_space<hbm>>
        %dma_start3A_69 = tpu.memref_squeeze %dma_start3A_68 : memref<1x1x10240xf32, #tpu.memory_space<hbm>> -> memref<10240xf32, #tpu.memory_space<hbm>>
        tpu.enqueue_dma source(%arg10 : memref<10240xf32, #tpu.memory_space<vmem_shared>>) target(%dma_start3A_69 : memref<10240xf32, #tpu.memory_space<hbm>>) target_semaphore(%run_scoped3A_67 : memref<!tpu.dma_semaphore, #tpu.memory_space<semaphore_mem>>)
        %dma_wait3A = arith.constant 0 : i32
        %dma_wait3A_70 = tpu.memref_slice %arg4[%arg0, %run_scoped3A_66, %dma_wait3A] : memref<2x2x10240xf32, #tpu.memory_space<hbm>> -> memref<1x1x10240xf32, #tpu.memory_space<hbm>>
        %dma_wait3A_71 = tpu.memref_squeeze %dma_wait3A_70 : memref<1x1x10240xf32, #tpu.memory_space<hbm>> -> memref<10240xf32, #tpu.memory_space<hbm>>
        tpu.wait_dma2 semaphore(%run_scoped3A_67 : memref<!tpu.dma_semaphore, #tpu.memory_space<semaphore_mem>>) src(%arg10 : memref<10240xf32, #tpu.memory_space<vmem_shared>>) dst(%dma_wait3A_71 : memref<10240xf32, #tpu.memory_space<hbm>>)
        tpu.yield
      }) : () -> ()
    } else {
    }
    return
  }
}

#map = affine_map<(d0, d1) -> (0, 0)>
#map1 = affine_map<(d0, d1) -> (0, 0, 0)>
module attributes {stable_mosaic.version = 14 : i64} {
  func.func @conv_kernel(%arg0: i32, %arg1: i32, %arg2: memref<10240x128xf32, #tpu.memory_space<hbm>>, %arg3: memref<32x79x128xi32, #tpu.memory_space<hbm>>, %arg4: memref<32x79x128xi32, #tpu.memory_space<hbm>>, %arg5: memref<2x10240x128xf32, #tpu.memory_space<hbm>>, %arg6: memref<79x128xi32, #tpu.memory_space<vmem>>, %arg7: memref<128xi32, #tpu.memory_space<vmem>>, %arg8: memref<128xi32, #tpu.memory_space<vmem>>, %arg9: memref<128x128xf32, #tpu.memory_space<vmem>>, %arg10: memref<128x128xf32, #tpu.memory_space<vmem>>, %arg11: memref<10240x128xf32, #tpu.memory_space<vmem_shared>>, %arg12: memref<!tpu.dma_semaphore, #tpu.memory_space<semaphore_mem>>, %arg13: memref<!tpu.dma_semaphore, #tpu.memory_space<semaphore_mem>>, %arg14: memref<!tpu.dma_semaphore, #tpu.memory_space<semaphore_mem>>, %arg15: memref<!tpu.dma_semaphore, #tpu.memory_space<semaphore_mem>>, %arg16: memref<!tpu.dma_semaphore, #tpu.memory_space<semaphore_mem>>) attributes {dimension_semantics = [#tpu.dimension_semantics<core_parallel>, #tpu.dimension_semantics<subcore_parallel>], iteration_bounds = array<i64: 2, 16>, scalar_prefetch = 0 : i64, scratch_operands = 11 : i64, tpu.core_type = #tpu.core_type<sc_vector_subcore>, window_params = [{transform_indices = #map}, {transform_indices = #map1}, {transform_indices = #map1}, {transform_indices = #map1}]} {
    %mul3A = arith.constant 2 : i32
    %mul3A_0 = arith.muli %arg1, %mul3A : i32
    %add3A = arith.addi %mul3A_0, %arg0 : i32
    %dma_start3A = arith.constant 0 : i32
    %dma_start3A_1 = arith.constant 0 : i32
    %dma_start3A_2 = tpu.memref_slice %arg3[%add3A, %dma_start3A, %dma_start3A_1] : memref<32x79x128xi32, #tpu.memory_space<hbm>> -> memref<1x79x128xi32, #tpu.memory_space<hbm>>
    %dma_start3A_3 = tpu.memref_squeeze %dma_start3A_2 : memref<1x79x128xi32, #tpu.memory_space<hbm>> -> memref<79x128xi32, #tpu.memory_space<hbm>>
    %dma_start3A_4 = arith.constant 0 : i32
    %dma_start3A_5 = arith.constant 0 : i32
    %dma_start3A_6 = tpu.memref_slice %arg3[%add3A, %dma_start3A_4, %dma_start3A_5] : memref<32x79x128xi32, #tpu.memory_space<hbm>> -> memref<1x79x128xi32, #tpu.memory_space<hbm>>
    %dma_start3A_7 = tpu.memref_squeeze %dma_start3A_6 : memref<1x79x128xi32, #tpu.memory_space<hbm>> -> memref<79x128xi32, #tpu.memory_space<hbm>>
    tpu.enqueue_dma source(%dma_start3A_7 : memref<79x128xi32, #tpu.memory_space<hbm>>) target(%arg6 : memref<79x128xi32, #tpu.memory_space<vmem>>) target_semaphore(%arg16 : memref<!tpu.dma_semaphore, #tpu.memory_space<semaphore_mem>>)
    %scan3A = arith.constant 0 : i32
    %scan3A_8 = arith.constant 0 : i32
    %scan3A_9 = arith.constant 128 : i32
    %scan3A_10 = arith.addi %scan3A_8, %scan3A_9 : i32
    %scan3A_11 = arith.constant 1 : i32
    scf.for %scan3A_145 = %scan3A_8 to %scan3A_10 step %scan3A_11  : i32 {
      %broadcast_in_dim3A = arith.constant 0.000000e+00 : f32
      %broadcast_in_dim3A_146 = vector.broadcast %broadcast_in_dim3A : f32 to vector<16xf32>
      %swap3A = arith.index_cast %scan3A_145 : i32 to index
      %swap3A_147 = arith.constant 0 : index
      %swap3A_148 = tpu.vector_load %arg9[%swap3A, %swap3A_147] {strides = array<i32>} : memref<128x128xf32, #tpu.memory_space<vmem>>, vector<1x16xf32>,
      %swap3A_149 = vector.shape_cast %swap3A_148 : vector<1x16xf32> to vector<16xf32>
      %swap3A_150 = vector.shape_cast %broadcast_in_dim3A_146 : vector<16xf32> to vector<1x16xf32>
      tpu.vector_store %arg9[%swap3A, %swap3A_147], %swap3A_150 {strides = array<i32>} : memref<128x128xf32, #tpu.memory_space<vmem>>, vector<1x16xf32>,
      %broadcast_in_dim3A_151 = arith.constant 0.000000e+00 : f32
      %broadcast_in_dim3A_152 = vector.broadcast %broadcast_in_dim3A_151 : f32 to vector<16xf32>
      %swap3A_153 = arith.index_cast %scan3A_145 : i32 to index
      %swap3A_154 = arith.constant 16 : index
      %swap3A_155 = tpu.vector_load %arg9[%swap3A_153, %swap3A_154] {strides = array<i32>} : memref<128x128xf32, #tpu.memory_space<vmem>>, vector<1x16xf32>,
      %swap3A_156 = vector.shape_cast %swap3A_155 : vector<1x16xf32> to vector<16xf32>
      %swap3A_157 = vector.shape_cast %broadcast_in_dim3A_152 : vector<16xf32> to vector<1x16xf32>
      tpu.vector_store %arg9[%swap3A_153, %swap3A_154], %swap3A_157 {strides = array<i32>} : memref<128x128xf32, #tpu.memory_space<vmem>>, vector<1x16xf32>,
      %broadcast_in_dim3A_158 = arith.constant 0.000000e+00 : f32
      %broadcast_in_dim3A_159 = vector.broadcast %broadcast_in_dim3A_158 : f32 to vector<16xf32>
      %swap3A_160 = arith.index_cast %scan3A_145 : i32 to index
      %swap3A_161 = arith.constant 32 : index
      %swap3A_162 = tpu.vector_load %arg9[%swap3A_160, %swap3A_161] {strides = array<i32>} : memref<128x128xf32, #tpu.memory_space<vmem>>, vector<1x16xf32>,
      %swap3A_163 = vector.shape_cast %swap3A_162 : vector<1x16xf32> to vector<16xf32>
      %swap3A_164 = vector.shape_cast %broadcast_in_dim3A_159 : vector<16xf32> to vector<1x16xf32>
      tpu.vector_store %arg9[%swap3A_160, %swap3A_161], %swap3A_164 {strides = array<i32>} : memref<128x128xf32, #tpu.memory_space<vmem>>, vector<1x16xf32>,
      %broadcast_in_dim3A_165 = arith.constant 0.000000e+00 : f32
      %broadcast_in_dim3A_166 = vector.broadcast %broadcast_in_dim3A_165 : f32 to vector<16xf32>
      %swap3A_167 = arith.index_cast %scan3A_145 : i32 to index
      %swap3A_168 = arith.constant 48 : index
      %swap3A_169 = tpu.vector_load %arg9[%swap3A_167, %swap3A_168] {strides = array<i32>} : memref<128x128xf32, #tpu.memory_space<vmem>>, vector<1x16xf32>,
      %swap3A_170 = vector.shape_cast %swap3A_169 : vector<1x16xf32> to vector<16xf32>
      %swap3A_171 = vector.shape_cast %broadcast_in_dim3A_166 : vector<16xf32> to vector<1x16xf32>
      tpu.vector_store %arg9[%swap3A_167, %swap3A_168], %swap3A_171 {strides = array<i32>} : memref<128x128xf32, #tpu.memory_space<vmem>>, vector<1x16xf32>,
      %broadcast_in_dim3A_172 = arith.constant 0.000000e+00 : f32
      %broadcast_in_dim3A_173 = vector.broadcast %broadcast_in_dim3A_172 : f32 to vector<16xf32>
      %swap3A_174 = arith.index_cast %scan3A_145 : i32 to index
      %swap3A_175 = arith.constant 64 : index
      %swap3A_176 = tpu.vector_load %arg9[%swap3A_174, %swap3A_175] {strides = array<i32>} : memref<128x128xf32, #tpu.memory_space<vmem>>, vector<1x16xf32>,
      %swap3A_177 = vector.shape_cast %swap3A_176 : vector<1x16xf32> to vector<16xf32>
      %swap3A_178 = vector.shape_cast %broadcast_in_dim3A_173 : vector<16xf32> to vector<1x16xf32>
      tpu.vector_store %arg9[%swap3A_174, %swap3A_175], %swap3A_178 {strides = array<i32>} : memref<128x128xf32, #tpu.memory_space<vmem>>, vector<1x16xf32>,
      %broadcast_in_dim3A_179 = arith.constant 0.000000e+00 : f32
      %broadcast_in_dim3A_180 = vector.broadcast %broadcast_in_dim3A_179 : f32 to vector<16xf32>
      %swap3A_181 = arith.index_cast %scan3A_145 : i32 to index
      %swap3A_182 = arith.constant 80 : index
      %swap3A_183 = tpu.vector_load %arg9[%swap3A_181, %swap3A_182] {strides = array<i32>} : memref<128x128xf32, #tpu.memory_space<vmem>>, vector<1x16xf32>,
      %swap3A_184 = vector.shape_cast %swap3A_183 : vector<1x16xf32> to vector<16xf32>
      %swap3A_185 = vector.shape_cast %broadcast_in_dim3A_180 : vector<16xf32> to vector<1x16xf32>
      tpu.vector_store %arg9[%swap3A_181, %swap3A_182], %swap3A_185 {strides = array<i32>} : memref<128x128xf32, #tpu.memory_space<vmem>>, vector<1x16xf32>,
      %broadcast_in_dim3A_186 = arith.constant 0.000000e+00 : f32
      %broadcast_in_dim3A_187 = vector.broadcast %broadcast_in_dim3A_186 : f32 to vector<16xf32>
      %swap3A_188 = arith.index_cast %scan3A_145 : i32 to index
      %swap3A_189 = arith.constant 96 : index
      %swap3A_190 = tpu.vector_load %arg9[%swap3A_188, %swap3A_189] {strides = array<i32>} : memref<128x128xf32, #tpu.memory_space<vmem>>, vector<1x16xf32>,
      %swap3A_191 = vector.shape_cast %swap3A_190 : vector<1x16xf32> to vector<16xf32>
      %swap3A_192 = vector.shape_cast %broadcast_in_dim3A_187 : vector<16xf32> to vector<1x16xf32>
      tpu.vector_store %arg9[%swap3A_188, %swap3A_189], %swap3A_192 {strides = array<i32>} : memref<128x128xf32, #tpu.memory_space<vmem>>, vector<1x16xf32>,
      %broadcast_in_dim3A_193 = arith.constant 0.000000e+00 : f32
      %broadcast_in_dim3A_194 = vector.broadcast %broadcast_in_dim3A_193 : f32 to vector<16xf32>
      %swap3A_195 = arith.index_cast %scan3A_145 : i32 to index
      %swap3A_196 = arith.constant 112 : index
      %swap3A_197 = tpu.vector_load %arg9[%swap3A_195, %swap3A_196] {strides = array<i32>} : memref<128x128xf32, #tpu.memory_space<vmem>>, vector<1x16xf32>,
      %swap3A_198 = vector.shape_cast %swap3A_197 : vector<1x16xf32> to vector<16xf32>
      %swap3A_199 = vector.shape_cast %broadcast_in_dim3A_194 : vector<16xf32> to vector<1x16xf32>
      tpu.vector_store %arg9[%swap3A_195, %swap3A_196], %swap3A_199 {strides = array<i32>} : memref<128x128xf32, #tpu.memory_space<vmem>>, vector<1x16xf32>,
    }
    %scan3A_12 = arith.constant 128 : i32
    %dma_wait3A = arith.constant 0 : i32
    %dma_wait3A_13 = arith.constant 0 : i32
    %dma_wait3A_14 = tpu.memref_slice %arg3[%add3A, %dma_wait3A, %dma_wait3A_13] : memref<32x79x128xi32, #tpu.memory_space<hbm>> -> memref<1x79x128xi32, #tpu.memory_space<hbm>>
    %dma_wait3A_15 = tpu.memref_squeeze %dma_wait3A_14 : memref<1x79x128xi32, #tpu.memory_space<hbm>> -> memref<79x128xi32, #tpu.memory_space<hbm>>
    %dma_wait3A_16 = arith.constant 0 : i32
    %dma_wait3A_17 = arith.constant 0 : i32
    %dma_wait3A_18 = tpu.memref_slice %arg3[%add3A, %dma_wait3A_16, %dma_wait3A_17] : memref<32x79x128xi32, #tpu.memory_space<hbm>> -> memref<1x79x128xi32, #tpu.memory_space<hbm>>
    %dma_wait3A_19 = tpu.memref_squeeze %dma_wait3A_18 : memref<1x79x128xi32, #tpu.memory_space<hbm>> -> memref<79x128xi32, #tpu.memory_space<hbm>>
    tpu.wait_dma2 semaphore(%arg16 : memref<!tpu.dma_semaphore, #tpu.memory_space<semaphore_mem>>) src(%dma_wait3A_19 : memref<79x128xi32, #tpu.memory_space<hbm>>) dst(%arg6 : memref<79x128xi32, #tpu.memory_space<vmem>>)
    %add3A_20 = arith.constant 0 : i32
    %add3A_21 = arith.addi %arg1, %add3A_20 : i32
    %mul3A_22 = arith.constant 128 : i32
    %mul3A_23 = arith.muli %add3A_21, %mul3A_22 : i32
    %dma_start3A_24 = arith.constant 0 : i32
    %dma_start3A_25 = tpu.memref_slice %arg11[%mul3A_23, %dma_start3A_24] : memref<10240x128xf32, #tpu.memory_space<vmem_shared>> -> memref<128x128xf32, #tpu.memory_space<vmem_shared>>
    %dma_start3A_26 = arith.constant 0 : i32
    %dma_start3A_27 = tpu.memref_slice %arg11[%mul3A_23, %dma_start3A_26] : memref<10240x128xf32, #tpu.memory_space<vmem_shared>> -> memref<128x128xf32, #tpu.memory_space<vmem_shared>>
    tpu.enqueue_dma source(%arg9 : memref<128x128xf32, #tpu.memory_space<vmem>>) target(%dma_start3A_27 : memref<128x128xf32, #tpu.memory_space<vmem_shared>>) target_semaphore(%arg16 : memref<!tpu.dma_semaphore, #tpu.memory_space<semaphore_mem>>)
    %add3A_28 = arith.constant 16 : i32
    %add3A_29 = arith.addi %arg1, %add3A_28 : i32
    %mul3A_30 = arith.constant 128 : i32
    %mul3A_31 = arith.muli %add3A_29, %mul3A_30 : i32
    %dma_start3A_32 = arith.constant 0 : i32
    %dma_start3A_33 = tpu.memref_slice %arg11[%mul3A_31, %dma_start3A_32] : memref<10240x128xf32, #tpu.memory_space<vmem_shared>> -> memref<128x128xf32, #tpu.memory_space<vmem_shared>>
    %dma_start3A_34 = arith.constant 0 : i32
    %dma_start3A_35 = tpu.memref_slice %arg11[%mul3A_31, %dma_start3A_34] : memref<10240x128xf32, #tpu.memory_space<vmem_shared>> -> memref<128x128xf32, #tpu.memory_space<vmem_shared>>
    tpu.enqueue_dma source(%arg9 : memref<128x128xf32, #tpu.memory_space<vmem>>) target(%dma_start3A_35 : memref<128x128xf32, #tpu.memory_space<vmem_shared>>) target_semaphore(%arg16 : memref<!tpu.dma_semaphore, #tpu.memory_space<semaphore_mem>>)
    %add3A_36 = arith.constant 32 : i32
    %add3A_37 = arith.addi %arg1, %add3A_36 : i32
    %mul3A_38 = arith.constant 128 : i32
    %mul3A_39 = arith.muli %add3A_37, %mul3A_38 : i32
    %dma_start3A_40 = arith.constant 0 : i32
    %dma_start3A_41 = tpu.memref_slice %arg11[%mul3A_39, %dma_start3A_40] : memref<10240x128xf32, #tpu.memory_space<vmem_shared>> -> memref<128x128xf32, #tpu.memory_space<vmem_shared>>
    %dma_start3A_42 = arith.constant 0 : i32
    %dma_start3A_43 = tpu.memref_slice %arg11[%mul3A_39, %dma_start3A_42] : memref<10240x128xf32, #tpu.memory_space<vmem_shared>> -> memref<128x128xf32, #tpu.memory_space<vmem_shared>>
    tpu.enqueue_dma source(%arg9 : memref<128x128xf32, #tpu.memory_space<vmem>>) target(%dma_start3A_43 : memref<128x128xf32, #tpu.memory_space<vmem_shared>>) target_semaphore(%arg16 : memref<!tpu.dma_semaphore, #tpu.memory_space<semaphore_mem>>)
    %add3A_44 = arith.constant 48 : i32
    %add3A_45 = arith.addi %arg1, %add3A_44 : i32
    %mul3A_46 = arith.constant 128 : i32
    %mul3A_47 = arith.muli %add3A_45, %mul3A_46 : i32
    %dma_start3A_48 = arith.constant 0 : i32
    %dma_start3A_49 = tpu.memref_slice %arg11[%mul3A_47, %dma_start3A_48] : memref<10240x128xf32, #tpu.memory_space<vmem_shared>> -> memref<128x128xf32, #tpu.memory_space<vmem_shared>>
    %dma_start3A_50 = arith.constant 0 : i32
    %dma_start3A_51 = tpu.memref_slice %arg11[%mul3A_47, %dma_start3A_50] : memref<10240x128xf32, #tpu.memory_space<vmem_shared>> -> memref<128x128xf32, #tpu.memory_space<vmem_shared>>
    tpu.enqueue_dma source(%arg9 : memref<128x128xf32, #tpu.memory_space<vmem>>) target(%dma_start3A_51 : memref<128x128xf32, #tpu.memory_space<vmem_shared>>) target_semaphore(%arg16 : memref<!tpu.dma_semaphore, #tpu.memory_space<semaphore_mem>>)
    %add3A_52 = arith.constant 64 : i32
    %add3A_53 = arith.addi %arg1, %add3A_52 : i32
    %mul3A_54 = arith.constant 128 : i32
    %mul3A_55 = arith.muli %add3A_53, %mul3A_54 : i32
    %dma_start3A_56 = arith.constant 0 : i32
    %dma_start3A_57 = tpu.memref_slice %arg11[%mul3A_55, %dma_start3A_56] : memref<10240x128xf32, #tpu.memory_space<vmem_shared>> -> memref<128x128xf32, #tpu.memory_space<vmem_shared>>
    %dma_start3A_58 = arith.constant 0 : i32
    %dma_start3A_59 = tpu.memref_slice %arg11[%mul3A_55, %dma_start3A_58] : memref<10240x128xf32, #tpu.memory_space<vmem_shared>> -> memref<128x128xf32, #tpu.memory_space<vmem_shared>>
    tpu.enqueue_dma source(%arg9 : memref<128x128xf32, #tpu.memory_space<vmem>>) target(%dma_start3A_59 : memref<128x128xf32, #tpu.memory_space<vmem_shared>>) target_semaphore(%arg16 : memref<!tpu.dma_semaphore, #tpu.memory_space<semaphore_mem>>)
    %dma_wait3A_60 = arith.constant 0 : i32
    %dma_wait3A_61 = arith.constant 0 : i32
    %dma_wait3A_62 = tpu.memref_slice %arg11[%dma_wait3A_60, %dma_wait3A_61] : memref<10240x128xf32, #tpu.memory_space<vmem_shared>> -> memref<128x128xf32, #tpu.memory_space<vmem_shared>>
    %dma_wait3A_63 = arith.constant 0 : i32
    %dma_wait3A_64 = arith.constant 0 : i32
    %dma_wait3A_65 = tpu.memref_slice %arg11[%dma_wait3A_63, %dma_wait3A_64] : memref<10240x128xf32, #tpu.memory_space<vmem_shared>> -> memref<128x128xf32, #tpu.memory_space<vmem_shared>>
    tpu.wait_dma2 semaphore(%arg16 : memref<!tpu.dma_semaphore, #tpu.memory_space<semaphore_mem>>) src(%arg9 : memref<128x128xf32, #tpu.memory_space<vmem>>) dst(%dma_wait3A_65 : memref<128x128xf32, #tpu.memory_space<vmem_shared>>)
    %dma_wait3A_66 = arith.constant 0 : i32
    %dma_wait3A_67 = arith.constant 0 : i32
    %dma_wait3A_68 = tpu.memref_slice %arg11[%dma_wait3A_66, %dma_wait3A_67] : memref<10240x128xf32, #tpu.memory_space<vmem_shared>> -> memref<128x128xf32, #tpu.memory_space<vmem_shared>>
    %dma_wait3A_69 = arith.constant 0 : i32
    %dma_wait3A_70 = arith.constant 0 : i32
    %dma_wait3A_71 = tpu.memref_slice %arg11[%dma_wait3A_69, %dma_wait3A_70] : memref<10240x128xf32, #tpu.memory_space<vmem_shared>> -> memref<128x128xf32, #tpu.memory_space<vmem_shared>>
    tpu.wait_dma2 semaphore(%arg16 : memref<!tpu.dma_semaphore, #tpu.memory_space<semaphore_mem>>) src(%arg9 : memref<128x128xf32, #tpu.memory_space<vmem>>) dst(%dma_wait3A_71 : memref<128x128xf32, #tpu.memory_space<vmem_shared>>)
    %dma_wait3A_72 = arith.constant 0 : i32
    %dma_wait3A_73 = arith.constant 0 : i32
    %dma_wait3A_74 = tpu.memref_slice %arg11[%dma_wait3A_72, %dma_wait3A_73] : memref<10240x128xf32, #tpu.memory_space<vmem_shared>> -> memref<128x128xf32, #tpu.memory_space<vmem_shared>>
    %dma_wait3A_75 = arith.constant 0 : i32
    %dma_wait3A_76 = arith.constant 0 : i32
    %dma_wait3A_77 = tpu.memref_slice %arg11[%dma_wait3A_75, %dma_wait3A_76] : memref<10240x128xf32, #tpu.memory_space<vmem_shared>> -> memref<128x128xf32, #tpu.memory_space<vmem_shared>>
    tpu.wait_dma2 semaphore(%arg16 : memref<!tpu.dma_semaphore, #tpu.memory_space<semaphore_mem>>) src(%arg9 : memref<128x128xf32, #tpu.memory_space<vmem>>) dst(%dma_wait3A_77 : memref<128x128xf32, #tpu.memory_space<vmem_shared>>)
    %dma_wait3A_78 = arith.constant 0 : i32
    %dma_wait3A_79 = arith.constant 0 : i32
    %dma_wait3A_80 = tpu.memref_slice %arg11[%dma_wait3A_78, %dma_wait3A_79] : memref<10240x128xf32, #tpu.memory_space<vmem_shared>> -> memref<128x128xf32, #tpu.memory_space<vmem_shared>>
    %dma_wait3A_81 = arith.constant 0 : i32
    %dma_wait3A_82 = arith.constant 0 : i32
    %dma_wait3A_83 = tpu.memref_slice %arg11[%dma_wait3A_81, %dma_wait3A_82] : memref<10240x128xf32, #tpu.memory_space<vmem_shared>> -> memref<128x128xf32, #tpu.memory_space<vmem_shared>>
    tpu.wait_dma2 semaphore(%arg16 : memref<!tpu.dma_semaphore, #tpu.memory_space<semaphore_mem>>) src(%arg9 : memref<128x128xf32, #tpu.memory_space<vmem>>) dst(%dma_wait3A_83 : memref<128x128xf32, #tpu.memory_space<vmem_shared>>)
    %dma_wait3A_84 = arith.constant 0 : i32
    %dma_wait3A_85 = arith.constant 0 : i32
    %dma_wait3A_86 = tpu.memref_slice %arg11[%dma_wait3A_84, %dma_wait3A_85] : memref<10240x128xf32, #tpu.memory_space<vmem_shared>> -> memref<128x128xf32, #tpu.memory_space<vmem_shared>>
    %dma_wait3A_87 = arith.constant 0 : i32
    %dma_wait3A_88 = arith.constant 0 : i32
    %dma_wait3A_89 = tpu.memref_slice %arg11[%dma_wait3A_87, %dma_wait3A_88] : memref<10240x128xf32, #tpu.memory_space<vmem_shared>> -> memref<128x128xf32, #tpu.memory_space<vmem_shared>>
    tpu.wait_dma2 semaphore(%arg16 : memref<!tpu.dma_semaphore, #tpu.memory_space<semaphore_mem>>) src(%arg9 : memref<128x128xf32, #tpu.memory_space<vmem>>) dst(%dma_wait3A_89 : memref<128x128xf32, #tpu.memory_space<vmem_shared>>)
    %barrier3A = arith.constant 0 : index
    tpu.barrier barrier_id(%barrier3A)
    %dma_start3A_90 = arith.constant 0 : i32
    %dma_start3A_91 = arith.constant 0 : i32
    %dma_start3A_92 = tpu.memref_slice %arg6[%dma_start3A_90, %dma_start3A_91] : memref<79x128xi32, #tpu.memory_space<vmem>> -> memref<1x128xi32, #tpu.memory_space<vmem>>
    %dma_start3A_93 = tpu.memref_squeeze %dma_start3A_92 : memref<1x128xi32, #tpu.memory_space<vmem>> -> memref<128xi32, #tpu.memory_space<vmem>>
    %dma_start3A_94 = arith.constant 0 : i32
    %dma_start3A_95 = arith.constant 0 : i32
    %dma_start3A_96 = tpu.memref_slice %arg2[%dma_start3A_94, %dma_start3A_95] : memref<10240x128xf32, #tpu.memory_space<hbm>> -> memref<10240x128xf32, #tpu.memory_space<hbm>>
    tpu.enqueue_indirect_dma source(%dma_start3A_96 : memref<10240x128xf32, #tpu.memory_space<hbm>>) target(%arg9 : memref<128x128xf32, #tpu.memory_space<vmem>>) offsets(%dma_start3A_93 : memref<128xi32, #tpu.memory_space<vmem>>) semaphore(%arg12 : memref<!tpu.dma_semaphore, #tpu.memory_space<semaphore_mem>>)
    %dma_start3A_97 = arith.constant 0 : i32
    %dma_start3A_98 = arith.constant 0 : i32
    %dma_start3A_99 = tpu.memref_slice %arg4[%add3A, %dma_start3A_97, %dma_start3A_98] : memref<32x79x128xi32, #tpu.memory_space<hbm>> -> memref<1x1x128xi32, #tpu.memory_space<hbm>>
    %dma_start3A_100 = tpu.memref_squeeze %dma_start3A_99 : memref<1x1x128xi32, #tpu.memory_space<hbm>> -> memref<128xi32, #tpu.memory_space<hbm>>
    %dma_start3A_101 = arith.constant 0 : i32
    %dma_start3A_102 = tpu.memref_slice %arg4[%add3A, %dma_start3A_97, %dma_start3A_101] : memref<32x79x128xi32, #tpu.memory_space<hbm>> -> memref<1x1x128xi32, #tpu.memory_space<hbm>>
    %dma_start3A_103 = tpu.memref_squeeze %dma_start3A_102 : memref<1x1x128xi32, #tpu.memory_space<hbm>> -> memref<128xi32, #tpu.memory_space<hbm>>
    tpu.enqueue_dma source(%dma_start3A_103 : memref<128xi32, #tpu.memory_space<hbm>>) target(%arg7 : memref<128xi32, #tpu.memory_space<vmem>>) target_semaphore(%arg14 : memref<!tpu.dma_semaphore, #tpu.memory_space<semaphore_mem>>)
    %scan3A_104 = arith.constant 0 : i32
    %scan3A_105 = arith.constant 0 : i32
    %scan3A_106 = arith.constant 39 : i32
    %scan3A_107 = arith.addi %scan3A_105, %scan3A_106 : i32
    %scan3A_108 = arith.constant 1 : i32
    scf.for %scan3A_145 = %scan3A_105 to %scan3A_107 step %scan3A_108  : i32 {
      %mul3A_146 = arith.constant 2 : i32
      %mul3A_147 = arith.muli %mul3A_146, %scan3A_145 : i32
      %add3A_148 = arith.constant 1 : i32
      %add3A_149 = arith.addi %mul3A_147, %add3A_148 : i32
      %dma_start3A_150 = arith.constant 0 : i32
      %dma_start3A_151 = tpu.memref_slice %arg6[%add3A_149, %dma_start3A_150] : memref<79x128xi32, #tpu.memory_space<vmem>> -> memref<1x128xi32, #tpu.memory_space<vmem>>
      %dma_start3A_152 = tpu.memref_squeeze %dma_start3A_151 : memref<1x128xi32, #tpu.memory_space<vmem>> -> memref<128xi32, #tpu.memory_space<vmem>>
      %dma_start3A_153 = arith.constant 0 : i32
      %dma_start3A_154 = arith.constant 0 : i32
      %dma_start3A_155 = tpu.memref_slice %arg2[%dma_start3A_153, %dma_start3A_154] : memref<10240x128xf32, #tpu.memory_space<hbm>> -> memref<10240x128xf32, #tpu.memory_space<hbm>>
      tpu.enqueue_indirect_dma source(%dma_start3A_155 : memref<10240x128xf32, #tpu.memory_space<hbm>>) target(%arg10 : memref<128x128xf32, #tpu.memory_space<vmem>>) offsets(%dma_start3A_152 : memref<128xi32, #tpu.memory_space<vmem>>) semaphore(%arg13 : memref<!tpu.dma_semaphore, #tpu.memory_space<semaphore_mem>>)
      %mul3A_156 = arith.constant 2 : i32
      %mul3A_157 = arith.muli %mul3A_156, %scan3A_145 : i32
      %add3A_158 = arith.constant 1 : i32
      %add3A_159 = arith.addi %mul3A_157, %add3A_158 : i32
      %dma_start3A_160 = arith.constant 0 : i32
      %dma_start3A_161 = tpu.memref_slice %arg4[%add3A, %add3A_159, %dma_start3A_160] : memref<32x79x128xi32, #tpu.memory_space<hbm>> -> memref<1x1x128xi32, #tpu.memory_space<hbm>>
      %dma_start3A_162 = tpu.memref_squeeze %dma_start3A_161 : memref<1x1x128xi32, #tpu.memory_space<hbm>> -> memref<128xi32, #tpu.memory_space<hbm>>
      %dma_start3A_163 = arith.constant 0 : i32
      %dma_start3A_164 = tpu.memref_slice %arg4[%add3A, %add3A_159, %dma_start3A_163] : memref<32x79x128xi32, #tpu.memory_space<hbm>> -> memref<1x1x128xi32, #tpu.memory_space<hbm>>
      %dma_start3A_165 = tpu.memref_squeeze %dma_start3A_164 : memref<1x1x128xi32, #tpu.memory_space<hbm>> -> memref<128xi32, #tpu.memory_space<hbm>>
      tpu.enqueue_dma source(%dma_start3A_165 : memref<128xi32, #tpu.memory_space<hbm>>) target(%arg8 : memref<128xi32, #tpu.memory_space<vmem>>) target_semaphore(%arg15 : memref<!tpu.dma_semaphore, #tpu.memory_space<semaphore_mem>>)
      %dma_wait3A_166 = arith.constant 0 : i32
      %dma_wait3A_167 = arith.constant 0 : i32
      %dma_wait3A_168 = tpu.memref_slice %arg2[%dma_wait3A_166, %dma_wait3A_167] : memref<10240x128xf32, #tpu.memory_space<hbm>> -> memref<128x128xf32, #tpu.memory_space<hbm>>
      %dma_wait3A_169 = arith.constant 0 : i32
      %dma_wait3A_170 = arith.constant 0 : i32
      %dma_wait3A_171 = tpu.memref_slice %arg2[%dma_wait3A_169, %dma_wait3A_170] : memref<10240x128xf32, #tpu.memory_space<hbm>> -> memref<128x128xf32, #tpu.memory_space<hbm>>
      tpu.wait_dma2 semaphore(%arg12 : memref<!tpu.dma_semaphore, #tpu.memory_space<semaphore_mem>>) src(%dma_wait3A_171 : memref<128x128xf32, #tpu.memory_space<hbm>>) dst(%arg9 : memref<128x128xf32, #tpu.memory_space<vmem>>)
      %dma_wait3A_172 = arith.constant 0 : i32
      %dma_wait3A_173 = arith.constant 0 : i32
      %dma_wait3A_174 = arith.constant 0 : i32
      %dma_wait3A_175 = tpu.memref_slice %arg4[%dma_wait3A_172, %dma_wait3A_173, %dma_wait3A_174] : memref<32x79x128xi32, #tpu.memory_space<hbm>> -> memref<1x1x128xi32, #tpu.memory_space<hbm>>
      %dma_wait3A_176 = tpu.memref_squeeze %dma_wait3A_175 : memref<1x1x128xi32, #tpu.memory_space<hbm>> -> memref<128xi32, #tpu.memory_space<hbm>>
      %dma_wait3A_177 = arith.constant 0 : i32
      %dma_wait3A_178 = tpu.memref_slice %arg4[%dma_wait3A_172, %dma_wait3A_173, %dma_wait3A_177] : memref<32x79x128xi32, #tpu.memory_space<hbm>> -> memref<1x1x128xi32, #tpu.memory_space<hbm>>
      %dma_wait3A_179 = tpu.memref_squeeze %dma_wait3A_178 : memref<1x1x128xi32, #tpu.memory_space<hbm>> -> memref<128xi32, #tpu.memory_space<hbm>>
      tpu.wait_dma2 semaphore(%arg14 : memref<!tpu.dma_semaphore, #tpu.memory_space<semaphore_mem>>) src(%dma_wait3A_179 : memref<128xi32, #tpu.memory_space<hbm>>) dst(%arg7 : memref<128xi32, #tpu.memory_space<vmem>>)
      "tpu.region"() ({
        %run_scoped3A = tpu.sem_alloc : memref<!tpu.dma_semaphore, #tpu.memory_space<semaphore_mem>>
        %dma_start3A_214 = arith.constant 0 : i32
        %dma_start3A_215 = arith.constant 0 : i32
        %dma_start3A_216 = tpu.memref_slice %arg11[%dma_start3A_214, %dma_start3A_215] : memref<10240x128xf32, #tpu.memory_space<vmem_shared>> -> memref<10240x128xf32, #tpu.memory_space<vmem_shared>>
        tpu.enqueue_indirect_dma source(%arg9 : memref<128x128xf32, #tpu.memory_space<vmem>>) target(%dma_start3A_216 : memref<10240x128xf32, #tpu.memory_space<vmem_shared>>) offsets(%arg7 : memref<128xi32, #tpu.memory_space<vmem>>) semaphore(%run_scoped3A : memref<!tpu.dma_semaphore, #tpu.memory_space<semaphore_mem>>) {add = true}
        %dma_wait3A_217 = arith.constant 0 : i32
        %dma_wait3A_218 = arith.constant 0 : i32
        %dma_wait3A_219 = tpu.memref_slice %arg11[%dma_wait3A_217, %dma_wait3A_218] : memref<10240x128xf32, #tpu.memory_space<vmem_shared>> -> memref<10240x128xf32, #tpu.memory_space<vmem_shared>>
        tpu.wait_indirect_dma semaphore(%run_scoped3A : memref<!tpu.dma_semaphore, #tpu.memory_space<semaphore_mem>>) src(%arg9 : memref<128x128xf32, #tpu.memory_space<vmem>>) dst(%dma_wait3A_219 : memref<10240x128xf32, #tpu.memory_space<vmem_shared>>)
        tpu.yield
      }) : () -> ()
      %mul3A_180 = arith.constant 2 : i32
      %mul3A_181 = arith.muli %mul3A_180, %scan3A_145 : i32
      %add3A_182 = arith.constant 2 : i32
      %add3A_183 = arith.addi %mul3A_181, %add3A_182 : i32
      %dma_start3A_184 = arith.constant 0 : i32
      %dma_start3A_185 = tpu.memref_slice %arg6[%add3A_183, %dma_start3A_184] : memref<79x128xi32, #tpu.memory_space<vmem>> -> memref<1x128xi32, #tpu.memory_space<vmem>>
      %dma_start3A_186 = tpu.memref_squeeze %dma_start3A_185 : memref<1x128xi32, #tpu.memory_space<vmem>> -> memref<128xi32, #tpu.memory_space<vmem>>
      %dma_start3A_187 = arith.constant 0 : i32
      %dma_start3A_188 = arith.constant 0 : i32
      %dma_start3A_189 = tpu.memref_slice %arg2[%dma_start3A_187, %dma_start3A_188] : memref<10240x128xf32, #tpu.memory_space<hbm>> -> memref<10240x128xf32, #tpu.memory_space<hbm>>
      tpu.enqueue_indirect_dma source(%dma_start3A_189 : memref<10240x128xf32, #tpu.memory_space<hbm>>) target(%arg9 : memref<128x128xf32, #tpu.memory_space<vmem>>) offsets(%dma_start3A_186 : memref<128xi32, #tpu.memory_space<vmem>>) semaphore(%arg12 : memref<!tpu.dma_semaphore, #tpu.memory_space<semaphore_mem>>)
      %mul3A_190 = arith.constant 2 : i32
      %mul3A_191 = arith.muli %mul3A_190, %scan3A_145 : i32
      %add3A_192 = arith.constant 2 : i32
      %add3A_193 = arith.addi %mul3A_191, %add3A_192 : i32
      %dma_start3A_194 = arith.constant 0 : i32
      %dma_start3A_195 = tpu.memref_slice %arg4[%add3A, %add3A_193, %dma_start3A_194] : memref<32x79x128xi32, #tpu.memory_space<hbm>> -> memref<1x1x128xi32, #tpu.memory_space<hbm>>
      %dma_start3A_196 = tpu.memref_squeeze %dma_start3A_195 : memref<1x1x128xi32, #tpu.memory_space<hbm>> -> memref<128xi32, #tpu.memory_space<hbm>>
      %dma_start3A_197 = arith.constant 0 : i32
      %dma_start3A_198 = tpu.memref_slice %arg4[%add3A, %add3A_193, %dma_start3A_197] : memref<32x79x128xi32, #tpu.memory_space<hbm>> -> memref<1x1x128xi32, #tpu.memory_space<hbm>>
      %dma_start3A_199 = tpu.memref_squeeze %dma_start3A_198 : memref<1x1x128xi32, #tpu.memory_space<hbm>> -> memref<128xi32, #tpu.memory_space<hbm>>
      tpu.enqueue_dma source(%dma_start3A_199 : memref<128xi32, #tpu.memory_space<hbm>>) target(%arg7 : memref<128xi32, #tpu.memory_space<vmem>>) target_semaphore(%arg14 : memref<!tpu.dma_semaphore, #tpu.memory_space<semaphore_mem>>)
      %dma_wait3A_200 = arith.constant 0 : i32
      %dma_wait3A_201 = arith.constant 0 : i32
      %dma_wait3A_202 = tpu.memref_slice %arg2[%dma_wait3A_200, %dma_wait3A_201] : memref<10240x128xf32, #tpu.memory_space<hbm>> -> memref<128x128xf32, #tpu.memory_space<hbm>>
      %dma_wait3A_203 = arith.constant 0 : i32
      %dma_wait3A_204 = arith.constant 0 : i32
      %dma_wait3A_205 = tpu.memref_slice %arg2[%dma_wait3A_203, %dma_wait3A_204] : memref<10240x128xf32, #tpu.memory_space<hbm>> -> memref<128x128xf32, #tpu.memory_space<hbm>>
      tpu.wait_dma2 semaphore(%arg13 : memref<!tpu.dma_semaphore, #tpu.memory_space<semaphore_mem>>) src(%dma_wait3A_205 : memref<128x128xf32, #tpu.memory_space<hbm>>) dst(%arg10 : memref<128x128xf32, #tpu.memory_space<vmem>>)
      %dma_wait3A_206 = arith.constant 0 : i32
      %dma_wait3A_207 = arith.constant 0 : i32
      %dma_wait3A_208 = arith.constant 0 : i32
      %dma_wait3A_209 = tpu.memref_slice %arg4[%dma_wait3A_206, %dma_wait3A_207, %dma_wait3A_208] : memref<32x79x128xi32, #tpu.memory_space<hbm>> -> memref<1x1x128xi32, #tpu.memory_space<hbm>>
      %dma_wait3A_210 = tpu.memref_squeeze %dma_wait3A_209 : memref<1x1x128xi32, #tpu.memory_space<hbm>> -> memref<128xi32, #tpu.memory_space<hbm>>
      %dma_wait3A_211 = arith.constant 0 : i32
      %dma_wait3A_212 = tpu.memref_slice %arg4[%dma_wait3A_206, %dma_wait3A_207, %dma_wait3A_211] : memref<32x79x128xi32, #tpu.memory_space<hbm>> -> memref<1x1x128xi32, #tpu.memory_space<hbm>>
      %dma_wait3A_213 = tpu.memref_squeeze %dma_wait3A_212 : memref<1x1x128xi32, #tpu.memory_space<hbm>> -> memref<128xi32, #tpu.memory_space<hbm>>
      tpu.wait_dma2 semaphore(%arg15 : memref<!tpu.dma_semaphore, #tpu.memory_space<semaphore_mem>>) src(%dma_wait3A_213 : memref<128xi32, #tpu.memory_space<hbm>>) dst(%arg8 : memref<128xi32, #tpu.memory_space<vmem>>)
      "tpu.region"() ({
        %run_scoped3A = tpu.sem_alloc : memref<!tpu.dma_semaphore, #tpu.memory_space<semaphore_mem>>
        %dma_start3A_214 = arith.constant 0 : i32
        %dma_start3A_215 = arith.constant 0 : i32
        %dma_start3A_216 = tpu.memref_slice %arg11[%dma_start3A_214, %dma_start3A_215] : memref<10240x128xf32, #tpu.memory_space<vmem_shared>> -> memref<10240x128xf32, #tpu.memory_space<vmem_shared>>
        tpu.enqueue_indirect_dma source(%arg10 : memref<128x128xf32, #tpu.memory_space<vmem>>) target(%dma_start3A_216 : memref<10240x128xf32, #tpu.memory_space<vmem_shared>>) offsets(%arg8 : memref<128xi32, #tpu.memory_space<vmem>>) semaphore(%run_scoped3A : memref<!tpu.dma_semaphore, #tpu.memory_space<semaphore_mem>>) {add = true}
        %dma_wait3A_217 = arith.constant 0 : i32
        %dma_wait3A_218 = arith.constant 0 : i32
        %dma_wait3A_219 = tpu.memref_slice %arg11[%dma_wait3A_217, %dma_wait3A_218] : memref<10240x128xf32, #tpu.memory_space<vmem_shared>> -> memref<10240x128xf32, #tpu.memory_space<vmem_shared>>
        tpu.wait_indirect_dma semaphore(%run_scoped3A : memref<!tpu.dma_semaphore, #tpu.memory_space<semaphore_mem>>) src(%arg10 : memref<128x128xf32, #tpu.memory_space<vmem>>) dst(%dma_wait3A_219 : memref<10240x128xf32, #tpu.memory_space<vmem_shared>>)
        tpu.yield
      }) : () -> ()
    }
    %scan3A_109 = arith.constant 39 : i32
    %dma_wait3A_110 = arith.constant 0 : i32
    %dma_wait3A_111 = arith.constant 0 : i32
    %dma_wait3A_112 = tpu.memref_slice %arg2[%dma_wait3A_110, %dma_wait3A_111] : memref<10240x128xf32, #tpu.memory_space<hbm>> -> memref<128x128xf32, #tpu.memory_space<hbm>>
    %dma_wait3A_113 = arith.constant 0 : i32
    %dma_wait3A_114 = arith.constant 0 : i32
    %dma_wait3A_115 = tpu.memref_slice %arg2[%dma_wait3A_113, %dma_wait3A_114] : memref<10240x128xf32, #tpu.memory_space<hbm>> -> memref<128x128xf32, #tpu.memory_space<hbm>>
    tpu.wait_dma2 semaphore(%arg12 : memref<!tpu.dma_semaphore, #tpu.memory_space<semaphore_mem>>) src(%dma_wait3A_115 : memref<128x128xf32, #tpu.memory_space<hbm>>) dst(%arg9 : memref<128x128xf32, #tpu.memory_space<vmem>>)
    %dma_wait3A_116 = arith.constant 0 : i32
    %dma_wait3A_117 = arith.constant 0 : i32
    %dma_wait3A_118 = arith.constant 0 : i32
    %dma_wait3A_119 = tpu.memref_slice %arg4[%dma_wait3A_116, %dma_wait3A_117, %dma_wait3A_118] : memref<32x79x128xi32, #tpu.memory_space<hbm>> -> memref<1x1x128xi32, #tpu.memory_space<hbm>>
    %dma_wait3A_120 = tpu.memref_squeeze %dma_wait3A_119 : memref<1x1x128xi32, #tpu.memory_space<hbm>> -> memref<128xi32, #tpu.memory_space<hbm>>
    %dma_wait3A_121 = arith.constant 0 : i32
    %dma_wait3A_122 = tpu.memref_slice %arg4[%dma_wait3A_116, %dma_wait3A_117, %dma_wait3A_121] : memref<32x79x128xi32, #tpu.memory_space<hbm>> -> memref<1x1x128xi32, #tpu.memory_space<hbm>>
    %dma_wait3A_123 = tpu.memref_squeeze %dma_wait3A_122 : memref<1x1x128xi32, #tpu.memory_space<hbm>> -> memref<128xi32, #tpu.memory_space<hbm>>
    tpu.wait_dma2 semaphore(%arg14 : memref<!tpu.dma_semaphore, #tpu.memory_space<semaphore_mem>>) src(%dma_wait3A_123 : memref<128xi32, #tpu.memory_space<hbm>>) dst(%arg7 : memref<128xi32, #tpu.memory_space<vmem>>)
    "tpu.region"() ({
      %run_scoped3A = tpu.sem_alloc : memref<!tpu.dma_semaphore, #tpu.memory_space<semaphore_mem>>
      %dma_start3A_145 = arith.constant 0 : i32
      %dma_start3A_146 = arith.constant 0 : i32
      %dma_start3A_147 = tpu.memref_slice %arg11[%dma_start3A_145, %dma_start3A_146] : memref<10240x128xf32, #tpu.memory_space<vmem_shared>> -> memref<10240x128xf32, #tpu.memory_space<vmem_shared>>
      tpu.enqueue_indirect_dma source(%arg9 : memref<128x128xf32, #tpu.memory_space<vmem>>) target(%dma_start3A_147 : memref<10240x128xf32, #tpu.memory_space<vmem_shared>>) offsets(%arg7 : memref<128xi32, #tpu.memory_space<vmem>>) semaphore(%run_scoped3A : memref<!tpu.dma_semaphore, #tpu.memory_space<semaphore_mem>>) {add = true}
      %dma_wait3A_148 = arith.constant 0 : i32
      %dma_wait3A_149 = arith.constant 0 : i32
      %dma_wait3A_150 = tpu.memref_slice %arg11[%dma_wait3A_148, %dma_wait3A_149] : memref<10240x128xf32, #tpu.memory_space<vmem_shared>> -> memref<10240x128xf32, #tpu.memory_space<vmem_shared>>
      tpu.wait_indirect_dma semaphore(%run_scoped3A : memref<!tpu.dma_semaphore, #tpu.memory_space<semaphore_mem>>) src(%arg9 : memref<128x128xf32, #tpu.memory_space<vmem>>) dst(%dma_wait3A_150 : memref<10240x128xf32, #tpu.memory_space<vmem_shared>>)
      tpu.yield
    }) : () -> ()
    %barrier3A_124 = arith.constant 0 : index
    tpu.barrier barrier_id(%barrier3A_124)
    %add3A_125 = arith.constant 0 : i32
    %add3A_126 = arith.addi %arg1, %add3A_125 : i32
    %mul3A_127 = arith.constant 128 : i32
    %mul3A_128 = arith.muli %add3A_126, %mul3A_127 : i32
    "tpu.region"() ({
      %run_scoped3A = tpu.sem_alloc : memref<!tpu.dma_semaphore, #tpu.memory_space<semaphore_mem>>
      %dma_start3A_145 = arith.constant 0 : i32
      %dma_start3A_146 = tpu.memref_slice %arg5[%arg0, %mul3A_128, %dma_start3A_145] : memref<2x10240x128xf32, #tpu.memory_space<hbm>> -> memref<1x128x128xf32, #tpu.memory_space<hbm>>
      %dma_start3A_147 = tpu.memref_squeeze %dma_start3A_146 : memref<1x128x128xf32, #tpu.memory_space<hbm>> -> memref<128x128xf32, #tpu.memory_space<hbm>>
      %dma_start3A_148 = arith.constant 0 : i32
      %dma_start3A_149 = tpu.memref_slice %arg11[%mul3A_128, %dma_start3A_148] : memref<10240x128xf32, #tpu.memory_space<vmem_shared>> -> memref<128x128xf32, #tpu.memory_space<vmem_shared>>
      tpu.enqueue_dma source(%dma_start3A_149 : memref<128x128xf32, #tpu.memory_space<vmem_shared>>) target(%dma_start3A_147 : memref<128x128xf32, #tpu.memory_space<hbm>>) target_semaphore(%run_scoped3A : memref<!tpu.dma_semaphore, #tpu.memory_space<semaphore_mem>>)
      %dma_wait3A_150 = arith.constant 0 : i32
      %dma_wait3A_151 = tpu.memref_slice %arg5[%arg0, %mul3A_128, %dma_wait3A_150] : memref<2x10240x128xf32, #tpu.memory_space<hbm>> -> memref<1x128x128xf32, #tpu.memory_space<hbm>>
      %dma_wait3A_152 = tpu.memref_squeeze %dma_wait3A_151 : memref<1x128x128xf32, #tpu.memory_space<hbm>> -> memref<128x128xf32, #tpu.memory_space<hbm>>
      %dma_wait3A_153 = arith.constant 0 : i32
      %dma_wait3A_154 = tpu.memref_slice %arg11[%mul3A_128, %dma_wait3A_153] : memref<10240x128xf32, #tpu.memory_space<vmem_shared>> -> memref<128x128xf32, #tpu.memory_space<vmem_shared>>
      tpu.wait_dma2 semaphore(%run_scoped3A : memref<!tpu.dma_semaphore, #tpu.memory_space<semaphore_mem>>) src(%dma_wait3A_154 : memref<128x128xf32, #tpu.memory_space<vmem_shared>>) dst(%dma_wait3A_152 : memref<128x128xf32, #tpu.memory_space<hbm>>)
      tpu.yield
    }) : () -> ()
    %add3A_129 = arith.constant 16 : i32
    %add3A_130 = arith.addi %arg1, %add3A_129 : i32
    %mul3A_131 = arith.constant 128 : i32
    %mul3A_132 = arith.muli %add3A_130, %mul3A_131 : i32
    "tpu.region"() ({
      %run_scoped3A = tpu.sem_alloc : memref<!tpu.dma_semaphore, #tpu.memory_space<semaphore_mem>>
      %dma_start3A_145 = arith.constant 0 : i32
      %dma_start3A_146 = tpu.memref_slice %arg5[%arg0, %mul3A_132, %dma_start3A_145] : memref<2x10240x128xf32, #tpu.memory_space<hbm>> -> memref<1x128x128xf32, #tpu.memory_space<hbm>>
      %dma_start3A_147 = tpu.memref_squeeze %dma_start3A_146 : memref<1x128x128xf32, #tpu.memory_space<hbm>> -> memref<128x128xf32, #tpu.memory_space<hbm>>
      %dma_start3A_148 = arith.constant 0 : i32
      %dma_start3A_149 = tpu.memref_slice %arg11[%mul3A_132, %dma_start3A_148] : memref<10240x128xf32, #tpu.memory_space<vmem_shared>> -> memref<128x128xf32, #tpu.memory_space<vmem_shared>>
      tpu.enqueue_dma source(%dma_start3A_149 : memref<128x128xf32, #tpu.memory_space<vmem_shared>>) target(%dma_start3A_147 : memref<128x128xf32, #tpu.memory_space<hbm>>) target_semaphore(%run_scoped3A : memref<!tpu.dma_semaphore, #tpu.memory_space<semaphore_mem>>)
      %dma_wait3A_150 = arith.constant 0 : i32
      %dma_wait3A_151 = tpu.memref_slice %arg5[%arg0, %mul3A_132, %dma_wait3A_150] : memref<2x10240x128xf32, #tpu.memory_space<hbm>> -> memref<1x128x128xf32, #tpu.memory_space<hbm>>
      %dma_wait3A_152 = tpu.memref_squeeze %dma_wait3A_151 : memref<1x128x128xf32, #tpu.memory_space<hbm>> -> memref<128x128xf32, #tpu.memory_space<hbm>>
      %dma_wait3A_153 = arith.constant 0 : i32
      %dma_wait3A_154 = tpu.memref_slice %arg11[%mul3A_132, %dma_wait3A_153] : memref<10240x128xf32, #tpu.memory_space<vmem_shared>> -> memref<128x128xf32, #tpu.memory_space<vmem_shared>>
      tpu.wait_dma2 semaphore(%run_scoped3A : memref<!tpu.dma_semaphore, #tpu.memory_space<semaphore_mem>>) src(%dma_wait3A_154 : memref<128x128xf32, #tpu.memory_space<vmem_shared>>) dst(%dma_wait3A_152 : memref<128x128xf32, #tpu.memory_space<hbm>>)
      tpu.yield
    }) : () -> ()
    %add3A_133 = arith.constant 32 : i32
    %add3A_134 = arith.addi %arg1, %add3A_133 : i32
    %mul3A_135 = arith.constant 128 : i32
    %mul3A_136 = arith.muli %add3A_134, %mul3A_135 : i32
    "tpu.region"() ({
      %run_scoped3A = tpu.sem_alloc : memref<!tpu.dma_semaphore, #tpu.memory_space<semaphore_mem>>
      %dma_start3A_145 = arith.constant 0 : i32
      %dma_start3A_146 = tpu.memref_slice %arg5[%arg0, %mul3A_136, %dma_start3A_145] : memref<2x10240x128xf32, #tpu.memory_space<hbm>> -> memref<1x128x128xf32, #tpu.memory_space<hbm>>
      %dma_start3A_147 = tpu.memref_squeeze %dma_start3A_146 : memref<1x128x128xf32, #tpu.memory_space<hbm>> -> memref<128x128xf32, #tpu.memory_space<hbm>>
      %dma_start3A_148 = arith.constant 0 : i32
      %dma_start3A_149 = tpu.memref_slice %arg11[%mul3A_136, %dma_start3A_148] : memref<10240x128xf32, #tpu.memory_space<vmem_shared>> -> memref<128x128xf32, #tpu.memory_space<vmem_shared>>
      tpu.enqueue_dma source(%dma_start3A_149 : memref<128x128xf32, #tpu.memory_space<vmem_shared>>) target(%dma_start3A_147 : memref<128x128xf32, #tpu.memory_space<hbm>>) target_semaphore(%run_scoped3A : memref<!tpu.dma_semaphore, #tpu.memory_space<semaphore_mem>>)
      %dma_wait3A_150 = arith.constant 0 : i32
      %dma_wait3A_151 = tpu.memref_slice %arg5[%arg0, %mul3A_136, %dma_wait3A_150] : memref<2x10240x128xf32, #tpu.memory_space<hbm>> -> memref<1x128x128xf32, #tpu.memory_space<hbm>>
      %dma_wait3A_152 = tpu.memref_squeeze %dma_wait3A_151 : memref<1x128x128xf32, #tpu.memory_space<hbm>> -> memref<128x128xf32, #tpu.memory_space<hbm>>
      %dma_wait3A_153 = arith.constant 0 : i32
      %dma_wait3A_154 = tpu.memref_slice %arg11[%mul3A_136, %dma_wait3A_153] : memref<10240x128xf32, #tpu.memory_space<vmem_shared>> -> memref<128x128xf32, #tpu.memory_space<vmem_shared>>
      tpu.wait_dma2 semaphore(%run_scoped3A : memref<!tpu.dma_semaphore, #tpu.memory_space<semaphore_mem>>) src(%dma_wait3A_154 : memref<128x128xf32, #tpu.memory_space<vmem_shared>>) dst(%dma_wait3A_152 : memref<128x128xf32, #tpu.memory_space<hbm>>)
      tpu.yield
    }) : () -> ()
    %add3A_137 = arith.constant 48 : i32
    %add3A_138 = arith.addi %arg1, %add3A_137 : i32
    %mul3A_139 = arith.constant 128 : i32
    %mul3A_140 = arith.muli %add3A_138, %mul3A_139 : i32
    "tpu.region"() ({
      %run_scoped3A = tpu.sem_alloc : memref<!tpu.dma_semaphore, #tpu.memory_space<semaphore_mem>>
      %dma_start3A_145 = arith.constant 0 : i32
      %dma_start3A_146 = tpu.memref_slice %arg5[%arg0, %mul3A_140, %dma_start3A_145] : memref<2x10240x128xf32, #tpu.memory_space<hbm>> -> memref<1x128x128xf32, #tpu.memory_space<hbm>>
      %dma_start3A_147 = tpu.memref_squeeze %dma_start3A_146 : memref<1x128x128xf32, #tpu.memory_space<hbm>> -> memref<128x128xf32, #tpu.memory_space<hbm>>
      %dma_start3A_148 = arith.constant 0 : i32
      %dma_start3A_149 = tpu.memref_slice %arg11[%mul3A_140, %dma_start3A_148] : memref<10240x128xf32, #tpu.memory_space<vmem_shared>> -> memref<128x128xf32, #tpu.memory_space<vmem_shared>>
      tpu.enqueue_dma source(%dma_start3A_149 : memref<128x128xf32, #tpu.memory_space<vmem_shared>>) target(%dma_start3A_147 : memref<128x128xf32, #tpu.memory_space<hbm>>) target_semaphore(%run_scoped3A : memref<!tpu.dma_semaphore, #tpu.memory_space<semaphore_mem>>)
      %dma_wait3A_150 = arith.constant 0 : i32
      %dma_wait3A_151 = tpu.memref_slice %arg5[%arg0, %mul3A_140, %dma_wait3A_150] : memref<2x10240x128xf32, #tpu.memory_space<hbm>> -> memref<1x128x128xf32, #tpu.memory_space<hbm>>
      %dma_wait3A_152 = tpu.memref_squeeze %dma_wait3A_151 : memref<1x128x128xf32, #tpu.memory_space<hbm>> -> memref<128x128xf32, #tpu.memory_space<hbm>>
      %dma_wait3A_153 = arith.constant 0 : i32
      %dma_wait3A_154 = tpu.memref_slice %arg11[%mul3A_140, %dma_wait3A_153] : memref<10240x128xf32, #tpu.memory_space<vmem_shared>> -> memref<128x128xf32, #tpu.memory_space<vmem_shared>>
      tpu.wait_dma2 semaphore(%run_scoped3A : memref<!tpu.dma_semaphore, #tpu.memory_space<semaphore_mem>>) src(%dma_wait3A_154 : memref<128x128xf32, #tpu.memory_space<vmem_shared>>) dst(%dma_wait3A_152 : memref<128x128xf32, #tpu.memory_space<hbm>>)
      tpu.yield
    }) : () -> ()
    %add3A_141 = arith.constant 64 : i32
    %add3A_142 = arith.addi %arg1, %add3A_141 : i32
    %mul3A_143 = arith.constant 128 : i32
    %mul3A_144 = arith.muli %add3A_142, %mul3A_143 : i32
    "tpu.region"() ({
      %run_scoped3A = tpu.sem_alloc : memref<!tpu.dma_semaphore, #tpu.memory_space<semaphore_mem>>
      %dma_start3A_145 = arith.constant 0 : i32
      %dma_start3A_146 = tpu.memref_slice %arg5[%arg0, %mul3A_144, %dma_start3A_145] : memref<2x10240x128xf32, #tpu.memory_space<hbm>> -> memref<1x128x128xf32, #tpu.memory_space<hbm>>
      %dma_start3A_147 = tpu.memref_squeeze %dma_start3A_146 : memref<1x128x128xf32, #tpu.memory_space<hbm>> -> memref<128x128xf32, #tpu.memory_space<hbm>>
      %dma_start3A_148 = arith.constant 0 : i32
      %dma_start3A_149 = tpu.memref_slice %arg11[%mul3A_144, %dma_start3A_148] : memref<10240x128xf32, #tpu.memory_space<vmem_shared>> -> memref<128x128xf32, #tpu.memory_space<vmem_shared>>
      tpu.enqueue_dma source(%dma_start3A_149 : memref<128x128xf32, #tpu.memory_space<vmem_shared>>) target(%dma_start3A_147 : memref<128x128xf32, #tpu.memory_space<hbm>>) target_semaphore(%run_scoped3A : memref<!tpu.dma_semaphore, #tpu.memory_space<semaphore_mem>>)
      %dma_wait3A_150 = arith.constant 0 : i32
      %dma_wait3A_151 = tpu.memref_slice %arg5[%arg0, %mul3A_144, %dma_wait3A_150] : memref<2x10240x128xf32, #tpu.memory_space<hbm>> -> memref<1x128x128xf32, #tpu.memory_space<hbm>>
      %dma_wait3A_152 = tpu.memref_squeeze %dma_wait3A_151 : memref<1x128x128xf32, #tpu.memory_space<hbm>> -> memref<128x128xf32, #tpu.memory_space<hbm>>
      %dma_wait3A_153 = arith.constant 0 : i32
      %dma_wait3A_154 = tpu.memref_slice %arg11[%mul3A_144, %dma_wait3A_153] : memref<10240x128xf32, #tpu.memory_space<vmem_shared>> -> memref<128x128xf32, #tpu.memory_space<vmem_shared>>
      tpu.wait_dma2 semaphore(%run_scoped3A : memref<!tpu.dma_semaphore, #tpu.memory_space<semaphore_mem>>) src(%dma_wait3A_154 : memref<128x128xf32, #tpu.memory_space<vmem_shared>>) dst(%dma_wait3A_152 : memref<128x128xf32, #tpu.memory_space<hbm>>)
      tpu.yield
    }) : () -> ()
    return
  }
}

#map = affine_map<(d0, d1) -> (0, 0)>
#map1 = affine_map<(d0, d1) -> (0, 0, 0)>
module attributes {stable_mosaic.version = 14 : i64} {
  func.func @conv_kernel(%arg0: i32, %arg1: i32, %arg2: memref<10240x128xf32, #tpu.memory_space<hbm>>, %arg3: memref<32x79x128xi32, #tpu.memory_space<hbm>>, %arg4: memref<32x79x128xi32, #tpu.memory_space<hbm>>, %arg5: memref<2x10240x128xf32, #tpu.memory_space<hbm>>, %arg6: memref<79x128xi32, #tpu.memory_space<vmem>>, %arg7: memref<128xi32, #tpu.memory_space<vmem>>, %arg8: memref<128xi32, #tpu.memory_space<vmem>>, %arg9: memref<128x128xf32, #tpu.memory_space<vmem>>, %arg10: memref<128x128xf32, #tpu.memory_space<vmem>>, %arg11: memref<10240x128xf32, #tpu.memory_space<vmem_shared>>, %arg12: memref<!tpu.dma_semaphore, #tpu.memory_space<semaphore_mem>>, %arg13: memref<!tpu.dma_semaphore, #tpu.memory_space<semaphore_mem>>, %arg14: memref<!tpu.dma_semaphore, #tpu.memory_space<semaphore_mem>>, %arg15: memref<!tpu.dma_semaphore, #tpu.memory_space<semaphore_mem>>, %arg16: memref<!tpu.dma_semaphore, #tpu.memory_space<semaphore_mem>>) attributes {dimension_semantics = [#tpu.dimension_semantics<core_parallel>, #tpu.dimension_semantics<subcore_parallel>], iteration_bounds = array<i64: 2, 16>, scalar_prefetch = 0 : i64, scratch_operands = 11 : i64, tpu.core_type = #tpu.core_type<sc_vector_subcore>, window_params = [{transform_indices = #map}, {transform_indices = #map1}, {transform_indices = #map1}, {transform_indices = #map1}]} {
    %mul3A = arith.constant 2 : i32
    %mul3A_0 = arith.muli %arg1, %mul3A : i32
    %add3A = arith.addi %mul3A_0, %arg0 : i32
    %dma_start3A = arith.constant 0 : i32
    %dma_start3A_1 = arith.constant 0 : i32
    %dma_start3A_2 = tpu.memref_slice %arg3[%add3A, %dma_start3A, %dma_start3A_1] : memref<32x79x128xi32, #tpu.memory_space<hbm>> -> memref<1x79x128xi32, #tpu.memory_space<hbm>>
    %dma_start3A_3 = tpu.memref_squeeze %dma_start3A_2 : memref<1x79x128xi32, #tpu.memory_space<hbm>> -> memref<79x128xi32, #tpu.memory_space<hbm>>
    %dma_start3A_4 = arith.constant 0 : i32
    %dma_start3A_5 = arith.constant 0 : i32
    %dma_start3A_6 = tpu.memref_slice %arg3[%add3A, %dma_start3A_4, %dma_start3A_5] : memref<32x79x128xi32, #tpu.memory_space<hbm>> -> memref<1x79x128xi32, #tpu.memory_space<hbm>>
    %dma_start3A_7 = tpu.memref_squeeze %dma_start3A_6 : memref<1x79x128xi32, #tpu.memory_space<hbm>> -> memref<79x128xi32, #tpu.memory_space<hbm>>
    tpu.enqueue_dma source(%dma_start3A_7 : memref<79x128xi32, #tpu.memory_space<hbm>>) target(%arg6 : memref<79x128xi32, #tpu.memory_space<vmem>>) target_semaphore(%arg16 : memref<!tpu.dma_semaphore, #tpu.memory_space<semaphore_mem>>)
    %scan3A = arith.constant 0 : i32
    %scan3A_8 = arith.constant 0 : i32
    %scan3A_9 = arith.constant 128 : i32
    %scan3A_10 = arith.addi %scan3A_8, %scan3A_9 : i32
    %scan3A_11 = arith.constant 1 : i32
    scf.for %scan3A_145 = %scan3A_8 to %scan3A_10 step %scan3A_11  : i32 {
      %broadcast_in_dim3A = arith.constant 0.000000e+00 : f32
      %broadcast_in_dim3A_146 = vector.broadcast %broadcast_in_dim3A : f32 to vector<16xf32>
      %swap3A = arith.index_cast %scan3A_145 : i32 to index
      %swap3A_147 = arith.constant 0 : index
      %swap3A_148 = tpu.vector_load %arg9[%swap3A, %swap3A_147] {strides = array<i32>} : memref<128x128xf32, #tpu.memory_space<vmem>>, vector<1x16xf32>,
      %swap3A_149 = vector.shape_cast %swap3A_148 : vector<1x16xf32> to vector<16xf32>
      %swap3A_150 = vector.shape_cast %broadcast_in_dim3A_146 : vector<16xf32> to vector<1x16xf32>
      tpu.vector_store %arg9[%swap3A, %swap3A_147], %swap3A_150 {strides = array<i32>} : memref<128x128xf32, #tpu.memory_space<vmem>>, vector<1x16xf32>,
      %broadcast_in_dim3A_151 = arith.constant 0.000000e+00 : f32
      %broadcast_in_dim3A_152 = vector.broadcast %broadcast_in_dim3A_151 : f32 to vector<16xf32>
      %swap3A_153 = arith.index_cast %scan3A_145 : i32 to index
      %swap3A_154 = arith.constant 16 : index
      %swap3A_155 = tpu.vector_load %arg9[%swap3A_153, %swap3A_154] {strides = array<i32>} : memref<128x128xf32, #tpu.memory_space<vmem>>, vector<1x16xf32>,
      %swap3A_156 = vector.shape_cast %swap3A_155 : vector<1x16xf32> to vector<16xf32>
      %swap3A_157 = vector.shape_cast %broadcast_in_dim3A_152 : vector<16xf32> to vector<1x16xf32>
      tpu.vector_store %arg9[%swap3A_153, %swap3A_154], %swap3A_157 {strides = array<i32>} : memref<128x128xf32, #tpu.memory_space<vmem>>, vector<1x16xf32>,
      %broadcast_in_dim3A_158 = arith.constant 0.000000e+00 : f32
      %broadcast_in_dim3A_159 = vector.broadcast %broadcast_in_dim3A_158 : f32 to vector<16xf32>
      %swap3A_160 = arith.index_cast %scan3A_145 : i32 to index
      %swap3A_161 = arith.constant 32 : index
      %swap3A_162 = tpu.vector_load %arg9[%swap3A_160, %swap3A_161] {strides = array<i32>} : memref<128x128xf32, #tpu.memory_space<vmem>>, vector<1x16xf32>,
      %swap3A_163 = vector.shape_cast %swap3A_162 : vector<1x16xf32> to vector<16xf32>
      %swap3A_164 = vector.shape_cast %broadcast_in_dim3A_159 : vector<16xf32> to vector<1x16xf32>
      tpu.vector_store %arg9[%swap3A_160, %swap3A_161], %swap3A_164 {strides = array<i32>} : memref<128x128xf32, #tpu.memory_space<vmem>>, vector<1x16xf32>,
      %broadcast_in_dim3A_165 = arith.constant 0.000000e+00 : f32
      %broadcast_in_dim3A_166 = vector.broadcast %broadcast_in_dim3A_165 : f32 to vector<16xf32>
      %swap3A_167 = arith.index_cast %scan3A_145 : i32 to index
      %swap3A_168 = arith.constant 48 : index
      %swap3A_169 = tpu.vector_load %arg9[%swap3A_167, %swap3A_168] {strides = array<i32>} : memref<128x128xf32, #tpu.memory_space<vmem>>, vector<1x16xf32>,
      %swap3A_170 = vector.shape_cast %swap3A_169 : vector<1x16xf32> to vector<16xf32>
      %swap3A_171 = vector.shape_cast %broadcast_in_dim3A_166 : vector<16xf32> to vector<1x16xf32>
      tpu.vector_store %arg9[%swap3A_167, %swap3A_168], %swap3A_171 {strides = array<i32>} : memref<128x128xf32, #tpu.memory_space<vmem>>, vector<1x16xf32>,
      %broadcast_in_dim3A_172 = arith.constant 0.000000e+00 : f32
      %broadcast_in_dim3A_173 = vector.broadcast %broadcast_in_dim3A_172 : f32 to vector<16xf32>
      %swap3A_174 = arith.index_cast %scan3A_145 : i32 to index
      %swap3A_175 = arith.constant 64 : index
      %swap3A_176 = tpu.vector_load %arg9[%swap3A_174, %swap3A_175] {strides = array<i32>} : memref<128x128xf32, #tpu.memory_space<vmem>>, vector<1x16xf32>,
      %swap3A_177 = vector.shape_cast %swap3A_176 : vector<1x16xf32> to vector<16xf32>
      %swap3A_178 = vector.shape_cast %broadcast_in_dim3A_173 : vector<16xf32> to vector<1x16xf32>
      tpu.vector_store %arg9[%swap3A_174, %swap3A_175], %swap3A_178 {strides = array<i32>} : memref<128x128xf32, #tpu.memory_space<vmem>>, vector<1x16xf32>,
      %broadcast_in_dim3A_179 = arith.constant 0.000000e+00 : f32
      %broadcast_in_dim3A_180 = vector.broadcast %broadcast_in_dim3A_179 : f32 to vector<16xf32>
      %swap3A_181 = arith.index_cast %scan3A_145 : i32 to index
      %swap3A_182 = arith.constant 80 : index
      %swap3A_183 = tpu.vector_load %arg9[%swap3A_181, %swap3A_182] {strides = array<i32>} : memref<128x128xf32, #tpu.memory_space<vmem>>, vector<1x16xf32>,
      %swap3A_184 = vector.shape_cast %swap3A_183 : vector<1x16xf32> to vector<16xf32>
      %swap3A_185 = vector.shape_cast %broadcast_in_dim3A_180 : vector<16xf32> to vector<1x16xf32>
      tpu.vector_store %arg9[%swap3A_181, %swap3A_182], %swap3A_185 {strides = array<i32>} : memref<128x128xf32, #tpu.memory_space<vmem>>, vector<1x16xf32>,
      %broadcast_in_dim3A_186 = arith.constant 0.000000e+00 : f32
      %broadcast_in_dim3A_187 = vector.broadcast %broadcast_in_dim3A_186 : f32 to vector<16xf32>
      %swap3A_188 = arith.index_cast %scan3A_145 : i32 to index
      %swap3A_189 = arith.constant 96 : index
      %swap3A_190 = tpu.vector_load %arg9[%swap3A_188, %swap3A_189] {strides = array<i32>} : memref<128x128xf32, #tpu.memory_space<vmem>>, vector<1x16xf32>,
      %swap3A_191 = vector.shape_cast %swap3A_190 : vector<1x16xf32> to vector<16xf32>
      %swap3A_192 = vector.shape_cast %broadcast_in_dim3A_187 : vector<16xf32> to vector<1x16xf32>
      tpu.vector_store %arg9[%swap3A_188, %swap3A_189], %swap3A_192 {strides = array<i32>} : memref<128x128xf32, #tpu.memory_space<vmem>>, vector<1x16xf32>,
      %broadcast_in_dim3A_193 = arith.constant 0.000000e+00 : f32
      %broadcast_in_dim3A_194 = vector.broadcast %broadcast_in_dim3A_193 : f32 to vector<16xf32>
      %swap3A_195 = arith.index_cast %scan3A_145 : i32 to index
      %swap3A_196 = arith.constant 112 : index
      %swap3A_197 = tpu.vector_load %arg9[%swap3A_195, %swap3A_196] {strides = array<i32>} : memref<128x128xf32, #tpu.memory_space<vmem>>, vector<1x16xf32>,
      %swap3A_198 = vector.shape_cast %swap3A_197 : vector<1x16xf32> to vector<16xf32>
      %swap3A_199 = vector.shape_cast %broadcast_in_dim3A_194 : vector<16xf32> to vector<1x16xf32>
      tpu.vector_store %arg9[%swap3A_195, %swap3A_196], %swap3A_199 {strides = array<i32>} : memref<128x128xf32, #tpu.memory_space<vmem>>, vector<1x16xf32>,
    }
    %scan3A_12 = arith.constant 128 : i32
    %dma_wait3A = arith.constant 0 : i32
    %dma_wait3A_13 = arith.constant 0 : i32
    %dma_wait3A_14 = tpu.memref_slice %arg3[%add3A, %dma_wait3A, %dma_wait3A_13] : memref<32x79x128xi32, #tpu.memory_space<hbm>> -> memref<1x79x128xi32, #tpu.memory_space<hbm>>
    %dma_wait3A_15 = tpu.memref_squeeze %dma_wait3A_14 : memref<1x79x128xi32, #tpu.memory_space<hbm>> -> memref<79x128xi32, #tpu.memory_space<hbm>>
    %dma_wait3A_16 = arith.constant 0 : i32
    %dma_wait3A_17 = arith.constant 0 : i32
    %dma_wait3A_18 = tpu.memref_slice %arg3[%add3A, %dma_wait3A_16, %dma_wait3A_17] : memref<32x79x128xi32, #tpu.memory_space<hbm>> -> memref<1x79x128xi32, #tpu.memory_space<hbm>>
    %dma_wait3A_19 = tpu.memref_squeeze %dma_wait3A_18 : memref<1x79x128xi32, #tpu.memory_space<hbm>> -> memref<79x128xi32, #tpu.memory_space<hbm>>
    tpu.wait_dma2 semaphore(%arg16 : memref<!tpu.dma_semaphore, #tpu.memory_space<semaphore_mem>>) src(%dma_wait3A_19 : memref<79x128xi32, #tpu.memory_space<hbm>>) dst(%arg6 : memref<79x128xi32, #tpu.memory_space<vmem>>)
    %add3A_20 = arith.constant 0 : i32
    %add3A_21 = arith.addi %arg1, %add3A_20 : i32
    %mul3A_22 = arith.constant 128 : i32
    %mul3A_23 = arith.muli %add3A_21, %mul3A_22 : i32
    %dma_start3A_24 = arith.constant 0 : i32
    %dma_start3A_25 = tpu.memref_slice %arg11[%mul3A_23, %dma_start3A_24] : memref<10240x128xf32, #tpu.memory_space<vmem_shared>> -> memref<128x128xf32, #tpu.memory_space<vmem_shared>>
    %dma_start3A_26 = arith.constant 0 : i32
    %dma_start3A_27 = tpu.memref_slice %arg11[%mul3A_23, %dma_start3A_26] : memref<10240x128xf32, #tpu.memory_space<vmem_shared>> -> memref<128x128xf32, #tpu.memory_space<vmem_shared>>
    tpu.enqueue_dma source(%arg9 : memref<128x128xf32, #tpu.memory_space<vmem>>) target(%dma_start3A_27 : memref<128x128xf32, #tpu.memory_space<vmem_shared>>) target_semaphore(%arg16 : memref<!tpu.dma_semaphore, #tpu.memory_space<semaphore_mem>>)
    %add3A_28 = arith.constant 16 : i32
    %add3A_29 = arith.addi %arg1, %add3A_28 : i32
    %mul3A_30 = arith.constant 128 : i32
    %mul3A_31 = arith.muli %add3A_29, %mul3A_30 : i32
    %dma_start3A_32 = arith.constant 0 : i32
    %dma_start3A_33 = tpu.memref_slice %arg11[%mul3A_31, %dma_start3A_32] : memref<10240x128xf32, #tpu.memory_space<vmem_shared>> -> memref<128x128xf32, #tpu.memory_space<vmem_shared>>
    %dma_start3A_34 = arith.constant 0 : i32
    %dma_start3A_35 = tpu.memref_slice %arg11[%mul3A_31, %dma_start3A_34] : memref<10240x128xf32, #tpu.memory_space<vmem_shared>> -> memref<128x128xf32, #tpu.memory_space<vmem_shared>>
    tpu.enqueue_dma source(%arg9 : memref<128x128xf32, #tpu.memory_space<vmem>>) target(%dma_start3A_35 : memref<128x128xf32, #tpu.memory_space<vmem_shared>>) target_semaphore(%arg16 : memref<!tpu.dma_semaphore, #tpu.memory_space<semaphore_mem>>)
    %add3A_36 = arith.constant 32 : i32
    %add3A_37 = arith.addi %arg1, %add3A_36 : i32
    %mul3A_38 = arith.constant 128 : i32
    %mul3A_39 = arith.muli %add3A_37, %mul3A_38 : i32
    %dma_start3A_40 = arith.constant 0 : i32
    %dma_start3A_41 = tpu.memref_slice %arg11[%mul3A_39, %dma_start3A_40] : memref<10240x128xf32, #tpu.memory_space<vmem_shared>> -> memref<128x128xf32, #tpu.memory_space<vmem_shared>>
    %dma_start3A_42 = arith.constant 0 : i32
    %dma_start3A_43 = tpu.memref_slice %arg11[%mul3A_39, %dma_start3A_42] : memref<10240x128xf32, #tpu.memory_space<vmem_shared>> -> memref<128x128xf32, #tpu.memory_space<vmem_shared>>
    tpu.enqueue_dma source(%arg9 : memref<128x128xf32, #tpu.memory_space<vmem>>) target(%dma_start3A_43 : memref<128x128xf32, #tpu.memory_space<vmem_shared>>) target_semaphore(%arg16 : memref<!tpu.dma_semaphore, #tpu.memory_space<semaphore_mem>>)
    %add3A_44 = arith.constant 48 : i32
    %add3A_45 = arith.addi %arg1, %add3A_44 : i32
    %mul3A_46 = arith.constant 128 : i32
    %mul3A_47 = arith.muli %add3A_45, %mul3A_46 : i32
    %dma_start3A_48 = arith.constant 0 : i32
    %dma_start3A_49 = tpu.memref_slice %arg11[%mul3A_47, %dma_start3A_48] : memref<10240x128xf32, #tpu.memory_space<vmem_shared>> -> memref<128x128xf32, #tpu.memory_space<vmem_shared>>
    %dma_start3A_50 = arith.constant 0 : i32
    %dma_start3A_51 = tpu.memref_slice %arg11[%mul3A_47, %dma_start3A_50] : memref<10240x128xf32, #tpu.memory_space<vmem_shared>> -> memref<128x128xf32, #tpu.memory_space<vmem_shared>>
    tpu.enqueue_dma source(%arg9 : memref<128x128xf32, #tpu.memory_space<vmem>>) target(%dma_start3A_51 : memref<128x128xf32, #tpu.memory_space<vmem_shared>>) target_semaphore(%arg16 : memref<!tpu.dma_semaphore, #tpu.memory_space<semaphore_mem>>)
    %add3A_52 = arith.constant 64 : i32
    %add3A_53 = arith.addi %arg1, %add3A_52 : i32
    %mul3A_54 = arith.constant 128 : i32
    %mul3A_55 = arith.muli %add3A_53, %mul3A_54 : i32
    %dma_start3A_56 = arith.constant 0 : i32
    %dma_start3A_57 = tpu.memref_slice %arg11[%mul3A_55, %dma_start3A_56] : memref<10240x128xf32, #tpu.memory_space<vmem_shared>> -> memref<128x128xf32, #tpu.memory_space<vmem_shared>>
    %dma_start3A_58 = arith.constant 0 : i32
    %dma_start3A_59 = tpu.memref_slice %arg11[%mul3A_55, %dma_start3A_58] : memref<10240x128xf32, #tpu.memory_space<vmem_shared>> -> memref<128x128xf32, #tpu.memory_space<vmem_shared>>
    tpu.enqueue_dma source(%arg9 : memref<128x128xf32, #tpu.memory_space<vmem>>) target(%dma_start3A_59 : memref<128x128xf32, #tpu.memory_space<vmem_shared>>) target_semaphore(%arg16 : memref<!tpu.dma_semaphore, #tpu.memory_space<semaphore_mem>>)
    %dma_wait3A_60 = arith.constant 0 : i32
    %dma_wait3A_61 = arith.constant 0 : i32
    %dma_wait3A_62 = tpu.memref_slice %arg11[%dma_wait3A_60, %dma_wait3A_61] : memref<10240x128xf32, #tpu.memory_space<vmem_shared>> -> memref<128x128xf32, #tpu.memory_space<vmem_shared>>
    %dma_wait3A_63 = arith.constant 0 : i32
    %dma_wait3A_64 = arith.constant 0 : i32
    %dma_wait3A_65 = tpu.memref_slice %arg11[%dma_wait3A_63, %dma_wait3A_64] : memref<10240x128xf32, #tpu.memory_space<vmem_shared>> -> memref<128x128xf32, #tpu.memory_space<vmem_shared>>
    tpu.wait_dma2 semaphore(%arg16 : memref<!tpu.dma_semaphore, #tpu.memory_space<semaphore_mem>>) src(%arg9 : memref<128x128xf32, #tpu.memory_space<vmem>>) dst(%dma_wait3A_65 : memref<128x128xf32, #tpu.memory_space<vmem_shared>>)
    %dma_wait3A_66 = arith.constant 0 : i32
    %dma_wait3A_67 = arith.constant 0 : i32
    %dma_wait3A_68 = tpu.memref_slice %arg11[%dma_wait3A_66, %dma_wait3A_67] : memref<10240x128xf32, #tpu.memory_space<vmem_shared>> -> memref<128x128xf32, #tpu.memory_space<vmem_shared>>
    %dma_wait3A_69 = arith.constant 0 : i32
    %dma_wait3A_70 = arith.constant 0 : i32
    %dma_wait3A_71 = tpu.memref_slice %arg11[%dma_wait3A_69, %dma_wait3A_70] : memref<10240x128xf32, #tpu.memory_space<vmem_shared>> -> memref<128x128xf32, #tpu.memory_space<vmem_shared>>
    tpu.wait_dma2 semaphore(%arg16 : memref<!tpu.dma_semaphore, #tpu.memory_space<semaphore_mem>>) src(%arg9 : memref<128x128xf32, #tpu.memory_space<vmem>>) dst(%dma_wait3A_71 : memref<128x128xf32, #tpu.memory_space<vmem_shared>>)
    %dma_wait3A_72 = arith.constant 0 : i32
    %dma_wait3A_73 = arith.constant 0 : i32
    %dma_wait3A_74 = tpu.memref_slice %arg11[%dma_wait3A_72, %dma_wait3A_73] : memref<10240x128xf32, #tpu.memory_space<vmem_shared>> -> memref<128x128xf32, #tpu.memory_space<vmem_shared>>
    %dma_wait3A_75 = arith.constant 0 : i32
    %dma_wait3A_76 = arith.constant 0 : i32
    %dma_wait3A_77 = tpu.memref_slice %arg11[%dma_wait3A_75, %dma_wait3A_76] : memref<10240x128xf32, #tpu.memory_space<vmem_shared>> -> memref<128x128xf32, #tpu.memory_space<vmem_shared>>
    tpu.wait_dma2 semaphore(%arg16 : memref<!tpu.dma_semaphore, #tpu.memory_space<semaphore_mem>>) src(%arg9 : memref<128x128xf32, #tpu.memory_space<vmem>>) dst(%dma_wait3A_77 : memref<128x128xf32, #tpu.memory_space<vmem_shared>>)
    %dma_wait3A_78 = arith.constant 0 : i32
    %dma_wait3A_79 = arith.constant 0 : i32
    %dma_wait3A_80 = tpu.memref_slice %arg11[%dma_wait3A_78, %dma_wait3A_79] : memref<10240x128xf32, #tpu.memory_space<vmem_shared>> -> memref<128x128xf32, #tpu.memory_space<vmem_shared>>
    %dma_wait3A_81 = arith.constant 0 : i32
    %dma_wait3A_82 = arith.constant 0 : i32
    %dma_wait3A_83 = tpu.memref_slice %arg11[%dma_wait3A_81, %dma_wait3A_82] : memref<10240x128xf32, #tpu.memory_space<vmem_shared>> -> memref<128x128xf32, #tpu.memory_space<vmem_shared>>
    tpu.wait_dma2 semaphore(%arg16 : memref<!tpu.dma_semaphore, #tpu.memory_space<semaphore_mem>>) src(%arg9 : memref<128x128xf32, #tpu.memory_space<vmem>>) dst(%dma_wait3A_83 : memref<128x128xf32, #tpu.memory_space<vmem_shared>>)
    %dma_wait3A_84 = arith.constant 0 : i32
    %dma_wait3A_85 = arith.constant 0 : i32
    %dma_wait3A_86 = tpu.memref_slice %arg11[%dma_wait3A_84, %dma_wait3A_85] : memref<10240x128xf32, #tpu.memory_space<vmem_shared>> -> memref<128x128xf32, #tpu.memory_space<vmem_shared>>
    %dma_wait3A_87 = arith.constant 0 : i32
    %dma_wait3A_88 = arith.constant 0 : i32
    %dma_wait3A_89 = tpu.memref_slice %arg11[%dma_wait3A_87, %dma_wait3A_88] : memref<10240x128xf32, #tpu.memory_space<vmem_shared>> -> memref<128x128xf32, #tpu.memory_space<vmem_shared>>
    tpu.wait_dma2 semaphore(%arg16 : memref<!tpu.dma_semaphore, #tpu.memory_space<semaphore_mem>>) src(%arg9 : memref<128x128xf32, #tpu.memory_space<vmem>>) dst(%dma_wait3A_89 : memref<128x128xf32, #tpu.memory_space<vmem_shared>>)
    %barrier3A = arith.constant 0 : index
    tpu.barrier barrier_id(%barrier3A)
    %dma_start3A_90 = arith.constant 0 : i32
    %dma_start3A_91 = arith.constant 0 : i32
    %dma_start3A_92 = tpu.memref_slice %arg6[%dma_start3A_90, %dma_start3A_91] : memref<79x128xi32, #tpu.memory_space<vmem>> -> memref<1x128xi32, #tpu.memory_space<vmem>>
    %dma_start3A_93 = tpu.memref_squeeze %dma_start3A_92 : memref<1x128xi32, #tpu.memory_space<vmem>> -> memref<128xi32, #tpu.memory_space<vmem>>
    %dma_start3A_94 = arith.constant 0 : i32
    %dma_start3A_95 = arith.constant 0 : i32
    %dma_start3A_96 = tpu.memref_slice %arg2[%dma_start3A_94, %dma_start3A_95] : memref<10240x128xf32, #tpu.memory_space<hbm>> -> memref<10240x128xf32, #tpu.memory_space<hbm>>
    tpu.enqueue_indirect_dma source(%dma_start3A_96 : memref<10240x128xf32, #tpu.memory_space<hbm>>) target(%arg9 : memref<128x128xf32, #tpu.memory_space<vmem>>) offsets(%dma_start3A_93 : memref<128xi32, #tpu.memory_space<vmem>>) semaphore(%arg12 : memref<!tpu.dma_semaphore, #tpu.memory_space<semaphore_mem>>)
    %dma_start3A_97 = arith.constant 0 : i32
    %dma_start3A_98 = arith.constant 0 : i32
    %dma_start3A_99 = tpu.memref_slice %arg4[%add3A, %dma_start3A_97, %dma_start3A_98] : memref<32x79x128xi32, #tpu.memory_space<hbm>> -> memref<1x1x128xi32, #tpu.memory_space<hbm>>
    %dma_start3A_100 = tpu.memref_squeeze %dma_start3A_99 : memref<1x1x128xi32, #tpu.memory_space<hbm>> -> memref<128xi32, #tpu.memory_space<hbm>>
    %dma_start3A_101 = arith.constant 0 : i32
    %dma_start3A_102 = tpu.memref_slice %arg4[%add3A, %dma_start3A_97, %dma_start3A_101] : memref<32x79x128xi32, #tpu.memory_space<hbm>> -> memref<1x1x128xi32, #tpu.memory_space<hbm>>
    %dma_start3A_103 = tpu.memref_squeeze %dma_start3A_102 : memref<1x1x128xi32, #tpu.memory_space<hbm>> -> memref<128xi32, #tpu.memory_space<hbm>>
    tpu.enqueue_dma source(%dma_start3A_103 : memref<128xi32, #tpu.memory_space<hbm>>) target(%arg7 : memref<128xi32, #tpu.memory_space<vmem>>) target_semaphore(%arg14 : memref<!tpu.dma_semaphore, #tpu.memory_space<semaphore_mem>>)
    %scan3A_104 = arith.constant 0 : i32
    %scan3A_105 = arith.constant 0 : i32
    %scan3A_106 = arith.constant 39 : i32
    %scan3A_107 = arith.addi %scan3A_105, %scan3A_106 : i32
    %scan3A_108 = arith.constant 1 : i32
    scf.for %scan3A_145 = %scan3A_105 to %scan3A_107 step %scan3A_108  : i32 {
      %mul3A_146 = arith.constant 2 : i32
      %mul3A_147 = arith.muli %mul3A_146, %scan3A_145 : i32
      %add3A_148 = arith.constant 1 : i32
      %add3A_149 = arith.addi %mul3A_147, %add3A_148 : i32
      %dma_start3A_150 = arith.constant 0 : i32
      %dma_start3A_151 = tpu.memref_slice %arg6[%add3A_149, %dma_start3A_150] : memref<79x128xi32, #tpu.memory_space<vmem>> -> memref<1x128xi32, #tpu.memory_space<vmem>>
      %dma_start3A_152 = tpu.memref_squeeze %dma_start3A_151 : memref<1x128xi32, #tpu.memory_space<vmem>> -> memref<128xi32, #tpu.memory_space<vmem>>
      %dma_start3A_153 = arith.constant 0 : i32
      %dma_start3A_154 = arith.constant 0 : i32
      %dma_start3A_155 = tpu.memref_slice %arg2[%dma_start3A_153, %dma_start3A_154] : memref<10240x128xf32, #tpu.memory_space<hbm>> -> memref<10240x128xf32, #tpu.memory_space<hbm>>
      tpu.enqueue_indirect_dma source(%dma_start3A_155 : memref<10240x128xf32, #tpu.memory_space<hbm>>) target(%arg10 : memref<128x128xf32, #tpu.memory_space<vmem>>) offsets(%dma_start3A_152 : memref<128xi32, #tpu.memory_space<vmem>>) semaphore(%arg13 : memref<!tpu.dma_semaphore, #tpu.memory_space<semaphore_mem>>)
      %mul3A_156 = arith.constant 2 : i32
      %mul3A_157 = arith.muli %mul3A_156, %scan3A_145 : i32
      %add3A_158 = arith.constant 1 : i32
      %add3A_159 = arith.addi %mul3A_157, %add3A_158 : i32
      %dma_start3A_160 = arith.constant 0 : i32
      %dma_start3A_161 = tpu.memref_slice %arg4[%add3A, %add3A_159, %dma_start3A_160] : memref<32x79x128xi32, #tpu.memory_space<hbm>> -> memref<1x1x128xi32, #tpu.memory_space<hbm>>
      %dma_start3A_162 = tpu.memref_squeeze %dma_start3A_161 : memref<1x1x128xi32, #tpu.memory_space<hbm>> -> memref<128xi32, #tpu.memory_space<hbm>>
      %dma_start3A_163 = arith.constant 0 : i32
      %dma_start3A_164 = tpu.memref_slice %arg4[%add3A, %add3A_159, %dma_start3A_163] : memref<32x79x128xi32, #tpu.memory_space<hbm>> -> memref<1x1x128xi32, #tpu.memory_space<hbm>>
      %dma_start3A_165 = tpu.memref_squeeze %dma_start3A_164 : memref<1x1x128xi32, #tpu.memory_space<hbm>> -> memref<128xi32, #tpu.memory_space<hbm>>
      tpu.enqueue_dma source(%dma_start3A_165 : memref<128xi32, #tpu.memory_space<hbm>>) target(%arg8 : memref<128xi32, #tpu.memory_space<vmem>>) target_semaphore(%arg15 : memref<!tpu.dma_semaphore, #tpu.memory_space<semaphore_mem>>)
      %dma_wait3A_166 = arith.constant 0 : i32
      %dma_wait3A_167 = arith.constant 0 : i32
      %dma_wait3A_168 = tpu.memref_slice %arg2[%dma_wait3A_166, %dma_wait3A_167] : memref<10240x128xf32, #tpu.memory_space<hbm>> -> memref<128x128xf32, #tpu.memory_space<hbm>>
      %dma_wait3A_169 = arith.constant 0 : i32
      %dma_wait3A_170 = arith.constant 0 : i32
      %dma_wait3A_171 = tpu.memref_slice %arg2[%dma_wait3A_169, %dma_wait3A_170] : memref<10240x128xf32, #tpu.memory_space<hbm>> -> memref<128x128xf32, #tpu.memory_space<hbm>>
      tpu.wait_dma2 semaphore(%arg12 : memref<!tpu.dma_semaphore, #tpu.memory_space<semaphore_mem>>) src(%dma_wait3A_171 : memref<128x128xf32, #tpu.memory_space<hbm>>) dst(%arg9 : memref<128x128xf32, #tpu.memory_space<vmem>>)
      %dma_wait3A_172 = arith.constant 0 : i32
      %dma_wait3A_173 = arith.constant 0 : i32
      %dma_wait3A_174 = arith.constant 0 : i32
      %dma_wait3A_175 = tpu.memref_slice %arg4[%dma_wait3A_172, %dma_wait3A_173, %dma_wait3A_174] : memref<32x79x128xi32, #tpu.memory_space<hbm>> -> memref<1x1x128xi32, #tpu.memory_space<hbm>>
      %dma_wait3A_176 = tpu.memref_squeeze %dma_wait3A_175 : memref<1x1x128xi32, #tpu.memory_space<hbm>> -> memref<128xi32, #tpu.memory_space<hbm>>
      %dma_wait3A_177 = arith.constant 0 : i32
      %dma_wait3A_178 = tpu.memref_slice %arg4[%dma_wait3A_172, %dma_wait3A_173, %dma_wait3A_177] : memref<32x79x128xi32, #tpu.memory_space<hbm>> -> memref<1x1x128xi32, #tpu.memory_space<hbm>>
      %dma_wait3A_179 = tpu.memref_squeeze %dma_wait3A_178 : memref<1x1x128xi32, #tpu.memory_space<hbm>> -> memref<128xi32, #tpu.memory_space<hbm>>
      tpu.wait_dma2 semaphore(%arg14 : memref<!tpu.dma_semaphore, #tpu.memory_space<semaphore_mem>>) src(%dma_wait3A_179 : memref<128xi32, #tpu.memory_space<hbm>>) dst(%arg7 : memref<128xi32, #tpu.memory_space<vmem>>)
      "tpu.region"() ({
        %run_scoped3A = tpu.sem_alloc : memref<!tpu.dma_semaphore, #tpu.memory_space<semaphore_mem>>
        %dma_start3A_214 = arith.constant 0 : i32
        %dma_start3A_215 = arith.constant 0 : i32
        %dma_start3A_216 = tpu.memref_slice %arg11[%dma_start3A_214, %dma_start3A_215] : memref<10240x128xf32, #tpu.memory_space<vmem_shared>> -> memref<10240x128xf32, #tpu.memory_space<vmem_shared>>
        tpu.enqueue_indirect_dma source(%arg9 : memref<128x128xf32, #tpu.memory_space<vmem>>) target(%dma_start3A_216 : memref<10240x128xf32, #tpu.memory_space<vmem_shared>>) offsets(%arg7 : memref<128xi32, #tpu.memory_space<vmem>>) semaphore(%run_scoped3A : memref<!tpu.dma_semaphore, #tpu.memory_space<semaphore_mem>>) {add = true}
        %dma_wait3A_217 = arith.constant 0 : i32
        %dma_wait3A_218 = arith.constant 0 : i32
        %dma_wait3A_219 = tpu.memref_slice %arg11[%dma_wait3A_217, %dma_wait3A_218] : memref<10240x128xf32, #tpu.memory_space<vmem_shared>> -> memref<10240x128xf32, #tpu.memory_space<vmem_shared>>
        tpu.wait_indirect_dma semaphore(%run_scoped3A : memref<!tpu.dma_semaphore, #tpu.memory_space<semaphore_mem>>) src(%arg9 : memref<128x128xf32, #tpu.memory_space<vmem>>) dst(%dma_wait3A_219 : memref<10240x128xf32, #tpu.memory_space<vmem_shared>>)
        tpu.yield
      }) : () -> ()
      %mul3A_180 = arith.constant 2 : i32
      %mul3A_181 = arith.muli %mul3A_180, %scan3A_145 : i32
      %add3A_182 = arith.constant 2 : i32
      %add3A_183 = arith.addi %mul3A_181, %add3A_182 : i32
      %dma_start3A_184 = arith.constant 0 : i32
      %dma_start3A_185 = tpu.memref_slice %arg6[%add3A_183, %dma_start3A_184] : memref<79x128xi32, #tpu.memory_space<vmem>> -> memref<1x128xi32, #tpu.memory_space<vmem>>
      %dma_start3A_186 = tpu.memref_squeeze %dma_start3A_185 : memref<1x128xi32, #tpu.memory_space<vmem>> -> memref<128xi32, #tpu.memory_space<vmem>>
      %dma_start3A_187 = arith.constant 0 : i32
      %dma_start3A_188 = arith.constant 0 : i32
      %dma_start3A_189 = tpu.memref_slice %arg2[%dma_start3A_187, %dma_start3A_188] : memref<10240x128xf32, #tpu.memory_space<hbm>> -> memref<10240x128xf32, #tpu.memory_space<hbm>>
      tpu.enqueue_indirect_dma source(%dma_start3A_189 : memref<10240x128xf32, #tpu.memory_space<hbm>>) target(%arg9 : memref<128x128xf32, #tpu.memory_space<vmem>>) offsets(%dma_start3A_186 : memref<128xi32, #tpu.memory_space<vmem>>) semaphore(%arg12 : memref<!tpu.dma_semaphore, #tpu.memory_space<semaphore_mem>>)
      %mul3A_190 = arith.constant 2 : i32
      %mul3A_191 = arith.muli %mul3A_190, %scan3A_145 : i32
      %add3A_192 = arith.constant 2 : i32
      %add3A_193 = arith.addi %mul3A_191, %add3A_192 : i32
      %dma_start3A_194 = arith.constant 0 : i32
      %dma_start3A_195 = tpu.memref_slice %arg4[%add3A, %add3A_193, %dma_start3A_194] : memref<32x79x128xi32, #tpu.memory_space<hbm>> -> memref<1x1x128xi32, #tpu.memory_space<hbm>>
      %dma_start3A_196 = tpu.memref_squeeze %dma_start3A_195 : memref<1x1x128xi32, #tpu.memory_space<hbm>> -> memref<128xi32, #tpu.memory_space<hbm>>
      %dma_start3A_197 = arith.constant 0 : i32
      %dma_start3A_198 = tpu.memref_slice %arg4[%add3A, %add3A_193, %dma_start3A_197] : memref<32x79x128xi32, #tpu.memory_space<hbm>> -> memref<1x1x128xi32, #tpu.memory_space<hbm>>
      %dma_start3A_199 = tpu.memref_squeeze %dma_start3A_198 : memref<1x1x128xi32, #tpu.memory_space<hbm>> -> memref<128xi32, #tpu.memory_space<hbm>>
      tpu.enqueue_dma source(%dma_start3A_199 : memref<128xi32, #tpu.memory_space<hbm>>) target(%arg7 : memref<128xi32, #tpu.memory_space<vmem>>) target_semaphore(%arg14 : memref<!tpu.dma_semaphore, #tpu.memory_space<semaphore_mem>>)
      %dma_wait3A_200 = arith.constant 0 : i32
      %dma_wait3A_201 = arith.constant 0 : i32
      %dma_wait3A_202 = tpu.memref_slice %arg2[%dma_wait3A_200, %dma_wait3A_201] : memref<10240x128xf32, #tpu.memory_space<hbm>> -> memref<128x128xf32, #tpu.memory_space<hbm>>
      %dma_wait3A_203 = arith.constant 0 : i32
      %dma_wait3A_204 = arith.constant 0 : i32
      %dma_wait3A_205 = tpu.memref_slice %arg2[%dma_wait3A_203, %dma_wait3A_204] : memref<10240x128xf32, #tpu.memory_space<hbm>> -> memref<128x128xf32, #tpu.memory_space<hbm>>
      tpu.wait_dma2 semaphore(%arg13 : memref<!tpu.dma_semaphore, #tpu.memory_space<semaphore_mem>>) src(%dma_wait3A_205 : memref<128x128xf32, #tpu.memory_space<hbm>>) dst(%arg10 : memref<128x128xf32, #tpu.memory_space<vmem>>)
      %dma_wait3A_206 = arith.constant 0 : i32
      %dma_wait3A_207 = arith.constant 0 : i32
      %dma_wait3A_208 = arith.constant 0 : i32
      %dma_wait3A_209 = tpu.memref_slice %arg4[%dma_wait3A_206, %dma_wait3A_207, %dma_wait3A_208] : memref<32x79x128xi32, #tpu.memory_space<hbm>> -> memref<1x1x128xi32, #tpu.memory_space<hbm>>
      %dma_wait3A_210 = tpu.memref_squeeze %dma_wait3A_209 : memref<1x1x128xi32, #tpu.memory_space<hbm>> -> memref<128xi32, #tpu.memory_space<hbm>>
      %dma_wait3A_211 = arith.constant 0 : i32
      %dma_wait3A_212 = tpu.memref_slice %arg4[%dma_wait3A_206, %dma_wait3A_207, %dma_wait3A_211] : memref<32x79x128xi32, #tpu.memory_space<hbm>> -> memref<1x1x128xi32, #tpu.memory_space<hbm>>
      %dma_wait3A_213 = tpu.memref_squeeze %dma_wait3A_212 : memref<1x1x128xi32, #tpu.memory_space<hbm>> -> memref<128xi32, #tpu.memory_space<hbm>>
      tpu.wait_dma2 semaphore(%arg15 : memref<!tpu.dma_semaphore, #tpu.memory_space<semaphore_mem>>) src(%dma_wait3A_213 : memref<128xi32, #tpu.memory_space<hbm>>) dst(%arg8 : memref<128xi32, #tpu.memory_space<vmem>>)
      "tpu.region"() ({
        %run_scoped3A = tpu.sem_alloc : memref<!tpu.dma_semaphore, #tpu.memory_space<semaphore_mem>>
        %dma_start3A_214 = arith.constant 0 : i32
        %dma_start3A_215 = arith.constant 0 : i32
        %dma_start3A_216 = tpu.memref_slice %arg11[%dma_start3A_214, %dma_start3A_215] : memref<10240x128xf32, #tpu.memory_space<vmem_shared>> -> memref<10240x128xf32, #tpu.memory_space<vmem_shared>>
        tpu.enqueue_indirect_dma source(%arg10 : memref<128x128xf32, #tpu.memory_space<vmem>>) target(%dma_start3A_216 : memref<10240x128xf32, #tpu.memory_space<vmem_shared>>) offsets(%arg8 : memref<128xi32, #tpu.memory_space<vmem>>) semaphore(%run_scoped3A : memref<!tpu.dma_semaphore, #tpu.memory_space<semaphore_mem>>) {add = true}
        %dma_wait3A_217 = arith.constant 0 : i32
        %dma_wait3A_218 = arith.constant 0 : i32
        %dma_wait3A_219 = tpu.memref_slice %arg11[%dma_wait3A_217, %dma_wait3A_218] : memref<10240x128xf32, #tpu.memory_space<vmem_shared>> -> memref<10240x128xf32, #tpu.memory_space<vmem_shared>>
        tpu.wait_indirect_dma semaphore(%run_scoped3A : memref<!tpu.dma_semaphore, #tpu.memory_space<semaphore_mem>>) src(%arg10 : memref<128x128xf32, #tpu.memory_space<vmem>>) dst(%dma_wait3A_219 : memref<10240x128xf32, #tpu.memory_space<vmem_shared>>)
        tpu.yield
      }) : () -> ()
    }
    %scan3A_109 = arith.constant 39 : i32
    %dma_wait3A_110 = arith.constant 0 : i32
    %dma_wait3A_111 = arith.constant 0 : i32
    %dma_wait3A_112 = tpu.memref_slice %arg2[%dma_wait3A_110, %dma_wait3A_111] : memref<10240x128xf32, #tpu.memory_space<hbm>> -> memref<128x128xf32, #tpu.memory_space<hbm>>
    %dma_wait3A_113 = arith.constant 0 : i32
    %dma_wait3A_114 = arith.constant 0 : i32
    %dma_wait3A_115 = tpu.memref_slice %arg2[%dma_wait3A_113, %dma_wait3A_114] : memref<10240x128xf32, #tpu.memory_space<hbm>> -> memref<128x128xf32, #tpu.memory_space<hbm>>
    tpu.wait_dma2 semaphore(%arg12 : memref<!tpu.dma_semaphore, #tpu.memory_space<semaphore_mem>>) src(%dma_wait3A_115 : memref<128x128xf32, #tpu.memory_space<hbm>>) dst(%arg9 : memref<128x128xf32, #tpu.memory_space<vmem>>)
    %dma_wait3A_116 = arith.constant 0 : i32
    %dma_wait3A_117 = arith.constant 0 : i32
    %dma_wait3A_118 = arith.constant 0 : i32
    %dma_wait3A_119 = tpu.memref_slice %arg4[%dma_wait3A_116, %dma_wait3A_117, %dma_wait3A_118] : memref<32x79x128xi32, #tpu.memory_space<hbm>> -> memref<1x1x128xi32, #tpu.memory_space<hbm>>
    %dma_wait3A_120 = tpu.memref_squeeze %dma_wait3A_119 : memref<1x1x128xi32, #tpu.memory_space<hbm>> -> memref<128xi32, #tpu.memory_space<hbm>>
    %dma_wait3A_121 = arith.constant 0 : i32
    %dma_wait3A_122 = tpu.memref_slice %arg4[%dma_wait3A_116, %dma_wait3A_117, %dma_wait3A_121] : memref<32x79x128xi32, #tpu.memory_space<hbm>> -> memref<1x1x128xi32, #tpu.memory_space<hbm>>
    %dma_wait3A_123 = tpu.memref_squeeze %dma_wait3A_122 : memref<1x1x128xi32, #tpu.memory_space<hbm>> -> memref<128xi32, #tpu.memory_space<hbm>>
    tpu.wait_dma2 semaphore(%arg14 : memref<!tpu.dma_semaphore, #tpu.memory_space<semaphore_mem>>) src(%dma_wait3A_123 : memref<128xi32, #tpu.memory_space<hbm>>) dst(%arg7 : memref<128xi32, #tpu.memory_space<vmem>>)
    "tpu.region"() ({
      %run_scoped3A = tpu.sem_alloc : memref<!tpu.dma_semaphore, #tpu.memory_space<semaphore_mem>>
      %dma_start3A_145 = arith.constant 0 : i32
      %dma_start3A_146 = arith.constant 0 : i32
      %dma_start3A_147 = tpu.memref_slice %arg11[%dma_start3A_145, %dma_start3A_146] : memref<10240x128xf32, #tpu.memory_space<vmem_shared>> -> memref<10240x128xf32, #tpu.memory_space<vmem_shared>>
      tpu.enqueue_indirect_dma source(%arg9 : memref<128x128xf32, #tpu.memory_space<vmem>>) target(%dma_start3A_147 : memref<10240x128xf32, #tpu.memory_space<vmem_shared>>) offsets(%arg7 : memref<128xi32, #tpu.memory_space<vmem>>) semaphore(%run_scoped3A : memref<!tpu.dma_semaphore, #tpu.memory_space<semaphore_mem>>) {add = true}
      %dma_wait3A_148 = arith.constant 0 : i32
      %dma_wait3A_149 = arith.constant 0 : i32
      %dma_wait3A_150 = tpu.memref_slice %arg11[%dma_wait3A_148, %dma_wait3A_149] : memref<10240x128xf32, #tpu.memory_space<vmem_shared>> -> memref<10240x128xf32, #tpu.memory_space<vmem_shared>>
      tpu.wait_indirect_dma semaphore(%run_scoped3A : memref<!tpu.dma_semaphore, #tpu.memory_space<semaphore_mem>>) src(%arg9 : memref<128x128xf32, #tpu.memory_space<vmem>>) dst(%dma_wait3A_150 : memref<10240x128xf32, #tpu.memory_space<vmem_shared>>)
      tpu.yield
    }) : () -> ()
    %barrier3A_124 = arith.constant 0 : index
    tpu.barrier barrier_id(%barrier3A_124)
    %add3A_125 = arith.constant 0 : i32
    %add3A_126 = arith.addi %arg1, %add3A_125 : i32
    %mul3A_127 = arith.constant 128 : i32
    %mul3A_128 = arith.muli %add3A_126, %mul3A_127 : i32
    "tpu.region"() ({
      %run_scoped3A = tpu.sem_alloc : memref<!tpu.dma_semaphore, #tpu.memory_space<semaphore_mem>>
      %dma_start3A_145 = arith.constant 0 : i32
      %dma_start3A_146 = tpu.memref_slice %arg5[%arg0, %mul3A_128, %dma_start3A_145] : memref<2x10240x128xf32, #tpu.memory_space<hbm>> -> memref<1x128x128xf32, #tpu.memory_space<hbm>>
      %dma_start3A_147 = tpu.memref_squeeze %dma_start3A_146 : memref<1x128x128xf32, #tpu.memory_space<hbm>> -> memref<128x128xf32, #tpu.memory_space<hbm>>
      %dma_start3A_148 = arith.constant 0 : i32
      %dma_start3A_149 = tpu.memref_slice %arg11[%mul3A_128, %dma_start3A_148] : memref<10240x128xf32, #tpu.memory_space<vmem_shared>> -> memref<128x128xf32, #tpu.memory_space<vmem_shared>>
      tpu.enqueue_dma source(%dma_start3A_149 : memref<128x128xf32, #tpu.memory_space<vmem_shared>>) target(%dma_start3A_147 : memref<128x128xf32, #tpu.memory_space<hbm>>) target_semaphore(%run_scoped3A : memref<!tpu.dma_semaphore, #tpu.memory_space<semaphore_mem>>)
      %dma_wait3A_150 = arith.constant 0 : i32
      %dma_wait3A_151 = tpu.memref_slice %arg5[%arg0, %mul3A_128, %dma_wait3A_150] : memref<2x10240x128xf32, #tpu.memory_space<hbm>> -> memref<1x128x128xf32, #tpu.memory_space<hbm>>
      %dma_wait3A_152 = tpu.memref_squeeze %dma_wait3A_151 : memref<1x128x128xf32, #tpu.memory_space<hbm>> -> memref<128x128xf32, #tpu.memory_space<hbm>>
      %dma_wait3A_153 = arith.constant 0 : i32
      %dma_wait3A_154 = tpu.memref_slice %arg11[%mul3A_128, %dma_wait3A_153] : memref<10240x128xf32, #tpu.memory_space<vmem_shared>> -> memref<128x128xf32, #tpu.memory_space<vmem_shared>>
      tpu.wait_dma2 semaphore(%run_scoped3A : memref<!tpu.dma_semaphore, #tpu.memory_space<semaphore_mem>>) src(%dma_wait3A_154 : memref<128x128xf32, #tpu.memory_space<vmem_shared>>) dst(%dma_wait3A_152 : memref<128x128xf32, #tpu.memory_space<hbm>>)
      tpu.yield
    }) : () -> ()
    %add3A_129 = arith.constant 16 : i32
    %add3A_130 = arith.addi %arg1, %add3A_129 : i32
    %mul3A_131 = arith.constant 128 : i32
    %mul3A_132 = arith.muli %add3A_130, %mul3A_131 : i32
    "tpu.region"() ({
      %run_scoped3A = tpu.sem_alloc : memref<!tpu.dma_semaphore, #tpu.memory_space<semaphore_mem>>
      %dma_start3A_145 = arith.constant 0 : i32
      %dma_start3A_146 = tpu.memref_slice %arg5[%arg0, %mul3A_132, %dma_start3A_145] : memref<2x10240x128xf32, #tpu.memory_space<hbm>> -> memref<1x128x128xf32, #tpu.memory_space<hbm>>
      %dma_start3A_147 = tpu.memref_squeeze %dma_start3A_146 : memref<1x128x128xf32, #tpu.memory_space<hbm>> -> memref<128x128xf32, #tpu.memory_space<hbm>>
      %dma_start3A_148 = arith.constant 0 : i32
      %dma_start3A_149 = tpu.memref_slice %arg11[%mul3A_132, %dma_start3A_148] : memref<10240x128xf32, #tpu.memory_space<vmem_shared>> -> memref<128x128xf32, #tpu.memory_space<vmem_shared>>
      tpu.enqueue_dma source(%dma_start3A_149 : memref<128x128xf32, #tpu.memory_space<vmem_shared>>) target(%dma_start3A_147 : memref<128x128xf32, #tpu.memory_space<hbm>>) target_semaphore(%run_scoped3A : memref<!tpu.dma_semaphore, #tpu.memory_space<semaphore_mem>>)
      %dma_wait3A_150 = arith.constant 0 : i32
      %dma_wait3A_151 = tpu.memref_slice %arg5[%arg0, %mul3A_132, %dma_wait3A_150] : memref<2x10240x128xf32, #tpu.memory_space<hbm>> -> memref<1x128x128xf32, #tpu.memory_space<hbm>>
      %dma_wait3A_152 = tpu.memref_squeeze %dma_wait3A_151 : memref<1x128x128xf32, #tpu.memory_space<hbm>> -> memref<128x128xf32, #tpu.memory_space<hbm>>
      %dma_wait3A_153 = arith.constant 0 : i32
      %dma_wait3A_154 = tpu.memref_slice %arg11[%mul3A_132, %dma_wait3A_153] : memref<10240x128xf32, #tpu.memory_space<vmem_shared>> -> memref<128x128xf32, #tpu.memory_space<vmem_shared>>
      tpu.wait_dma2 semaphore(%run_scoped3A : memref<!tpu.dma_semaphore, #tpu.memory_space<semaphore_mem>>) src(%dma_wait3A_154 : memref<128x128xf32, #tpu.memory_space<vmem_shared>>) dst(%dma_wait3A_152 : memref<128x128xf32, #tpu.memory_space<hbm>>)
      tpu.yield
    }) : () -> ()
    %add3A_133 = arith.constant 32 : i32
    %add3A_134 = arith.addi %arg1, %add3A_133 : i32
    %mul3A_135 = arith.constant 128 : i32
    %mul3A_136 = arith.muli %add3A_134, %mul3A_135 : i32
    "tpu.region"() ({
      %run_scoped3A = tpu.sem_alloc : memref<!tpu.dma_semaphore, #tpu.memory_space<semaphore_mem>>
      %dma_start3A_145 = arith.constant 0 : i32
      %dma_start3A_146 = tpu.memref_slice %arg5[%arg0, %mul3A_136, %dma_start3A_145] : memref<2x10240x128xf32, #tpu.memory_space<hbm>> -> memref<1x128x128xf32, #tpu.memory_space<hbm>>
      %dma_start3A_147 = tpu.memref_squeeze %dma_start3A_146 : memref<1x128x128xf32, #tpu.memory_space<hbm>> -> memref<128x128xf32, #tpu.memory_space<hbm>>
      %dma_start3A_148 = arith.constant 0 : i32
      %dma_start3A_149 = tpu.memref_slice %arg11[%mul3A_136, %dma_start3A_148] : memref<10240x128xf32, #tpu.memory_space<vmem_shared>> -> memref<128x128xf32, #tpu.memory_space<vmem_shared>>
      tpu.enqueue_dma source(%dma_start3A_149 : memref<128x128xf32, #tpu.memory_space<vmem_shared>>) target(%dma_start3A_147 : memref<128x128xf32, #tpu.memory_space<hbm>>) target_semaphore(%run_scoped3A : memref<!tpu.dma_semaphore, #tpu.memory_space<semaphore_mem>>)
      %dma_wait3A_150 = arith.constant 0 : i32
      %dma_wait3A_151 = tpu.memref_slice %arg5[%arg0, %mul3A_136, %dma_wait3A_150] : memref<2x10240x128xf32, #tpu.memory_space<hbm>> -> memref<1x128x128xf32, #tpu.memory_space<hbm>>
      %dma_wait3A_152 = tpu.memref_squeeze %dma_wait3A_151 : memref<1x128x128xf32, #tpu.memory_space<hbm>> -> memref<128x128xf32, #tpu.memory_space<hbm>>
      %dma_wait3A_153 = arith.constant 0 : i32
      %dma_wait3A_154 = tpu.memref_slice %arg11[%mul3A_136, %dma_wait3A_153] : memref<10240x128xf32, #tpu.memory_space<vmem_shared>> -> memref<128x128xf32, #tpu.memory_space<vmem_shared>>
      tpu.wait_dma2 semaphore(%run_scoped3A : memref<!tpu.dma_semaphore, #tpu.memory_space<semaphore_mem>>) src(%dma_wait3A_154 : memref<128x128xf32, #tpu.memory_space<vmem_shared>>) dst(%dma_wait3A_152 : memref<128x128xf32, #tpu.memory_space<hbm>>)
      tpu.yield
    }) : () -> ()
    %add3A_137 = arith.constant 48 : i32
    %add3A_138 = arith.addi %arg1, %add3A_137 : i32
    %mul3A_139 = arith.constant 128 : i32
    %mul3A_140 = arith.muli %add3A_138, %mul3A_139 : i32
    "tpu.region"() ({
      %run_scoped3A = tpu.sem_alloc : memref<!tpu.dma_semaphore, #tpu.memory_space<semaphore_mem>>
      %dma_start3A_145 = arith.constant 0 : i32
      %dma_start3A_146 = tpu.memref_slice %arg5[%arg0, %mul3A_140, %dma_start3A_145] : memref<2x10240x128xf32, #tpu.memory_space<hbm>> -> memref<1x128x128xf32, #tpu.memory_space<hbm>>
      %dma_start3A_147 = tpu.memref_squeeze %dma_start3A_146 : memref<1x128x128xf32, #tpu.memory_space<hbm>> -> memref<128x128xf32, #tpu.memory_space<hbm>>
      %dma_start3A_148 = arith.constant 0 : i32
      %dma_start3A_149 = tpu.memref_slice %arg11[%mul3A_140, %dma_start3A_148] : memref<10240x128xf32, #tpu.memory_space<vmem_shared>> -> memref<128x128xf32, #tpu.memory_space<vmem_shared>>
      tpu.enqueue_dma source(%dma_start3A_149 : memref<128x128xf32, #tpu.memory_space<vmem_shared>>) target(%dma_start3A_147 : memref<128x128xf32, #tpu.memory_space<hbm>>) target_semaphore(%run_scoped3A : memref<!tpu.dma_semaphore, #tpu.memory_space<semaphore_mem>>)
      %dma_wait3A_150 = arith.constant 0 : i32
      %dma_wait3A_151 = tpu.memref_slice %arg5[%arg0, %mul3A_140, %dma_wait3A_150] : memref<2x10240x128xf32, #tpu.memory_space<hbm>> -> memref<1x128x128xf32, #tpu.memory_space<hbm>>
      %dma_wait3A_152 = tpu.memref_squeeze %dma_wait3A_151 : memref<1x128x128xf32, #tpu.memory_space<hbm>> -> memref<128x128xf32, #tpu.memory_space<hbm>>
      %dma_wait3A_153 = arith.constant 0 : i32
      %dma_wait3A_154 = tpu.memref_slice %arg11[%mul3A_140, %dma_wait3A_153] : memref<10240x128xf32, #tpu.memory_space<vmem_shared>> -> memref<128x128xf32, #tpu.memory_space<vmem_shared>>
      tpu.wait_dma2 semaphore(%run_scoped3A : memref<!tpu.dma_semaphore, #tpu.memory_space<semaphore_mem>>) src(%dma_wait3A_154 : memref<128x128xf32, #tpu.memory_space<vmem_shared>>) dst(%dma_wait3A_152 : memref<128x128xf32, #tpu.memory_space<hbm>>)
      tpu.yield
    }) : () -> ()
    %add3A_141 = arith.constant 64 : i32
    %add3A_142 = arith.addi %arg1, %add3A_141 : i32
    %mul3A_143 = arith.constant 128 : i32
    %mul3A_144 = arith.muli %add3A_142, %mul3A_143 : i32
    "tpu.region"() ({
      %run_scoped3A = tpu.sem_alloc : memref<!tpu.dma_semaphore, #tpu.memory_space<semaphore_mem>>
      %dma_start3A_145 = arith.constant 0 : i32
      %dma_start3A_146 = tpu.memref_slice %arg5[%arg0, %mul3A_144, %dma_start3A_145] : memref<2x10240x128xf32, #tpu.memory_space<hbm>> -> memref<1x128x128xf32, #tpu.memory_space<hbm>>
      %dma_start3A_147 = tpu.memref_squeeze %dma_start3A_146 : memref<1x128x128xf32, #tpu.memory_space<hbm>> -> memref<128x128xf32, #tpu.memory_space<hbm>>
      %dma_start3A_148 = arith.constant 0 : i32
      %dma_start3A_149 = tpu.memref_slice %arg11[%mul3A_144, %dma_start3A_148] : memref<10240x128xf32, #tpu.memory_space<vmem_shared>> -> memref<128x128xf32, #tpu.memory_space<vmem_shared>>
      tpu.enqueue_dma source(%dma_start3A_149 : memref<128x128xf32, #tpu.memory_space<vmem_shared>>) target(%dma_start3A_147 : memref<128x128xf32, #tpu.memory_space<hbm>>) target_semaphore(%run_scoped3A : memref<!tpu.dma_semaphore, #tpu.memory_space<semaphore_mem>>)
      %dma_wait3A_150 = arith.constant 0 : i32
      %dma_wait3A_151 = tpu.memref_slice %arg5[%arg0, %mul3A_144, %dma_wait3A_150] : memref<2x10240x128xf32, #tpu.memory_space<hbm>> -> memref<1x128x128xf32, #tpu.memory_space<hbm>>
      %dma_wait3A_152 = tpu.memref_squeeze %dma_wait3A_151 : memref<1x128x128xf32, #tpu.memory_space<hbm>> -> memref<128x128xf32, #tpu.memory_space<hbm>>
      %dma_wait3A_153 = arith.constant 0 : i32
      %dma_wait3A_154 = tpu.memref_slice %arg11[%mul3A_144, %dma_wait3A_153] : memref<10240x128xf32, #tpu.memory_space<vmem_shared>> -> memref<128x128xf32, #tpu.memory_space<vmem_shared>>
      tpu.wait_dma2 semaphore(%run_scoped3A : memref<!tpu.dma_semaphore, #tpu.memory_space<semaphore_mem>>) src(%dma_wait3A_154 : memref<128x128xf32, #tpu.memory_space<vmem_shared>>) dst(%dma_wait3A_152 : memref<128x128xf32, #tpu.memory_space<hbm>>)
      tpu.yield
    }) : () -> ()
    return
  }
}

module attributes {stable_mosaic.version = 14 : i64} {
  func.func @kf(%arg0: i32, %arg1: memref<1024x128xf32, #tpu.memory_space<vmem>>, %arg2: memref<128x128xf32, #tpu.memory_space<vmem>>, %arg3: memref<1x128xf32, #tpu.memory_space<vmem>>, %arg4: memref<1024x128xf32, #tpu.memory_space<vmem>>) attributes {dimension_semantics = [#tpu.dimension_semantics<arbitrary>], iteration_bounds = array<i64: 10>, scalar_prefetch = 0 : i64, scratch_operands = 0 : i64, tpu.core_type = #tpu.core_type<tc>, window_params = [{transform_indices = @transform_0, window_bounds = array<i64: 1024, 128>}, {pipeline_mode = #tpu.pipeline_mode<synchronous>, transform_indices = @transform_1, window_bounds = array<i64: 128, 128>}, {pipeline_mode = #tpu.pipeline_mode<synchronous>, transform_indices = @transform_2, window_bounds = array<i64: 1, 128>}, {transform_indices = @transform_3, window_bounds = array<i64: 1024, 128>}]} {
    %get3A = arith.constant 0 : index
    %get3A_0 = arith.constant 0 : index
    %get3A_1 = vector.load %arg1[%get3A, %get3A_0] : memref<1024x128xf32, #tpu.memory_space<vmem>>, vector<1024x128xf32>
    %get3A_2 = arith.constant 0 : index
    %get3A_3 = arith.constant 0 : index
    %get3A_4 = vector.load %arg2[%get3A_2, %get3A_3] : memref<128x128xf32, #tpu.memory_space<vmem>>, vector<128x128xf32>
    %dot_general3A = arith.constant dense<0.000000e+00> : vector<1024x128xf32>
    %dot_general3A_5 = tpu.matmul %get3A_1, %get3A_4, %dot_general3A {dimension_numbers = #tpu.dot_dimension_numbers<[1], [0], [0], [1], [0, 0, 1, 1], [], []>, transpose_lhs_hint = false} : vector<1024x128xf32>, vector<128x128xf32>, vector<1024x128xf32> -> vector<1024x128xf32>
    %get3A_6 = arith.constant 0 : index
    %get3A_7 = arith.constant 0 : index
    %get3A_8 = vector.load %arg3[%get3A_6, %get3A_7] : memref<1x128xf32, #tpu.memory_space<vmem>>, vector<1x128xf32>
    %add3A = vector.broadcast %get3A_8 : vector<1x128xf32> to vector<1024x128xf32>
    %add3A_9 = arith.addf %dot_general3A_5, %add3A : vector<1024x128xf32>
    %logistic3A = arith.negf %add3A_9 : vector<1024x128xf32>
    %logistic3A_10 = math.exp %logistic3A : vector<1024x128xf32>
    %logistic3A_11 = arith.constant 1.000000e+00 : f32
    %logistic3A_12 = vector.broadcast %logistic3A_11 : f32 to vector<1024x128xf32>
    %logistic3A_13 = arith.addf %logistic3A_12, %logistic3A_10 : vector<1024x128xf32>
    %logistic3A_14 = arith.divf %logistic3A_12, %logistic3A_13 : vector<1024x128xf32>
    %mul3A = arith.mulf %add3A_9, %logistic3A_14 : vector<1024x128xf32>
    %swap3A = arith.constant 0 : index
    %swap3A_15 = arith.constant 0 : index
    %swap3A_16 = vector.load %arg4[%swap3A, %swap3A_15] : memref<1024x128xf32, #tpu.memory_space<vmem>>, vector<1024x128xf32>
    tpu.vector_store %arg4[%swap3A, %swap3A_15], %mul3A {strides = array<i32>} : memref<1024x128xf32, #tpu.memory_space<vmem>>, vector<1024x128xf32>,
    return
  }
  func.func @transform_0(%arg0: i32) -> (i32, i32) {
    %c0_i32 = arith.constant 0 : i32
    %c0_i32_0 = arith.constant 0 : i32
    return %arg0, %c0_i32 : i32, i32
  }
  func.func @transform_1(%arg0: i32) -> (i32, i32) {
    %c0_i32 = arith.constant 0 : i32
    %c0_i32_0 = arith.constant 0 : i32
    %c0_i32_1 = arith.constant 0 : i32
    return %c0_i32, %c0_i32_0 : i32, i32
  }
  func.func @transform_2(%arg0: i32) -> (i32, i32) {
    %c0_i32 = arith.constant 0 : i32
    %c0_i32_0 = arith.constant 0 : i32
    %c0_i32_1 = arith.constant 0 : i32
    return %c0_i32, %c0_i32_0 : i32, i32
  }
  func.func @transform_3(%arg0: i32) -> (i32, i32) {
    %c0_i32 = arith.constant 0 : i32
    %c0_i32_0 = arith.constant 0 : i32
    return %arg0, %c0_i32 : i32, i32
  }
}

module attributes {stable_mosaic.version = 14 : i64} {
  func.func @kf(%arg0: i32, %arg1: memref<1024x128xf32, #tpu.memory_space<vmem>>, %arg2: memref<2x2x1024x1xf32, #tpu.memory_space<vmem>>, %arg3: memref<1024x128xf32, #tpu.memory_space<vmem>>) attributes {dimension_semantics = [#tpu.dimension_semantics<arbitrary>], iteration_bounds = array<i64: 10>, scalar_prefetch = 0 : i64, scratch_operands = 0 : i64, tpu.core_type = #tpu.core_type<tc>, window_params = [{transform_indices = @transform_0, window_bounds = array<i64: 1024, 128>}, {transform_indices = @transform_1, window_bounds = array<i64: 2, 2, 1024, 1>}, {transform_indices = @transform_2, window_bounds = array<i64: 1024, 128>}]} {
    %get3A = arith.constant 0 : index
    %get3A_0 = arith.constant 0 : index
    %get3A_1 = vector.load %arg1[%get3A, %get3A_0] : memref<1024x128xf32, #tpu.memory_space<vmem>>, vector<1024x128xf32>
    %get3A_2 = arith.constant 0 : index
    %get3A_3 = arith.constant 0 : index
    %get3A_4 = arith.constant 0 : index
    %get3A_5 = arith.constant 0 : index
    %get3A_6 = vector.load %arg2[%get3A_2, %get3A_3, %get3A_4, %get3A_5] : memref<2x2x1024x1xf32, #tpu.memory_space<vmem>>, vector<2x2x1024x1xf32>
    %slice3A = vector.extract_strided_slice %get3A_6 {offsets = [0, 0, 0, 0], sizes = [1, 1, 1024, 1], strides = [1, 1, 1, 1]} : vector<2x2x1024x1xf32> to vector<1x1x1024x1xf32>
    %squeeze3A = vector.shape_cast %slice3A : vector<1x1x1024x1xf32> to vector<1024x1xf32>
    %slice3A_7 = vector.extract_strided_slice %get3A_6 {offsets = [1, 0, 0, 0], sizes = [1, 1, 1024, 1], strides = [1, 1, 1, 1]} : vector<2x2x1024x1xf32> to vector<1x1x1024x1xf32>
    %squeeze3A_8 = vector.shape_cast %slice3A_7 : vector<1x1x1024x1xf32> to vector<1024x1xf32>
    %add3A = arith.addf %squeeze3A, %squeeze3A_8 : vector<1024x1xf32>
    %gt3A = arith.constant 0.000000e+00 : f32
    %gt3A_9 = vector.broadcast %gt3A : f32 to vector<1024x1xf32>
    %gt3A_10 = arith.cmpf ogt, %add3A, %gt3A_9 : vector<1024x1xf32>
    %rsqrt3A = math.rsqrt %add3A : vector<1024x1xf32>
    %jit3A = arith.constant 0.000000e+00 : f32
    %broadcast_in_dim3A = vector.broadcast %jit3A : f32 to vector<1024x1xf32>
    %select_n3A = arith.select %gt3A_10, %rsqrt3A, %broadcast_in_dim3A : vector<1024x1xi1>, vector<1024x1xf32>
    %mul3A = vector.broadcast %select_n3A : vector<1024x1xf32> to vector<1024x128xf32>
    %mul3A_11 = arith.mulf %get3A_1, %mul3A : vector<1024x128xf32>
    %swap3A = arith.constant 0 : index
    %swap3A_12 = arith.constant 0 : index
    %swap3A_13 = vector.load %arg3[%swap3A, %swap3A_12] : memref<1024x128xf32, #tpu.memory_space<vmem>>, vector<1024x128xf32>
    tpu.vector_store %arg3[%swap3A, %swap3A_12], %mul3A_11 {strides = array<i32>} : memref<1024x128xf32, #tpu.memory_space<vmem>>, vector<1024x128xf32>,
    return
  }
  func.func @transform_0(%arg0: i32) -> (i32, i32) {
    %c0_i32 = arith.constant 0 : i32
    %c0_i32_0 = arith.constant 0 : i32
    return %arg0, %c0_i32 : i32, i32
  }
  func.func @transform_1(%arg0: i32) -> (i32, i32, i32, i32) {
    %c0_i32 = arith.constant 0 : i32
    %c0_i32_0 = arith.constant 0 : i32
    %c0_i32_1 = arith.constant 0 : i32
    %c0_i32_2 = arith.constant 0 : i32
    return %c0_i32, %c0_i32_0, %arg0, %c0_i32_1 : i32, i32, i32, i32
  }
  func.func @transform_2(%arg0: i32) -> (i32, i32) {
    %c0_i32 = arith.constant 0 : i32
    %c0_i32_0 = arith.constant 0 : i32
    return %arg0, %c0_i32 : i32, i32
  }
}

module attributes {stable_mosaic.version = 14 : i64} {
  func.func @kf(%arg0: i32, %arg1: memref<2x1024x128xf32, #tpu.memory_space<vmem>>, %arg2: memref<2x2x1024x1xf32, #tpu.memory_space<vmem>>, %arg3: memref<128x128xf32, #tpu.memory_space<vmem>>, %arg4: memref<1x128xf32, #tpu.memory_space<vmem>>, %arg5: memref<1024x128xf32, #tpu.memory_space<vmem>>) attributes {dimension_semantics = [#tpu.dimension_semantics<arbitrary>], iteration_bounds = array<i64: 10>, scalar_prefetch = 0 : i64, scratch_operands = 0 : i64, tpu.core_type = #tpu.core_type<tc>, window_params = [{transform_indices = @transform_0, window_bounds = array<i64: 2, 1024, 128>}, {transform_indices = @transform_1, window_bounds = array<i64: 2, 2, 1024, 1>}, {pipeline_mode = #tpu.pipeline_mode<synchronous>, transform_indices = @transform_2, window_bounds = array<i64: 128, 128>}, {pipeline_mode = #tpu.pipeline_mode<synchronous>, transform_indices = @transform_3, window_bounds = array<i64: 1, 128>}, {transform_indices = @transform_4, window_bounds = array<i64: 1024, 128>}]} {
    %get3A = arith.constant 0 : index
    %get3A_0 = arith.constant 0 : index
    %get3A_1 = arith.constant 0 : index
    %get3A_2 = arith.constant 0 : index
    %get3A_3 = vector.load %arg2[%get3A, %get3A_0, %get3A_1, %get3A_2] : memref<2x2x1024x1xf32, #tpu.memory_space<vmem>>, vector<2x2x1024x1xf32>
    %get3A_4 = arith.constant 0 : index
    %get3A_5 = arith.constant 0 : index
    %get3A_6 = arith.constant 0 : index
    %get3A_7 = vector.load %arg1[%get3A_4, %get3A_5, %get3A_6] : memref<2x1024x128xf32, #tpu.memory_space<vmem>>, vector<1x1024x128xf32>
    %get3A_8 = vector.shape_cast %get3A_7 : vector<1x1024x128xf32> to vector<1024x128xf32>
    %get3A_9 = arith.constant 1 : index
    %get3A_10 = arith.constant 0 : index
    %get3A_11 = arith.constant 0 : index
    %get3A_12 = vector.load %arg1[%get3A_9, %get3A_10, %get3A_11] : memref<2x1024x128xf32, #tpu.memory_space<vmem>>, vector<1x1024x128xf32>
    %get3A_13 = vector.shape_cast %get3A_12 : vector<1x1024x128xf32> to vector<1024x128xf32>
    %add3A = arith.addf %get3A_8, %get3A_13 : vector<1024x128xf32>
    %slice3A = vector.extract_strided_slice %get3A_3 {offsets = [0, 1, 0, 0], sizes = [1, 1, 1024, 1], strides = [1, 1, 1, 1]} : vector<2x2x1024x1xf32> to vector<1x1x1024x1xf32>
    %squeeze3A = vector.shape_cast %slice3A : vector<1x1x1024x1xf32> to vector<1024x1xf32>
    %slice3A_14 = vector.extract_strided_slice %get3A_3 {offsets = [1, 1, 0, 0], sizes = [1, 1, 1024, 1], strides = [1, 1, 1, 1]} : vector<2x2x1024x1xf32> to vector<1x1x1024x1xf32>
    %squeeze3A_15 = vector.shape_cast %slice3A_14 : vector<1x1x1024x1xf32> to vector<1024x1xf32>
    %add3A_16 = arith.addf %squeeze3A, %squeeze3A_15 : vector<1024x1xf32>
    %gt3A = arith.constant 0.000000e+00 : f32
    %gt3A_17 = vector.broadcast %gt3A : f32 to vector<1024x1xf32>
    %gt3A_18 = arith.cmpf ogt, %add3A_16, %gt3A_17 : vector<1024x1xf32>
    %rsqrt3A = math.rsqrt %add3A_16 : vector<1024x1xf32>
    %jit3A = arith.constant 0.000000e+00 : f32
    %broadcast_in_dim3A = vector.broadcast %jit3A : f32 to vector<1024x1xf32>
    %select_n3A = arith.select %gt3A_18, %rsqrt3A, %broadcast_in_dim3A : vector<1024x1xi1>, vector<1024x1xf32>
    %mul3A = vector.broadcast %select_n3A : vector<1024x1xf32> to vector<1024x128xf32>
    %mul3A_19 = arith.mulf %add3A, %mul3A : vector<1024x128xf32>
    %get3A_20 = arith.constant 0 : index
    %get3A_21 = arith.constant 0 : index
    %get3A_22 = vector.load %arg3[%get3A_20, %get3A_21] : memref<128x128xf32, #tpu.memory_space<vmem>>, vector<128x128xf32>
    %dot_general3A = arith.constant dense<0.000000e+00> : vector<1024x128xf32>
    %dot_general3A_23 = tpu.matmul %mul3A_19, %get3A_22, %dot_general3A {dimension_numbers = #tpu.dot_dimension_numbers<[1], [0], [0], [1], [0, 0, 1, 1], [], []>, transpose_lhs_hint = false} : vector<1024x128xf32>, vector<128x128xf32>, vector<1024x128xf32> -> vector<1024x128xf32>
    %get3A_24 = arith.constant 0 : index
    %get3A_25 = arith.constant 0 : index
    %get3A_26 = vector.load %arg4[%get3A_24, %get3A_25] : memref<1x128xf32, #tpu.memory_space<vmem>>, vector<1x128xf32>
    %add3A_27 = vector.broadcast %get3A_26 : vector<1x128xf32> to vector<1024x128xf32>
    %add3A_28 = arith.addf %dot_general3A_23, %add3A_27 : vector<1024x128xf32>
    %logistic3A = arith.negf %add3A_28 : vector<1024x128xf32>
    %logistic3A_29 = math.exp %logistic3A : vector<1024x128xf32>
    %logistic3A_30 = arith.constant 1.000000e+00 : f32
    %logistic3A_31 = vector.broadcast %logistic3A_30 : f32 to vector<1024x128xf32>
    %logistic3A_32 = arith.addf %logistic3A_31, %logistic3A_29 : vector<1024x128xf32>
    %logistic3A_33 = arith.divf %logistic3A_31, %logistic3A_32 : vector<1024x128xf32>
    %mul3A_34 = arith.mulf %add3A_28, %logistic3A_33 : vector<1024x128xf32>
    %slice3A_35 = vector.extract_strided_slice %get3A_3 {offsets = [0, 0, 0, 0], sizes = [1, 1, 1024, 1], strides = [1, 1, 1, 1]} : vector<2x2x1024x1xf32> to vector<1x1x1024x1xf32>
    %squeeze3A_36 = vector.shape_cast %slice3A_35 : vector<1x1x1024x1xf32> to vector<1024x1xf32>
    %slice3A_37 = vector.extract_strided_slice %get3A_3 {offsets = [1, 0, 0, 0], sizes = [1, 1, 1024, 1], strides = [1, 1, 1, 1]} : vector<2x2x1024x1xf32> to vector<1x1x1024x1xf32>
    %squeeze3A_38 = vector.shape_cast %slice3A_37 : vector<1x1x1024x1xf32> to vector<1024x1xf32>
    %add3A_39 = arith.addf %squeeze3A_36, %squeeze3A_38 : vector<1024x1xf32>
    %gt3A_40 = arith.constant 0.000000e+00 : f32
    %gt3A_41 = vector.broadcast %gt3A_40 : f32 to vector<1024x1xf32>
    %gt3A_42 = arith.cmpf ogt, %add3A_39, %gt3A_41 : vector<1024x1xf32>
    %rsqrt3A_43 = math.rsqrt %add3A_39 : vector<1024x1xf32>
    %jit3A_44 = arith.constant 0.000000e+00 : f32
    %broadcast_in_dim3A_45 = vector.broadcast %jit3A_44 : f32 to vector<1024x1xf32>
    %select_n3A_46 = arith.select %gt3A_42, %rsqrt3A_43, %broadcast_in_dim3A_45 : vector<1024x1xi1>, vector<1024x1xf32>
    %mul3A_47 = vector.broadcast %select_n3A_46 : vector<1024x1xf32> to vector<1024x128xf32>
    %mul3A_48 = arith.mulf %mul3A_34, %mul3A_47 : vector<1024x128xf32>
    %swap3A = arith.constant 0 : index
    %swap3A_49 = arith.constant 0 : index
    %swap3A_50 = vector.load %arg5[%swap3A, %swap3A_49] : memref<1024x128xf32, #tpu.memory_space<vmem>>, vector<1024x128xf32>
    tpu.vector_store %arg5[%swap3A, %swap3A_49], %mul3A_48 {strides = array<i32>} : memref<1024x128xf32, #tpu.memory_space<vmem>>, vector<1024x128xf32>,
    return
  }
  func.func @transform_0(%arg0: i32) -> (i32, i32, i32) {
    %c0_i32 = arith.constant 0 : i32
    %c0_i32_0 = arith.constant 0 : i32
    %c0_i32_1 = arith.constant 0 : i32
    return %c0_i32, %arg0, %c0_i32_0 : i32, i32, i32
  }
  func.func @transform_1(%arg0: i32) -> (i32, i32, i32, i32) {
    %c0_i32 = arith.constant 0 : i32
    %c0_i32_0 = arith.constant 0 : i32
    %c0_i32_1 = arith.constant 0 : i32
    %c0_i32_2 = arith.constant 0 : i32
    return %c0_i32, %c0_i32_0, %arg0, %c0_i32_1 : i32, i32, i32, i32
  }
  func.func @transform_2(%arg0: i32) -> (i32, i32) {
    %c0_i32 = arith.constant 0 : i32
    %c0_i32_0 = arith.constant 0 : i32
    %c0_i32_1 = arith.constant 0 : i32
    return %c0_i32, %c0_i32_0 : i32, i32
  }
  func.func @transform_3(%arg0: i32) -> (i32, i32) {
    %c0_i32 = arith.constant 0 : i32
    %c0_i32_0 = arith.constant 0 : i32
    %c0_i32_1 = arith.constant 0 : i32
    return %c0_i32, %c0_i32_0 : i32, i32
  }
  func.func @transform_4(%arg0: i32) -> (i32, i32) {
    %c0_i32 = arith.constant 0 : i32
    %c0_i32_0 = arith.constant 0 : i32
    return %arg0, %c0_i32 : i32, i32
  }
}

module attributes {stable_mosaic.version = 14 : i64} {
  func.func @kf(%arg0: i32, %arg1: memref<2x1024x128xf32, #tpu.memory_space<vmem>>, %arg2: memref<2x2x1024x1xf32, #tpu.memory_space<vmem>>, %arg3: memref<1024x1xi32, #tpu.memory_space<vmem>>, %arg4: memref<128x128xf32, #tpu.memory_space<vmem>>, %arg5: memref<1x128xf32, #tpu.memory_space<vmem>>, %arg6: memref<128x128xf32, #tpu.memory_space<vmem>>, %arg7: memref<1x128xf32, #tpu.memory_space<vmem>>, %arg8: memref<128x128xf32, #tpu.memory_space<vmem>>, %arg9: memref<1x128xf32, #tpu.memory_space<vmem>>, %arg10: memref<64x128xf32, #tpu.memory_space<vmem>>) attributes {dimension_semantics = [#tpu.dimension_semantics<arbitrary>], iteration_bounds = array<i64: 10>, scalar_prefetch = 0 : i64, scratch_operands = 0 : i64, tpu.core_type = #tpu.core_type<tc>, window_params = [{transform_indices = @transform_0, window_bounds = array<i64: 2, 1024, 128>}, {transform_indices = @transform_1, window_bounds = array<i64: 2, 2, 1024, 1>}, {transform_indices = @transform_2, window_bounds = array<i64: 1024, 1>}, {pipeline_mode = #tpu.pipeline_mode<synchronous>, transform_indices = @transform_3, window_bounds = array<i64: 128, 128>}, {pipeline_mode = #tpu.pipeline_mode<synchronous>, transform_indices = @transform_4, window_bounds = array<i64: 1, 128>}, {pipeline_mode = #tpu.pipeline_mode<synchronous>, transform_indices = @transform_5, window_bounds = array<i64: 128, 128>}, {pipeline_mode = #tpu.pipeline_mode<synchronous>, transform_indices = @transform_6, window_bounds = array<i64: 1, 128>}, {pipeline_mode = #tpu.pipeline_mode<synchronous>, transform_indices = @transform_7, window_bounds = array<i64: 128, 128>}, {pipeline_mode = #tpu.pipeline_mode<synchronous>, transform_indices = @transform_8, window_bounds = array<i64: 1, 128>}, {pipeline_mode = #tpu.pipeline_mode<synchronous>, transform_indices = @transform_9, window_bounds = array<i64: 64, 128>}]} {
    %get3A = arith.constant 0 : index
    %get3A_0 = arith.constant 0 : index
    %get3A_1 = arith.constant 0 : index
    %get3A_2 = vector.load %arg1[%get3A, %get3A_0, %get3A_1] : memref<2x1024x128xf32, #tpu.memory_space<vmem>>, vector<1x1024x128xf32>
    %get3A_3 = vector.shape_cast %get3A_2 : vector<1x1024x128xf32> to vector<1024x128xf32>
    %get3A_4 = arith.constant 1 : index
    %get3A_5 = arith.constant 0 : index
    %get3A_6 = arith.constant 0 : index
    %get3A_7 = vector.load %arg1[%get3A_4, %get3A_5, %get3A_6] : memref<2x1024x128xf32, #tpu.memory_space<vmem>>, vector<1x1024x128xf32>
    %get3A_8 = vector.shape_cast %get3A_7 : vector<1x1024x128xf32> to vector<1024x128xf32>
    %add3A = arith.addf %get3A_3, %get3A_8 : vector<1024x128xf32>
    %get3A_9 = arith.constant 0 : index
    %get3A_10 = arith.constant 0 : index
    %get3A_11 = arith.constant 0 : index
    %get3A_12 = arith.constant 0 : index
    %get3A_13 = vector.load %arg2[%get3A_9, %get3A_10, %get3A_11, %get3A_12] : memref<2x2x1024x1xf32, #tpu.memory_space<vmem>>, vector<2x2x1024x1xf32>
    %slice3A = vector.extract_strided_slice %get3A_13 {offsets = [0, 1, 0, 0], sizes = [1, 1, 1024, 1], strides = [1, 1, 1, 1]} : vector<2x2x1024x1xf32> to vector<1x1x1024x1xf32>
    %squeeze3A = vector.shape_cast %slice3A : vector<1x1x1024x1xf32> to vector<1024x1xf32>
    %slice3A_14 = vector.extract_strided_slice %get3A_13 {offsets = [1, 1, 0, 0], sizes = [1, 1, 1024, 1], strides = [1, 1, 1, 1]} : vector<2x2x1024x1xf32> to vector<1x1x1024x1xf32>
    %squeeze3A_15 = vector.shape_cast %slice3A_14 : vector<1x1x1024x1xf32> to vector<1024x1xf32>
    %add3A_16 = arith.addf %squeeze3A, %squeeze3A_15 : vector<1024x1xf32>
    %gt3A = arith.constant 0.000000e+00 : f32
    %gt3A_17 = vector.broadcast %gt3A : f32 to vector<1024x1xf32>
    %gt3A_18 = arith.cmpf ogt, %add3A_16, %gt3A_17 : vector<1024x1xf32>
    %rsqrt3A = math.rsqrt %add3A_16 : vector<1024x1xf32>
    %jit3A = arith.constant 0.000000e+00 : f32
    %broadcast_in_dim3A = vector.broadcast %jit3A : f32 to vector<1024x1xf32>
    %select_n3A = arith.select %gt3A_18, %rsqrt3A, %broadcast_in_dim3A : vector<1024x1xi1>, vector<1024x1xf32>
    %mul3A = vector.broadcast %select_n3A : vector<1024x1xf32> to vector<1024x128xf32>
    %mul3A_19 = arith.mulf %add3A, %mul3A : vector<1024x128xf32>
    %get3A_20 = arith.constant 0 : index
    %get3A_21 = arith.constant 0 : index
    %get3A_22 = vector.load %arg4[%get3A_20, %get3A_21] : memref<128x128xf32, #tpu.memory_space<vmem>>, vector<128x128xf32>
    %dot_general3A = arith.constant dense<0.000000e+00> : vector<1024x128xf32>
    %dot_general3A_23 = tpu.matmul %mul3A_19, %get3A_22, %dot_general3A {dimension_numbers = #tpu.dot_dimension_numbers<[1], [0], [0], [1], [0, 0, 1, 1], [], []>, transpose_lhs_hint = false} : vector<1024x128xf32>, vector<128x128xf32>, vector<1024x128xf32> -> vector<1024x128xf32>
    %get3A_24 = arith.constant 0 : index
    %get3A_25 = arith.constant 0 : index
    %get3A_26 = vector.load %arg5[%get3A_24, %get3A_25] : memref<1x128xf32, #tpu.memory_space<vmem>>, vector<1x128xf32>
    %add3A_27 = vector.broadcast %get3A_26 : vector<1x128xf32> to vector<1024x128xf32>
    %add3A_28 = arith.addf %dot_general3A_23, %add3A_27 : vector<1024x128xf32>
    %logistic3A = arith.negf %add3A_28 : vector<1024x128xf32>
    %logistic3A_29 = math.exp %logistic3A : vector<1024x128xf32>
    %logistic3A_30 = arith.constant 1.000000e+00 : f32
    %logistic3A_31 = vector.broadcast %logistic3A_30 : f32 to vector<1024x128xf32>
    %logistic3A_32 = arith.addf %logistic3A_31, %logistic3A_29 : vector<1024x128xf32>
    %logistic3A_33 = arith.divf %logistic3A_31, %logistic3A_32 : vector<1024x128xf32>
    %mul3A_34 = arith.mulf %add3A_28, %logistic3A_33 : vector<1024x128xf32>
    %get3A_35 = arith.constant 0 : index
    %get3A_36 = arith.constant 0 : index
    %get3A_37 = vector.load %arg6[%get3A_35, %get3A_36] : memref<128x128xf32, #tpu.memory_space<vmem>>, vector<128x128xf32>
    %dot_general3A_38 = arith.constant dense<0.000000e+00> : vector<1024x128xf32>
    %dot_general3A_39 = tpu.matmul %mul3A_34, %get3A_37, %dot_general3A_38 {dimension_numbers = #tpu.dot_dimension_numbers<[1], [0], [0], [1], [0, 0, 1, 1], [], []>, transpose_lhs_hint = false} : vector<1024x128xf32>, vector<128x128xf32>, vector<1024x128xf32> -> vector<1024x128xf32>
    %get3A_40 = arith.constant 0 : index
    %get3A_41 = arith.constant 0 : index
    %get3A_42 = vector.load %arg7[%get3A_40, %get3A_41] : memref<1x128xf32, #tpu.memory_space<vmem>>, vector<1x128xf32>
    %add3A_43 = vector.broadcast %get3A_42 : vector<1x128xf32> to vector<1024x128xf32>
    %add3A_44 = arith.addf %dot_general3A_39, %add3A_43 : vector<1024x128xf32>
    %logistic3A_45 = arith.negf %add3A_44 : vector<1024x128xf32>
    %logistic3A_46 = math.exp %logistic3A_45 : vector<1024x128xf32>
    %logistic3A_47 = arith.constant 1.000000e+00 : f32
    %logistic3A_48 = vector.broadcast %logistic3A_47 : f32 to vector<1024x128xf32>
    %logistic3A_49 = arith.addf %logistic3A_48, %logistic3A_46 : vector<1024x128xf32>
    %logistic3A_50 = arith.divf %logistic3A_48, %logistic3A_49 : vector<1024x128xf32>
    %mul3A_51 = arith.mulf %add3A_44, %logistic3A_50 : vector<1024x128xf32>
    %get3A_52 = arith.constant 0 : index
    %get3A_53 = arith.constant 0 : index
    %get3A_54 = vector.load %arg8[%get3A_52, %get3A_53] : memref<128x128xf32, #tpu.memory_space<vmem>>, vector<128x128xf32>
    %dot_general3A_55 = arith.constant dense<0.000000e+00> : vector<1024x128xf32>
    %dot_general3A_56 = tpu.matmul %mul3A_51, %get3A_54, %dot_general3A_55 {dimension_numbers = #tpu.dot_dimension_numbers<[1], [0], [0], [1], [0, 0, 1, 1], [], []>, transpose_lhs_hint = false} : vector<1024x128xf32>, vector<128x128xf32>, vector<1024x128xf32> -> vector<1024x128xf32>
    %get3A_57 = arith.constant 0 : index
    %get3A_58 = arith.constant 0 : index
    %get3A_59 = vector.load %arg3[%get3A_57, %get3A_58] : memref<1024x1xi32, #tpu.memory_space<vmem>>, vector<1024x1xi32>
    %iota3A = tpu.iota {dimensions = array<i32: 1>} : vector<1x64xi32>
    %eq3A = vector.broadcast %get3A_59 : vector<1024x1xi32> to vector<1024x64xi32>
    %eq3A_60 = vector.broadcast %iota3A : vector<1x64xi32> to vector<1024x64xi32>
    %eq3A_61 = arith.cmpi eq, %eq3A, %eq3A_60 : vector<1024x64xi32>
    %convert_element_type3A = arith.extui %eq3A_61 : vector<1024x64xi1> to vector<1024x64xi32>
    %convert_element_type3A_62 = arith.sitofp %convert_element_type3A : vector<1024x64xi32> to vector<1024x64xf32>
    %dot_general3A_63 = arith.constant dense<0.000000e+00> : vector<64x128xf32>
    %dot_general3A_64 = tpu.matmul %convert_element_type3A_62, %dot_general3A_56, %dot_general3A_63 {dimension_numbers = #tpu.dot_dimension_numbers<[0], [0], [1], [1], [0, 1, 1, 1], [], []>, transpose_lhs_hint = false} : vector<1024x64xf32>, vector<1024x128xf32>, vector<64x128xf32> -> vector<64x128xf32>
    %eq3A_65 = arith.constant 0 : i32
    %eq3A_66 = arith.cmpi eq, %arg0, %eq3A_65 : i32
    %convert_element_type3A_67 = arith.extui %eq3A_66 : i1 to i32
    %cond3A = arith.constant 0 : i32
    %cond3A_68 = arith.cmpi ne, %convert_element_type3A_67, %cond3A : i32
    scf.if %cond3A_68 {
      %broadcast_in_dim3A_80 = arith.constant 0.000000e+00 : f32
      %broadcast_in_dim3A_81 = vector.broadcast %broadcast_in_dim3A_80 : f32 to vector<64x128xf32>
      %swap3A_82 = arith.constant 0 : index
      %swap3A_83 = arith.constant 0 : index
      %swap3A_84 = vector.load %arg10[%swap3A_82, %swap3A_83] : memref<64x128xf32, #tpu.memory_space<vmem>>, vector<64x128xf32>
      tpu.vector_store %arg10[%swap3A_82, %swap3A_83], %broadcast_in_dim3A_81 {strides = array<i32>} : memref<64x128xf32, #tpu.memory_space<vmem>>, vector<64x128xf32>,
    } else {
    }
    %get3A_69 = arith.constant 0 : index
    %get3A_70 = arith.constant 0 : index
    %get3A_71 = vector.load %arg10[%get3A_69, %get3A_70] : memref<64x128xf32, #tpu.memory_space<vmem>>, vector<64x128xf32>
    %add3A_72 = arith.addf %get3A_71, %dot_general3A_64 : vector<64x128xf32>
    %swap3A = arith.constant 0 : index
    %swap3A_73 = arith.constant 0 : index
    %swap3A_74 = vector.load %arg10[%swap3A, %swap3A_73] : memref<64x128xf32, #tpu.memory_space<vmem>>, vector<64x128xf32>
    tpu.vector_store %arg10[%swap3A, %swap3A_73], %add3A_72 {strides = array<i32>} : memref<64x128xf32, #tpu.memory_space<vmem>>, vector<64x128xf32>,
    %eq3A_75 = arith.constant 9 : i32
    %eq3A_76 = arith.cmpi eq, %arg0, %eq3A_75 : i32
    %convert_element_type3A_77 = arith.extui %eq3A_76 : i1 to i32
    %cond3A_78 = arith.constant 0 : i32
    %cond3A_79 = arith.cmpi ne, %convert_element_type3A_77, %cond3A_78 : i32
    scf.if %cond3A_79 {
      %get3A_80 = arith.constant 0 : index
      %get3A_81 = arith.constant 0 : index
      %get3A_82 = vector.load %arg10[%get3A_80, %get3A_81] : memref<64x128xf32, #tpu.memory_space<vmem>>, vector<64x128xf32>
      %get3A_83 = arith.constant 0 : index
      %get3A_84 = arith.constant 0 : index
      %get3A_85 = vector.load %arg9[%get3A_83, %get3A_84] : memref<1x128xf32, #tpu.memory_space<vmem>>, vector<1x128xf32>
      %add3A_86 = vector.broadcast %get3A_85 : vector<1x128xf32> to vector<64x128xf32>
      %add3A_87 = arith.addf %get3A_82, %add3A_86 : vector<64x128xf32>
      %swap3A_88 = arith.constant 0 : index
      %swap3A_89 = arith.constant 0 : index
      %swap3A_90 = vector.load %arg10[%swap3A_88, %swap3A_89] : memref<64x128xf32, #tpu.memory_space<vmem>>, vector<64x128xf32>
      tpu.vector_store %arg10[%swap3A_88, %swap3A_89], %add3A_87 {strides = array<i32>} : memref<64x128xf32, #tpu.memory_space<vmem>>, vector<64x128xf32>,
    } else {
    }
    return
  }
  func.func @transform_0(%arg0: i32) -> (i32, i32, i32) {
    %c0_i32 = arith.constant 0 : i32
    %c0_i32_0 = arith.constant 0 : i32
    %c0_i32_1 = arith.constant 0 : i32
    return %c0_i32, %arg0, %c0_i32_0 : i32, i32, i32
  }
  func.func @transform_1(%arg0: i32) -> (i32, i32, i32, i32) {
    %c0_i32 = arith.constant 0 : i32
    %c0_i32_0 = arith.constant 0 : i32
    %c0_i32_1 = arith.constant 0 : i32
    %c0_i32_2 = arith.constant 0 : i32
    return %c0_i32, %c0_i32_0, %arg0, %c0_i32_1 : i32, i32, i32, i32
  }
  func.func @transform_2(%arg0: i32) -> (i32, i32) {
    %c0_i32 = arith.constant 0 : i32
    %c0_i32_0 = arith.constant 0 : i32
    return %arg0, %c0_i32 : i32, i32
  }
  func.func @transform_3(%arg0: i32) -> (i32, i32) {
    %c0_i32 = arith.constant 0 : i32
    %c0_i32_0 = arith.constant 0 : i32
    %c0_i32_1 = arith.constant 0 : i32
    return %c0_i32, %c0_i32_0 : i32, i32
  }
  func.func @transform_4(%arg0: i32) -> (i32, i32) {
    %c0_i32 = arith.constant 0 : i32
    %c0_i32_0 = arith.constant 0 : i32
    %c0_i32_1 = arith.constant 0 : i32
    return %c0_i32, %c0_i32_0 : i32, i32
  }
  func.func @transform_5(%arg0: i32) -> (i32, i32) {
    %c0_i32 = arith.constant 0 : i32
    %c0_i32_0 = arith.constant 0 : i32
    %c0_i32_1 = arith.constant 0 : i32
    return %c0_i32, %c0_i32_0 : i32, i32
  }
  func.func @transform_6(%arg0: i32) -> (i32, i32) {
    %c0_i32 = arith.constant 0 : i32
    %c0_i32_0 = arith.constant 0 : i32
    %c0_i32_1 = arith.constant 0 : i32
    return %c0_i32, %c0_i32_0 : i32, i32
  }
  func.func @transform_7(%arg0: i32) -> (i32, i32) {
    %c0_i32 = arith.constant 0 : i32
    %c0_i32_0 = arith.constant 0 : i32
    %c0_i32_1 = arith.constant 0 : i32
    return %c0_i32, %c0_i32_0 : i32, i32
  }
  func.func @transform_8(%arg0: i32) -> (i32, i32) {
    %c0_i32 = arith.constant 0 : i32
    %c0_i32_0 = arith.constant 0 : i32
    %c0_i32_1 = arith.constant 0 : i32
    return %c0_i32, %c0_i32_0 : i32, i32
  }
  func.func @transform_9(%arg0: i32) -> (i32, i32) {
    %c0_i32 = arith.constant 0 : i32
    %c0_i32_0 = arith.constant 0 : i32
    %c0_i32_1 = arith.constant 0 : i32
    return %c0_i32, %c0_i32_0 : i32, i32
  }
}

</mosaic_0001>

<sc_bundles>
// kernel: kernel.11.cloned.1.call-start
scs
__scs_entry_jumppad:
0x0: {  	(pc) =	sbr.rel $0x88, $3  }
0x1: {  	(tag) =	ssettag $0x0;
	lr =	simm.s32 $0x1  }
0x2: {  	[smem:$0x3F92] =	sst lr;
	_ =	strace $0xD0000000  }
0x3: {  	_ = 	snop  }
0x4: {  	_ = 	snop  }
0x5: {  	_ = 	snop  }
0x6: {  	_ = 	snop  }
0x7: {  	_ = 	snop  }
__scs_overlays_trampoline_lowered:
0x8: {  	[smem:$0x3FA1] =	sst s0  }
0x9: {  	[smem:$0x3FA2] =	sst s1  }
0xa: {  	[smem:$0x3FA3] =	sst s2  }
0xb: {  	[smem:$0x3FA4] =	sst s3  }
0xc: {  	[smem:$0x3FA5] =	sst s4  }
0xd: {  	[smem:$0x3FA6] =	sst s5  }
0xe: {  	[smem:$0x3FA7] =	sst s6  }
0xf: {  	[smem:$0x3FA8] =	sst s7  }
0x10: {  	[smem:$0x3FA9] =	sst s8  }
0x11: {  	[smem:$0x3FAA] =	sst s9;
	s0 =	simm.s32 @!p0 $0x0  }
0x12: {  	s1 =	sld [smem:$0x3F90];
	s0 =	simm.s32 @p0 $0x1  }
0x13: {  	[smem:$0x3FAB] =	sst s0;
	s0 =	simm.s32 @!p1 $0x0  }
0x14: {  	s2 =	sld [smem:$0x3F8F];
	s0 =	simm.s32 @p1 $0x1  }
0x15: {  	[smem:$0x3FAC] =	sst s0;
	s0 =	simm.s32 @!p2 $0x0  }
0x16: {  	s3 =	sld [smem:$0x3FDB];
	s0 =	simm.s32 @p2 $0x1  }
0x17: {  	s4 =	simm.s32 $0x1BF5;
	[smem:$0x3FAE] =	sst s0  }
0x18: {  	s0 =	sld [smem:$0x3F91];
	_ =	swait.ge [sflag:s4], $0x0  }
0x19: {  	s7 =	sld [smem:$0x3F92]  }
0x1a: {  	s8 =	sadd.s32 $0xFFFFE003, lr  }
0x1b: {  	s9 =	sadd.s32 $0xFFFFFEF7, lr;
	s5 =	simm.s32 $0xFFFFFFFF;
	p2 =	slt.u32 s8, $0xFFFFF086  }
0x1c: {  	p1 =	slt.u32 s9, $0xF7A;
	s5 =	simm.s32 @!p2 $0x0  }
0x1d: {  	s5 =	simm.s32 @p1 $0x1;
	p0 =	seq.s32 s7, s2  }
0x1e: {  	s7 =	smul.u32 @!p0 $0xF7A, s2;
	p2 =	seq.s32 @!p0 s5, $0x0  }
0x1f: {  	s9 =	smul.u32 $0xF7A, s1;
	s8 =	simm.s32 @!p0 $0x1BF5;
	p2 =	por !p2, p0  }
0x20: {  	[sflag:s8] =	ssyncset.s32 @!p0 $0xFFFFF086;
	s6 =	sadd.s32 @!p0 s3, s7;
	s7 =	simm.s32 @!p0 $0x108  }
0x21: {  	s3 =	sadd.s32 s3, s9;
	s6 =	sadd.s32 @!p0 $0x88, s6;
	s7 =	simm.s32 @p2 $0x1082  }
0x22: {  	[simem:s7], [sflag:s8] =	dma.local @!p0 [hbm:s6], $0xF7A  }
0x23: {  	s9 =	sor.u32 $0xD0000000, s2;
	s6 =	simm.s32 $0x108;
	_ =	swait.ge @!p0 [sflag:s8], $0x0  }
0x24: {  	s3 =	sadd.s32 $0x88, s3;
	s6 =	simm.s32 @!p1 $0x1082;
	[sflag:s4] =	ssyncset.s32 $0xFFFFF086  }
0x25: {  	[simem:s6], [sflag:s4] =	dma.local [hbm:s3], $0xF7A  }
0x26: {  	[smem:$0x3F92] =	sst s1;
	(tag) =	ssettag s2;
	_ =	strace s9  }
0x27: {  	s1 =	sld [smem:$0x3FA2]  }
0x28: {  	s2 =	sld [smem:$0x3FA3]  }
0x29: {  	s4 =	sld [smem:$0x3FA5]  }
0x2a: {  	p0 =	seq.s32 s5, $0x0;
	s5 =	sld [smem:$0x3FA6]  }
0x2b: {  	s6 =	sld [smem:$0x3FA7]  }
0x2c: {  	s7 =	sld [smem:$0x3FA8]  }
0x2d: {  	s3 =	simm.s32 $0x108;
	s8 =	sld [smem:$0x3FA9]  }
0x2e: {  	s3 =	simm.s32 @!p0 $0x1082;
	s9 =	sld [smem:$0x3FAA]  }
0x2f: {  	lr =	sadd.s32 s0, s3;
	s0 =	sld [smem:$0x3FA1]  }
0x30: {  	s3 =	sld [smem:$0x3FA4]  }
0x31: {  	[smem:$0x3FAD] =	sst s10  }
0x32: {  	s10 =	sld [smem:$0x3FAB];
	_ =	sdelay $0x3  }
0x33: {  	p0 =	seq.s32 s10, $0x1;
	s10 =	sld [smem:$0x3FAD];
	_ =	sdelay $0x3  }
0x34: {  	[smem:$0x3FAD] =	sst s10  }
0x35: {  	s10 =	sld [smem:$0x3FAC];
	_ =	sdelay $0x3  }
0x36: {  	p1 =	seq.s32 s10, $0x1;
	s10 =	sld [smem:$0x3FAD];
	_ =	sdelay $0x3  }
0x37: {  	[smem:$0x3FAD] =	sst s10  }
0x38: {  	s10 =	sld [smem:$0x3FAE]  }
0x39: {  	_ = 	snop;
	(pc) =	sbr.ind lr, $3  }
0x3a: {  	_ = 	snop  }
0x3b: {  	_ = 	snop  }
0x3c: {  	p2 =	seq.s32 s10, $0x1;
	s10 =	sld [smem:$0x3FAD]  }
0x3d: {  	_ =	shalt  }
0x3e: {  	_ =	shalt  }
0x3f: {  	_ =	shalt  }
0x40: {  	_ =	shalt  }
0x41: {  	_ =	shalt  }
0x42: {  	_ =	shalt  }
0x43: {  	_ =	shalt  }
0x44: {  	_ =	shalt  }
0x45: {  	_ =	shalt  }
0x46: {  	_ =	shalt  }
0x47: {  	_ =	shalt  }
0x48: {  	_ =	shalt  }
0x49: {  	_ =	shalt  }
0x4a: {  	_ =	shalt  }
0x4b: {  	_ =	shalt  }
0x4c: {  	_ =	shalt  }
0x4d: {  	_ =	shalt  }
0x4e: {  	_ =	shalt  }
0x4f: {  	_ =	shalt  }
0x50: {  	_ =	shalt  }
0x51: {  	_ =	shalt  }
0x52: {  	_ =	shalt  }
0x53: {  	_ =	shalt  }
0x54: {  	_ =	shalt  }
0x55: {  	_ =	shalt  }
0x56: {  	_ =	shalt  }
0x57: {  	_ =	shalt  }
0x58: {  	_ =	shalt  }
0x59: {  	_ =	shalt  }
0x5a: {  	_ =	shalt  }
0x5b: {  	_ =	shalt  }
0x5c: {  	_ =	shalt  }
0x5d: {  	_ =	shalt  }
0x5e: {  	_ =	shalt  }
0x5f: {  	_ =	shalt  }
0x60: {  	_ =	shalt  }
0x61: {  	_ =	shalt  }
0x62: {  	_ =	shalt  }
0x63: {  	_ =	shalt  }
0x64: {  	_ =	shalt  }
0x65: {  	_ =	shalt  }
0x66: {  	_ =	shalt  }
0x67: {  	_ =	shalt  }
0x68: {  	_ =	shalt  }
0x69: {  	_ =	shalt  }
0x6a: {  	_ =	shalt  }
0x6b: {  	_ =	shalt  }
0x6c: {  	_ =	shalt  }
0x6d: {  	_ =	shalt  }
0x6e: {  	_ =	shalt  }
0x6f: {  	_ =	shalt  }
0x70: {  	_ =	shalt  }
0x71: {  	_ =	shalt  }
0x72: {  	_ =	shalt  }
0x73: {  	_ =	shalt  }
0x74: {  	_ =	shalt  }
0x75: {  	_ =	shalt  }
0x76: {  	_ =	shalt  }
0x77: {  	_ =	shalt  }
0x78: {  	_ =	shalt  }
0x79: {  	_ =	shalt  }
0x7a: {  	_ =	shalt  }
0x7b: {  	_ =	shalt  }
0x7c: {  	_ =	shalt  }
0x7d: {  	_ =	shalt  }
0x7e: {  	_ =	shalt  }
0x7f: {  	_ =	shalt  }
0x80: {  	_ =	shalt  }
0x81: {  	_ =	shalt  }
0x82: {  	_ =	shalt  }
0x83: {  	_ =	shalt  }
0x84: {  	_ =	shalt  }
0x85: {  	_ =	shalt  }
0x86: {  	_ =	shalt  }
0x87: {  	_ =	shalt  }
.Lfunc_end0:
.L_simem_size_0:
called_computation_lowered:
.L_overlay_start_0:
0x88: {  	s2 =	sld [smem:$0x3FD9]  }
0x89: {  	s3 =	sld [smem:$0x3FFE];
	_ =	sdelay $0x1  }
0x8a: {  	s1 =	srdreg.scid  }
0x8b: {  	s0 =	sand.u32 $0x1, s1  }
0x8c: {  	s16 =	sshll.u32 s0, $0xA;
	s2 =	sadd.s32 s3, s2  }
0x8d: {  	s2 =	sadd.s32 s2, s16  }
0x8e: {  	[smem:$0x3FB9] =	sst s2  }
0x8f: {  	_ = 	snop  }
0x90: {  	(tm) =	ssettm $0x1  }
0x91: {  	s17 =	sld [smem:$0x3FFB];
	_ =	sdelay $0x3  }
0x92: {  	_ =	strace s17  }
0x93: {  	s2 =	sld [smem:$0x3FFC];
	_ =	sdelay $0x3  }
0x94: {  	_ =	strace s2  }
0x95: {  	s2 =	sld [smem:$0x3FFD];
	_ =	sdelay $0x3  }
0x96: {  	_ =	strace s2  }
0x97: {  	_ =	strace $0x8FFFFFFF  }
0x98: {  	s18 =	sld [smem:$0x3FDB];
	_ =	sdelay $0x1  }
0x99: {  	s19 =	simm.s32 $_scs_section_size  }
0x9a: {  	s4 =	simm.s32 $_size__tile_overlayer_lowered;
	s5 =	simm.s32 $_tile_overlayer_lowered  }
0x9b: {  	s22 =	simm.s32 $0x1BFF;
	s21 =	sshll.u32 s5, $0x1;
	s2 =	sadd.s32 s19, s18  }
0x9c: {  	s6 =	simm.s32 $0x0;
	s20 =	sshll.u32 s4, $0x1;
	s4 =	sadd.s32 s21, s2  }
0x9d: {  	[timem:s6], [sflag:s22] =	dma.local [hbm:s4], s20  }
0x9e: {  	_ =	swait.ge [sflag:s22], s20  }
0x9f: {  	s3 =	ssub.s32 $0x0, s20;
	[sflag:s22] =	ssyncset.done $0x0  }
0xa0: {  	[sflag:s22] =	ssyncadd.s32 s3;
	_ =	sdelay $0x1  }
0xa1: {  	s23 =	simm.s32 $0x1B8B  }
0xa2: {  	_ =	swait.ge [sflag:s23], $0x1  }
0xa3: {  	[sflag:s23] =	ssyncset.done $0x0  }
0xa4: {  	s25 =	simm.s32 $0x1B8E;
	s24 =	sld [smem:$0x3FFE];
	[sflag:s23] =	ssyncadd.s32 $0xFFFFFFFF  }
0xa5: {  	s26 =	simm.s32 $execute0_lowered;
	[smem:$0x3FD2] =	sst s25  }
0xa6: {  	s4 =	sshll.u32 s26, $0x1;
	_ =	strace $0x80000046;
	[dreg:$0x1] =	wrdreg $0xFFFFFFFF  }
0xa7: {  	s28 =	simm.s32 $_size_execute0_lowered;
	s2 =	sadd.s32 s2, s4;
	[dreg:$0x0] =	wrdreg $0x0  }
0xa8: {  	s4 =	sshll.u32 s28, $0x1;
	[dreg:$0x2] =	wrdreg s2  }
0xa9: {  	[dreg:$0x3] =	wrdreg s4  }
0xaa: {  	[dreg:$0x4] =	wrdreg $0xC0  }
0xab: {  	_ =	task [dreg:s6], $0x5FFFF  }
0xac: {  	[dreg:$0x1] =	wrdreg $0xFFFFFFFF  }
0xad: {  	[dreg:$0x0] =	wrdreg $0x60  }
0xae: {  	[dreg:$0x2] =	wrdreg s24  }
0xaf: {  	[dreg:$0x3] =	wrdreg $0x54800  }
0xb0: {  	[dreg:$0x4] =	wrdreg $0x57000  }
0xb1: {  	[dreg:$0x5] =	wrdreg $0x9  }
0xb2: {  	_ =	task.clear_ibuf [dreg:s6], $0x6FFFF;
	_ =	strace $0x90000046  }
0xb3: {  	s29 =	simm.s32 $0x9;
	_ =	strace $0x80000048  }
0xb4: {  	_ =	swait.ge [sflag:s29], $0x1  }
0xb5: {  	[sflag:s29] =	ssyncadd.s32 $0xFFFFFFFF  }
0xb6: {  	_ =	strace $0x90000048  }
0xb7: {  	_ =	sfence  }
0xb8: {  	s30 =	sld [smem:$0x0];
	_ =	sdelay $0x2  }
0xb9: {  	s31 =	sshll.u32 s1, $0xD;
	s1 =	sshrl.u32 s1, $0x2  }
0xba: {  	s3 =	sand.u32 $0x4000, s31;
	s1 =	sadd.s32 s1, s30  }
0xbb: {  	s0 =	sor.u32 s3, s0;
	s1 =	sshll.u32 s1, $0x11  }
0xbc: {  	s0 =	sor.u32 s1, s0  }
0xbd: {  	s0 =	sadd.s32 $0x8F2B, s0  }
0xbe: {  	[sflag:s0] =	ssyncadd.remote.s32 $0x1  }
0xbf: {  	_ =	sfence.sel $0xFFFF  }
0xc0: {  	[dreg:$0x0] =	wrdreg $0xFFFFFFFF;
	(pc) =	sbr.abs _section_cstart, $3  }
0xc1: {  	[dreg:$0x1] =	wrdreg $0xFFFFFFFF  }
0xc2: {  	_ =	task.clear_ibuf [dreg:s6], $0x2FFFF;
	_ =	strace $0x9FFFFFFF  }
0xc3: {  	(tm) =	ssettm $0x7FFFFFFF  }
tec
execute0_lowered:
.L_overlay_start_1:
0x0: {  	(tag) =	ssettag $0x1  }
0x1: {  	s0 =	rddreg [dreg:$0x0];
	s2 =	srdreg.scid  }
0x2: {  	s6 =	stileid.u32;
	s1 =	rddreg [dreg:$0x1];
	s28 =	simm.s32 $0x3  }
0x3: {  	s29 =	simm.s32 $0x2800;
	s30 =	simm.s32 $0x5080;
	s31 =	simm.s32 $0x80  }
0x4: {  	s4 =	sand.u32 $0x1, s2;
	s3 =	sshll.u32 s6, $0x1;
	s2 =	rddreg [dreg:$0x2]  }
0x5: {  	s8 =	sadd.s32 $0x400, s1;
	s5 =	sor.u32 s4, s3;
	s3 =	simm.s32 $0x0  }
0x6: {  	s20 =	sadd.s32 $0x800, s1;
	s22 =	sadd.s32 $0xC00, s1;
	[smem:$0x7FF] =	sst s3  }
0x7: {  	s19 =	sadd.s32 $0x400, s2;
	_ =	strace $0x80000047;
	[dreg:$0x4] =	wrdreg s8  }
0x8: {  	s24 =	sadd.s32 $0x1000, s1;
	s26 =	sadd.s32 $0x1400, s1;
	[dreg:$0x5] =	wrdreg s19  }
0x9: {  	s16 =	sadd.s32 $0x1800, s1;
	s21 =	sadd.s32 $0x800, s2;
	[dreg:$0x6] =	wrdreg s20  }
0xa: {  	p0 =	sne.s32 s6, $0x0;
	s6 =	simm.s32 $0x1;
	[dreg:$0x7] =	wrdreg s21  }
0xb: {  	s7 =	smul.u32 $0xA00, s4;
	s23 =	sadd.s32 $0xC00, s2;
	[dreg:$0x8] =	wrdreg s22  }
0xc: {  	s4 =	ssub.s32 $0x2, s4;
	s25 =	sadd.s32 $0x1000, s2;
	[dreg:$0x9] =	wrdreg s23  }
0xd: {  	s15 =	sadd.s32 $0x1400, s2;
	s17 =	sadd.s32 $0x1800, s2;
	[dreg:$0xa] =	wrdreg s24  }
0xe: {  	s5 =	smul.u32 $0x500, s5;
	s18 =	sshrl.u32 s4, $0x1;
	[dreg:$0xb] =	wrdreg s25  }
0xf: {  	[dreg:$0xc] =	wrdreg s26;
	s19 =	sadd.s32 $0x1C00, s2;
	s20 =	sadd.s32 $0x2000, s1  }
0x10: {  	s21 =	sadd.s32 $0x2000, s2;
	s22 =	sadd.s32 $0x2400, s1;
	s26 =	sadd.s32 $0x2400, s2  }
0x11: {  	s8 =	simm.s32 $0x0;
	s5 =	sadd.s32 s5, s0;
	s0 =	sadd.s32 s7, s0  }
0x12: {  	s7 =	ssub.s32 s4, s18;
	s18 =	sadd.s32 $0x1C00, s1;
	s4 =	sadd.s32 $0x3800, s5  }
0x13: {  	s5 =	sadd.s32 $0xD800, s5;
	s23 =	sadd.s32 $0x17800, s0;
	s24 =	sadd.s32 $0x17810, s0  }
0x14: {  	v0 =	vimm.f32 $1.000000000e+00;
	v1 =	vimm.f32 $0.0e+00;
	s25 =	smax.u32 s7, $0x1;
	s0 =	simm.s32 $0x5000;
	s7 =	simm.s32 $0x2  }
.LBB2_1:
0x15: {  	[tilespmem:s3], [sflag:$0x3] =	stream.linear.gather [hbm4b:s4+s3], $0x2780, $0x38;
	[tilespmem:$0x5980] =	vst v63  }
0x16: {  	_ =	swait.ge [sflag:s28], $0x2780  }
0x17: {  	[sflag:s28] =	ssyncset.done $0x0  }
0x18: {  	[sflag:s28] =	ssyncadd.s32 $0xFFFFD880  }
0x19: {  	[tilespmem:s29], [sflag:$0x3] =	stream.linear.gather [hbm4b:s5+s3], $0x2780, $0x38;
	[tilespmem:$0x5980] =	vst v63  }
0x1a: {  	_ =	swait.ge [sflag:s28], $0x2780  }
0x1b: {  	[sflag:s28] =	ssyncset.done $0x0  }
0x1c: {  	[sflag:s28] =	ssyncadd.s32 $0xFFFFD880  }
0x1d: {  	[tilespmem:$0x5000] =	vst v0  }
0x1e: {  	[tilespmem:$0x5010] =	vst v0  }
0x1f: {  	[tilespmem:$0x5020] =	vst v0  }
.Ltmp0:
0x20: {  	[tilespmem:$0x5030] =	vst v0;
	(pc) =	sbr.rel @p0 .LBB2_3-.Ltmp0, $4  }
0x21: {  	[tilespmem:$0x5040] =	vst v0  }
0x22: {  	[tilespmem:$0x5050] =	vst v0  }
0x23: {  	[tilespmem:$0x5060] =	vst v0  }
0x24: {  	[tilespmem:$0x5070] =	vst v0  }
0x25: {  	[tilespmem:$0x5080] =	vst v1  }
0x26: {  	[tilespmem:$0x5090] =	vst v1  }
0x27: {  	[tilespmem:$0x50A0] =	vst v1  }
0x28: {  	[tilespmem:$0x50B0] =	vst v1  }
0x29: {  	[tilespmem:$0x50C0] =	vst v1  }
0x2a: {  	[tilespmem:$0x50D0] =	vst v1  }
0x2b: {  	[tilespmem:$0x50E0] =	vst v1  }
0x2c: {  	[tilespmem:$0x50F0] =	vst v1  }
0x2d: {  	[tilespmem:$0x5100] =	vst v1  }
0x2e: {  	[tilespmem:$0x5110] =	vst v1  }
0x2f: {  	[tilespmem:$0x5120] =	vst v1  }
0x30: {  	[tilespmem:$0x5130] =	vst v1  }
0x31: {  	[tilespmem:$0x5140] =	vst v1  }
0x32: {  	[tilespmem:$0x5150] =	vst v1  }
0x33: {  	[tilespmem:$0x5160] =	vst v1  }
0x34: {  	[tilespmem:$0x5170] =	vst v1  }
0x35: {  	[tilespmem:$0x5180] =	vst v1  }
0x36: {  	[tilespmem:$0x5190] =	vst v1  }
0x37: {  	[tilespmem:$0x51A0] =	vst v1  }
0x38: {  	[tilespmem:$0x51B0] =	vst v1  }
0x39: {  	[tilespmem:$0x51C0] =	vst v1  }
0x3a: {  	[tilespmem:$0x51D0] =	vst v1  }
0x3b: {  	[tilespmem:$0x51E0] =	vst v1  }
0x3c: {  	[tilespmem:$0x51F0] =	vst v1  }
0x3d: {  	[tilespmem:$0x5200] =	vst v1  }
0x3e: {  	[tilespmem:$0x5210] =	vst v1  }
0x3f: {  	[tilespmem:$0x5220] =	vst v1  }
0x40: {  	[tilespmem:$0x5230] =	vst v1  }
0x41: {  	[tilespmem:$0x5240] =	vst v1  }
0x42: {  	[tilespmem:$0x5250] =	vst v1  }
0x43: {  	[tilespmem:$0x5260] =	vst v1  }
0x44: {  	[tilespmem:$0x5270] =	vst v1  }
0x45: {  	[tilespmem:$0x5280] =	vst v1  }
0x46: {  	[tilespmem:$0x5290] =	vst v1  }
0x47: {  	[tilespmem:$0x52A0] =	vst v1  }
0x48: {  	[tilespmem:$0x52B0] =	vst v1  }
0x49: {  	[tilespmem:$0x52C0] =	vst v1  }
0x4a: {  	[tilespmem:$0x52D0] =	vst v1  }
0x4b: {  	[tilespmem:$0x52E0] =	vst v1  }
0x4c: {  	[tilespmem:$0x52F0] =	vst v1  }
0x4d: {  	[tilespmem:$0x5300] =	vst v1  }
0x4e: {  	[tilespmem:$0x5310] =	vst v1  }
0x4f: {  	[tilespmem:$0x5320] =	vst v1  }
0x50: {  	[tilespmem:$0x5330] =	vst v1  }
0x51: {  	[tilespmem:$0x5340] =	vst v1  }
0x52: {  	[tilespmem:$0x5350] =	vst v1  }
0x53: {  	[tilespmem:$0x5360] =	vst v1  }
0x54: {  	[tilespmem:$0x5370] =	vst v1  }
0x55: {  	[tilespmem:$0x5380] =	vst v1  }
0x56: {  	[tilespmem:$0x5390] =	vst v1  }
0x57: {  	[tilespmem:$0x53A0] =	vst v1  }
0x58: {  	[tilespmem:$0x53B0] =	vst v1  }
0x59: {  	[tilespmem:$0x53C0] =	vst v1  }
0x5a: {  	[tilespmem:$0x53D0] =	vst v1  }
0x5b: {  	[tilespmem:$0x53E0] =	vst v1  }
0x5c: {  	[tilespmem:$0x53F0] =	vst v1  }
0x5d: {  	[tilespmem:$0x5400] =	vst v1  }
0x5e: {  	[tilespmem:$0x5410] =	vst v1  }
0x5f: {  	[tilespmem:$0x5420] =	vst v1  }
0x60: {  	[tilespmem:$0x5430] =	vst v1  }
0x61: {  	[tilespmem:$0x5440] =	vst v1  }
0x62: {  	[tilespmem:$0x5450] =	vst v1  }
0x63: {  	[tilespmem:$0x5460] =	vst v1  }
0x64: {  	[tilespmem:$0x5470] =	vst v1  }
0x65: {  	[spmem:s1] =	stream.linear.scatter [tilespmem:s30], [sflag:$0x3], $0x400, $0x38;
	[tilespmem:$0x5980] =	vst v63  }
0x66: {  	_ =	swait.ge [sflag:s28], $0x400  }
0x67: {  	[sflag:s28] =	ssyncset.done $0x0  }
0x68: {  	[sflag:s28] =	ssyncadd.s32 $0xFFFFFC00  }
0x69: {  	[spmem:s2] =	stream.linear.scatter [tilespmem:s30], [sflag:$0x3], $0x400, $0x38;
	[tilespmem:$0x5980] =	vst v63  }
0x6a: {  	_ =	swait.ge [sflag:s28], $0x400  }
0x6b: {  	[sflag:s28] =	ssyncset.done $0x0  }
0x6c: {  	s9 =	rddreg [dreg:$0x4];
	[sflag:s28] =	ssyncadd.s32 $0xFFFFFC00  }
0x6d: {  	[spmem:s9] =	stream.linear.scatter [tilespmem:s30], [sflag:$0x3], $0x400, $0x38;
	[tilespmem:$0x5980] =	vst v63  }
0x6e: {  	_ =	swait.ge [sflag:s28], $0x400  }
0x6f: {  	[sflag:s28] =	ssyncset.done $0x0  }
0x70: {  	s12 =	rddreg [dreg:$0x5];
	[sflag:s28] =	ssyncadd.s32 $0xFFFFFC00  }
0x71: {  	[spmem:s12] =	stream.linear.scatter [tilespmem:s30], [sflag:$0x3], $0x400, $0x38;
	[tilespmem:$0x5980] =	vst v63  }
0x72: {  	_ =	swait.ge [sflag:s28], $0x400  }
0x73: {  	[sflag:s28] =	ssyncset.done $0x0  }
0x74: {  	s13 =	rddreg [dreg:$0x6];
	[sflag:s28] =	ssyncadd.s32 $0xFFFFFC00  }
0x75: {  	[spmem:s13] =	stream.linear.scatter [tilespmem:s30], [sflag:$0x3], $0x400, $0x38;
	[tilespmem:$0x5980] =	vst v63  }
0x76: {  	_ =	swait.ge [sflag:s28], $0x400  }
0x77: {  	[sflag:s28] =	ssyncset.done $0x0  }
0x78: {  	s14 =	rddreg [dreg:$0x7];
	[sflag:s28] =	ssyncadd.s32 $0xFFFFFC00  }
0x79: {  	[spmem:s14] =	stream.linear.scatter [tilespmem:s30], [sflag:$0x3], $0x400, $0x38;
	[tilespmem:$0x5980] =	vst v63  }
0x7a: {  	_ =	swait.ge [sflag:s28], $0x400  }
0x7b: {  	[sflag:s28] =	ssyncset.done $0x0  }
0x7c: {  	s10 =	rddreg [dreg:$0x8];
	[sflag:s28] =	ssyncadd.s32 $0xFFFFFC00  }
0x7d: {  	[spmem:s10] =	stream.linear.scatter [tilespmem:s30], [sflag:$0x3], $0x400, $0x38;
	[tilespmem:$0x5980] =	vst v63  }
0x7e: {  	_ =	swait.ge [sflag:s28], $0x400  }
0x7f: {  	[sflag:s28] =	ssyncset.done $0x0  }
0x80: {  	s11 =	rddreg [dreg:$0x9];
	[sflag:s28] =	ssyncadd.s32 $0xFFFFFC00  }
0x81: {  	[spmem:s11] =	stream.linear.scatter [tilespmem:s30], [sflag:$0x3], $0x400, $0x38;
	[tilespmem:$0x5980] =	vst v63  }
0x82: {  	_ =	swait.ge [sflag:s28], $0x400  }
0x83: {  	[sflag:s28] =	ssyncset.done $0x0  }
0x84: {  	s12 =	rddreg [dreg:$0xa];
	[sflag:s28] =	ssyncadd.s32 $0xFFFFFC00  }
0x85: {  	[spmem:s12] =	stream.linear.scatter [tilespmem:s30], [sflag:$0x3], $0x400, $0x38;
	[tilespmem:$0x5980] =	vst v63  }
0x86: {  	_ =	swait.ge [sflag:s28], $0x400  }
0x87: {  	[sflag:s28] =	ssyncset.done $0x0  }
0x88: {  	s13 =	rddreg [dreg:$0xb];
	[sflag:s28] =	ssyncadd.s32 $0xFFFFFC00  }
0x89: {  	[spmem:s13] =	stream.linear.scatter [tilespmem:s30], [sflag:$0x3], $0x400, $0x38;
	[tilespmem:$0x5980] =	vst v63  }
0x8a: {  	_ =	swait.ge [sflag:s28], $0x400  }
0x8b: {  	[sflag:s28] =	ssyncset.done $0x0  }
0x8c: {  	s14 =	rddreg [dreg:$0xc];
	[sflag:s28] =	ssyncadd.s32 $0xFFFFFC00  }
0x8d: {  	[spmem:s14] =	stream.linear.scatter [tilespmem:s30], [sflag:$0x3], $0x400, $0x38;
	[tilespmem:$0x5980] =	vst v63  }
0x8e: {  	_ =	swait.ge [sflag:s28], $0x400  }
0x8f: {  	[sflag:s28] =	ssyncset.done $0x0  }
0x90: {  	[sflag:s28] =	ssyncadd.s32 $0xFFFFFC00  }
0x91: {  	[spmem:s15] =	stream.linear.scatter [tilespmem:s30], [sflag:$0x3], $0x400, $0x38;
	[tilespmem:$0x5980] =	vst v63  }
0x92: {  	_ =	swait.ge [sflag:s28], $0x400  }
0x93: {  	[sflag:s28] =	ssyncset.done $0x0  }
0x94: {  	[sflag:s28] =	ssyncadd.s32 $0xFFFFFC00  }
0x95: {  	[spmem:s16] =	stream.linear.scatter [tilespmem:s30], [sflag:$0x3], $0x400, $0x38;
	[tilespmem:$0x5980] =	vst v63  }
0x96: {  	_ =	swait.ge [sflag:s28], $0x400  }
0x97: {  	[sflag:s28] =	ssyncset.done $0x0  }
0x98: {  	[sflag:s28] =	ssyncadd.s32 $0xFFFFFC00  }
0x99: {  	[spmem:s17] =	stream.linear.scatter [tilespmem:s30], [sflag:$0x3], $0x400, $0x38;
	[tilespmem:$0x5980] =	vst v63  }
0x9a: {  	_ =	swait.ge [sflag:s28], $0x400  }
0x9b: {  	[sflag:s28] =	ssyncset.done $0x0  }
0x9c: {  	[sflag:s28] =	ssyncadd.s32 $0xFFFFFC00  }
0x9d: {  	[spmem:s18] =	stream.linear.scatter [tilespmem:s30], [sflag:$0x3], $0x400, $0x38;
	[tilespmem:$0x5980] =	vst v63  }
0x9e: {  	_ =	swait.ge [sflag:s28], $0x400  }
0x9f: {  	[sflag:s28] =	ssyncset.done $0x0  }
0xa0: {  	[sflag:s28] =	ssyncadd.s32 $0xFFFFFC00  }
0xa1: {  	[spmem:s19] =	stream.linear.scatter [tilespmem:s30], [sflag:$0x3], $0x400, $0x38;
	[tilespmem:$0x5980] =	vst v63  }
0xa2: {  	_ =	swait.ge [sflag:s28], $0x400  }
0xa3: {  	[sflag:s28] =	ssyncset.done $0x0  }
0xa4: {  	[sflag:s28] =	ssyncadd.s32 $0xFFFFFC00  }
0xa5: {  	[spmem:s20] =	stream.linear.scatter [tilespmem:s30], [sflag:$0x3], $0x400, $0x38;
	[tilespmem:$0x5980] =	vst v63  }
0xa6: {  	_ =	swait.ge [sflag:s28], $0x400  }
0xa7: {  	[sflag:s28] =	ssyncset.done $0x0  }
0xa8: {  	[sflag:s28] =	ssyncadd.s32 $0xFFFFFC00  }
0xa9: {  	[spmem:s21] =	stream.linear.scatter [tilespmem:s30], [sflag:$0x3], $0x400, $0x38;
	[tilespmem:$0x5980] =	vst v63  }
0xaa: {  	_ =	swait.ge [sflag:s28], $0x400  }
0xab: {  	[sflag:s28] =	ssyncset.done $0x0  }
0xac: {  	[sflag:s28] =	ssyncadd.s32 $0xFFFFFC00  }
0xad: {  	[spmem:s22] =	stream.linear.scatter [tilespmem:s30], [sflag:$0x3], $0x400, $0x38;
	[tilespmem:$0x5980] =	vst v63  }
0xae: {  	_ =	swait.ge [sflag:s28], $0x400  }
0xaf: {  	[sflag:s28] =	ssyncset.done $0x0  }
0xb0: {  	[sflag:s28] =	ssyncadd.s32 $0xFFFFFC00  }
0xb1: {  	[spmem:s26] =	stream.linear.scatter [tilespmem:s30], [sflag:$0x3], $0x400, $0x38;
	[tilespmem:$0x5980] =	vst v63  }
0xb2: {  	_ =	swait.ge [sflag:s28], $0x400  }
0xb3: {  	[sflag:s28] =	ssyncset.done $0x0  }
0xb4: {  	[sflag:s28] =	ssyncadd.s32 $0xFFFFFC00  }
.LBB2_3:
0xb5: {  	[bflag:$0x0] =	sbarrier.arrive $0xFFFF;
	s9 =	simm.s32 $0x0  }
0xb6: {  	[spmem:s1] =	stream.indirect.scatter.add.f32 [tilespmem:s0], [sflag:$0x1], $0x1, s9, s31, $0xb8;
	[tilespmem:$0x5980] =	vst v63  }
0xb7: {  	s10 =	simm.s32 $0x2800;
	s9 =	simm.s32 $0x200  }
.LBB2_4:
0xb8: {  	[spmem:s2] =	stream.indirect.scatter.add.f32 [tilespmem:s0], [sflag:$0x2], $0x1, s10, s31, $0xb8;
	[tilespmem:$0x5980] =	vst v63  }
0xb9: {  	s10 =	smov.u32 s9;
	p1 =	sne.s32 s9, $0x9C00  }
.Ltmp1:
0xba: {  	s9 =	sadd.s32 $0x200, s9;
	(pc) =	sbr.rel @p1 .LBB2_4-.Ltmp1, $4  }
0xbb: {  	_ = 	snop  }
0xbc: {  	s10 =	sshra.s32 s10, $0x2  }
0xbd: {  	[spmem:s1] =	stream.indirect.scatter.add.f32 [tilespmem:s0], [sflag:$0x1], $0x1, s10, s31, $0xb8;
	[tilespmem:$0x5980] =	vst v63  }
0xbe: {  	s10 =	sadd.s32 $0x2800, s10  }
0xbf: {  	[spmem:s2] =	stream.indirect.scatter.add.f32 [tilespmem:s0], [sflag:$0x2], $0x1, s10, s31, $0xb8;
	[tilespmem:$0x5980] =	vst v63  }
0xc0: {  	_ =	swait.ge [sflag:s6], $0x80  }
0xc1: {  	[sflag:s6] =	ssyncset.done $0x0  }
0xc2: {  	[sflag:s6] =	ssyncadd.s32 $0xFFFFFF80  }
0xc3: {  	_ =	swait.ge [sflag:s7], $0x80  }
0xc4: {  	s9 =	simm.s32 $0x4E;
	[sflag:s7] =	ssyncset.done $0x0  }
.LBB2_6:
0xc5: {  	p1 =	sne.s32 s9, $0x1;
	s9 =	sadd.s32 $0xFFFFFFFF, s9;
	[sflag:s7] =	ssyncadd.s32 $0xFFFFFF80  }
.Ltmp2:
0xc6: {  	_ =	swait.ge [sflag:s6], $0x80;
	(pc) =	sbr.rel @p1 .LBB2_6-.Ltmp2, $4  }
0xc7: {  	[sflag:s6] =	ssyncset.done $0x0  }
0xc8: {  	[sflag:s6] =	ssyncadd.s32 $0xFFFFFF80  }
0xc9: {  	_ =	swait.ge [sflag:s7], $0x80  }
0xca: {  	[sflag:s7] =	ssyncset.done $0x0  }
0xcb: {  	[sflag:s7] =	ssyncadd.s32 $0xFFFFFF80  }
0xcc: {  	s9 =	sshrl.u32 @!p0 s1, $0x3;
	s10 =	simm.s32 @!p0 $0x1;
	s11 =	simm.s32 @!p0 $0x20  }
0xcd: {  	s12 =	simm.s32 @!p0 $0x10;
	s13 =	simm.s32 @!p0 $0x1C03;
	[bflag:$0x0] =	sbarrier.arrive $0xFFFF  }
0xce: {  	[hbm:s23@s11], [sflag:s13] =	dma.strided @!p0 [spmem:s9@s12], $0x500, s10, $0x10   }
0xcf: {  	s9 =	simm.s32 @!p0 $0x3  }
0xd0: {  	s8 =	sadd.s32 $0x1, s8;
	_ =	swait.ge @!p0 [sflag:s9], $0x500  }
0xd1: {  	p1 =	sne.s32 s8, s25;
	[sflag:s9] =	ssyncset.done @!p0 $0x0  }
.Ltmp3:
0xd2: {  	s14 =	sshrl.u32 @!p0 s2, $0x3;
	[sflag:s9] =	ssyncadd.s32 @!p0 $0xFFFFFB00;
	(pc) =	sbr.rel @p1 .LBB2_1-.Ltmp3, $4  }
0xd3: {  	[hbm:s24@s11], [sflag:s13] =	dma.strided @!p0 [spmem:s14@s12], $0x500, s10, $0x10   }
0xd4: {  	_ =	swait.ge @!p0 [sflag:s9], $0x500  }
0xd5: {  	[sflag:s9] =	ssyncset.done @!p0 $0x0  }
0xd6: {  	[sflag:s9] =	ssyncadd.s32 @!p0 $0xFFFFFB00  }
0xd7: {  	_ =	sfence.sel $0x180000  }
0xd8: {  	[bflag:$0x0] =	sbarrier.arrive $0xFFFF  }
0xd9: {  	_ =	strace $0x90000047  }
0xda: {  	[bflag:$0x2] =	sbarrier.arrive $0xFFFF  }
0xdb: {  	s0 =	rddreg [dreg:$0x3]  }
0xdc: {  	s0 =	sadd.s32 @!p0 $0x100000, s0  }
0xdd: {  	[sflag:s0] =	ssyncadd.tile.s32 @!p0 $0x1;
	_ =	shalt  }
.Lfunc_end2:
_tile_overlayer_lowered:
.L_overlay_start_2:
0xde: {  	(tag) =	ssettag $0x2  }
0xdf: {  	s0 =	rddreg [dreg:$0x0];
	s2 =	stileid.u32  }
0xe0: {  	s1 =	rddreg [dreg:$0x1];
	p0 =	sne.s32 s2, $0x0  }
0xe1: {  	s3 =	rddreg [dreg:$0x2];
	[bflag:$0x3] =	sbarrier.arrive $0xFFFF;
	s2 =	simm.s32 @!p0 $0x1C03  }
0xe2: {  	[timem:s3], [sflag:s2] =	dma.local @!p0 [hbm:s0], s1  }
0xe3: {  	s0 =	simm.s32 @!p0 $0x3  }
0xe4: {  	_ =	swait.ge @!p0 [sflag:s0], s1  }
0xe5: {  	s1 =	ssub.s32 @!p0 $0x0, s1;
	[sflag:s0] =	ssyncset.done @!p0 $0x0  }
0xe6: {  	[sflag:s0] =	ssyncadd.s32 @!p0 s1  }
0xe7: {  	[bflag:$0x3] =	sbarrier.arrive $0xFFFF  }
0xe8: {  	_ =	shalt  }

// kernel: kernel.14.cloned.1.call-start
scs
__scs_entry_jumppad:
0x0: {  	(pc) =	sbr.rel $0x88, $3  }
0x1: {  	(tag) =	ssettag $0x0;
	lr =	simm.s32 $0x1  }
0x2: {  	[smem:$0x3F92] =	sst lr;
	_ =	strace $0xD0000000  }
0x3: {  	_ = 	snop  }
0x4: {  	_ = 	snop  }
0x5: {  	_ = 	snop  }
0x6: {  	_ = 	snop  }
0x7: {  	_ = 	snop  }
__scs_overlays_trampoline_lowered:
0x8: {  	[smem:$0x3FA1] =	sst s0  }
0x9: {  	[smem:$0x3FA2] =	sst s1  }
0xa: {  	[smem:$0x3FA3] =	sst s2  }
0xb: {  	[smem:$0x3FA4] =	sst s3  }
0xc: {  	[smem:$0x3FA5] =	sst s4  }
0xd: {  	[smem:$0x3FA6] =	sst s5  }
0xe: {  	[smem:$0x3FA7] =	sst s6  }
0xf: {  	[smem:$0x3FA8] =	sst s7  }
0x10: {  	[smem:$0x3FA9] =	sst s8  }
0x11: {  	[smem:$0x3FAA] =	sst s9;
	s0 =	simm.s32 @!p0 $0x0  }
0x12: {  	s1 =	sld [smem:$0x3F90];
	s0 =	simm.s32 @p0 $0x1  }
0x13: {  	[smem:$0x3FAB] =	sst s0;
	s0 =	simm.s32 @!p1 $0x0  }
0x14: {  	s2 =	sld [smem:$0x3F8F];
	s0 =	simm.s32 @p1 $0x1  }
0x15: {  	[smem:$0x3FAC] =	sst s0;
	s0 =	simm.s32 @!p2 $0x0  }
0x16: {  	s3 =	sld [smem:$0x3FDB];
	s0 =	simm.s32 @p2 $0x1  }
0x17: {  	s4 =	simm.s32 $0x1BF5;
	[smem:$0x3FAE] =	sst s0  }
0x18: {  	s0 =	sld [smem:$0x3F91];
	_ =	swait.ge [sflag:s4], $0x0  }
0x19: {  	s7 =	sld [smem:$0x3F92]  }
0x1a: {  	s8 =	sadd.s32 $0xFFFFE003, lr  }
0x1b: {  	s9 =	sadd.s32 $0xFFFFFEF7, lr;
	s5 =	simm.s32 $0xFFFFFFFF;
	p2 =	slt.u32 s8, $0xFFFFF086  }
0x1c: {  	p1 =	slt.u32 s9, $0xF7A;
	s5 =	simm.s32 @!p2 $0x0  }
0x1d: {  	s5 =	simm.s32 @p1 $0x1;
	p0 =	seq.s32 s7, s2  }
0x1e: {  	s7 =	smul.u32 @!p0 $0xF7A, s2;
	p2 =	seq.s32 @!p0 s5, $0x0  }
0x1f: {  	s9 =	smul.u32 $0xF7A, s1;
	s8 =	simm.s32 @!p0 $0x1BF5;
	p2 =	por !p2, p0  }
0x20: {  	[sflag:s8] =	ssyncset.s32 @!p0 $0xFFFFF086;
	s6 =	sadd.s32 @!p0 s3, s7;
	s7 =	simm.s32 @!p0 $0x108  }
0x21: {  	s3 =	sadd.s32 s3, s9;
	s6 =	sadd.s32 @!p0 $0x88, s6;
	s7 =	simm.s32 @p2 $0x1082  }
0x22: {  	[simem:s7], [sflag:s8] =	dma.local @!p0 [hbm:s6], $0xF7A  }
0x23: {  	s9 =	sor.u32 $0xD0000000, s2;
	s6 =	simm.s32 $0x108;
	_ =	swait.ge @!p0 [sflag:s8], $0x0  }
0x24: {  	s3 =	sadd.s32 $0x88, s3;
	s6 =	simm.s32 @!p1 $0x1082;
	[sflag:s4] =	ssyncset.s32 $0xFFFFF086  }
0x25: {  	[simem:s6], [sflag:s4] =	dma.local [hbm:s3], $0xF7A  }
0x26: {  	[smem:$0x3F92] =	sst s1;
	(tag) =	ssettag s2;
	_ =	strace s9  }
0x27: {  	s1 =	sld [smem:$0x3FA2]  }
0x28: {  	s2 =	sld [smem:$0x3FA3]  }
0x29: {  	s4 =	sld [smem:$0x3FA5]  }
0x2a: {  	p0 =	seq.s32 s5, $0x0;
	s5 =	sld [smem:$0x3FA6]  }
0x2b: {  	s6 =	sld [smem:$0x3FA7]  }
0x2c: {  	s7 =	sld [smem:$0x3FA8]  }
0x2d: {  	s3 =	simm.s32 $0x108;
	s8 =	sld [smem:$0x3FA9]  }
0x2e: {  	s3 =	simm.s32 @!p0 $0x1082;
	s9 =	sld [smem:$0x3FAA]  }
0x2f: {  	lr =	sadd.s32 s0, s3;
	s0 =	sld [smem:$0x3FA1]  }
0x30: {  	s3 =	sld [smem:$0x3FA4]  }
0x31: {  	[smem:$0x3FAD] =	sst s10  }
0x32: {  	s10 =	sld [smem:$0x3FAB];
	_ =	sdelay $0x3  }
0x33: {  	p0 =	seq.s32 s10, $0x1;
	s10 =	sld [smem:$0x3FAD];
	_ =	sdelay $0x3  }
0x34: {  	[smem:$0x3FAD] =	sst s10  }
0x35: {  	s10 =	sld [smem:$0x3FAC];
	_ =	sdelay $0x3  }
0x36: {  	p1 =	seq.s32 s10, $0x1;
	s10 =	sld [smem:$0x3FAD];
	_ =	sdelay $0x3  }
0x37: {  	[smem:$0x3FAD] =	sst s10  }
0x38: {  	s10 =	sld [smem:$0x3FAE]  }
0x39: {  	_ = 	snop;
	(pc) =	sbr.ind lr, $3  }
0x3a: {  	_ = 	snop  }
0x3b: {  	_ = 	snop  }
0x3c: {  	p2 =	seq.s32 s10, $0x1;
	s10 =	sld [smem:$0x3FAD]  }
0x3d: {  	_ =	shalt  }
0x3e: {  	_ =	shalt  }
0x3f: {  	_ =	shalt  }
0x40: {  	_ =	shalt  }
0x41: {  	_ =	shalt  }
0x42: {  	_ =	shalt  }
0x43: {  	_ =	shalt  }
0x44: {  	_ =	shalt  }
0x45: {  	_ =	shalt  }
0x46: {  	_ =	shalt  }
0x47: {  	_ =	shalt  }
0x48: {  	_ =	shalt  }
0x49: {  	_ =	shalt  }
0x4a: {  	_ =	shalt  }
0x4b: {  	_ =	shalt  }
0x4c: {  	_ =	shalt  }
0x4d: {  	_ =	shalt  }
0x4e: {  	_ =	shalt  }
0x4f: {  	_ =	shalt  }
0x50: {  	_ =	shalt  }
0x51: {  	_ =	shalt  }
0x52: {  	_ =	shalt  }
0x53: {  	_ =	shalt  }
0x54: {  	_ =	shalt  }
0x55: {  	_ =	shalt  }
0x56: {  	_ =	shalt  }
0x57: {  	_ =	shalt  }
0x58: {  	_ =	shalt  }
0x59: {  	_ =	shalt  }
0x5a: {  	_ =	shalt  }
0x5b: {  	_ =	shalt  }
0x5c: {  	_ =	shalt  }
0x5d: {  	_ =	shalt  }
0x5e: {  	_ =	shalt  }
0x5f: {  	_ =	shalt  }
0x60: {  	_ =	shalt  }
0x61: {  	_ =	shalt  }
0x62: {  	_ =	shalt  }
0x63: {  	_ =	shalt  }
0x64: {  	_ =	shalt  }
0x65: {  	_ =	shalt  }
0x66: {  	_ =	shalt  }
0x67: {  	_ =	shalt  }
0x68: {  	_ =	shalt  }
0x69: {  	_ =	shalt  }
0x6a: {  	_ =	shalt  }
0x6b: {  	_ =	shalt  }
0x6c: {  	_ =	shalt  }
0x6d: {  	_ =	shalt  }
0x6e: {  	_ =	shalt  }
0x6f: {  	_ =	shalt  }
0x70: {  	_ =	shalt  }
0x71: {  	_ =	shalt  }
0x72: {  	_ =	shalt  }
0x73: {  	_ =	shalt  }
0x74: {  	_ =	shalt  }
0x75: {  	_ =	shalt  }
0x76: {  	_ =	shalt  }
0x77: {  	_ =	shalt  }
0x78: {  	_ =	shalt  }
0x79: {  	_ =	shalt  }
0x7a: {  	_ =	shalt  }
0x7b: {  	_ =	shalt  }
0x7c: {  	_ =	shalt  }
0x7d: {  	_ =	shalt  }
0x7e: {  	_ =	shalt  }
0x7f: {  	_ =	shalt  }
0x80: {  	_ =	shalt  }
0x81: {  	_ =	shalt  }
0x82: {  	_ =	shalt  }
0x83: {  	_ =	shalt  }
0x84: {  	_ =	shalt  }
0x85: {  	_ =	shalt  }
0x86: {  	_ =	shalt  }
0x87: {  	_ =	shalt  }
.Lfunc_end0:
.L_simem_size_0:
called_computation.1_lowered:
.L_overlay_start_0:
0x88: {  	s2 =	sld [smem:$0x3FD9]  }
0x89: {  	s3 =	sld [smem:$0x3FFE];
	_ =	sdelay $0x1  }
0x8a: {  	s1 =	srdreg.scid  }
0x8b: {  	s0 =	sand.u32 $0x1, s1  }
0x8c: {  	s16 =	sshll.u32 s0, $0xA;
	s2 =	sadd.s32 s3, s2  }
0x8d: {  	s2 =	sadd.s32 s2, s16  }
0x8e: {  	[smem:$0x3FB9] =	sst s2  }
0x8f: {  	_ = 	snop  }
0x90: {  	(tm) =	ssettm $0x1  }
0x91: {  	s17 =	sld [smem:$0x3FFB];
	_ =	sdelay $0x3  }
0x92: {  	_ =	strace s17  }
0x93: {  	s2 =	sld [smem:$0x3FFC];
	_ =	sdelay $0x3  }
0x94: {  	_ =	strace s2  }
0x95: {  	s2 =	sld [smem:$0x3FFD];
	_ =	sdelay $0x3  }
0x96: {  	_ =	strace s2  }
0x97: {  	_ =	strace $0x8FFFFFFF  }
0x98: {  	s18 =	sld [smem:$0x3FDB];
	_ =	sdelay $0x1  }
0x99: {  	s19 =	simm.s32 $_scs_section_size  }
0x9a: {  	s4 =	simm.s32 $_size__tile_overlayer_lowered;
	s5 =	simm.s32 $_tile_overlayer_lowered  }
0x9b: {  	s22 =	simm.s32 $0x1BFF;
	s21 =	sshll.u32 s5, $0x1;
	s2 =	sadd.s32 s19, s18  }
0x9c: {  	s6 =	simm.s32 $0x0;
	s20 =	sshll.u32 s4, $0x1;
	s4 =	sadd.s32 s21, s2  }
0x9d: {  	[timem:s6], [sflag:s22] =	dma.local [hbm:s4], s20  }
0x9e: {  	_ =	swait.ge [sflag:s22], s20  }
0x9f: {  	s3 =	ssub.s32 $0x0, s20;
	[sflag:s22] =	ssyncset.done $0x0  }
0xa0: {  	[sflag:s22] =	ssyncadd.s32 s3;
	_ =	sdelay $0x1  }
0xa1: {  	s23 =	simm.s32 $0x1B8B  }
0xa2: {  	_ =	swait.ge [sflag:s23], $0x1  }
0xa3: {  	[sflag:s23] =	ssyncset.done $0x0  }
0xa4: {  	s25 =	simm.s32 $0x1B8E;
	s24 =	sld [smem:$0x3FFE];
	[sflag:s23] =	ssyncadd.s32 $0xFFFFFFFF  }
0xa5: {  	s26 =	simm.s32 $execute0_lowered;
	[smem:$0x3FD2] =	sst s25  }
0xa6: {  	s4 =	sshll.u32 s26, $0x1;
	_ =	strace $0x80000049;
	[dreg:$0x1] =	wrdreg $0xFFFFFFFF  }
0xa7: {  	s28 =	simm.s32 $_size_execute0_lowered;
	s2 =	sadd.s32 s2, s4;
	[dreg:$0x0] =	wrdreg $0x0  }
0xa8: {  	s4 =	sshll.u32 s28, $0x1;
	[dreg:$0x2] =	wrdreg s2  }
0xa9: {  	[dreg:$0x3] =	wrdreg s4  }
0xaa: {  	[dreg:$0x4] =	wrdreg $0xC0  }
0xab: {  	_ =	task [dreg:s6], $0x5FFFF  }
0xac: {  	[dreg:$0x1] =	wrdreg $0xFFFFFFFF  }
0xad: {  	[dreg:$0x0] =	wrdreg $0x60  }
0xae: {  	[dreg:$0x2] =	wrdreg s24  }
0xaf: {  	[dreg:$0x3] =	wrdreg $0xA9000  }
0xb0: {  	[dreg:$0x4] =	wrdreg $0x9  }
0xb1: {  	_ =	task.clear_ibuf [dreg:s6], $0x5FFFF;
	_ =	strace $0x90000049  }
0xb2: {  	s29 =	simm.s32 $0x9;
	_ =	strace $0x8000004B  }
0xb3: {  	_ =	swait.ge [sflag:s29], $0x1  }
0xb4: {  	[sflag:s29] =	ssyncadd.s32 $0xFFFFFFFF  }
0xb5: {  	_ =	strace $0x9000004B  }
0xb6: {  	_ =	sfence  }
0xb7: {  	s30 =	sld [smem:$0x0];
	_ =	sdelay $0x2  }
0xb8: {  	s31 =	sshll.u32 s1, $0xD;
	s1 =	sshrl.u32 s1, $0x2  }
0xb9: {  	s3 =	sand.u32 $0x4000, s31;
	s1 =	sadd.s32 s1, s30  }
0xba: {  	s0 =	sor.u32 s3, s0;
	s1 =	sshll.u32 s1, $0x11  }
0xbb: {  	s0 =	sor.u32 s1, s0  }
0xbc: {  	s0 =	sadd.s32 $0x8F2B, s0  }
0xbd: {  	[sflag:s0] =	ssyncadd.remote.s32 $0x1  }
0xbe: {  	_ =	sfence.sel $0xFFFF  }
0xbf: {  	[dreg:$0x0] =	wrdreg $0xFFFFFFFF;
	(pc) =	sbr.abs _section_cstart, $3  }
0xc0: {  	[dreg:$0x1] =	wrdreg $0xFFFFFFFF  }
0xc1: {  	_ =	task.clear_ibuf [dreg:s6], $0x2FFFF;
	_ =	strace $0x9FFFFFFF  }
0xc2: {  	(tm) =	ssettm $0x7FFFFFFF  }
0xc3: {  	_ =	shalt  }
tec
execute0_lowered:
.L_overlay_start_1:
0x0: {  	(tag) =	ssettag $0x1  }
0x1: {  	s0 =	srdreg.scid  }
0x2: {  	s11 =	stileid.u32;
	s1 =	rddreg [dreg:$0x0]  }
0x3: {  	s2 =	rddreg [dreg:$0x1];
	s20 =	simm.s32 $0x5;
	s28 =	simm.s32 $0x3  }
0x4: {  	s29 =	simm.s32 $0x6;
	s30 =	simm.s32 $0x2;
	s31 =	simm.s32 $0x4  }
0x5: {  	s0 =	sand.u32 $0x1, s0;
	s3 =	sshll.u32 s11, $0x1;
	s5 =	sadd.s32 $0xB8C00, s1  }
0x6: {  	s6 =	sadd.s32 $0xD800, s1;
	s13 =	sshll.u32 s11, $0xE;
	s4 =	sor.u32 s0, s3  }
0x7: {  	s3 =	simm.s32 $0x0;
	s9 =	ssub.s32 $0x2, s0;
	s15 =	sor.u32 $0x40000, s13  }
0x8: {  	s16 =	sor.u32 $0x80000, s13;
	s17 =	sor.u32 $0xC0000, s13;
	s0 =	smul.u32 $0x140000, s0  }
0x9: {  	s18 =	sor.u32 $0x100000, s13;
	s4 =	smul.u32 $0x2800, s4;
	[smem:$0x7FF] =	sst s3  }
0xa: {  	s10 =	sshrl.u32 s9, $0x1;
	s11 =	sadd.s32 s17, s2;
	s12 =	sadd.s32 s18, s2  }
0xb: {  	_ =	strace $0x8000004A;
	s14 =	ssub.s32 s9, s10;
	s9 =	sadd.s32 s15, s2  }
0xc: {  	s10 =	sadd.s32 s16, s2;
	s15 =	sadd.s32 s0, s15;
	s24 =	sadd.s32 s0, s16  }
0xd: {  	s25 =	sadd.s32 s0, s17;
	s7 =	sshrl.u32 s4, $0x3;
	s22 =	sshrl.u32 s15, $0x3  }
0xe: {  	s26 =	sshrl.u32 s25, $0x3;
	s19 =	smax.u32 s14, $0x1;
	s25 =	simm.s32 $0x2880  }
0xf: {  	s8 =	sadd.s32 s7, s1;
	s1 =	sadd.s32 $0xE0C00, s1;
	s7 =	sadd.s32 s6, s7  }
0x10: {  	s8 =	sadd.s32 $0x3800, s8;
	[dreg:$0x4] =	wrdreg s7;
	s23 =	sadd.s32 s1, s22  }
0x11: {  	[dreg:$0x3] =	wrdreg s8;
	s8 =	sadd.s32 s13, s2;
	s13 =	sor.u32 s13, s0  }
0x12: {  	s22 =	simm.s32 $0x2800;
	[dreg:$0x6] =	wrdreg s23;
	s21 =	sshrl.u32 s13, $0x3  }
0x13: {  	s0 =	sadd.s32 s0, s18;
	s23 =	simm.s32 $0x80;
	s7 =	sadd.s32 s1, s21  }
0x14: {  	s0 =	sshrl.u32 s0, $0x3;
	[dreg:$0x5] =	wrdreg s7;
	s7 =	sshrl.u32 s24, $0x3  }
0x15: {  	s18 =	sadd.s32 s1, s0;
	s21 =	simm.s32 $0x2900;
	s7 =	sadd.s32 s1, s7  }
0x16: {  	s24 =	simm.s32 $0x6900;
	[dreg:$0x7] =	wrdreg s7;
	s7 =	sadd.s32 s1, s26  }
0x17: {  	v0 =	vimm.f32 $0.0e+00;
	s26 =	simm.s32 $0x1;
	s1 =	simm.s32 $0x0;
	[dreg:$0x8] =	wrdreg s7  }
.LBB2_1:
0x18: {  	s0 =	rddreg [dreg:$0x3]  }
0x19: {  	[tilespmem:s3], [sflag:$0x5] =	stream.linear.gather [hbm4b:s0+s3], $0x2780, $0x38;
	[tilespmem:$0x1E900] =	vst v63  }
0x1a: {  	s7 =	simm.s32 $0x200;
	s0 =	simm.s32 $0x0  }
.LBB2_2:
0x1b: {  	p0 =	sne.s32 s7, $0xFE00;
	[tilespmem:s0+$0x2970] =	vst v0  }
0x1c: {  	[tilespmem:s0+$0x2900] =	vst v0  }
0x1d: {  	[tilespmem:s0+$0x2910] =	vst v0  }
.Ltmp0:
0x1e: {  	[tilespmem:s0+$0x2920] =	vst v0;
	(pc) =	sbr.rel @p0 .LBB2_2-.Ltmp0, $4  }
0x1f: {  	[tilespmem:s0+$0x2930] =	vst v0  }
0x20: {  	[tilespmem:s0+$0x2940] =	vst v0  }
0x21: {  	[tilespmem:s0+$0x2950] =	vst v0  }
0x22: {  	[tilespmem:s0+$0x2960] =	vst v0;
	s0 =	sshra.s32 s7, $0x2;
	s7 =	sadd.s32 $0x200, s7  }
0x23: {  	[tilespmem:s0+$0x2970] =	vst v0  }
0x24: {  	[tilespmem:s0+$0x2900] =	vst v0  }
0x25: {  	[tilespmem:s0+$0x2910] =	vst v0  }
0x26: {  	[tilespmem:s0+$0x2920] =	vst v0  }
0x27: {  	[tilespmem:s0+$0x2930] =	vst v0  }
0x28: {  	[tilespmem:s0+$0x2940] =	vst v0  }
0x29: {  	[tilespmem:s0+$0x2950] =	vst v0  }
0x2a: {  	[tilespmem:s0+$0x2960] =	vst v0  }
0x2b: {  	_ =	swait.ge [sflag:s20], $0x2780  }
0x2c: {  	[sflag:s20] =	ssyncset.done $0x0  }
0x2d: {  	[sflag:s20] =	ssyncadd.s32 $0xFFFFD880  }
0x2e: {  	[spmem:s8] =	stream.linear.scatter [tilespmem:s21], [sflag:$0x5], $0x4000, $0x38;
	[tilespmem:$0x1E900] =	vst v63  }
0x2f: {  	_ = 	snop  }
0x30: {  	[spmem:s9] =	stream.linear.scatter [tilespmem:s21], [sflag:$0x5], $0x4000, $0x38;
	[tilespmem:$0x1E900] =	vst v63  }
0x31: {  	_ = 	snop  }
0x32: {  	[spmem:s10] =	stream.linear.scatter [tilespmem:s21], [sflag:$0x5], $0x4000, $0x38;
	[tilespmem:$0x1E900] =	vst v63  }
0x33: {  	_ = 	snop  }
0x34: {  	[spmem:s11] =	stream.linear.scatter [tilespmem:s21], [sflag:$0x5], $0x4000, $0x38;
	[tilespmem:$0x1E900] =	vst v63  }
0x35: {  	_ = 	snop  }
0x36: {  	[spmem:s12] =	stream.linear.scatter [tilespmem:s21], [sflag:$0x5], $0x4000, $0x38;
	[tilespmem:$0x1E900] =	vst v63  }
0x37: {  	_ =	swait.ge [sflag:s20], $0x4000  }
0x38: {  	[sflag:s20] =	ssyncset.done $0x0  }
0x39: {  	[sflag:s20] =	ssyncadd.s32 $0xFFFFC000  }
0x3a: {  	_ =	swait.ge [sflag:s20], $0x4000  }
0x3b: {  	[sflag:s20] =	ssyncset.done $0x0  }
0x3c: {  	[sflag:s20] =	ssyncadd.s32 $0xFFFFC000  }
0x3d: {  	_ =	swait.ge [sflag:s20], $0x4000  }
0x3e: {  	[sflag:s20] =	ssyncset.done $0x0  }
0x3f: {  	[sflag:s20] =	ssyncadd.s32 $0xFFFFC000  }
0x40: {  	_ =	swait.ge [sflag:s20], $0x4000  }
0x41: {  	[sflag:s20] =	ssyncset.done $0x0  }
0x42: {  	[sflag:s20] =	ssyncadd.s32 $0xFFFFC000  }
0x43: {  	_ =	swait.ge [sflag:s20], $0x4000  }
0x44: {  	[sflag:s20] =	ssyncset.done $0x0  }
0x45: {  	[sflag:s20] =	ssyncadd.s32 $0xFFFFC000  }
0x46: {  	s17 =	simm.s32 $0x80;
	[bflag:$0x0] =	sbarrier.arrive $0xFFFF  }
0x47: {  	[tilespmem:s21], [sflag:$0x1] =	stream.indirect.gather [hbm4b:s5+s17], $0x80, s3, s17, $0xb8;
	[tilespmem:$0x1E900] =	vst v63  }
0x48: {  	s13 =	simm.s32 $0x0;
	s7 =	rddreg [dreg:$0x4]  }
0x49: {  	[tilespmem:s22], [sflag:$0x3] =	stream.linear.gather [hbm4b:s7+s3], $0x80, $0x38;
	[tilespmem:$0x1E900] =	vst v63  }
0x4a: {  	s7 =	sand.u32 $0x3C00, s13;
	s13 =	simm.s32 $0x80  }
0x4b: {  	s7 =	sadd.s32 s4, s7;
	s13 =	sand.u32 $0x380, s13  }
0x4c: {  	s7 =	sor.u32 s7, s13  }
0x4d: {  	[tilespmem:s24], [sflag:$0x2] =	stream.indirect.gather [hbm4b:s5+s23], $0x80, s17, s23, $0xb8;
	[tilespmem:$0x1E900] =	vst v63  }
0x4e: {  	s7 =	sshrl.u32 s7, $0x3  }
0x4f: {  	s14 =	sadd.s32 s6, s7  }
0x50: {  	[tilespmem:s25], [sflag:$0x4] =	stream.linear.gather [hbm4b:s14+s3], $0x80, $0x38;
	[tilespmem:$0x1E900] =	vst v63  }
0x51: {  	_ =	swait.ge [sflag:s26], $0x4000  }
0x52: {  	[sflag:s26] =	ssyncset.done $0x0  }
0x53: {  	[sflag:s26] =	ssyncadd.s32 $0xFFFFC000  }
0x54: {  	_ =	swait.ge [sflag:s28], $0x80  }
0x55: {  	s15 =	simm.s32 $0x100;
	[sflag:s28] =	ssyncset.done $0x0  }
0x56: {  	s16 =	sand.u32 $0x7C00, s15;
	[sflag:s28] =	ssyncadd.s32 $0xFFFFFF80  }
0x57: {  	[spmem:s2] =	stream.indirect.scatter.add.f32 [tilespmem:s21], [sflag:$0x6], $0x80, s22, s23, $0xb8;
	[tilespmem:$0x1E900] =	vst v63  }
0x58: {  	s0 =	sand.u32 $0x300, s15;
	s7 =	sadd.s32 s4, s16;
	_ =	swait.ge [sflag:s29], $0x4000  }
0x59: {  	s0 =	sor.u32 s0, s7;
	[sflag:s29] =	ssyncset.done $0x0  }
0x5a: {  	s17 =	simm.s32 $0x100;
	s0 =	sshrl.u32 s0, $0x3;
	[sflag:s29] =	ssyncadd.s32 $0xFFFFC000  }
0x5b: {  	[tilespmem:s21], [sflag:$0x1] =	stream.indirect.gather [hbm4b:s5+s23], $0x80, s17, s23, $0xb8;
	[tilespmem:$0x1E900] =	vst v63  }
0x5c: {  	s0 =	sadd.s32 s6, s0  }
0x5d: {  	[tilespmem:s22], [sflag:$0x3] =	stream.linear.gather [hbm4b:s0+s3], $0x80, $0x38;
	[tilespmem:$0x1E900] =	vst v63  }
0x5e: {  	_ =	swait.ge [sflag:s30], $0x4000  }
0x5f: {  	s13 =	simm.s32 $0x300;
	s16 =	simm.s32 $0x180;
	[sflag:s30] =	ssyncset.done $0x0  }
0x60: {  	s7 =	simm.s32 $0x200;
	s14 =	simm.s32 $0x100;
	[sflag:s30] =	ssyncadd.s32 $0xFFFFC000  }
0x61: {  	s15 =	sand.u32 $0x3C00, s14;
	s0 =	simm.s32 $0x180;
	_ =	swait.ge [sflag:s31], $0x80  }
.LBB2_4:
0x62: {  	s15 =	sadd.s32 s4, s15  }
0x63: {  	s16 =	sand.u32 $0x380, s16;
	[sflag:s31] =	ssyncset.done $0x0;
	s17 =	smov.u32 s13  }
0x64: {  	s14 =	sadd.s32 $0x100, s13;
	s15 =	sor.u32 s15, s16;
	[sflag:s31] =	ssyncadd.s32 $0xFFFFFF80  }
0x65: {  	[spmem:s2] =	stream.indirect.scatter.add.f32 [tilespmem:s24], [sflag:$0x6], $0x80, s25, s23, $0xb8;
	[tilespmem:$0x1E900] =	vst v63  }
0x66: {  	p0 =	sne.s32 s13, $0x2700;
	s13 =	sshrl.u32 s15, $0x3;
	_ =	swait.ge [sflag:s29], $0x4000  }
0x67: {  	[sflag:s29] =	ssyncset.done $0x0  }
0x68: {  	[sflag:s29] =	ssyncadd.s32 $0xFFFFC000  }
0x69: {  	[tilespmem:s24], [sflag:$0x2] =	stream.indirect.gather [hbm4b:s5+s23], $0x80, s0, s23, $0xb8;
	[tilespmem:$0x1E900] =	vst v63  }
0x6a: {  	s13 =	sadd.s32 s6, s13  }
0x6b: {  	[tilespmem:s25], [sflag:$0x4] =	stream.linear.gather [hbm4b:s13+s3], $0x80, $0x38;
	[tilespmem:$0x1E900] =	vst v63  }
0x6c: {  	_ =	swait.ge [sflag:s26], $0x4000  }
0x6d: {  	[sflag:s26] =	ssyncset.done $0x0  }
0x6e: {  	[sflag:s26] =	ssyncadd.s32 $0xFFFFC000  }
0x6f: {  	_ =	swait.ge [sflag:s28], $0x80  }
0x70: {  	[sflag:s28] =	ssyncset.done $0x0  }
0x71: {  	[sflag:s28] =	ssyncadd.s32 $0xFFFFFF80  }
0x72: {  	[spmem:s2] =	stream.indirect.scatter.add.f32 [tilespmem:s21], [sflag:$0x6], $0x80, s22, s23, $0xb8;
	[tilespmem:$0x1E900] =	vst v63  }
0x73: {  	s13 =	sand.u32 $0x7C00, s7;
	_ =	swait.ge [sflag:s29], $0x4000  }
0x74: {  	s7 =	sand.u32 $0x300, s7;
	s13 =	sadd.s32 s4, s13;
	[sflag:s29] =	ssyncset.done $0x0  }
0x75: {  	s15 =	sadd.s32 $0x80, s0;
	s7 =	sor.u32 s7, s13;
	[sflag:s29] =	ssyncadd.s32 $0xFFFFC000  }
0x76: {  	[tilespmem:s21], [sflag:$0x1] =	stream.indirect.gather [hbm4b:s5+s23], $0x80, s15, s23, $0xb8;
	[tilespmem:$0x1E900] =	vst v63  }
0x77: {  	s13 =	sshrl.u32 s7, $0x3;
	s7 =	smov.u32 s17  }
0x78: {  	s13 =	sadd.s32 s6, s13  }
0x79: {  	[tilespmem:s22], [sflag:$0x3] =	stream.linear.gather [hbm4b:s13+s3], $0x80, $0x38;
	[tilespmem:$0x1E900] =	vst v63  }
.Ltmp1:
0x7a: {  	_ = 	snop;
	(pc) =	sbr.rel @p0 .LBB2_4-.Ltmp1, $4  }
0x7b: {  	_ =	swait.ge [sflag:s30], $0x4000  }
0x7c: {  	s0 =	sadd.s32 $0x100, s0;
	[sflag:s30] =	ssyncset.done $0x0  }
0x7d: {  	s16 =	sadd.s32 $0xFFFFFF80, s7;
	s13 =	sadd.s32 $0xFFFFFF00, s7;
	[sflag:s30] =	ssyncadd.s32 $0xFFFFC000  }
0x7e: {  	s15 =	sand.u32 $0x3C00, s13;
	s13 =	smov.u32 s14;
	_ =	swait.ge [sflag:s31], $0x80  }
0x7f: {  	[sflag:s31] =	ssyncset.done $0x0  }
0x80: {  	[sflag:s31] =	ssyncadd.s32 $0xFFFFFF80  }
0x81: {  	[spmem:s2] =	stream.indirect.scatter.add.f32 [tilespmem:s24], [sflag:$0x6], $0x80, s25, s23, $0xb8;
	[tilespmem:$0x1E900] =	vst v63  }
0x82: {  	s13 =	sadd.s32 s4, s15;
	s14 =	sand.u32 $0x380, s16;
	_ =	swait.ge [sflag:s29], $0x4000  }
0x83: {  	s13 =	sor.u32 s13, s14;
	[sflag:s29] =	ssyncset.done $0x0  }
0x84: {  	s13 =	sshrl.u32 s13, $0x3;
	[sflag:s29] =	ssyncadd.s32 $0xFFFFC000  }
0x85: {  	[tilespmem:s24], [sflag:$0x2] =	stream.indirect.gather [hbm4b:s5+s23], $0x80, s0, s23, $0xb8;
	[tilespmem:$0x1E900] =	vst v63  }
0x86: {  	s13 =	sadd.s32 s6, s13  }
0x87: {  	[tilespmem:s25], [sflag:$0x4] =	stream.linear.gather [hbm4b:s13+s3], $0x80, $0x38;
	[tilespmem:$0x1E900] =	vst v63  }
0x88: {  	_ =	swait.ge [sflag:s26], $0x4000  }
0x89: {  	[sflag:s26] =	ssyncset.done $0x0  }
0x8a: {  	[sflag:s26] =	ssyncadd.s32 $0xFFFFC000  }
0x8b: {  	_ =	swait.ge [sflag:s28], $0x80  }
0x8c: {  	[sflag:s28] =	ssyncset.done $0x0  }
0x8d: {  	s15 =	sand.u32 $0x7C00, s7;
	[sflag:s28] =	ssyncadd.s32 $0xFFFFFF80  }
0x8e: {  	[spmem:s2] =	stream.indirect.scatter.add.f32 [tilespmem:s21], [sflag:$0x6], $0x80, s22, s23, $0xb8;
	[tilespmem:$0x1E900] =	vst v63  }
0x8f: {  	s16 =	sand.u32 $0x300, s7;
	s13 =	sadd.s32 s4, s15;
	_ =	swait.ge [sflag:s29], $0x4000  }
0x90: {  	s7 =	sor.u32 s16, s13;
	[sflag:s29] =	ssyncset.done $0x0  }
0x91: {  	s17 =	sadd.s32 $0x80, s0;
	s7 =	sshrl.u32 s7, $0x3;
	[sflag:s29] =	ssyncadd.s32 $0xFFFFC000  }
0x92: {  	[tilespmem:s21], [sflag:$0x1] =	stream.indirect.gather [hbm4b:s5+s23], $0x80, s17, s23, $0xb8;
	[tilespmem:$0x1E900] =	vst v63  }
0x93: {  	s0 =	sadd.s32 s6, s7  }
0x94: {  	[tilespmem:s22], [sflag:$0x3] =	stream.linear.gather [hbm4b:s0+s3], $0x80, $0x38;
	[tilespmem:$0x1E900] =	vst v63  }
0x95: {  	_ =	swait.ge [sflag:s30], $0x4000  }
0x96: {  	[sflag:s30] =	ssyncset.done $0x0  }
0x97: {  	[sflag:s30] =	ssyncadd.s32 $0xFFFFC000  }
0x98: {  	_ =	swait.ge [sflag:s31], $0x80  }
0x99: {  	[sflag:s31] =	ssyncset.done $0x0  }
0x9a: {  	[sflag:s31] =	ssyncadd.s32 $0xFFFFFF80  }
0x9b: {  	[spmem:s2] =	stream.indirect.scatter.add.f32 [tilespmem:s24], [sflag:$0x6], $0x80, s25, s23, $0xb8;
	[tilespmem:$0x1E900] =	vst v63  }
0x9c: {  	_ =	swait.ge [sflag:s29], $0x4000  }
0x9d: {  	[sflag:s29] =	ssyncset.done $0x0  }
0x9e: {  	[sflag:s29] =	ssyncadd.s32 $0xFFFFC000  }
0x9f: {  	_ =	swait.ge [sflag:s26], $0x4000  }
0xa0: {  	[sflag:s26] =	ssyncset.done $0x0  }
0xa1: {  	[sflag:s26] =	ssyncadd.s32 $0xFFFFC000  }
0xa2: {  	_ =	swait.ge [sflag:s28], $0x80  }
0xa3: {  	[sflag:s28] =	ssyncset.done $0x0  }
0xa4: {  	[sflag:s28] =	ssyncadd.s32 $0xFFFFFF80  }
0xa5: {  	[spmem:s2] =	stream.indirect.scatter.add.f32 [tilespmem:s21], [sflag:$0x6], $0x80, s22, s23, $0xb8;
	[tilespmem:$0x1E900] =	vst v63  }
0xa6: {  	_ =	swait.ge [sflag:s29], $0x4000  }
0xa7: {  	[sflag:s29] =	ssyncset.done $0x0  }
0xa8: {  	s13 =	stileid.u32;
	[sflag:s29] =	ssyncadd.s32 $0xFFFFC000  }
0xa9: {  	s0 =	sshll.u32 s13, $0x6;
	[bflag:$0x0] =	sbarrier.arrive $0xFFFF  }
0xaa: {  	s14 =	sshrl.u32 s8, $0x3;
	s0 =	sor.u32 $0x1C06, s0;
	s15 =	rddreg [dreg:$0x5]  }
0xab: {  	[hbm:s15], [sflag:s0] =	dma.local [spmem:s14], $0x800  }
0xac: {  	_ =	swait.ge [sflag:s29], $0x800  }
0xad: {  	[sflag:s29] =	ssyncset.done $0x0  }
0xae: {  	s16 =	sshrl.u32 s9, $0x3;
	s17 =	rddreg [dreg:$0x6];
	[sflag:s29] =	ssyncadd.s32 $0xFFFFF800  }
0xaf: {  	[hbm:s17], [sflag:s0] =	dma.local [spmem:s16], $0x800  }
0xb0: {  	_ =	swait.ge [sflag:s29], $0x800  }
0xb1: {  	[sflag:s29] =	ssyncset.done $0x0  }
0xb2: {  	s13 =	sshrl.u32 s10, $0x3;
	s14 =	rddreg [dreg:$0x7];
	[sflag:s29] =	ssyncadd.s32 $0xFFFFF800  }
0xb3: {  	[hbm:s14], [sflag:s0] =	dma.local [spmem:s13], $0x800  }
0xb4: {  	_ =	swait.ge [sflag:s29], $0x800  }
0xb5: {  	[sflag:s29] =	ssyncset.done $0x0  }
0xb6: {  	s15 =	sshrl.u32 s11, $0x3;
	s16 =	rddreg [dreg:$0x8];
	[sflag:s29] =	ssyncadd.s32 $0xFFFFF800  }
0xb7: {  	[hbm:s16], [sflag:s0] =	dma.local [spmem:s15], $0x800  }
0xb8: {  	s1 =	sadd.s32 $0x1, s1;
	_ =	swait.ge [sflag:s29], $0x800  }
0xb9: {  	p0 =	sne.s32 s1, s19;
	[sflag:s29] =	ssyncset.done $0x0  }
.Ltmp2:
0xba: {  	s17 =	sshrl.u32 s12, $0x3;
	[sflag:s29] =	ssyncadd.s32 $0xFFFFF800;
	(pc) =	sbr.rel @p0 .LBB2_1-.Ltmp2, $4  }
0xbb: {  	[hbm:s18], [sflag:s0] =	dma.local [spmem:s17], $0x800  }
0xbc: {  	_ =	swait.ge [sflag:s29], $0x800  }
0xbd: {  	[sflag:s29] =	ssyncset.done $0x0  }
0xbe: {  	[sflag:s29] =	ssyncadd.s32 $0xFFFFF800  }
0xbf: {  	_ =	sfence.sel $0x180000  }
0xc0: {  	[bflag:$0x0] =	sbarrier.arrive $0xFFFF  }
0xc1: {  	_ =	strace $0x9000004A  }
0xc2: {  	s0 =	stileid.u32;
	[bflag:$0x2] =	sbarrier.arrive $0xFFFF  }
0xc3: {  	p0 =	sne.s32 s0, $0x0;
	s0 =	rddreg [dreg:$0x2]  }
0xc4: {  	s0 =	sadd.s32 @!p0 $0x100000, s0  }
0xc5: {  	[sflag:s0] =	ssyncadd.tile.s32 @!p0 $0x1;
	_ =	shalt  }
.Lfunc_end2:
_tile_overlayer_lowered:
.L_overlay_start_2:
0xc6: {  	(tag) =	ssettag $0x2  }
0xc7: {  	s0 =	rddreg [dreg:$0x0];
	s2 =	stileid.u32  }
0xc8: {  	s1 =	rddreg [dreg:$0x1];
	p0 =	sne.s32 s2, $0x0  }
0xc9: {  	s3 =	rddreg [dreg:$0x2];
	[bflag:$0x3] =	sbarrier.arrive $0xFFFF;
	s2 =	simm.s32 @!p0 $0x1C06  }
0xca: {  	[timem:s3], [sflag:s2] =	dma.local @!p0 [hbm:s0], s1  }
0xcb: {  	s0 =	simm.s32 @!p0 $0x6  }
0xcc: {  	_ =	swait.ge @!p0 [sflag:s0], s1  }
0xcd: {  	s1 =	ssub.s32 @!p0 $0x0, s1;
	[sflag:s0] =	ssyncset.done @!p0 $0x0  }
0xce: {  	[sflag:s0] =	ssyncadd.s32 @!p0 s1  }
0xcf: {  	[bflag:$0x3] =	sbarrier.arrive $0xFFFF  }
0xd0: {  	_ =	shalt  }

// kernel: kernel.17.cloned.1.call-start
scs
__scs_entry_jumppad:
0x0: {  	(pc) =	sbr.rel $0x88, $3  }
0x1: {  	(tag) =	ssettag $0x0;
	lr =	simm.s32 $0x1  }
0x2: {  	[smem:$0x3F92] =	sst lr;
	_ =	strace $0xD0000000  }
0x3: {  	_ = 	snop  }
0x4: {  	_ = 	snop  }
0x5: {  	_ = 	snop  }
0x6: {  	_ = 	snop  }
0x7: {  	_ = 	snop  }
__scs_overlays_trampoline_lowered:
0x8: {  	[smem:$0x3FA1] =	sst s0  }
0x9: {  	[smem:$0x3FA2] =	sst s1  }
0xa: {  	[smem:$0x3FA3] =	sst s2  }
0xb: {  	[smem:$0x3FA4] =	sst s3  }
0xc: {  	[smem:$0x3FA5] =	sst s4  }
0xd: {  	[smem:$0x3FA6] =	sst s5  }
0xe: {  	[smem:$0x3FA7] =	sst s6  }
0xf: {  	[smem:$0x3FA8] =	sst s7  }
0x10: {  	[smem:$0x3FA9] =	sst s8  }
0x11: {  	[smem:$0x3FAA] =	sst s9;
	s0 =	simm.s32 @!p0 $0x0  }
0x12: {  	s1 =	sld [smem:$0x3F90];
	s0 =	simm.s32 @p0 $0x1  }
0x13: {  	[smem:$0x3FAB] =	sst s0;
	s0 =	simm.s32 @!p1 $0x0  }
0x14: {  	s2 =	sld [smem:$0x3F8F];
	s0 =	simm.s32 @p1 $0x1  }
0x15: {  	[smem:$0x3FAC] =	sst s0;
	s0 =	simm.s32 @!p2 $0x0  }
0x16: {  	s3 =	sld [smem:$0x3FDB];
	s0 =	simm.s32 @p2 $0x1  }
0x17: {  	s4 =	simm.s32 $0x1BF5;
	[smem:$0x3FAE] =	sst s0  }
0x18: {  	s0 =	sld [smem:$0x3F91];
	_ =	swait.ge [sflag:s4], $0x0  }
0x19: {  	s7 =	sld [smem:$0x3F92]  }
0x1a: {  	s8 =	sadd.s32 $0xFFFFE003, lr  }
0x1b: {  	s9 =	sadd.s32 $0xFFFFFEF7, lr;
	s5 =	simm.s32 $0xFFFFFFFF;
	p2 =	slt.u32 s8, $0xFFFFF086  }
0x1c: {  	p1 =	slt.u32 s9, $0xF7A;
	s5 =	simm.s32 @!p2 $0x0  }
0x1d: {  	s5 =	simm.s32 @p1 $0x1;
	p0 =	seq.s32 s7, s2  }
0x1e: {  	s7 =	smul.u32 @!p0 $0xF7A, s2;
	p2 =	seq.s32 @!p0 s5, $0x0  }
0x1f: {  	s9 =	smul.u32 $0xF7A, s1;
	s8 =	simm.s32 @!p0 $0x1BF5;
	p2 =	por !p2, p0  }
0x20: {  	[sflag:s8] =	ssyncset.s32 @!p0 $0xFFFFF086;
	s6 =	sadd.s32 @!p0 s3, s7;
	s7 =	simm.s32 @!p0 $0x108  }
0x21: {  	s3 =	sadd.s32 s3, s9;
	s6 =	sadd.s32 @!p0 $0x88, s6;
	s7 =	simm.s32 @p2 $0x1082  }
0x22: {  	[simem:s7], [sflag:s8] =	dma.local @!p0 [hbm:s6], $0xF7A  }
0x23: {  	s9 =	sor.u32 $0xD0000000, s2;
	s6 =	simm.s32 $0x108;
	_ =	swait.ge @!p0 [sflag:s8], $0x0  }
0x24: {  	s3 =	sadd.s32 $0x88, s3;
	s6 =	simm.s32 @!p1 $0x1082;
	[sflag:s4] =	ssyncset.s32 $0xFFFFF086  }
0x25: {  	[simem:s6], [sflag:s4] =	dma.local [hbm:s3], $0xF7A  }
0x26: {  	[smem:$0x3F92] =	sst s1;
	(tag) =	ssettag s2;
	_ =	strace s9  }
0x27: {  	s1 =	sld [smem:$0x3FA2]  }
0x28: {  	s2 =	sld [smem:$0x3FA3]  }
0x29: {  	s4 =	sld [smem:$0x3FA5]  }
0x2a: {  	p0 =	seq.s32 s5, $0x0;
	s5 =	sld [smem:$0x3FA6]  }
0x2b: {  	s6 =	sld [smem:$0x3FA7]  }
0x2c: {  	s7 =	sld [smem:$0x3FA8]  }
0x2d: {  	s3 =	simm.s32 $0x108;
	s8 =	sld [smem:$0x3FA9]  }
0x2e: {  	s3 =	simm.s32 @!p0 $0x1082;
	s9 =	sld [smem:$0x3FAA]  }
0x2f: {  	lr =	sadd.s32 s0, s3;
	s0 =	sld [smem:$0x3FA1]  }
0x30: {  	s3 =	sld [smem:$0x3FA4]  }
0x31: {  	[smem:$0x3FAD] =	sst s10  }
0x32: {  	s10 =	sld [smem:$0x3FAB];
	_ =	sdelay $0x3  }
0x33: {  	p0 =	seq.s32 s10, $0x1;
	s10 =	sld [smem:$0x3FAD];
	_ =	sdelay $0x3  }
0x34: {  	[smem:$0x3FAD] =	sst s10  }
0x35: {  	s10 =	sld [smem:$0x3FAC];
	_ =	sdelay $0x3  }
0x36: {  	p1 =	seq.s32 s10, $0x1;
	s10 =	sld [smem:$0x3FAD];
	_ =	sdelay $0x3  }
0x37: {  	[smem:$0x3FAD] =	sst s10  }
0x38: {  	s10 =	sld [smem:$0x3FAE]  }
0x39: {  	_ = 	snop;
	(pc) =	sbr.ind lr, $3  }
0x3a: {  	_ = 	snop  }
0x3b: {  	_ = 	snop  }
0x3c: {  	p2 =	seq.s32 s10, $0x1;
	s10 =	sld [smem:$0x3FAD]  }
0x3d: {  	_ =	shalt  }
0x3e: {  	_ =	shalt  }
0x3f: {  	_ =	shalt  }
0x40: {  	_ =	shalt  }
0x41: {  	_ =	shalt  }
0x42: {  	_ =	shalt  }
0x43: {  	_ =	shalt  }
0x44: {  	_ =	shalt  }
0x45: {  	_ =	shalt  }
0x46: {  	_ =	shalt  }
0x47: {  	_ =	shalt  }
0x48: {  	_ =	shalt  }
0x49: {  	_ =	shalt  }
0x4a: {  	_ =	shalt  }
0x4b: {  	_ =	shalt  }
0x4c: {  	_ =	shalt  }
0x4d: {  	_ =	shalt  }
0x4e: {  	_ =	shalt  }
0x4f: {  	_ =	shalt  }
0x50: {  	_ =	shalt  }
0x51: {  	_ =	shalt  }
0x52: {  	_ =	shalt  }
0x53: {  	_ =	shalt  }
0x54: {  	_ =	shalt  }
0x55: {  	_ =	shalt  }
0x56: {  	_ =	shalt  }
0x57: {  	_ =	shalt  }
0x58: {  	_ =	shalt  }
0x59: {  	_ =	shalt  }
0x5a: {  	_ =	shalt  }
0x5b: {  	_ =	shalt  }
0x5c: {  	_ =	shalt  }
0x5d: {  	_ =	shalt  }
0x5e: {  	_ =	shalt  }
0x5f: {  	_ =	shalt  }
0x60: {  	_ =	shalt  }
0x61: {  	_ =	shalt  }
0x62: {  	_ =	shalt  }
0x63: {  	_ =	shalt  }
0x64: {  	_ =	shalt  }
0x65: {  	_ =	shalt  }
0x66: {  	_ =	shalt  }
0x67: {  	_ =	shalt  }
0x68: {  	_ =	shalt  }
0x69: {  	_ =	shalt  }
0x6a: {  	_ =	shalt  }
0x6b: {  	_ =	shalt  }
0x6c: {  	_ =	shalt  }
0x6d: {  	_ =	shalt  }
0x6e: {  	_ =	shalt  }
0x6f: {  	_ =	shalt  }
0x70: {  	_ =	shalt  }
0x71: {  	_ =	shalt  }
0x72: {  	_ =	shalt  }
0x73: {  	_ =	shalt  }
0x74: {  	_ =	shalt  }
0x75: {  	_ =	shalt  }
0x76: {  	_ =	shalt  }
0x77: {  	_ =	shalt  }
0x78: {  	_ =	shalt  }
0x79: {  	_ =	shalt  }
0x7a: {  	_ =	shalt  }
0x7b: {  	_ =	shalt  }
0x7c: {  	_ =	shalt  }
0x7d: {  	_ =	shalt  }
0x7e: {  	_ =	shalt  }
0x7f: {  	_ =	shalt  }
0x80: {  	_ =	shalt  }
0x81: {  	_ =	shalt  }
0x82: {  	_ =	shalt  }
0x83: {  	_ =	shalt  }
0x84: {  	_ =	shalt  }
0x85: {  	_ =	shalt  }
0x86: {  	_ =	shalt  }
0x87: {  	_ =	shalt  }
.Lfunc_end0:
.L_simem_size_0:
called_computation.2_lowered:
.L_overlay_start_0:
0x88: {  	s2 =	sld [smem:$0x3FD9]  }
0x89: {  	s3 =	sld [smem:$0x3FFE];
	_ =	sdelay $0x1  }
0x8a: {  	s1 =	srdreg.scid  }
0x8b: {  	s0 =	sand.u32 $0x1, s1  }
0x8c: {  	s16 =	sshll.u32 s0, $0xA;
	s2 =	sadd.s32 s3, s2  }
0x8d: {  	s2 =	sadd.s32 s2, s16  }
0x8e: {  	[smem:$0x3FB9] =	sst s2  }
0x8f: {  	_ = 	snop  }
0x90: {  	(tm) =	ssettm $0x1  }
0x91: {  	s17 =	sld [smem:$0x3FFB];
	_ =	sdelay $0x3  }
0x92: {  	_ =	strace s17  }
0x93: {  	s2 =	sld [smem:$0x3FFC];
	_ =	sdelay $0x3  }
0x94: {  	_ =	strace s2  }
0x95: {  	s2 =	sld [smem:$0x3FFD];
	_ =	sdelay $0x3  }
0x96: {  	_ =	strace s2  }
0x97: {  	_ =	strace $0x8FFFFFFF  }
0x98: {  	s18 =	sld [smem:$0x3FDB];
	_ =	sdelay $0x1  }
0x99: {  	s19 =	simm.s32 $_scs_section_size  }
0x9a: {  	s4 =	simm.s32 $_size__tile_overlayer_lowered;
	s5 =	simm.s32 $_tile_overlayer_lowered  }
0x9b: {  	s22 =	simm.s32 $0x1BFF;
	s21 =	sshll.u32 s5, $0x1;
	s2 =	sadd.s32 s19, s18  }
0x9c: {  	s6 =	simm.s32 $0x0;
	s20 =	sshll.u32 s4, $0x1;
	s4 =	sadd.s32 s21, s2  }
0x9d: {  	[timem:s6], [sflag:s22] =	dma.local [hbm:s4], s20  }
0x9e: {  	_ =	swait.ge [sflag:s22], s20  }
0x9f: {  	s3 =	ssub.s32 $0x0, s20;
	[sflag:s22] =	ssyncset.done $0x0  }
0xa0: {  	[sflag:s22] =	ssyncadd.s32 s3;
	_ =	sdelay $0x1  }
0xa1: {  	s23 =	simm.s32 $0x1B8B  }
0xa2: {  	_ =	swait.ge [sflag:s23], $0x1  }
0xa3: {  	[sflag:s23] =	ssyncset.done $0x0  }
0xa4: {  	s25 =	simm.s32 $0x1B8E;
	s24 =	sld [smem:$0x3FFE];
	[sflag:s23] =	ssyncadd.s32 $0xFFFFFFFF  }
0xa5: {  	s26 =	simm.s32 $execute0_lowered;
	[smem:$0x3FD2] =	sst s25  }
0xa6: {  	s4 =	sshll.u32 s26, $0x1;
	_ =	strace $0x8000004C;
	[dreg:$0x1] =	wrdreg $0xFFFFFFFF  }
0xa7: {  	s28 =	simm.s32 $_size_execute0_lowered;
	s2 =	sadd.s32 s2, s4;
	[dreg:$0x0] =	wrdreg $0x0  }
0xa8: {  	s4 =	sshll.u32 s28, $0x1;
	[dreg:$0x2] =	wrdreg s2  }
0xa9: {  	[dreg:$0x3] =	wrdreg s4  }
0xaa: {  	[dreg:$0x4] =	wrdreg $0xC0  }
0xab: {  	_ =	task [dreg:s6], $0x5FFFF  }
0xac: {  	[dreg:$0x1] =	wrdreg $0xFFFFFFFF  }
0xad: {  	[dreg:$0x0] =	wrdreg $0x60  }
0xae: {  	[dreg:$0x2] =	wrdreg s24  }
0xaf: {  	[dreg:$0x3] =	wrdreg $0xA9000  }
0xb0: {  	[dreg:$0x4] =	wrdreg $0x9  }
0xb1: {  	_ =	task.clear_ibuf [dreg:s6], $0x5FFFF;
	_ =	strace $0x9000004C  }
0xb2: {  	s29 =	simm.s32 $0x9;
	_ =	strace $0x8000004E  }
0xb3: {  	_ =	swait.ge [sflag:s29], $0x1  }
0xb4: {  	[sflag:s29] =	ssyncadd.s32 $0xFFFFFFFF  }
0xb5: {  	_ =	strace $0x9000004E  }
0xb6: {  	_ =	sfence  }
0xb7: {  	s30 =	sld [smem:$0x0];
	_ =	sdelay $0x2  }
0xb8: {  	s31 =	sshll.u32 s1, $0xD;
	s1 =	sshrl.u32 s1, $0x2  }
0xb9: {  	s3 =	sand.u32 $0x4000, s31;
	s1 =	sadd.s32 s1, s30  }
0xba: {  	s0 =	sor.u32 s3, s0;
	s1 =	sshll.u32 s1, $0x11  }
0xbb: {  	s0 =	sor.u32 s1, s0  }
0xbc: {  	s0 =	sadd.s32 $0x8F2B, s0  }
0xbd: {  	[sflag:s0] =	ssyncadd.remote.s32 $0x1  }
0xbe: {  	_ =	sfence.sel $0xFFFF  }
0xbf: {  	[dreg:$0x0] =	wrdreg $0xFFFFFFFF;
	(pc) =	sbr.abs _section_cstart, $3  }
0xc0: {  	[dreg:$0x1] =	wrdreg $0xFFFFFFFF  }
0xc1: {  	_ =	task.clear_ibuf [dreg:s6], $0x2FFFF;
	_ =	strace $0x9FFFFFFF  }
0xc2: {  	(tm) =	ssettm $0x7FFFFFFF  }
0xc3: {  	_ =	shalt  }
tec
execute0_lowered:
.L_overlay_start_1:
0x0: {  	(tag) =	ssettag $0x1  }
0x1: {  	s0 =	srdreg.scid  }
0x2: {  	s11 =	stileid.u32;
	s1 =	rddreg [dreg:$0x0]  }
0x3: {  	s2 =	rddreg [dreg:$0x1];
	s20 =	simm.s32 $0x5;
	s28 =	simm.s32 $0x3  }
0x4: {  	s29 =	simm.s32 $0x6;
	s30 =	simm.s32 $0x2;
	s31 =	simm.s32 $0x4  }
0x5: {  	s0 =	sand.u32 $0x1, s0;
	s3 =	sshll.u32 s11, $0x1;
	s5 =	sadd.s32 $0xB8C00, s1  }
0x6: {  	s6 =	sadd.s32 $0xD800, s1;
	s13 =	sshll.u32 s11, $0xE;
	s4 =	sor.u32 s0, s3  }
0x7: {  	s3 =	simm.s32 $0x0;
	s9 =	ssub.s32 $0x2, s0;
	s15 =	sor.u32 $0x40000, s13  }
0x8: {  	s16 =	sor.u32 $0x80000, s13;
	s17 =	sor.u32 $0xC0000, s13;
	s0 =	smul.u32 $0x140000, s0  }
0x9: {  	s18 =	sor.u32 $0x100000, s13;
	s4 =	smul.u32 $0x2800, s4;
	[smem:$0x7FF] =	sst s3  }
0xa: {  	s10 =	sshrl.u32 s9, $0x1;
	s11 =	sadd.s32 s17, s2;
	s12 =	sadd.s32 s18, s2  }
0xb: {  	_ =	strace $0x8000004D;
	s14 =	ssub.s32 s9, s10;
	s9 =	sadd.s32 s15, s2  }
0xc: {  	s10 =	sadd.s32 s16, s2;
	s15 =	sadd.s32 s0, s15;
	s24 =	sadd.s32 s0, s16  }
0xd: {  	s25 =	sadd.s32 s0, s17;
	s7 =	sshrl.u32 s4, $0x3;
	s22 =	sshrl.u32 s15, $0x3  }
0xe: {  	s26 =	sshrl.u32 s25, $0x3;
	s19 =	smax.u32 s14, $0x1;
	s25 =	simm.s32 $0x2880  }
0xf: {  	s8 =	sadd.s32 s7, s1;
	s1 =	sadd.s32 $0xE0C00, s1;
	s7 =	sadd.s32 s6, s7  }
0x10: {  	s8 =	sadd.s32 $0x3800, s8;
	[dreg:$0x4] =	wrdreg s7;
	s23 =	sadd.s32 s1, s22  }
0x11: {  	[dreg:$0x3] =	wrdreg s8;
	s8 =	sadd.s32 s13, s2;
	s13 =	sor.u32 s13, s0  }
0x12: {  	s22 =	simm.s32 $0x2800;
	[dreg:$0x6] =	wrdreg s23;
	s21 =	sshrl.u32 s13, $0x3  }
0x13: {  	s0 =	sadd.s32 s0, s18;
	s23 =	simm.s32 $0x80;
	s7 =	sadd.s32 s1, s21  }
0x14: {  	s0 =	sshrl.u32 s0, $0x3;
	[dreg:$0x5] =	wrdreg s7;
	s7 =	sshrl.u32 s24, $0x3  }
0x15: {  	s18 =	sadd.s32 s1, s0;
	s21 =	simm.s32 $0x2900;
	s7 =	sadd.s32 s1, s7  }
0x16: {  	s24 =	simm.s32 $0x6900;
	[dreg:$0x7] =	wrdreg s7;
	s7 =	sadd.s32 s1, s26  }
0x17: {  	v0 =	vimm.f32 $0.0e+00;
	s26 =	simm.s32 $0x1;
	s1 =	simm.s32 $0x0;
	[dreg:$0x8] =	wrdreg s7  }
.LBB2_1:
0x18: {  	s0 =	rddreg [dreg:$0x3]  }
0x19: {  	[tilespmem:s3], [sflag:$0x5] =	stream.linear.gather [hbm4b:s0+s3], $0x2780, $0x38;
	[tilespmem:$0x1E900] =	vst v63  }
0x1a: {  	s7 =	simm.s32 $0x200;
	s0 =	simm.s32 $0x0  }
.LBB2_2:
0x1b: {  	p0 =	sne.s32 s7, $0xFE00;
	[tilespmem:s0+$0x2970] =	vst v0  }
0x1c: {  	[tilespmem:s0+$0x2900] =	vst v0  }
0x1d: {  	[tilespmem:s0+$0x2910] =	vst v0  }
.Ltmp0:
0x1e: {  	[tilespmem:s0+$0x2920] =	vst v0;
	(pc) =	sbr.rel @p0 .LBB2_2-.Ltmp0, $4  }
0x1f: {  	[tilespmem:s0+$0x2930] =	vst v0  }
0x20: {  	[tilespmem:s0+$0x2940] =	vst v0  }
0x21: {  	[tilespmem:s0+$0x2950] =	vst v0  }
0x22: {  	[tilespmem:s0+$0x2960] =	vst v0;
	s0 =	sshra.s32 s7, $0x2;
	s7 =	sadd.s32 $0x200, s7  }
0x23: {  	[tilespmem:s0+$0x2970] =	vst v0  }
0x24: {  	[tilespmem:s0+$0x2900] =	vst v0  }
0x25: {  	[tilespmem:s0+$0x2910] =	vst v0  }
0x26: {  	[tilespmem:s0+$0x2920] =	vst v0  }
0x27: {  	[tilespmem:s0+$0x2930] =	vst v0  }
0x28: {  	[tilespmem:s0+$0x2940] =	vst v0  }
0x29: {  	[tilespmem:s0+$0x2950] =	vst v0  }
0x2a: {  	[tilespmem:s0+$0x2960] =	vst v0  }
0x2b: {  	_ =	swait.ge [sflag:s20], $0x2780  }
0x2c: {  	[sflag:s20] =	ssyncset.done $0x0  }
0x2d: {  	[sflag:s20] =	ssyncadd.s32 $0xFFFFD880  }
0x2e: {  	[spmem:s8] =	stream.linear.scatter [tilespmem:s21], [sflag:$0x5], $0x4000, $0x38;
	[tilespmem:$0x1E900] =	vst v63  }
0x2f: {  	_ = 	snop  }
0x30: {  	[spmem:s9] =	stream.linear.scatter [tilespmem:s21], [sflag:$0x5], $0x4000, $0x38;
	[tilespmem:$0x1E900] =	vst v63  }
0x31: {  	_ = 	snop  }
0x32: {  	[spmem:s10] =	stream.linear.scatter [tilespmem:s21], [sflag:$0x5], $0x4000, $0x38;
	[tilespmem:$0x1E900] =	vst v63  }
0x33: {  	_ = 	snop  }
0x34: {  	[spmem:s11] =	stream.linear.scatter [tilespmem:s21], [sflag:$0x5], $0x4000, $0x38;
	[tilespmem:$0x1E900] =	vst v63  }
0x35: {  	_ = 	snop  }
0x36: {  	[spmem:s12] =	stream.linear.scatter [tilespmem:s21], [sflag:$0x5], $0x4000, $0x38;
	[tilespmem:$0x1E900] =	vst v63  }
0x37: {  	_ =	swait.ge [sflag:s20], $0x4000  }
0x38: {  	[sflag:s20] =	ssyncset.done $0x0  }
0x39: {  	[sflag:s20] =	ssyncadd.s32 $0xFFFFC000  }
0x3a: {  	_ =	swait.ge [sflag:s20], $0x4000  }
0x3b: {  	[sflag:s20] =	ssyncset.done $0x0  }
0x3c: {  	[sflag:s20] =	ssyncadd.s32 $0xFFFFC000  }
0x3d: {  	_ =	swait.ge [sflag:s20], $0x4000  }
0x3e: {  	[sflag:s20] =	ssyncset.done $0x0  }
0x3f: {  	[sflag:s20] =	ssyncadd.s32 $0xFFFFC000  }
0x40: {  	_ =	swait.ge [sflag:s20], $0x4000  }
0x41: {  	[sflag:s20] =	ssyncset.done $0x0  }
0x42: {  	[sflag:s20] =	ssyncadd.s32 $0xFFFFC000  }
0x43: {  	_ =	swait.ge [sflag:s20], $0x4000  }
0x44: {  	[sflag:s20] =	ssyncset.done $0x0  }
0x45: {  	[sflag:s20] =	ssyncadd.s32 $0xFFFFC000  }
0x46: {  	s17 =	simm.s32 $0x80;
	[bflag:$0x0] =	sbarrier.arrive $0xFFFF  }
0x47: {  	[tilespmem:s21], [sflag:$0x1] =	stream.indirect.gather [hbm4b:s5+s17], $0x80, s3, s17, $0xb8;
	[tilespmem:$0x1E900] =	vst v63  }
0x48: {  	s13 =	simm.s32 $0x0;
	s7 =	rddreg [dreg:$0x4]  }
0x49: {  	[tilespmem:s22], [sflag:$0x3] =	stream.linear.gather [hbm4b:s7+s3], $0x80, $0x38;
	[tilespmem:$0x1E900] =	vst v63  }
0x4a: {  	s7 =	sand.u32 $0x3C00, s13;
	s13 =	simm.s32 $0x80  }
0x4b: {  	s7 =	sadd.s32 s4, s7;
	s13 =	sand.u32 $0x380, s13  }
0x4c: {  	s7 =	sor.u32 s7, s13  }
0x4d: {  	[tilespmem:s24], [sflag:$0x2] =	stream.indirect.gather [hbm4b:s5+s23], $0x80, s17, s23, $0xb8;
	[tilespmem:$0x1E900] =	vst v63  }
0x4e: {  	s7 =	sshrl.u32 s7, $0x3  }
0x4f: {  	s14 =	sadd.s32 s6, s7  }
0x50: {  	[tilespmem:s25], [sflag:$0x4] =	stream.linear.gather [hbm4b:s14+s3], $0x80, $0x38;
	[tilespmem:$0x1E900] =	vst v63  }
0x51: {  	_ =	swait.ge [sflag:s26], $0x4000  }
0x52: {  	[sflag:s26] =	ssyncset.done $0x0  }
0x53: {  	[sflag:s26] =	ssyncadd.s32 $0xFFFFC000  }
0x54: {  	_ =	swait.ge [sflag:s28], $0x80  }
0x55: {  	s15 =	simm.s32 $0x100;
	[sflag:s28] =	ssyncset.done $0x0  }
0x56: {  	s16 =	sand.u32 $0x7C00, s15;
	[sflag:s28] =	ssyncadd.s32 $0xFFFFFF80  }
0x57: {  	[spmem:s2] =	stream.indirect.scatter.add.f32 [tilespmem:s21], [sflag:$0x6], $0x80, s22, s23, $0xb8;
	[tilespmem:$0x1E900] =	vst v63  }
0x58: {  	s0 =	sand.u32 $0x300, s15;
	s7 =	sadd.s32 s4, s16;
	_ =	swait.ge [sflag:s29], $0x4000  }
0x59: {  	s0 =	sor.u32 s0, s7;
	[sflag:s29] =	ssyncset.done $0x0  }
0x5a: {  	s17 =	simm.s32 $0x100;
	s0 =	sshrl.u32 s0, $0x3;
	[sflag:s29] =	ssyncadd.s32 $0xFFFFC000  }
0x5b: {  	[tilespmem:s21], [sflag:$0x1] =	stream.indirect.gather [hbm4b:s5+s23], $0x80, s17, s23, $0xb8;
	[tilespmem:$0x1E900] =	vst v63  }
0x5c: {  	s0 =	sadd.s32 s6, s0  }
0x5d: {  	[tilespmem:s22], [sflag:$0x3] =	stream.linear.gather [hbm4b:s0+s3], $0x80, $0x38;
	[tilespmem:$0x1E900] =	vst v63  }
0x5e: {  	_ =	swait.ge [sflag:s30], $0x4000  }
0x5f: {  	s13 =	simm.s32 $0x300;
	s16 =	simm.s32 $0x180;
	[sflag:s30] =	ssyncset.done $0x0  }
0x60: {  	s7 =	simm.s32 $0x200;
	s14 =	simm.s32 $0x100;
	[sflag:s30] =	ssyncadd.s32 $0xFFFFC000  }
0x61: {  	s15 =	sand.u32 $0x3C00, s14;
	s0 =	simm.s32 $0x180;
	_ =	swait.ge [sflag:s31], $0x80  }
.LBB2_4:
0x62: {  	s15 =	sadd.s32 s4, s15  }
0x63: {  	s16 =	sand.u32 $0x380, s16;
	[sflag:s31] =	ssyncset.done $0x0;
	s17 =	smov.u32 s13  }
0x64: {  	s14 =	sadd.s32 $0x100, s13;
	s15 =	sor.u32 s15, s16;
	[sflag:s31] =	ssyncadd.s32 $0xFFFFFF80  }
0x65: {  	[spmem:s2] =	stream.indirect.scatter.add.f32 [tilespmem:s24], [sflag:$0x6], $0x80, s25, s23, $0xb8;
	[tilespmem:$0x1E900] =	vst v63  }
0x66: {  	p0 =	sne.s32 s13, $0x2700;
	s13 =	sshrl.u32 s15, $0x3;
	_ =	swait.ge [sflag:s29], $0x4000  }
0x67: {  	[sflag:s29] =	ssyncset.done $0x0  }
0x68: {  	[sflag:s29] =	ssyncadd.s32 $0xFFFFC000  }
0x69: {  	[tilespmem:s24], [sflag:$0x2] =	stream.indirect.gather [hbm4b:s5+s23], $0x80, s0, s23, $0xb8;
	[tilespmem:$0x1E900] =	vst v63  }
0x6a: {  	s13 =	sadd.s32 s6, s13  }
0x6b: {  	[tilespmem:s25], [sflag:$0x4] =	stream.linear.gather [hbm4b:s13+s3], $0x80, $0x38;
	[tilespmem:$0x1E900] =	vst v63  }
0x6c: {  	_ =	swait.ge [sflag:s26], $0x4000  }
0x6d: {  	[sflag:s26] =	ssyncset.done $0x0  }
0x6e: {  	[sflag:s26] =	ssyncadd.s32 $0xFFFFC000  }
0x6f: {  	_ =	swait.ge [sflag:s28], $0x80  }
0x70: {  	[sflag:s28] =	ssyncset.done $0x0  }
0x71: {  	[sflag:s28] =	ssyncadd.s32 $0xFFFFFF80  }
0x72: {  	[spmem:s2] =	stream.indirect.scatter.add.f32 [tilespmem:s21], [sflag:$0x6], $0x80, s22, s23, $0xb8;
	[tilespmem:$0x1E900] =	vst v63  }
0x73: {  	s13 =	sand.u32 $0x7C00, s7;
	_ =	swait.ge [sflag:s29], $0x4000  }
0x74: {  	s7 =	sand.u32 $0x300, s7;
	s13 =	sadd.s32 s4, s13;
	[sflag:s29] =	ssyncset.done $0x0  }
0x75: {  	s15 =	sadd.s32 $0x80, s0;
	s7 =	sor.u32 s7, s13;
	[sflag:s29] =	ssyncadd.s32 $0xFFFFC000  }
0x76: {  	[tilespmem:s21], [sflag:$0x1] =	stream.indirect.gather [hbm4b:s5+s23], $0x80, s15, s23, $0xb8;
	[tilespmem:$0x1E900] =	vst v63  }
0x77: {  	s13 =	sshrl.u32 s7, $0x3;
	s7 =	smov.u32 s17  }
0x78: {  	s13 =	sadd.s32 s6, s13  }
0x79: {  	[tilespmem:s22], [sflag:$0x3] =	stream.linear.gather [hbm4b:s13+s3], $0x80, $0x38;
	[tilespmem:$0x1E900] =	vst v63  }
.Ltmp1:
0x7a: {  	_ = 	snop;
	(pc) =	sbr.rel @p0 .LBB2_4-.Ltmp1, $4  }
0x7b: {  	_ =	swait.ge [sflag:s30], $0x4000  }
0x7c: {  	s0 =	sadd.s32 $0x100, s0;
	[sflag:s30] =	ssyncset.done $0x0  }
0x7d: {  	s16 =	sadd.s32 $0xFFFFFF80, s7;
	s13 =	sadd.s32 $0xFFFFFF00, s7;
	[sflag:s30] =	ssyncadd.s32 $0xFFFFC000  }
0x7e: {  	s15 =	sand.u32 $0x3C00, s13;
	s13 =	smov.u32 s14;
	_ =	swait.ge [sflag:s31], $0x80  }
0x7f: {  	[sflag:s31] =	ssyncset.done $0x0  }
0x80: {  	[sflag:s31] =	ssyncadd.s32 $0xFFFFFF80  }
0x81: {  	[spmem:s2] =	stream.indirect.scatter.add.f32 [tilespmem:s24], [sflag:$0x6], $0x80, s25, s23, $0xb8;
	[tilespmem:$0x1E900] =	vst v63  }
0x82: {  	s13 =	sadd.s32 s4, s15;
	s14 =	sand.u32 $0x380, s16;
	_ =	swait.ge [sflag:s29], $0x4000  }
0x83: {  	s13 =	sor.u32 s13, s14;
	[sflag:s29] =	ssyncset.done $0x0  }
0x84: {  	s13 =	sshrl.u32 s13, $0x3;
	[sflag:s29] =	ssyncadd.s32 $0xFFFFC000  }
0x85: {  	[tilespmem:s24], [sflag:$0x2] =	stream.indirect.gather [hbm4b:s5+s23], $0x80, s0, s23, $0xb8;
	[tilespmem:$0x1E900] =	vst v63  }
0x86: {  	s13 =	sadd.s32 s6, s13  }
0x87: {  	[tilespmem:s25], [sflag:$0x4] =	stream.linear.gather [hbm4b:s13+s3], $0x80, $0x38;
	[tilespmem:$0x1E900] =	vst v63  }
0x88: {  	_ =	swait.ge [sflag:s26], $0x4000  }
0x89: {  	[sflag:s26] =	ssyncset.done $0x0  }
0x8a: {  	[sflag:s26] =	ssyncadd.s32 $0xFFFFC000  }
0x8b: {  	_ =	swait.ge [sflag:s28], $0x80  }
0x8c: {  	[sflag:s28] =	ssyncset.done $0x0  }
0x8d: {  	s15 =	sand.u32 $0x7C00, s7;
	[sflag:s28] =	ssyncadd.s32 $0xFFFFFF80  }
0x8e: {  	[spmem:s2] =	stream.indirect.scatter.add.f32 [tilespmem:s21], [sflag:$0x6], $0x80, s22, s23, $0xb8;
	[tilespmem:$0x1E900] =	vst v63  }
0x8f: {  	s16 =	sand.u32 $0x300, s7;
	s13 =	sadd.s32 s4, s15;
	_ =	swait.ge [sflag:s29], $0x4000  }
0x90: {  	s7 =	sor.u32 s16, s13;
	[sflag:s29] =	ssyncset.done $0x0  }
0x91: {  	s17 =	sadd.s32 $0x80, s0;
	s7 =	sshrl.u32 s7, $0x3;
	[sflag:s29] =	ssyncadd.s32 $0xFFFFC000  }
0x92: {  	[tilespmem:s21], [sflag:$0x1] =	stream.indirect.gather [hbm4b:s5+s23], $0x80, s17, s23, $0xb8;
	[tilespmem:$0x1E900] =	vst v63  }
0x93: {  	s0 =	sadd.s32 s6, s7  }
0x94: {  	[tilespmem:s22], [sflag:$0x3] =	stream.linear.gather [hbm4b:s0+s3], $0x80, $0x38;
	[tilespmem:$0x1E900] =	vst v63  }
0x95: {  	_ =	swait.ge [sflag:s30], $0x4000  }
0x96: {  	[sflag:s30] =	ssyncset.done $0x0  }
0x97: {  	[sflag:s30] =	ssyncadd.s32 $0xFFFFC000  }
0x98: {  	_ =	swait.ge [sflag:s31], $0x80  }
0x99: {  	[sflag:s31] =	ssyncset.done $0x0  }
0x9a: {  	[sflag:s31] =	ssyncadd.s32 $0xFFFFFF80  }
0x9b: {  	[spmem:s2] =	stream.indirect.scatter.add.f32 [tilespmem:s24], [sflag:$0x6], $0x80, s25, s23, $0xb8;
	[tilespmem:$0x1E900] =	vst v63  }
0x9c: {  	_ =	swait.ge [sflag:s29], $0x4000  }
0x9d: {  	[sflag:s29] =	ssyncset.done $0x0  }
0x9e: {  	[sflag:s29] =	ssyncadd.s32 $0xFFFFC000  }
0x9f: {  	_ =	swait.ge [sflag:s26], $0x4000  }
0xa0: {  	[sflag:s26] =	ssyncset.done $0x0  }
0xa1: {  	[sflag:s26] =	ssyncadd.s32 $0xFFFFC000  }
0xa2: {  	_ =	swait.ge [sflag:s28], $0x80  }
0xa3: {  	[sflag:s28] =	ssyncset.done $0x0  }
0xa4: {  	[sflag:s28] =	ssyncadd.s32 $0xFFFFFF80  }
0xa5: {  	[spmem:s2] =	stream.indirect.scatter.add.f32 [tilespmem:s21], [sflag:$0x6], $0x80, s22, s23, $0xb8;
	[tilespmem:$0x1E900] =	vst v63  }
0xa6: {  	_ =	swait.ge [sflag:s29], $0x4000  }
0xa7: {  	[sflag:s29] =	ssyncset.done $0x0  }
0xa8: {  	s13 =	stileid.u32;
	[sflag:s29] =	ssyncadd.s32 $0xFFFFC000  }
0xa9: {  	s0 =	sshll.u32 s13, $0x6;
	[bflag:$0x0] =	sbarrier.arrive $0xFFFF  }
0xaa: {  	s14 =	sshrl.u32 s8, $0x3;
	s0 =	sor.u32 $0x1C06, s0;
	s15 =	rddreg [dreg:$0x5]  }
0xab: {  	[hbm:s15], [sflag:s0] =	dma.local [spmem:s14], $0x800  }
0xac: {  	_ =	swait.ge [sflag:s29], $0x800  }
0xad: {  	[sflag:s29] =	ssyncset.done $0x0  }
0xae: {  	s16 =	sshrl.u32 s9, $0x3;
	s17 =	rddreg [dreg:$0x6];
	[sflag:s29] =	ssyncadd.s32 $0xFFFFF800  }
0xaf: {  	[hbm:s17], [sflag:s0] =	dma.local [spmem:s16], $0x800  }
0xb0: {  	_ =	swait.ge [sflag:s29], $0x800  }
0xb1: {  	[sflag:s29] =	ssyncset.done $0x0  }
0xb2: {  	s13 =	sshrl.u32 s10, $0x3;
	s14 =	rddreg [dreg:$0x7];
	[sflag:s29] =	ssyncadd.s32 $0xFFFFF800  }
0xb3: {  	[hbm:s14], [sflag:s0] =	dma.local [spmem:s13], $0x800  }
0xb4: {  	_ =	swait.ge [sflag:s29], $0x800  }
0xb5: {  	[sflag:s29] =	ssyncset.done $0x0  }
0xb6: {  	s15 =	sshrl.u32 s11, $0x3;
	s16 =	rddreg [dreg:$0x8];
	[sflag:s29] =	ssyncadd.s32 $0xFFFFF800  }
0xb7: {  	[hbm:s16], [sflag:s0] =	dma.local [spmem:s15], $0x800  }
0xb8: {  	s1 =	sadd.s32 $0x1, s1;
	_ =	swait.ge [sflag:s29], $0x800  }
0xb9: {  	p0 =	sne.s32 s1, s19;
	[sflag:s29] =	ssyncset.done $0x0  }
.Ltmp2:
0xba: {  	s17 =	sshrl.u32 s12, $0x3;
	[sflag:s29] =	ssyncadd.s32 $0xFFFFF800;
	(pc) =	sbr.rel @p0 .LBB2_1-.Ltmp2, $4  }
0xbb: {  	[hbm:s18], [sflag:s0] =	dma.local [spmem:s17], $0x800  }
0xbc: {  	_ =	swait.ge [sflag:s29], $0x800  }
0xbd: {  	[sflag:s29] =	ssyncset.done $0x0  }
0xbe: {  	[sflag:s29] =	ssyncadd.s32 $0xFFFFF800  }
0xbf: {  	_ =	sfence.sel $0x180000  }
0xc0: {  	[bflag:$0x0] =	sbarrier.arrive $0xFFFF  }
0xc1: {  	_ =	strace $0x9000004D  }
0xc2: {  	s0 =	stileid.u32;
	[bflag:$0x2] =	sbarrier.arrive $0xFFFF  }
0xc3: {  	p0 =	sne.s32 s0, $0x0;
	s0 =	rddreg [dreg:$0x2]  }
0xc4: {  	s0 =	sadd.s32 @!p0 $0x100000, s0  }
0xc5: {  	[sflag:s0] =	ssyncadd.tile.s32 @!p0 $0x1;
	_ =	shalt  }
.Lfunc_end2:
_tile_overlayer_lowered:
.L_overlay_start_2:
0xc6: {  	(tag) =	ssettag $0x2  }
0xc7: {  	s0 =	rddreg [dreg:$0x0];
	s2 =	stileid.u32  }
0xc8: {  	s1 =	rddreg [dreg:$0x1];
	p0 =	sne.s32 s2, $0x0  }
0xc9: {  	s3 =	rddreg [dreg:$0x2];
	[bflag:$0x3] =	sbarrier.arrive $0xFFFF;
	s2 =	simm.s32 @!p0 $0x1C06  }
0xca: {  	[timem:s3], [sflag:s2] =	dma.local @!p0 [hbm:s0], s1  }
0xcb: {  	s0 =	simm.s32 @!p0 $0x6  }
0xcc: {  	_ =	swait.ge @!p0 [sflag:s0], s1  }
0xcd: {  	s1 =	ssub.s32 @!p0 $0x0, s1;
	[sflag:s0] =	ssyncset.done @!p0 $0x0  }
0xce: {  	[sflag:s0] =	ssyncadd.s32 @!p0 s1  }
0xcf: {  	[bflag:$0x3] =	sbarrier.arrive $0xFFFF  }
0xd0: {  	_ =	shalt  }

// kernel: kernel.20.cloned.1.call-start
scs
__scs_entry_jumppad:
0x0: {  	(pc) =	sbr.rel $0x88, $3  }
0x1: {  	(tag) =	ssettag $0x0;
	lr =	simm.s32 $0x1  }
0x2: {  	[smem:$0x3F92] =	sst lr;
	_ =	strace $0xD0000000  }
0x3: {  	_ = 	snop  }
0x4: {  	_ = 	snop  }
0x5: {  	_ = 	snop  }
0x6: {  	_ = 	snop  }
0x7: {  	_ = 	snop  }
__scs_overlays_trampoline_lowered:
0x8: {  	[smem:$0x3FA1] =	sst s0  }
0x9: {  	[smem:$0x3FA2] =	sst s1  }
0xa: {  	[smem:$0x3FA3] =	sst s2  }
0xb: {  	[smem:$0x3FA4] =	sst s3  }
0xc: {  	[smem:$0x3FA5] =	sst s4  }
0xd: {  	[smem:$0x3FA6] =	sst s5  }
0xe: {  	[smem:$0x3FA7] =	sst s6  }
0xf: {  	[smem:$0x3FA8] =	sst s7  }
0x10: {  	[smem:$0x3FA9] =	sst s8  }
0x11: {  	[smem:$0x3FAA] =	sst s9;
	s0 =	simm.s32 @!p0 $0x0  }
0x12: {  	s1 =	sld [smem:$0x3F90];
	s0 =	simm.s32 @p0 $0x1  }
0x13: {  	[smem:$0x3FAB] =	sst s0;
	s0 =	simm.s32 @!p1 $0x0  }
0x14: {  	s2 =	sld [smem:$0x3F8F];
	s0 =	simm.s32 @p1 $0x1  }
0x15: {  	[smem:$0x3FAC] =	sst s0;
	s0 =	simm.s32 @!p2 $0x0  }
0x16: {  	s3 =	sld [smem:$0x3FDB];
	s0 =	simm.s32 @p2 $0x1  }
0x17: {  	s4 =	simm.s32 $0x1BF5;
	[smem:$0x3FAE] =	sst s0  }
0x18: {  	s0 =	sld [smem:$0x3F91];
	_ =	swait.ge [sflag:s4], $0x0  }
0x19: {  	s7 =	sld [smem:$0x3F92]  }
0x1a: {  	s8 =	sadd.s32 $0xFFFFE003, lr  }
0x1b: {  	s9 =	sadd.s32 $0xFFFFFEF7, lr;
	s5 =	simm.s32 $0xFFFFFFFF;
	p2 =	slt.u32 s8, $0xFFFFF086  }
0x1c: {  	p1 =	slt.u32 s9, $0xF7A;
	s5 =	simm.s32 @!p2 $0x0  }
0x1d: {  	s5 =	simm.s32 @p1 $0x1;
	p0 =	seq.s32 s7, s2  }
0x1e: {  	s7 =	smul.u32 @!p0 $0xF7A, s2;
	p2 =	seq.s32 @!p0 s5, $0x0  }
0x1f: {  	s9 =	smul.u32 $0xF7A, s1;
	s8 =	simm.s32 @!p0 $0x1BF5;
	p2 =	por !p2, p0  }
0x20: {  	[sflag:s8] =	ssyncset.s32 @!p0 $0xFFFFF086;
	s6 =	sadd.s32 @!p0 s3, s7;
	s7 =	simm.s32 @!p0 $0x108  }
0x21: {  	s3 =	sadd.s32 s3, s9;
	s6 =	sadd.s32 @!p0 $0x88, s6;
	s7 =	simm.s32 @p2 $0x1082  }
0x22: {  	[simem:s7], [sflag:s8] =	dma.local @!p0 [hbm:s6], $0xF7A  }
0x23: {  	s9 =	sor.u32 $0xD0000000, s2;
	s6 =	simm.s32 $0x108;
	_ =	swait.ge @!p0 [sflag:s8], $0x0  }
0x24: {  	s3 =	sadd.s32 $0x88, s3;
	s6 =	simm.s32 @!p1 $0x1082;
	[sflag:s4] =	ssyncset.s32 $0xFFFFF086  }
0x25: {  	[simem:s6], [sflag:s4] =	dma.local [hbm:s3], $0xF7A  }
0x26: {  	[smem:$0x3F92] =	sst s1;
	(tag) =	ssettag s2;
	_ =	strace s9  }
0x27: {  	s1 =	sld [smem:$0x3FA2]  }
0x28: {  	s2 =	sld [smem:$0x3FA3]  }
0x29: {  	s4 =	sld [smem:$0x3FA5]  }
0x2a: {  	p0 =	seq.s32 s5, $0x0;
	s5 =	sld [smem:$0x3FA6]  }
0x2b: {  	s6 =	sld [smem:$0x3FA7]  }
0x2c: {  	s7 =	sld [smem:$0x3FA8]  }
0x2d: {  	s3 =	simm.s32 $0x108;
	s8 =	sld [smem:$0x3FA9]  }
0x2e: {  	s3 =	simm.s32 @!p0 $0x1082;
	s9 =	sld [smem:$0x3FAA]  }
0x2f: {  	lr =	sadd.s32 s0, s3;
	s0 =	sld [smem:$0x3FA1]  }
0x30: {  	s3 =	sld [smem:$0x3FA4]  }
0x31: {  	[smem:$0x3FAD] =	sst s10  }
0x32: {  	s10 =	sld [smem:$0x3FAB];
	_ =	sdelay $0x3  }
0x33: {  	p0 =	seq.s32 s10, $0x1;
	s10 =	sld [smem:$0x3FAD];
	_ =	sdelay $0x3  }
0x34: {  	[smem:$0x3FAD] =	sst s10  }
0x35: {  	s10 =	sld [smem:$0x3FAC];
	_ =	sdelay $0x3  }
0x36: {  	p1 =	seq.s32 s10, $0x1;
	s10 =	sld [smem:$0x3FAD];
	_ =	sdelay $0x3  }
0x37: {  	[smem:$0x3FAD] =	sst s10  }
0x38: {  	s10 =	sld [smem:$0x3FAE]  }
0x39: {  	_ = 	snop;
	(pc) =	sbr.ind lr, $3  }
0x3a: {  	_ = 	snop  }
0x3b: {  	_ = 	snop  }
0x3c: {  	p2 =	seq.s32 s10, $0x1;
	s10 =	sld [smem:$0x3FAD]  }
0x3d: {  	_ =	shalt  }
0x3e: {  	_ =	shalt  }
0x3f: {  	_ =	shalt  }
0x40: {  	_ =	shalt  }
0x41: {  	_ =	shalt  }
0x42: {  	_ =	shalt  }
0x43: {  	_ =	shalt  }
0x44: {  	_ =	shalt  }
0x45: {  	_ =	shalt  }
0x46: {  	_ =	shalt  }
0x47: {  	_ =	shalt  }
0x48: {  	_ =	shalt  }
0x49: {  	_ =	shalt  }
0x4a: {  	_ =	shalt  }
0x4b: {  	_ =	shalt  }
0x4c: {  	_ =	shalt  }
0x4d: {  	_ =	shalt  }
0x4e: {  	_ =	shalt  }
0x4f: {  	_ =	shalt  }
0x50: {  	_ =	shalt  }
0x51: {  	_ =	shalt  }
0x52: {  	_ =	shalt  }
0x53: {  	_ =	shalt  }
0x54: {  	_ =	shalt  }
0x55: {  	_ =	shalt  }
0x56: {  	_ =	shalt  }
0x57: {  	_ =	shalt  }
0x58: {  	_ =	shalt  }
0x59: {  	_ =	shalt  }
0x5a: {  	_ =	shalt  }
0x5b: {  	_ =	shalt  }
0x5c: {  	_ =	shalt  }
0x5d: {  	_ =	shalt  }
0x5e: {  	_ =	shalt  }
0x5f: {  	_ =	shalt  }
0x60: {  	_ =	shalt  }
0x61: {  	_ =	shalt  }
0x62: {  	_ =	shalt  }
0x63: {  	_ =	shalt  }
0x64: {  	_ =	shalt  }
0x65: {  	_ =	shalt  }
0x66: {  	_ =	shalt  }
0x67: {  	_ =	shalt  }
0x68: {  	_ =	shalt  }
0x69: {  	_ =	shalt  }
0x6a: {  	_ =	shalt  }
0x6b: {  	_ =	shalt  }
0x6c: {  	_ =	shalt  }
0x6d: {  	_ =	shalt  }
0x6e: {  	_ =	shalt  }
0x6f: {  	_ =	shalt  }
0x70: {  	_ =	shalt  }
0x71: {  	_ =	shalt  }
0x72: {  	_ =	shalt  }
0x73: {  	_ =	shalt  }
0x74: {  	_ =	shalt  }
0x75: {  	_ =	shalt  }
0x76: {  	_ =	shalt  }
0x77: {  	_ =	shalt  }
0x78: {  	_ =	shalt  }
0x79: {  	_ =	shalt  }
0x7a: {  	_ =	shalt  }
0x7b: {  	_ =	shalt  }
0x7c: {  	_ =	shalt  }
0x7d: {  	_ =	shalt  }
0x7e: {  	_ =	shalt  }
0x7f: {  	_ =	shalt  }
0x80: {  	_ =	shalt  }
0x81: {  	_ =	shalt  }
0x82: {  	_ =	shalt  }
0x83: {  	_ =	shalt  }
0x84: {  	_ =	shalt  }
0x85: {  	_ =	shalt  }
0x86: {  	_ =	shalt  }
0x87: {  	_ =	shalt  }
.Lfunc_end0:
.L_simem_size_0:
called_computation.3_lowered:
.L_overlay_start_0:
0x88: {  	s2 =	sld [smem:$0x3FD9]  }
0x89: {  	s3 =	sld [smem:$0x3FFE];
	_ =	sdelay $0x1  }
0x8a: {  	s1 =	srdreg.scid  }
0x8b: {  	s0 =	sand.u32 $0x1, s1  }
0x8c: {  	s16 =	sshll.u32 s0, $0xA;
	s2 =	sadd.s32 s3, s2  }
0x8d: {  	s2 =	sadd.s32 s2, s16  }
0x8e: {  	[smem:$0x3FB9] =	sst s2  }
0x8f: {  	_ = 	snop  }
0x90: {  	(tm) =	ssettm $0x1  }
0x91: {  	s17 =	sld [smem:$0x3FFB];
	_ =	sdelay $0x3  }
0x92: {  	_ =	strace s17  }
0x93: {  	s2 =	sld [smem:$0x3FFC];
	_ =	sdelay $0x3  }
0x94: {  	_ =	strace s2  }
0x95: {  	s2 =	sld [smem:$0x3FFD];
	_ =	sdelay $0x3  }
0x96: {  	_ =	strace s2  }
0x97: {  	_ =	strace $0x8FFFFFFF  }
0x98: {  	s18 =	sld [smem:$0x3FDB];
	_ =	sdelay $0x1  }
0x99: {  	s19 =	simm.s32 $_scs_section_size  }
0x9a: {  	s4 =	simm.s32 $_size__tile_overlayer_lowered;
	s5 =	simm.s32 $_tile_overlayer_lowered  }
0x9b: {  	s22 =	simm.s32 $0x1BFF;
	s21 =	sshll.u32 s5, $0x1;
	s2 =	sadd.s32 s19, s18  }
0x9c: {  	s6 =	simm.s32 $0x0;
	s20 =	sshll.u32 s4, $0x1;
	s4 =	sadd.s32 s21, s2  }
0x9d: {  	[timem:s6], [sflag:s22] =	dma.local [hbm:s4], s20  }
0x9e: {  	_ =	swait.ge [sflag:s22], s20  }
0x9f: {  	s3 =	ssub.s32 $0x0, s20;
	[sflag:s22] =	ssyncset.done $0x0  }
0xa0: {  	[sflag:s22] =	ssyncadd.s32 s3;
	_ =	sdelay $0x1  }
0xa1: {  	s23 =	simm.s32 $0x1B8B  }
0xa2: {  	_ =	swait.ge [sflag:s23], $0x1  }
0xa3: {  	[sflag:s23] =	ssyncset.done $0x0  }
0xa4: {  	s25 =	simm.s32 $0x1B8E;
	s24 =	sld [smem:$0x3FFE];
	[sflag:s23] =	ssyncadd.s32 $0xFFFFFFFF  }
0xa5: {  	s26 =	simm.s32 $execute0_lowered;
	[smem:$0x3FD2] =	sst s25  }
0xa6: {  	s4 =	sshll.u32 s26, $0x1;
	_ =	strace $0x8000004F;
	[dreg:$0x1] =	wrdreg $0xFFFFFFFF  }
0xa7: {  	s28 =	simm.s32 $_size_execute0_lowered;
	s2 =	sadd.s32 s2, s4;
	[dreg:$0x0] =	wrdreg $0x0  }
0xa8: {  	s4 =	sshll.u32 s28, $0x1;
	[dreg:$0x2] =	wrdreg s2  }
0xa9: {  	[dreg:$0x3] =	wrdreg s4  }
0xaa: {  	[dreg:$0x4] =	wrdreg $0xC0  }
0xab: {  	_ =	task [dreg:s6], $0x5FFFF  }
0xac: {  	[dreg:$0x1] =	wrdreg $0xFFFFFFFF  }
0xad: {  	[dreg:$0x0] =	wrdreg $0x60  }
0xae: {  	[dreg:$0x2] =	wrdreg s24  }
0xaf: {  	[dreg:$0x3] =	wrdreg $0xA9000  }
0xb0: {  	[dreg:$0x4] =	wrdreg $0x9  }
0xb1: {  	_ =	task.clear_ibuf [dreg:s6], $0x5FFFF;
	_ =	strace $0x9000004F  }
0xb2: {  	s29 =	simm.s32 $0x9;
	_ =	strace $0x80000051  }
0xb3: {  	_ =	swait.ge [sflag:s29], $0x1  }
0xb4: {  	[sflag:s29] =	ssyncadd.s32 $0xFFFFFFFF  }
0xb5: {  	_ =	strace $0x90000051  }
0xb6: {  	_ =	sfence  }
0xb7: {  	s30 =	sld [smem:$0x0];
	_ =	sdelay $0x2  }
0xb8: {  	s31 =	sshll.u32 s1, $0xD;
	s1 =	sshrl.u32 s1, $0x2  }
0xb9: {  	s3 =	sand.u32 $0x4000, s31;
	s1 =	sadd.s32 s1, s30  }
0xba: {  	s0 =	sor.u32 s3, s0;
	s1 =	sshll.u32 s1, $0x11  }
0xbb: {  	s0 =	sor.u32 s1, s0  }
0xbc: {  	s0 =	sadd.s32 $0x8F2B, s0  }
0xbd: {  	[sflag:s0] =	ssyncadd.remote.s32 $0x1  }
0xbe: {  	_ =	sfence.sel $0xFFFF  }
0xbf: {  	[dreg:$0x0] =	wrdreg $0xFFFFFFFF;
	(pc) =	sbr.abs _section_cstart, $3  }
0xc0: {  	[dreg:$0x1] =	wrdreg $0xFFFFFFFF  }
0xc1: {  	_ =	task.clear_ibuf [dreg:s6], $0x2FFFF;
	_ =	strace $0x9FFFFFFF  }
0xc2: {  	(tm) =	ssettm $0x7FFFFFFF  }
0xc3: {  	_ =	shalt  }
tec
execute0_lowered:
.L_overlay_start_1:
0x0: {  	(tag) =	ssettag $0x1  }
0x1: {  	s0 =	srdreg.scid  }
0x2: {  	s11 =	stileid.u32;
	s1 =	rddreg [dreg:$0x0]  }
0x3: {  	s2 =	rddreg [dreg:$0x1];
	s20 =	simm.s32 $0x5;
	s28 =	simm.s32 $0x3  }
0x4: {  	s29 =	simm.s32 $0x6;
	s30 =	simm.s32 $0x2;
	s31 =	simm.s32 $0x4  }
0x5: {  	s0 =	sand.u32 $0x1, s0;
	s3 =	sshll.u32 s11, $0x1;
	s5 =	sadd.s32 $0xB8C00, s1  }
0x6: {  	s6 =	sadd.s32 $0xD800, s1;
	s13 =	sshll.u32 s11, $0xE;
	s4 =	sor.u32 s0, s3  }
0x7: {  	s3 =	simm.s32 $0x0;
	s9 =	ssub.s32 $0x2, s0;
	s15 =	sor.u32 $0x40000, s13  }
0x8: {  	s16 =	sor.u32 $0x80000, s13;
	s17 =	sor.u32 $0xC0000, s13;
	s0 =	smul.u32 $0x140000, s0  }
0x9: {  	s18 =	sor.u32 $0x100000, s13;
	s4 =	smul.u32 $0x2800, s4;
	[smem:$0x7FF] =	sst s3  }
0xa: {  	s10 =	sshrl.u32 s9, $0x1;
	s11 =	sadd.s32 s17, s2;
	s12 =	sadd.s32 s18, s2  }
0xb: {  	_ =	strace $0x80000050;
	s14 =	ssub.s32 s9, s10;
	s9 =	sadd.s32 s15, s2  }
0xc: {  	s10 =	sadd.s32 s16, s2;
	s15 =	sadd.s32 s0, s15;
	s24 =	sadd.s32 s0, s16  }
0xd: {  	s25 =	sadd.s32 s0, s17;
	s7 =	sshrl.u32 s4, $0x3;
	s22 =	sshrl.u32 s15, $0x3  }
0xe: {  	s26 =	sshrl.u32 s25, $0x3;
	s19 =	smax.u32 s14, $0x1;
	s25 =	simm.s32 $0x2880  }
0xf: {  	s8 =	sadd.s32 s7, s1;
	s1 =	sadd.s32 $0xE0C00, s1;
	s7 =	sadd.s32 s6, s7  }
0x10: {  	s8 =	sadd.s32 $0x3800, s8;
	[dreg:$0x4] =	wrdreg s7;
	s23 =	sadd.s32 s1, s22  }
0x11: {  	[dreg:$0x3] =	wrdreg s8;
	s8 =	sadd.s32 s13, s2;
	s13 =	sor.u32 s13, s0  }
0x12: {  	s22 =	simm.s32 $0x2800;
	[dreg:$0x6] =	wrdreg s23;
	s21 =	sshrl.u32 s13, $0x3  }
0x13: {  	s0 =	sadd.s32 s0, s18;
	s23 =	simm.s32 $0x80;
	s7 =	sadd.s32 s1, s21  }
0x14: {  	s0 =	sshrl.u32 s0, $0x3;
	[dreg:$0x5] =	wrdreg s7;
	s7 =	sshrl.u32 s24, $0x3  }
0x15: {  	s18 =	sadd.s32 s1, s0;
	s21 =	simm.s32 $0x2900;
	s7 =	sadd.s32 s1, s7  }
0x16: {  	s24 =	simm.s32 $0x6900;
	[dreg:$0x7] =	wrdreg s7;
	s7 =	sadd.s32 s1, s26  }
0x17: {  	v0 =	vimm.f32 $0.0e+00;
	s26 =	simm.s32 $0x1;
	s1 =	simm.s32 $0x0;
	[dreg:$0x8] =	wrdreg s7  }
.LBB2_1:
0x18: {  	s0 =	rddreg [dreg:$0x3]  }
0x19: {  	[tilespmem:s3], [sflag:$0x5] =	stream.linear.gather [hbm4b:s0+s3], $0x2780, $0x38;
	[tilespmem:$0x1E900] =	vst v63  }
0x1a: {  	s7 =	simm.s32 $0x200;
	s0 =	simm.s32 $0x0  }
.LBB2_2:
0x1b: {  	p0 =	sne.s32 s7, $0xFE00;
	[tilespmem:s0+$0x2970] =	vst v0  }
0x1c: {  	[tilespmem:s0+$0x2900] =	vst v0  }
0x1d: {  	[tilespmem:s0+$0x2910] =	vst v0  }
.Ltmp0:
0x1e: {  	[tilespmem:s0+$0x2920] =	vst v0;
	(pc) =	sbr.rel @p0 .LBB2_2-.Ltmp0, $4  }
0x1f: {  	[tilespmem:s0+$0x2930] =	vst v0  }
0x20: {  	[tilespmem:s0+$0x2940] =	vst v0  }
0x21: {  	[tilespmem:s0+$0x2950] =	vst v0  }
0x22: {  	[tilespmem:s0+$0x2960] =	vst v0;
	s0 =	sshra.s32 s7, $0x2;
	s7 =	sadd.s32 $0x200, s7  }
0x23: {  	[tilespmem:s0+$0x2970] =	vst v0  }
0x24: {  	[tilespmem:s0+$0x2900] =	vst v0  }
0x25: {  	[tilespmem:s0+$0x2910] =	vst v0  }
0x26: {  	[tilespmem:s0+$0x2920] =	vst v0  }
0x27: {  	[tilespmem:s0+$0x2930] =	vst v0  }
0x28: {  	[tilespmem:s0+$0x2940] =	vst v0  }
0x29: {  	[tilespmem:s0+$0x2950] =	vst v0  }
0x2a: {  	[tilespmem:s0+$0x2960] =	vst v0  }
0x2b: {  	_ =	swait.ge [sflag:s20], $0x2780  }
0x2c: {  	[sflag:s20] =	ssyncset.done $0x0  }
0x2d: {  	[sflag:s20] =	ssyncadd.s32 $0xFFFFD880  }
0x2e: {  	[spmem:s8] =	stream.linear.scatter [tilespmem:s21], [sflag:$0x5], $0x4000, $0x38;
	[tilespmem:$0x1E900] =	vst v63  }
0x2f: {  	_ = 	snop  }
0x30: {  	[spmem:s9] =	stream.linear.scatter [tilespmem:s21], [sflag:$0x5], $0x4000, $0x38;
	[tilespmem:$0x1E900] =	vst v63  }
0x31: {  	_ = 	snop  }
0x32: {  	[spmem:s10] =	stream.linear.scatter [tilespmem:s21], [sflag:$0x5], $0x4000, $0x38;
	[tilespmem:$0x1E900] =	vst v63  }
0x33: {  	_ = 	snop  }
0x34: {  	[spmem:s11] =	stream.linear.scatter [tilespmem:s21], [sflag:$0x5], $0x4000, $0x38;
	[tilespmem:$0x1E900] =	vst v63  }
0x35: {  	_ = 	snop  }
0x36: {  	[spmem:s12] =	stream.linear.scatter [tilespmem:s21], [sflag:$0x5], $0x4000, $0x38;
	[tilespmem:$0x1E900] =	vst v63  }
0x37: {  	_ =	swait.ge [sflag:s20], $0x4000  }
0x38: {  	[sflag:s20] =	ssyncset.done $0x0  }
0x39: {  	[sflag:s20] =	ssyncadd.s32 $0xFFFFC000  }
0x3a: {  	_ =	swait.ge [sflag:s20], $0x4000  }
0x3b: {  	[sflag:s20] =	ssyncset.done $0x0  }
0x3c: {  	[sflag:s20] =	ssyncadd.s32 $0xFFFFC000  }
0x3d: {  	_ =	swait.ge [sflag:s20], $0x4000  }
0x3e: {  	[sflag:s20] =	ssyncset.done $0x0  }
0x3f: {  	[sflag:s20] =	ssyncadd.s32 $0xFFFFC000  }
0x40: {  	_ =	swait.ge [sflag:s20], $0x4000  }
0x41: {  	[sflag:s20] =	ssyncset.done $0x0  }
0x42: {  	[sflag:s20] =	ssyncadd.s32 $0xFFFFC000  }
0x43: {  	_ =	swait.ge [sflag:s20], $0x4000  }
0x44: {  	[sflag:s20] =	ssyncset.done $0x0  }
0x45: {  	[sflag:s20] =	ssyncadd.s32 $0xFFFFC000  }
0x46: {  	s17 =	simm.s32 $0x80;
	[bflag:$0x0] =	sbarrier.arrive $0xFFFF  }
0x47: {  	[tilespmem:s21], [sflag:$0x1] =	stream.indirect.gather [hbm4b:s5+s17], $0x80, s3, s17, $0xb8;
	[tilespmem:$0x1E900] =	vst v63  }
0x48: {  	s13 =	simm.s32 $0x0;
	s7 =	rddreg [dreg:$0x4]  }
0x49: {  	[tilespmem:s22], [sflag:$0x3] =	stream.linear.gather [hbm4b:s7+s3], $0x80, $0x38;
	[tilespmem:$0x1E900] =	vst v63  }
0x4a: {  	s7 =	sand.u32 $0x3C00, s13;
	s13 =	simm.s32 $0x80  }
0x4b: {  	s7 =	sadd.s32 s4, s7;
	s13 =	sand.u32 $0x380, s13  }
0x4c: {  	s7 =	sor.u32 s7, s13  }
0x4d: {  	[tilespmem:s24], [sflag:$0x2] =	stream.indirect.gather [hbm4b:s5+s23], $0x80, s17, s23, $0xb8;
	[tilespmem:$0x1E900] =	vst v63  }
0x4e: {  	s7 =	sshrl.u32 s7, $0x3  }
0x4f: {  	s14 =	sadd.s32 s6, s7  }
0x50: {  	[tilespmem:s25], [sflag:$0x4] =	stream.linear.gather [hbm4b:s14+s3], $0x80, $0x38;
	[tilespmem:$0x1E900] =	vst v63  }
0x51: {  	_ =	swait.ge [sflag:s26], $0x4000  }
0x52: {  	[sflag:s26] =	ssyncset.done $0x0  }
0x53: {  	[sflag:s26] =	ssyncadd.s32 $0xFFFFC000  }
0x54: {  	_ =	swait.ge [sflag:s28], $0x80  }
0x55: {  	s15 =	simm.s32 $0x100;
	[sflag:s28] =	ssyncset.done $0x0  }
0x56: {  	s16 =	sand.u32 $0x7C00, s15;
	[sflag:s28] =	ssyncadd.s32 $0xFFFFFF80  }
0x57: {  	[spmem:s2] =	stream.indirect.scatter.add.f32 [tilespmem:s21], [sflag:$0x6], $0x80, s22, s23, $0xb8;
	[tilespmem:$0x1E900] =	vst v63  }
0x58: {  	s0 =	sand.u32 $0x300, s15;
	s7 =	sadd.s32 s4, s16;
	_ =	swait.ge [sflag:s29], $0x4000  }
0x59: {  	s0 =	sor.u32 s0, s7;
	[sflag:s29] =	ssyncset.done $0x0  }
0x5a: {  	s17 =	simm.s32 $0x100;
	s0 =	sshrl.u32 s0, $0x3;
	[sflag:s29] =	ssyncadd.s32 $0xFFFFC000  }
0x5b: {  	[tilespmem:s21], [sflag:$0x1] =	stream.indirect.gather [hbm4b:s5+s23], $0x80, s17, s23, $0xb8;
	[tilespmem:$0x1E900] =	vst v63  }
0x5c: {  	s0 =	sadd.s32 s6, s0  }
0x5d: {  	[tilespmem:s22], [sflag:$0x3] =	stream.linear.gather [hbm4b:s0+s3], $0x80, $0x38;
	[tilespmem:$0x1E900] =	vst v63  }
0x5e: {  	_ =	swait.ge [sflag:s30], $0x4000  }
0x5f: {  	s13 =	simm.s32 $0x300;
	s16 =	simm.s32 $0x180;
	[sflag:s30] =	ssyncset.done $0x0  }
0x60: {  	s7 =	simm.s32 $0x200;
	s14 =	simm.s32 $0x100;
	[sflag:s30] =	ssyncadd.s32 $0xFFFFC000  }
0x61: {  	s15 =	sand.u32 $0x3C00, s14;
	s0 =	simm.s32 $0x180;
	_ =	swait.ge [sflag:s31], $0x80  }
.LBB2_4:
0x62: {  	s15 =	sadd.s32 s4, s15  }
0x63: {  	s16 =	sand.u32 $0x380, s16;
	[sflag:s31] =	ssyncset.done $0x0;
	s17 =	smov.u32 s13  }
0x64: {  	s14 =	sadd.s32 $0x100, s13;
	s15 =	sor.u32 s15, s16;
	[sflag:s31] =	ssyncadd.s32 $0xFFFFFF80  }
0x65: {  	[spmem:s2] =	stream.indirect.scatter.add.f32 [tilespmem:s24], [sflag:$0x6], $0x80, s25, s23, $0xb8;
	[tilespmem:$0x1E900] =	vst v63  }
0x66: {  	p0 =	sne.s32 s13, $0x2700;
	s13 =	sshrl.u32 s15, $0x3;
	_ =	swait.ge [sflag:s29], $0x4000  }
0x67: {  	[sflag:s29] =	ssyncset.done $0x0  }
0x68: {  	[sflag:s29] =	ssyncadd.s32 $0xFFFFC000  }
0x69: {  	[tilespmem:s24], [sflag:$0x2] =	stream.indirect.gather [hbm4b:s5+s23], $0x80, s0, s23, $0xb8;
	[tilespmem:$0x1E900] =	vst v63  }
0x6a: {  	s13 =	sadd.s32 s6, s13  }
0x6b: {  	[tilespmem:s25], [sflag:$0x4] =	stream.linear.gather [hbm4b:s13+s3], $0x80, $0x38;
	[tilespmem:$0x1E900] =	vst v63  }
0x6c: {  	_ =	swait.ge [sflag:s26], $0x4000  }
0x6d: {  	[sflag:s26] =	ssyncset.done $0x0  }
0x6e: {  	[sflag:s26] =	ssyncadd.s32 $0xFFFFC000  }
0x6f: {  	_ =	swait.ge [sflag:s28], $0x80  }
0x70: {  	[sflag:s28] =	ssyncset.done $0x0  }
0x71: {  	[sflag:s28] =	ssyncadd.s32 $0xFFFFFF80  }
0x72: {  	[spmem:s2] =	stream.indirect.scatter.add.f32 [tilespmem:s21], [sflag:$0x6], $0x80, s22, s23, $0xb8;
	[tilespmem:$0x1E900] =	vst v63  }
0x73: {  	s13 =	sand.u32 $0x7C00, s7;
	_ =	swait.ge [sflag:s29], $0x4000  }
0x74: {  	s7 =	sand.u32 $0x300, s7;
	s13 =	sadd.s32 s4, s13;
	[sflag:s29] =	ssyncset.done $0x0  }
0x75: {  	s15 =	sadd.s32 $0x80, s0;
	s7 =	sor.u32 s7, s13;
	[sflag:s29] =	ssyncadd.s32 $0xFFFFC000  }
0x76: {  	[tilespmem:s21], [sflag:$0x1] =	stream.indirect.gather [hbm4b:s5+s23], $0x80, s15, s23, $0xb8;
	[tilespmem:$0x1E900] =	vst v63  }
0x77: {  	s13 =	sshrl.u32 s7, $0x3;
	s7 =	smov.u32 s17  }
0x78: {  	s13 =	sadd.s32 s6, s13  }
0x79: {  	[tilespmem:s22], [sflag:$0x3] =	stream.linear.gather [hbm4b:s13+s3], $0x80, $0x38;
	[tilespmem:$0x1E900] =	vst v63  }
.Ltmp1:
0x7a: {  	_ = 	snop;
	(pc) =	sbr.rel @p0 .LBB2_4-.Ltmp1, $4  }
0x7b: {  	_ =	swait.ge [sflag:s30], $0x4000  }
0x7c: {  	s0 =	sadd.s32 $0x100, s0;
	[sflag:s30] =	ssyncset.done $0x0  }
0x7d: {  	s16 =	sadd.s32 $0xFFFFFF80, s7;
	s13 =	sadd.s32 $0xFFFFFF00, s7;
	[sflag:s30] =	ssyncadd.s32 $0xFFFFC000  }
0x7e: {  	s15 =	sand.u32 $0x3C00, s13;
	s13 =	smov.u32 s14;
	_ =	swait.ge [sflag:s31], $0x80  }
0x7f: {  	[sflag:s31] =	ssyncset.done $0x0  }
0x80: {  	[sflag:s31] =	ssyncadd.s32 $0xFFFFFF80  }
0x81: {  	[spmem:s2] =	stream.indirect.scatter.add.f32 [tilespmem:s24], [sflag:$0x6], $0x80, s25, s23, $0xb8;
	[tilespmem:$0x1E900] =	vst v63  }
0x82: {  	s13 =	sadd.s32 s4, s15;
	s14 =	sand.u32 $0x380, s16;
	_ =	swait.ge [sflag:s29], $0x4000  }
0x83: {  	s13 =	sor.u32 s13, s14;
	[sflag:s29] =	ssyncset.done $0x0  }
0x84: {  	s13 =	sshrl.u32 s13, $0x3;
	[sflag:s29] =	ssyncadd.s32 $0xFFFFC000  }
0x85: {  	[tilespmem:s24], [sflag:$0x2] =	stream.indirect.gather [hbm4b:s5+s23], $0x80, s0, s23, $0xb8;
	[tilespmem:$0x1E900] =	vst v63  }
0x86: {  	s13 =	sadd.s32 s6, s13  }
0x87: {  	[tilespmem:s25], [sflag:$0x4] =	stream.linear.gather [hbm4b:s13+s3], $0x80, $0x38;
	[tilespmem:$0x1E900] =	vst v63  }
0x88: {  	_ =	swait.ge [sflag:s26], $0x4000  }
0x89: {  	[sflag:s26] =	ssyncset.done $0x0  }
0x8a: {  	[sflag:s26] =	ssyncadd.s32 $0xFFFFC000  }
0x8b: {  	_ =	swait.ge [sflag:s28], $0x80  }
0x8c: {  	[sflag:s28] =	ssyncset.done $0x0  }
0x8d: {  	s15 =	sand.u32 $0x7C00, s7;
	[sflag:s28] =	ssyncadd.s32 $0xFFFFFF80  }
0x8e: {  	[spmem:s2] =	stream.indirect.scatter.add.f32 [tilespmem:s21], [sflag:$0x6], $0x80, s22, s23, $0xb8;
	[tilespmem:$0x1E900] =	vst v63  }
0x8f: {  	s16 =	sand.u32 $0x300, s7;
	s13 =	sadd.s32 s4, s15;
	_ =	swait.ge [sflag:s29], $0x4000  }
0x90: {  	s7 =	sor.u32 s16, s13;
	[sflag:s29] =	ssyncset.done $0x0  }
0x91: {  	s17 =	sadd.s32 $0x80, s0;
	s7 =	sshrl.u32 s7, $0x3;
	[sflag:s29] =	ssyncadd.s32 $0xFFFFC000  }
0x92: {  	[tilespmem:s21], [sflag:$0x1] =	stream.indirect.gather [hbm4b:s5+s23], $0x80, s17, s23, $0xb8;
	[tilespmem:$0x1E900] =	vst v63  }
0x93: {  	s0 =	sadd.s32 s6, s7  }
0x94: {  	[tilespmem:s22], [sflag:$0x3] =	stream.linear.gather [hbm4b:s0+s3], $0x80, $0x38;
	[tilespmem:$0x1E900] =	vst v63  }
0x95: {  	_ =	swait.ge [sflag:s30], $0x4000  }
0x96: {  	[sflag:s30] =	ssyncset.done $0x0  }
0x97: {  	[sflag:s30] =	ssyncadd.s32 $0xFFFFC000  }
0x98: {  	_ =	swait.ge [sflag:s31], $0x80  }
0x99: {  	[sflag:s31] =	ssyncset.done $0x0  }
0x9a: {  	[sflag:s31] =	ssyncadd.s32 $0xFFFFFF80  }
0x9b: {  	[spmem:s2] =	stream.indirect.scatter.add.f32 [tilespmem:s24], [sflag:$0x6], $0x80, s25, s23, $0xb8;
	[tilespmem:$0x1E900] =	vst v63  }
0x9c: {  	_ =	swait.ge [sflag:s29], $0x4000  }
0x9d: {  	[sflag:s29] =	ssyncset.done $0x0  }
0x9e: {  	[sflag:s29] =	ssyncadd.s32 $0xFFFFC000  }
0x9f: {  	_ =	swait.ge [sflag:s26], $0x4000  }
0xa0: {  	[sflag:s26] =	ssyncset.done $0x0  }
0xa1: {  	[sflag:s26] =	ssyncadd.s32 $0xFFFFC000  }
0xa2: {  	_ =	swait.ge [sflag:s28], $0x80  }
0xa3: {  	[sflag:s28] =	ssyncset.done $0x0  }
0xa4: {  	[sflag:s28] =	ssyncadd.s32 $0xFFFFFF80  }
0xa5: {  	[spmem:s2] =	stream.indirect.scatter.add.f32 [tilespmem:s21], [sflag:$0x6], $0x80, s22, s23, $0xb8;
	[tilespmem:$0x1E900] =	vst v63  }
0xa6: {  	_ =	swait.ge [sflag:s29], $0x4000  }
0xa7: {  	[sflag:s29] =	ssyncset.done $0x0  }
0xa8: {  	s13 =	stileid.u32;
	[sflag:s29] =	ssyncadd.s32 $0xFFFFC000  }
0xa9: {  	s0 =	sshll.u32 s13, $0x6;
	[bflag:$0x0] =	sbarrier.arrive $0xFFFF  }
0xaa: {  	s14 =	sshrl.u32 s8, $0x3;
	s0 =	sor.u32 $0x1C06, s0;
	s15 =	rddreg [dreg:$0x5]  }
0xab: {  	[hbm:s15], [sflag:s0] =	dma.local [spmem:s14], $0x800  }
0xac: {  	_ =	swait.ge [sflag:s29], $0x800  }
0xad: {  	[sflag:s29] =	ssyncset.done $0x0  }
0xae: {  	s16 =	sshrl.u32 s9, $0x3;
	s17 =	rddreg [dreg:$0x6];
	[sflag:s29] =	ssyncadd.s32 $0xFFFFF800  }
0xaf: {  	[hbm:s17], [sflag:s0] =	dma.local [spmem:s16], $0x800  }
0xb0: {  	_ =	swait.ge [sflag:s29], $0x800  }
0xb1: {  	[sflag:s29] =	ssyncset.done $0x0  }
0xb2: {  	s13 =	sshrl.u32 s10, $0x3;
	s14 =	rddreg [dreg:$0x7];
	[sflag:s29] =	ssyncadd.s32 $0xFFFFF800  }
0xb3: {  	[hbm:s14], [sflag:s0] =	dma.local [spmem:s13], $0x800  }
0xb4: {  	_ =	swait.ge [sflag:s29], $0x800  }
0xb5: {  	[sflag:s29] =	ssyncset.done $0x0  }
0xb6: {  	s15 =	sshrl.u32 s11, $0x3;
	s16 =	rddreg [dreg:$0x8];
	[sflag:s29] =	ssyncadd.s32 $0xFFFFF800  }
0xb7: {  	[hbm:s16], [sflag:s0] =	dma.local [spmem:s15], $0x800  }
0xb8: {  	s1 =	sadd.s32 $0x1, s1;
	_ =	swait.ge [sflag:s29], $0x800  }
0xb9: {  	p0 =	sne.s32 s1, s19;
	[sflag:s29] =	ssyncset.done $0x0  }
.Ltmp2:
0xba: {  	s17 =	sshrl.u32 s12, $0x3;
	[sflag:s29] =	ssyncadd.s32 $0xFFFFF800;
	(pc) =	sbr.rel @p0 .LBB2_1-.Ltmp2, $4  }
0xbb: {  	[hbm:s18], [sflag:s0] =	dma.local [spmem:s17], $0x800  }
0xbc: {  	_ =	swait.ge [sflag:s29], $0x800  }
0xbd: {  	[sflag:s29] =	ssyncset.done $0x0  }
0xbe: {  	[sflag:s29] =	ssyncadd.s32 $0xFFFFF800  }
0xbf: {  	_ =	sfence.sel $0x180000  }
0xc0: {  	[bflag:$0x0] =	sbarrier.arrive $0xFFFF  }
0xc1: {  	_ =	strace $0x90000050  }
0xc2: {  	s0 =	stileid.u32;
	[bflag:$0x2] =	sbarrier.arrive $0xFFFF  }
0xc3: {  	p0 =	sne.s32 s0, $0x0;
	s0 =	rddreg [dreg:$0x2]  }
0xc4: {  	s0 =	sadd.s32 @!p0 $0x100000, s0  }
0xc5: {  	[sflag:s0] =	ssyncadd.tile.s32 @!p0 $0x1;
	_ =	shalt  }
.Lfunc_end2:
_tile_overlayer_lowered:
.L_overlay_start_2:
0xc6: {  	(tag) =	ssettag $0x2  }
0xc7: {  	s0 =	rddreg [dreg:$0x0];
	s2 =	stileid.u32  }
0xc8: {  	s1 =	rddreg [dreg:$0x1];
	p0 =	sne.s32 s2, $0x0  }
0xc9: {  	s3 =	rddreg [dreg:$0x2];
	[bflag:$0x3] =	sbarrier.arrive $0xFFFF;
	s2 =	simm.s32 @!p0 $0x1C06  }
0xca: {  	[timem:s3], [sflag:s2] =	dma.local @!p0 [hbm:s0], s1  }
0xcb: {  	s0 =	simm.s32 @!p0 $0x6  }
0xcc: {  	_ =	swait.ge @!p0 [sflag:s0], s1  }
0xcd: {  	s1 =	ssub.s32 @!p0 $0x0, s1;
	[sflag:s0] =	ssyncset.done @!p0 $0x0  }
0xce: {  	[sflag:s0] =	ssyncadd.s32 @!p0 s1  }
0xcf: {  	[bflag:$0x3] =	sbarrier.arrive $0xFFFF  }
0xd0: {  	_ =	shalt  }

</sc_bundles>
